<compile_context>
chip_gen: v7x
topology: tpu7x:2x2x1
jax: 0.10.2.dev20260603
libtpu: 0.0.44.dev20260713+nightly
codegen_flags: <defaults>
</compile_context>

<pallas_src>
import dataclasses
import functools

import jax
import jax.numpy as jnp
from jax import lax
from jax.experimental import pallas as pl
from jax.experimental.pallas import tpu as pltpu
from jax.experimental.pallas import tpu_sc as plsc

N = 10000
F = 128
H = 2
C = 64
HC = H * C
G = 8
NCLS = 40
E = 320000
E_TOT = E + N

NCORE = 2
NSUB = 16
NW = NCORE * NSUB
CH = 128
NCH = -(-E_TOT // (NW * CH))
PW = NCH * CH
E_PAD = PW * NW
RPT = 624

_mesh = plsc.VectorSubcoreMesh(core_axis_name="c", subcore_axis_name="s")

_sc_params = pltpu.CompilerParams(
    needs_layout_passes=False,
    use_tc_tiling_on_sc=False,
)


@functools.partial(
    pl.kernel,
    out_type=(
        jax.ShapeDtypeStruct((NCORE, N, HC), jnp.float32),
        jax.ShapeDtypeStruct((NCORE, N, 16), jnp.float32),
    ),
    mesh=_mesh,
    scratch_types=[
        pltpu.VMEM((1, CH), jnp.int32),
        pltpu.VMEM((1, CH), jnp.int32),
        pltpu.VMEM((CH, HC), jnp.float32),
        pltpu.VMEM((CH, 16), jnp.float32),
        pltpu.VMEM((CH, 16), jnp.float32),
        pltpu.VMEM((CH, 16), jnp.float32),
        pltpu.VMEM_SHARED((N, HC), jnp.float32),
        pltpu.VMEM_SHARED((N, 16), jnp.float32),
        pltpu.SemaphoreType.DMA,
        pltpu.SemaphoreType.DMA,
    ],
    compiler_params=_sc_params,
)
def _sc_edge_pass(h_hbm, alpha_hbm, src_hbm, dst_hbm, out_m, out_e,
                  srcv, dstv, h_buf, ex_buf, sa_buf, da_buf,
                  acc_m, acc_e, gsem, asem):
    cid = lax.axis_index("c")
    sid = lax.axis_index("s")
    wid = sid * NCORE + cid

    zero16 = jnp.zeros((16,), jnp.float32)
    iota16 = lax.iota(jnp.int32, 16)
    col0 = jnp.zeros((16,), jnp.int32)
    col1 = jnp.ones((16,), jnp.int32)
    col2 = jnp.full((16,), 2, jnp.int32)
    col3 = jnp.full((16,), 3, jnp.int32)

    @pl.loop(0, CH)
    def _(r):
        for cc in range(HC // 16):
            h_buf[r, pl.ds(cc * 16, 16)] = zero16
        ex_buf[r, pl.ds(0, 16)] = zero16

    r0 = sid * RPT
    for off, nrows in ((0, 128), (128, 128), (256, 128), (384, 128), (512, 112)):
        pltpu.sync_copy(h_buf.at[pl.ds(0, nrows)], acc_m.at[pl.ds(r0 + off, nrows)])
        pltpu.sync_copy(ex_buf.at[pl.ds(0, nrows)], acc_e.at[pl.ds(r0 + off, nrows)])

    @pl.when(sid == NSUB - 1)
    def _():
        pltpu.sync_copy(h_buf.at[pl.ds(0, N - NSUB * RPT)],
                        acc_m.at[pl.ds(NSUB * RPT, N - NSUB * RPT)])
        pltpu.sync_copy(ex_buf.at[pl.ds(0, N - NSUB * RPT)],
                        acc_e.at[pl.ds(NSUB * RPT, N - NSUB * RPT)])

    plsc.subcore_barrier()

    base_w = wid * PW

    @pl.loop(0, NCH)
    def _(ch):
        eb = base_w + ch * CH
        pltpu.sync_copy(src_hbm.at[pl.ds(eb, CH)], srcv.at[0])
        pltpu.sync_copy(dst_hbm.at[pl.ds(eb, CH)], dstv.at[0])
        gcopy = pltpu.async_copy(h_hbm.at[srcv.at[0]], h_buf, gsem)
        acopy1 = pltpu.async_copy(alpha_hbm.at[srcv.at[0]], sa_buf, asem)
        acopy2 = pltpu.async_copy(alpha_hbm.at[dstv.at[0]], da_buf, asem)
        acopy1.wait()
        acopy2.wait()

        @pl.loop(0, CH // 16)
        def _(i):
            ridx = i * 16 + iota16
            e0 = (plsc.load_gather(sa_buf, [ridx, col0])
                  + plsc.load_gather(da_buf, [ridx, col2]))
            e1 = (plsc.load_gather(sa_buf, [ridx, col1])
                  + plsc.load_gather(da_buf, [ridx, col3]))
            e0 = jnp.maximum(e0, 0.2 * e0)
            e1 = jnp.maximum(e1, 0.2 * e1)
            x0 = jnp.exp(e0)
            x1 = jnp.exp(e1)
            live = (eb + ridx) < E_TOT
            x0 = jnp.where(live, x0, 0.0)
            x1 = jnp.where(live, x1, 0.0)
            plsc.store_scatter(ex_buf, [ridx, col0], x0)
            plsc.store_scatter(ex_buf, [ridx, col1], x1)

        gcopy.wait()

        @pl.loop(0, CH)
        def _(r):
            ze = jnp.full((16,), r, jnp.int32)
            z0 = plsc.load_gather(ex_buf, [ze, col0])
            z1 = plsc.load_gather(ex_buf, [ze, col1])
            for cc in range(4):
                h_buf[r, pl.ds(cc * 16, 16)] = h_buf[r, pl.ds(cc * 16, 16)] * z0
            for cc in range(4, 8):
                h_buf[r, pl.ds(cc * 16, 16)] = h_buf[r, pl.ds(cc * 16, 16)] * z1

        pltpu.sync_copy(h_buf, acc_m.at[dstv.at[0]], add=True)
        pltpu.sync_copy(ex_buf, acc_e.at[dstv.at[0]], add=True)

    plsc.subcore_barrier()
    pltpu.sync_copy(acc_m.at[pl.ds(r0, RPT)], out_m.at[cid, pl.ds(r0, RPT)])
    pltpu.sync_copy(acc_e.at[pl.ds(r0, RPT)], out_e.at[cid, pl.ds(r0, RPT)])

    @pl.when(sid == NSUB - 1)
    def _():
        rr = NSUB * RPT
        pltpu.sync_copy(acc_m.at[pl.ds(rr, N - rr)],
                        out_m.at[cid, pl.ds(rr, N - rr)])
        pltpu.sync_copy(acc_e.at[pl.ds(rr, N - rr)],
                        out_e.at[cid, pl.ds(rr, N - rr)])


_HI = lax.Precision.HIGHEST


def _tc0_body(x_ref, w_ref, a_ref, h_ref, at_ref):
    h = jnp.dot(x_ref[...], w_ref[...], preferred_element_type=jnp.float32,
                precision=_HI)
    h_ref[...] = h
    at_ref[...] = lax.dot_general(a_ref[...], h, (((0,), (1,)), ((), ())),
                                  preferred_element_type=jnp.float32,
                                  precision=_HI)


def _normalize(accm_ref, acce_ref, b_ref):
    m = accm_ref[0] + accm_ref[1]
    ex = acce_ref[0] + acce_ref[1]
    cols = lax.broadcasted_iota(jnp.int32, (1, HC), 1)
    den = jnp.where(cols < C, ex[:, 0:1], ex[:, 1:2])
    return m / (den + 1e-16) + b_ref[...]


def _mid_body(accm_ref, acce_ref, b_ref, w_ref, a_ref, h_ref, at_ref):
    g = _normalize(accm_ref, acce_ref, b_ref)
    g = jnp.where(g > 0, g, jnp.exp(g) - 1.0)
    h = jnp.dot(g, w_ref[...], preferred_element_type=jnp.float32,
                precision=_HI)
    h_ref[...] = h
    at_ref[...] = lax.dot_general(a_ref[...], h, (((0,), (1,)), ((), ())),
                                  preferred_element_type=jnp.float32,
                                  precision=_HI)


def _fin_body(accm_ref, acce_ref, b_ref, oh_ref, wl_ref, bl_ref, out_ref):
    h = _normalize(accm_ref, acce_ref, b_ref)
    oh = oh_ref[...]
    pooled_s = lax.dot_general(oh, h, (((0,), (0,)), ((), ())),
                               preferred_element_type=jnp.float32,
                               precision=_HI)
    cnt = jnp.sum(oh, axis=0)[:, None]
    pooled = pooled_s / jnp.maximum(cnt, 1.0)
    logits = jnp.dot(pooled, wl_ref[...], preferred_element_type=jnp.float32,
                     precision=_HI) + bl_ref[...]
    mx = jnp.max(logits, axis=1, keepdims=True)
    ez = jnp.exp(logits - mx)
    out_ref[...] = ez / jnp.sum(ez, axis=1, keepdims=True)


_tc0 = pl.pallas_call(
    _tc0_body,
    out_shape=(
        jax.ShapeDtypeStruct((N, HC), jnp.float32),
        jax.ShapeDtypeStruct((8, N), jnp.float32),
    ),
)

_tc_mid = pl.pallas_call(
    _mid_body,
    out_shape=(
        jax.ShapeDtypeStruct((N, HC), jnp.float32),
        jax.ShapeDtypeStruct((8, N), jnp.float32),
    ),
)

_tc_fin = pl.pallas_call(
    _fin_body,
    out_shape=jax.ShapeDtypeStruct((G, NCLS), jnp.float32),
)


def _make_a8(a_s, a_d):
    a8 = jnp.zeros((HC, 8), jnp.float32)
    a8 = a8.at[0:C, 0].set(a_s[0, 0]).at[C:HC, 1].set(a_s[0, 1])
    a8 = a8.at[0:C, 2].set(a_d[0, 0]).at[C:HC, 3].set(a_d[0, 1])
    return a8


def kernel(x, edge_index, edge_attr, batch, W0, a_s0, a_d0, b0,
           W1, a_s1, a_d1, b1, Wl, a_sl, a_dl, bl, W_lin, b_lin):
    del edge_attr

    loop = jnp.arange(N, dtype=jnp.int32)
    pad = jnp.zeros((E_PAD - E_TOT,), jnp.int32)
    src = jnp.concatenate([edge_index[0], loop, pad])
    dst = jnp.concatenate([edge_index[1], loop, pad])

    onehot = (batch[:, None] == jnp.arange(G, dtype=batch.dtype)[None, :])
    onehot = onehot.astype(jnp.float32)

    def alpha16(at):
        return jnp.pad(at[:4].T, ((0, 0), (0, 12)))

    h, at = _tc0(x, W0, _make_a8(a_s0, a_d0))
    accm, acce = _sc_edge_pass(h, alpha16(at), src, dst)
    h, at = _tc_mid(accm, acce, b0.reshape(1, HC), W1, _make_a8(a_s1, a_d1))
    accm, acce = _sc_edge_pass(h, alpha16(at), src, dst)
    h, at = _tc_mid(accm, acce, b1.reshape(1, HC), Wl, _make_a8(a_sl, a_dl))
    accm, acce = _sc_edge_pass(h, alpha16(at), src, dst)
    return _tc_fin(accm, acce, bl.reshape(1, HC), onehot, W_lin,
                   b_lin.reshape(1, NCLS))

# --- scband reference (transcript-rebuilt; emitter-appended) ---
"""Pipeline reference for scband-gat-56745107915455 (READ-ONLY COPY).

The authoritative reference and input builder live on the scoring server;
editing this copy changes nothing except your own understanding.
"""

import jax, jax.numpy as jnp
import numpy as np

N = 10000
E = 320000
F = 128
H = 2
C = 64
G = 8
NC = 40
HC = H * C


def setup_inputs(seed: int = 0) -> dict:
    key = jax.random.key(seed)
    ks = jax.random.split(key, 24)
    x = jax.random.normal(ks[0], (N, F), dtype=jnp.float32)
    edge_index = jax.random.randint(ks[1], (2, E), 0, N, dtype=jnp.int32)
    edge_attr = jax.random.normal(ks[2], (E, 4), dtype=jnp.float32)
    batch = jnp.sort(jax.random.randint(ks[3], (N,), 0, G, dtype=jnp.int32))
    s = 0.1
    inp = {
        'x': x, 'edge_index': edge_index, 'edge_attr': edge_attr, 'batch': batch,
        'W0': jax.random.normal(ks[4], (F, HC), dtype=jnp.float32) * s,
        'a_s0': jax.random.normal(ks[5], (1, H, C), dtype=jnp.float32) * s,
        'a_d0': jax.random.normal(ks[6], (1, H, C), dtype=jnp.float32) * s,
        'b0': jnp.zeros((HC,), dtype=jnp.float32),
        'W1': jax.random.normal(ks[7], (HC, HC), dtype=jnp.float32) * s,
        'a_s1': jax.random.normal(ks[8], (1, H, C), dtype=jnp.float32) * s,
        'a_d1': jax.random.normal(ks[9], (1, H, C), dtype=jnp.float32) * s,
        'b1': jnp.zeros((HC,), dtype=jnp.float32),
        'Wl': jax.random.normal(ks[10], (HC, HC), dtype=jnp.float32) * s,
        'a_sl': jax.random.normal(ks[11], (1, H, C), dtype=jnp.float32) * s,
        'a_dl': jax.random.normal(ks[12], (1, H, C), dtype=jnp.float32) * s,
        'bl': jnp.zeros((HC,), dtype=jnp.float32),
        'W_lin': jax.random.normal(ks[13], (HC, NC), dtype=jnp.float32) * s,
        'b_lin': jnp.zeros((NC,), dtype=jnp.float32),
    }
    return inp


def gat_conv(x, ei, W, a_s, a_d, b):
    n = x.shape[0]
    # PyG GATConv default add_self_loops=True
    loop = jnp.arange(n, dtype=ei.dtype)
    src = jnp.concatenate([ei[0], loop])
    dst = jnp.concatenate([ei[1], loop])
    h = (x @ W).reshape(n, H, C)
    alpha_src = (h * a_s).sum(-1)  # [n, H]
    alpha_dst = (h * a_d).sum(-1)  # [n, H]
    e = alpha_src[src] + alpha_dst[dst]  # [E+n, H]
    e = jax.nn.leaky_relu(e, negative_slope=0.2)
    m = jax.ops.segment_max(e, dst, num_segments=n)
    m = jnp.where(jnp.isfinite(m), m, 0.0)
    m = jax.lax.stop_gradient(m)
    ex = jnp.exp(e - m[dst])
    den = jax.ops.segment_sum(ex, dst, num_segments=n)
    alpha = ex / (den[dst] + 1e-16)  # softmax over incoming edges per dst, per head
    msg = h[src] * alpha[:, :, None]  # [E+n, H, C]
    out = jax.ops.segment_sum(msg, dst, num_segments=n)
    return out.reshape(n, HC) + b


def reference(x, edge_index, edge_attr, batch, W0, a_s0, a_d0, b0, W1, a_s1, a_d1, b1, Wl, a_sl, a_dl, bl, W_lin, b_lin):
    # eval mode: dropout is identity; adj_weight=False so edge_attr unused
    h = gat_conv(x, edge_index, W0, a_s0, a_d0, b0)
    h = jax.nn.elu(h)
    h = gat_conv(h, edge_index, W1, a_s1, a_d1, b1)
    h = jax.nn.elu(h)
    h = gat_conv(h, edge_index, Wl, a_sl, a_dl, bl)
    ones = jnp.ones((h.shape[0],), h.dtype)
    cnt = jax.ops.segment_sum(ones, batch, num_segments=G)
    s = jax.ops.segment_sum(h, batch, num_segments=G)
    pooled = s / jnp.maximum(cnt, 1.0)[:, None]  # global_mean_pool
    logits = pooled @ W_lin + b_lin
    return jax.nn.softmax(logits, axis=1)

if __name__ == "__main__":
    import jax
    _d = setup_inputs()
    print(jax.jit(kernel)(*tuple(_d.values())))

</pallas_src>

<mosaic_0001>
#map = affine_map<(d0, d1) -> (0, 0)>
#map1 = affine_map<(d0, d1) -> (0)>
#map2 = affine_map<(d0, d1) -> (0, 0, 0)>
module attributes {stable_mosaic.version = 14 : i64} {
  func.func @_sc_edge_pass(%arg0: i32, %arg1: i32, %arg2: memref<10000x128xf32, #tpu.memory_space<hbm>>, %arg3: memref<10000x16xf32, #tpu.memory_space<hbm>>, %arg4: memref<331776xi32, #tpu.memory_space<hbm>>, %arg5: memref<331776xi32, #tpu.memory_space<hbm>>, %arg6: memref<2x10000x128xf32, #tpu.memory_space<hbm>>, %arg7: memref<2x10000x16xf32, #tpu.memory_space<hbm>>, %arg8: memref<1x128xi32, #tpu.memory_space<vmem>>, %arg9: memref<1x128xi32, #tpu.memory_space<vmem>>, %arg10: memref<128x128xf32, #tpu.memory_space<vmem>>, %arg11: memref<128x16xf32, #tpu.memory_space<vmem>>, %arg12: memref<128x16xf32, #tpu.memory_space<vmem>>, %arg13: memref<128x16xf32, #tpu.memory_space<vmem>>, %arg14: memref<10000x128xf32, #tpu.memory_space<vmem_shared>>, %arg15: memref<10000x16xf32, #tpu.memory_space<vmem_shared>>, %arg16: memref<!tpu.dma_semaphore, #tpu.memory_space<semaphore_mem>>, %arg17: memref<!tpu.dma_semaphore, #tpu.memory_space<semaphore_mem>>) attributes {dimension_semantics = [#tpu.dimension_semantics<core_parallel>, #tpu.dimension_semantics<subcore_parallel>], iteration_bounds = array<i64: 2, 16>, scalar_prefetch = 0 : i64, scratch_operands = 10 : i64, tpu.core_type = #tpu.core_type<sc_vector_subcore>, window_params = [{transform_indices = #map}, {transform_indices = #map}, {transform_indices = #map1}, {transform_indices = #map1}, {transform_indices = #map2}, {transform_indices = #map2}]} {
    %mul3A = arith.constant 2 : i32
    %mul3A_0 = arith.muli %arg1, %mul3A : i32
    %add3A = arith.addi %mul3A_0, %arg0 : i32
    %broadcast_in_dim3A = arith.constant 0.000000e+00 : f32
    %broadcast_in_dim3A_1 = vector.broadcast %broadcast_in_dim3A : f32 to vector<16xf32>
    %iota3A = tpu.iota {dimensions = array<i32: 0>} : vector<16xi32>
    %broadcast_in_dim3A_2 = arith.constant 0 : i32
    %broadcast_in_dim3A_3 = vector.broadcast %broadcast_in_dim3A_2 : i32 to vector<16xi32>
    %broadcast_in_dim3A_4 = arith.constant 1 : i32
    %broadcast_in_dim3A_5 = vector.broadcast %broadcast_in_dim3A_4 : i32 to vector<16xi32>
    %broadcast_in_dim3A_6 = arith.constant 2 : i32
    %broadcast_in_dim3A_7 = vector.broadcast %broadcast_in_dim3A_6 : i32 to vector<16xi32>
    %broadcast_in_dim3A_8 = arith.constant 3 : i32
    %broadcast_in_dim3A_9 = vector.broadcast %broadcast_in_dim3A_8 : i32 to vector<16xi32>
    %scan3A = arith.constant 0 : i32
    %scan3A_10 = arith.constant 128 : i32
    %scan3A_11 = arith.addi %scan3A, %scan3A_10 : i32
    %scan3A_12 = arith.constant 1 : i32
    scf.for %scan3A_51 = %scan3A to %scan3A_11 step %scan3A_12  : i32 {
      %mul3A_52 = arith.constant 1 : i32
      %mul3A_53 = arith.muli %scan3A_51, %mul3A_52 : i32
      %add3A_54 = arith.constant 0 : i32
      %add3A_55 = arith.addi %add3A_54, %mul3A_53 : i32
      %swap3A = arith.index_cast %add3A_55 : i32 to index
      %swap3A_56 = arith.constant 0 : index
      %swap3A_57 = tpu.vector_load %arg10[%swap3A, %swap3A_56] {strides = array<i32>} : memref<128x128xf32, #tpu.memory_space<vmem>>, vector<16xf32>,
      tpu.vector_store %arg10[%swap3A, %swap3A_56], %broadcast_in_dim3A_1 {strides = array<i32>} : memref<128x128xf32, #tpu.memory_space<vmem>>, vector<16xf32>,
      %swap3A_58 = arith.index_cast %add3A_55 : i32 to index
      %swap3A_59 = arith.constant 16 : index
      %swap3A_60 = tpu.vector_load %arg10[%swap3A_58, %swap3A_59] {strides = array<i32>} : memref<128x128xf32, #tpu.memory_space<vmem>>, vector<16xf32>,
      tpu.vector_store %arg10[%swap3A_58, %swap3A_59], %broadcast_in_dim3A_1 {strides = array<i32>} : memref<128x128xf32, #tpu.memory_space<vmem>>, vector<16xf32>,
      %swap3A_61 = arith.index_cast %add3A_55 : i32 to index
      %swap3A_62 = arith.constant 32 : index
      %swap3A_63 = tpu.vector_load %arg10[%swap3A_61, %swap3A_62] {strides = array<i32>} : memref<128x128xf32, #tpu.memory_space<vmem>>, vector<16xf32>,
      tpu.vector_store %arg10[%swap3A_61, %swap3A_62], %broadcast_in_dim3A_1 {strides = array<i32>} : memref<128x128xf32, #tpu.memory_space<vmem>>, vector<16xf32>,
      %swap3A_64 = arith.index_cast %add3A_55 : i32 to index
      %swap3A_65 = arith.constant 48 : index
      %swap3A_66 = tpu.vector_load %arg10[%swap3A_64, %swap3A_65] {strides = array<i32>} : memref<128x128xf32, #tpu.memory_space<vmem>>, vector<16xf32>,
      tpu.vector_store %arg10[%swap3A_64, %swap3A_65], %broadcast_in_dim3A_1 {strides = array<i32>} : memref<128x128xf32, #tpu.memory_space<vmem>>, vector<16xf32>,
      %swap3A_67 = arith.index_cast %add3A_55 : i32 to index
      %swap3A_68 = arith.constant 64 : index
      %swap3A_69 = tpu.vector_load %arg10[%swap3A_67, %swap3A_68] {strides = array<i32>} : memref<128x128xf32, #tpu.memory_space<vmem>>, vector<16xf32>,
      tpu.vector_store %arg10[%swap3A_67, %swap3A_68], %broadcast_in_dim3A_1 {strides = array<i32>} : memref<128x128xf32, #tpu.memory_space<vmem>>, vector<16xf32>,
      %swap3A_70 = arith.index_cast %add3A_55 : i32 to index
      %swap3A_71 = arith.constant 80 : index
      %swap3A_72 = tpu.vector_load %arg10[%swap3A_70, %swap3A_71] {strides = array<i32>} : memref<128x128xf32, #tpu.memory_space<vmem>>, vector<16xf32>,
      tpu.vector_store %arg10[%swap3A_70, %swap3A_71], %broadcast_in_dim3A_1 {strides = array<i32>} : memref<128x128xf32, #tpu.memory_space<vmem>>, vector<16xf32>,
      %swap3A_73 = arith.index_cast %add3A_55 : i32 to index
      %swap3A_74 = arith.constant 96 : index
      %swap3A_75 = tpu.vector_load %arg10[%swap3A_73, %swap3A_74] {strides = array<i32>} : memref<128x128xf32, #tpu.memory_space<vmem>>, vector<16xf32>,
      tpu.vector_store %arg10[%swap3A_73, %swap3A_74], %broadcast_in_dim3A_1 {strides = array<i32>} : memref<128x128xf32, #tpu.memory_space<vmem>>, vector<16xf32>,
      %swap3A_76 = arith.index_cast %add3A_55 : i32 to index
      %swap3A_77 = arith.constant 112 : index
      %swap3A_78 = tpu.vector_load %arg10[%swap3A_76, %swap3A_77] {strides = array<i32>} : memref<128x128xf32, #tpu.memory_space<vmem>>, vector<16xf32>,
      tpu.vector_store %arg10[%swap3A_76, %swap3A_77], %broadcast_in_dim3A_1 {strides = array<i32>} : memref<128x128xf32, #tpu.memory_space<vmem>>, vector<16xf32>,
      %swap3A_79 = arith.index_cast %add3A_55 : i32 to index
      %swap3A_80 = arith.constant 0 : index
      %swap3A_81 = tpu.vector_load %arg11[%swap3A_79, %swap3A_80] {strides = array<i32>} : memref<128x16xf32, #tpu.memory_space<vmem>>, vector<16xf32>,
      tpu.vector_store %arg11[%swap3A_79, %swap3A_80], %broadcast_in_dim3A_1 {strides = array<i32>} : memref<128x16xf32, #tpu.memory_space<vmem>>, vector<16xf32>,
    }
    %scan3A_13 = arith.constant 128 : i32
    %mul3A_14 = arith.constant 624 : i32
    %mul3A_15 = arith.muli %arg1, %mul3A_14 : i32
    %add3A_16 = arith.constant 0 : i32
    %add3A_17 = arith.addi %mul3A_15, %add3A_16 : i32
    "tpu.region"() ({
      %run_scoped3A = tpu.sem_alloc : memref<!tpu.dma_semaphore, #tpu.memory_space<semaphore_mem>>
      %dma_start3A = arith.constant 0 : i32
      %dma_start3A_51 = arith.constant 0 : i32
      %dma_start3A_52 = tpu.memref_slice %arg10[%dma_start3A, %dma_start3A_51] : memref<128x128xf32, #tpu.memory_space<vmem>> -> memref<128x128xf32, #tpu.memory_space<vmem>>
      %dma_start3A_53 = arith.constant 0 : i32
      %dma_start3A_54 = tpu.memref_slice %arg14[%add3A_17, %dma_start3A_53] : memref<10000x128xf32, #tpu.memory_space<vmem_shared>> -> memref<128x128xf32, #tpu.memory_space<vmem_shared>>
      %dma_start3A_55 = arith.constant 0 : i32
      %dma_start3A_56 = tpu.memref_slice %arg14[%add3A_17, %dma_start3A_55] : memref<10000x128xf32, #tpu.memory_space<vmem_shared>> -> memref<128x128xf32, #tpu.memory_space<vmem_shared>>
      %dma_start3A_57 = arith.constant 0 : i32
      %dma_start3A_58 = arith.constant 0 : i32
      %dma_start3A_59 = tpu.memref_slice %arg10[%dma_start3A_57, %dma_start3A_58] : memref<128x128xf32, #tpu.memory_space<vmem>> -> memref<128x128xf32, #tpu.memory_space<vmem>>
      tpu.enqueue_dma source(%dma_start3A_59 : memref<128x128xf32, #tpu.memory_space<vmem>>) target(%dma_start3A_56 : memref<128x128xf32, #tpu.memory_space<vmem_shared>>) target_semaphore(%run_scoped3A : memref<!tpu.dma_semaphore, #tpu.memory_space<semaphore_mem>>)
      %dma_wait3A = arith.constant 0 : i32
      %dma_wait3A_60 = arith.constant 0 : i32
      %dma_wait3A_61 = tpu.memref_slice %arg10[%dma_wait3A, %dma_wait3A_60] : memref<128x128xf32, #tpu.memory_space<vmem>> -> memref<128x128xf32, #tpu.memory_space<vmem>>
      %dma_wait3A_62 = arith.constant 0 : i32
      %dma_wait3A_63 = tpu.memref_slice %arg14[%add3A_17, %dma_wait3A_62] : memref<10000x128xf32, #tpu.memory_space<vmem_shared>> -> memref<128x128xf32, #tpu.memory_space<vmem_shared>>
      %dma_wait3A_64 = arith.constant 0 : i32
      %dma_wait3A_65 = tpu.memref_slice %arg14[%add3A_17, %dma_wait3A_64] : memref<10000x128xf32, #tpu.memory_space<vmem_shared>> -> memref<128x128xf32, #tpu.memory_space<vmem_shared>>
      %dma_wait3A_66 = arith.constant 0 : i32
      %dma_wait3A_67 = arith.constant 0 : i32
      %dma_wait3A_68 = tpu.memref_slice %arg10[%dma_wait3A_66, %dma_wait3A_67] : memref<128x128xf32, #tpu.memory_space<vmem>> -> memref<128x128xf32, #tpu.memory_space<vmem>>
      tpu.wait_dma2 semaphore(%run_scoped3A : memref<!tpu.dma_semaphore, #tpu.memory_space<semaphore_mem>>) src(%dma_wait3A_68 : memref<128x128xf32, #tpu.memory_space<vmem>>) dst(%dma_wait3A_65 : memref<128x128xf32, #tpu.memory_space<vmem_shared>>)
      tpu.yield
    }) : () -> ()
    %add3A_18 = arith.constant 0 : i32
    %add3A_19 = arith.addi %mul3A_15, %add3A_18 : i32
    "tpu.region"() ({
      %run_scoped3A = tpu.sem_alloc : memref<!tpu.dma_semaphore, #tpu.memory_space<semaphore_mem>>
      %dma_start3A = arith.constant 0 : i32
      %dma_start3A_51 = arith.constant 0 : i32
      %dma_start3A_52 = tpu.memref_slice %arg11[%dma_start3A, %dma_start3A_51] : memref<128x16xf32, #tpu.memory_space<vmem>> -> memref<128x16xf32, #tpu.memory_space<vmem>>
      %dma_start3A_53 = arith.constant 0 : i32
      %dma_start3A_54 = tpu.memref_slice %arg15[%add3A_19, %dma_start3A_53] : memref<10000x16xf32, #tpu.memory_space<vmem_shared>> -> memref<128x16xf32, #tpu.memory_space<vmem_shared>>
      %dma_start3A_55 = arith.constant 0 : i32
      %dma_start3A_56 = tpu.memref_slice %arg15[%add3A_19, %dma_start3A_55] : memref<10000x16xf32, #tpu.memory_space<vmem_shared>> -> memref<128x16xf32, #tpu.memory_space<vmem_shared>>
      %dma_start3A_57 = arith.constant 0 : i32
      %dma_start3A_58 = arith.constant 0 : i32
      %dma_start3A_59 = tpu.memref_slice %arg11[%dma_start3A_57, %dma_start3A_58] : memref<128x16xf32, #tpu.memory_space<vmem>> -> memref<128x16xf32, #tpu.memory_space<vmem>>
      tpu.enqueue_dma source(%dma_start3A_59 : memref<128x16xf32, #tpu.memory_space<vmem>>) target(%dma_start3A_56 : memref<128x16xf32, #tpu.memory_space<vmem_shared>>) target_semaphore(%run_scoped3A : memref<!tpu.dma_semaphore, #tpu.memory_space<semaphore_mem>>)
      %dma_wait3A = arith.constant 0 : i32
      %dma_wait3A_60 = arith.constant 0 : i32
      %dma_wait3A_61 = tpu.memref_slice %arg11[%dma_wait3A, %dma_wait3A_60] : memref<128x16xf32, #tpu.memory_space<vmem>> -> memref<128x16xf32, #tpu.memory_space<vmem>>
      %dma_wait3A_62 = arith.constant 0 : i32
      %dma_wait3A_63 = tpu.memref_slice %arg15[%add3A_19, %dma_wait3A_62] : memref<10000x16xf32, #tpu.memory_space<vmem_shared>> -> memref<128x16xf32, #tpu.memory_space<vmem_shared>>
      %dma_wait3A_64 = arith.constant 0 : i32
      %dma_wait3A_65 = tpu.memref_slice %arg15[%add3A_19, %dma_wait3A_64] : memref<10000x16xf32, #tpu.memory_space<vmem_shared>> -> memref<128x16xf32, #tpu.memory_space<vmem_shared>>
      %dma_wait3A_66 = arith.constant 0 : i32
      %dma_wait3A_67 = arith.constant 0 : i32
      %dma_wait3A_68 = tpu.memref_slice %arg11[%dma_wait3A_66, %dma_wait3A_67] : memref<128x16xf32, #tpu.memory_space<vmem>> -> memref<128x16xf32, #tpu.memory_space<vmem>>
      tpu.wait_dma2 semaphore(%run_scoped3A : memref<!tpu.dma_semaphore, #tpu.memory_space<semaphore_mem>>) src(%dma_wait3A_68 : memref<128x16xf32, #tpu.memory_space<vmem>>) dst(%dma_wait3A_65 : memref<128x16xf32, #tpu.memory_space<vmem_shared>>)
      tpu.yield
    }) : () -> ()
    %add3A_20 = arith.constant 128 : i32
    %add3A_21 = arith.addi %mul3A_15, %add3A_20 : i32
    "tpu.region"() ({
      %run_scoped3A = tpu.sem_alloc : memref<!tpu.dma_semaphore, #tpu.memory_space<semaphore_mem>>
      %dma_start3A = arith.constant 0 : i32
      %dma_start3A_51 = arith.constant 0 : i32
      %dma_start3A_52 = tpu.memref_slice %arg10[%dma_start3A, %dma_start3A_51] : memref<128x128xf32, #tpu.memory_space<vmem>> -> memref<128x128xf32, #tpu.memory_space<vmem>>
      %dma_start3A_53 = arith.constant 0 : i32
      %dma_start3A_54 = tpu.memref_slice %arg14[%add3A_21, %dma_start3A_53] : memref<10000x128xf32, #tpu.memory_space<vmem_shared>> -> memref<128x128xf32, #tpu.memory_space<vmem_shared>>
      %dma_start3A_55 = arith.constant 0 : i32
      %dma_start3A_56 = tpu.memref_slice %arg14[%add3A_21, %dma_start3A_55] : memref<10000x128xf32, #tpu.memory_space<vmem_shared>> -> memref<128x128xf32, #tpu.memory_space<vmem_shared>>
      %dma_start3A_57 = arith.constant 0 : i32
      %dma_start3A_58 = arith.constant 0 : i32
      %dma_start3A_59 = tpu.memref_slice %arg10[%dma_start3A_57, %dma_start3A_58] : memref<128x128xf32, #tpu.memory_space<vmem>> -> memref<128x128xf32, #tpu.memory_space<vmem>>
      tpu.enqueue_dma source(%dma_start3A_59 : memref<128x128xf32, #tpu.memory_space<vmem>>) target(%dma_start3A_56 : memref<128x128xf32, #tpu.memory_space<vmem_shared>>) target_semaphore(%run_scoped3A : memref<!tpu.dma_semaphore, #tpu.memory_space<semaphore_mem>>)
      %dma_wait3A = arith.constant 0 : i32
      %dma_wait3A_60 = arith.constant 0 : i32
      %dma_wait3A_61 = tpu.memref_slice %arg10[%dma_wait3A, %dma_wait3A_60] : memref<128x128xf32, #tpu.memory_space<vmem>> -> memref<128x128xf32, #tpu.memory_space<vmem>>
      %dma_wait3A_62 = arith.constant 0 : i32
      %dma_wait3A_63 = tpu.memref_slice %arg14[%add3A_21, %dma_wait3A_62] : memref<10000x128xf32, #tpu.memory_space<vmem_shared>> -> memref<128x128xf32, #tpu.memory_space<vmem_shared>>
      %dma_wait3A_64 = arith.constant 0 : i32
      %dma_wait3A_65 = tpu.memref_slice %arg14[%add3A_21, %dma_wait3A_64] : memref<10000x128xf32, #tpu.memory_space<vmem_shared>> -> memref<128x128xf32, #tpu.memory_space<vmem_shared>>
      %dma_wait3A_66 = arith.constant 0 : i32
      %dma_wait3A_67 = arith.constant 0 : i32
      %dma_wait3A_68 = tpu.memref_slice %arg10[%dma_wait3A_66, %dma_wait3A_67] : memref<128x128xf32, #tpu.memory_space<vmem>> -> memref<128x128xf32, #tpu.memory_space<vmem>>
      tpu.wait_dma2 semaphore(%run_scoped3A : memref<!tpu.dma_semaphore, #tpu.memory_space<semaphore_mem>>) src(%dma_wait3A_68 : memref<128x128xf32, #tpu.memory_space<vmem>>) dst(%dma_wait3A_65 : memref<128x128xf32, #tpu.memory_space<vmem_shared>>)
      tpu.yield
    }) : () -> ()
    %add3A_22 = arith.constant 128 : i32
    %add3A_23 = arith.addi %mul3A_15, %add3A_22 : i32
    "tpu.region"() ({
      %run_scoped3A = tpu.sem_alloc : memref<!tpu.dma_semaphore, #tpu.memory_space<semaphore_mem>>
      %dma_start3A = arith.constant 0 : i32
      %dma_start3A_51 = arith.constant 0 : i32
      %dma_start3A_52 = tpu.memref_slice %arg11[%dma_start3A, %dma_start3A_51] : memref<128x16xf32, #tpu.memory_space<vmem>> -> memref<128x16xf32, #tpu.memory_space<vmem>>
      %dma_start3A_53 = arith.constant 0 : i32
      %dma_start3A_54 = tpu.memref_slice %arg15[%add3A_23, %dma_start3A_53] : memref<10000x16xf32, #tpu.memory_space<vmem_shared>> -> memref<128x16xf32, #tpu.memory_space<vmem_shared>>
      %dma_start3A_55 = arith.constant 0 : i32
      %dma_start3A_56 = tpu.memref_slice %arg15[%add3A_23, %dma_start3A_55] : memref<10000x16xf32, #tpu.memory_space<vmem_shared>> -> memref<128x16xf32, #tpu.memory_space<vmem_shared>>
      %dma_start3A_57 = arith.constant 0 : i32
      %dma_start3A_58 = arith.constant 0 : i32
      %dma_start3A_59 = tpu.memref_slice %arg11[%dma_start3A_57, %dma_start3A_58] : memref<128x16xf32, #tpu.memory_space<vmem>> -> memref<128x16xf32, #tpu.memory_space<vmem>>
      tpu.enqueue_dma source(%dma_start3A_59 : memref<128x16xf32, #tpu.memory_space<vmem>>) target(%dma_start3A_56 : memref<128x16xf32, #tpu.memory_space<vmem_shared>>) target_semaphore(%run_scoped3A : memref<!tpu.dma_semaphore, #tpu.memory_space<semaphore_mem>>)
      %dma_wait3A = arith.constant 0 : i32
      %dma_wait3A_60 = arith.constant 0 : i32
      %dma_wait3A_61 = tpu.memref_slice %arg11[%dma_wait3A, %dma_wait3A_60] : memref<128x16xf32, #tpu.memory_space<vmem>> -> memref<128x16xf32, #tpu.memory_space<vmem>>
      %dma_wait3A_62 = arith.constant 0 : i32
      %dma_wait3A_63 = tpu.memref_slice %arg15[%add3A_23, %dma_wait3A_62] : memref<10000x16xf32, #tpu.memory_space<vmem_shared>> -> memref<128x16xf32, #tpu.memory_space<vmem_shared>>
      %dma_wait3A_64 = arith.constant 0 : i32
      %dma_wait3A_65 = tpu.memref_slice %arg15[%add3A_23, %dma_wait3A_64] : memref<10000x16xf32, #tpu.memory_space<vmem_shared>> -> memref<128x16xf32, #tpu.memory_space<vmem_shared>>
      %dma_wait3A_66 = arith.constant 0 : i32
      %dma_wait3A_67 = arith.constant 0 : i32
      %dma_wait3A_68 = tpu.memref_slice %arg11[%dma_wait3A_66, %dma_wait3A_67] : memref<128x16xf32, #tpu.memory_space<vmem>> -> memref<128x16xf32, #tpu.memory_space<vmem>>
      tpu.wait_dma2 semaphore(%run_scoped3A : memref<!tpu.dma_semaphore, #tpu.memory_space<semaphore_mem>>) src(%dma_wait3A_68 : memref<128x16xf32, #tpu.memory_space<vmem>>) dst(%dma_wait3A_65 : memref<128x16xf32, #tpu.memory_space<vmem_shared>>)
      tpu.yield
    }) : () -> ()
    %add3A_24 = arith.constant 256 : i32
    %add3A_25 = arith.addi %mul3A_15, %add3A_24 : i32
    "tpu.region"() ({
      %run_scoped3A = tpu.sem_alloc : memref<!tpu.dma_semaphore, #tpu.memory_space<semaphore_mem>>
      %dma_start3A = arith.constant 0 : i32
      %dma_start3A_51 = arith.constant 0 : i32
      %dma_start3A_52 = tpu.memref_slice %arg10[%dma_start3A, %dma_start3A_51] : memref<128x128xf32, #tpu.memory_space<vmem>> -> memref<128x128xf32, #tpu.memory_space<vmem>>
      %dma_start3A_53 = arith.constant 0 : i32
      %dma_start3A_54 = tpu.memref_slice %arg14[%add3A_25, %dma_start3A_53] : memref<10000x128xf32, #tpu.memory_space<vmem_shared>> -> memref<128x128xf32, #tpu.memory_space<vmem_shared>>
      %dma_start3A_55 = arith.constant 0 : i32
      %dma_start3A_56 = tpu.memref_slice %arg14[%add3A_25, %dma_start3A_55] : memref<10000x128xf32, #tpu.memory_space<vmem_shared>> -> memref<128x128xf32, #tpu.memory_space<vmem_shared>>
      %dma_start3A_57 = arith.constant 0 : i32
      %dma_start3A_58 = arith.constant 0 : i32
      %dma_start3A_59 = tpu.memref_slice %arg10[%dma_start3A_57, %dma_start3A_58] : memref<128x128xf32, #tpu.memory_space<vmem>> -> memref<128x128xf32, #tpu.memory_space<vmem>>
      tpu.enqueue_dma source(%dma_start3A_59 : memref<128x128xf32, #tpu.memory_space<vmem>>) target(%dma_start3A_56 : memref<128x128xf32, #tpu.memory_space<vmem_shared>>) target_semaphore(%run_scoped3A : memref<!tpu.dma_semaphore, #tpu.memory_space<semaphore_mem>>)
      %dma_wait3A = arith.constant 0 : i32
      %dma_wait3A_60 = arith.constant 0 : i32
      %dma_wait3A_61 = tpu.memref_slice %arg10[%dma_wait3A, %dma_wait3A_60] : memref<128x128xf32, #tpu.memory_space<vmem>> -> memref<128x128xf32, #tpu.memory_space<vmem>>
      %dma_wait3A_62 = arith.constant 0 : i32
      %dma_wait3A_63 = tpu.memref_slice %arg14[%add3A_25, %dma_wait3A_62] : memref<10000x128xf32, #tpu.memory_space<vmem_shared>> -> memref<128x128xf32, #tpu.memory_space<vmem_shared>>
      %dma_wait3A_64 = arith.constant 0 : i32
      %dma_wait3A_65 = tpu.memref_slice %arg14[%add3A_25, %dma_wait3A_64] : memref<10000x128xf32, #tpu.memory_space<vmem_shared>> -> memref<128x128xf32, #tpu.memory_space<vmem_shared>>
      %dma_wait3A_66 = arith.constant 0 : i32
      %dma_wait3A_67 = arith.constant 0 : i32
      %dma_wait3A_68 = tpu.memref_slice %arg10[%dma_wait3A_66, %dma_wait3A_67] : memref<128x128xf32, #tpu.memory_space<vmem>> -> memref<128x128xf32, #tpu.memory_space<vmem>>
      tpu.wait_dma2 semaphore(%run_scoped3A : memref<!tpu.dma_semaphore, #tpu.memory_space<semaphore_mem>>) src(%dma_wait3A_68 : memref<128x128xf32, #tpu.memory_space<vmem>>) dst(%dma_wait3A_65 : memref<128x128xf32, #tpu.memory_space<vmem_shared>>)
      tpu.yield
    }) : () -> ()
    %add3A_26 = arith.constant 256 : i32
    %add3A_27 = arith.addi %mul3A_15, %add3A_26 : i32
    "tpu.region"() ({
      %run_scoped3A = tpu.sem_alloc : memref<!tpu.dma_semaphore, #tpu.memory_space<semaphore_mem>>
      %dma_start3A = arith.constant 0 : i32
      %dma_start3A_51 = arith.constant 0 : i32
      %dma_start3A_52 = tpu.memref_slice %arg11[%dma_start3A, %dma_start3A_51] : memref<128x16xf32, #tpu.memory_space<vmem>> -> memref<128x16xf32, #tpu.memory_space<vmem>>
      %dma_start3A_53 = arith.constant 0 : i32
      %dma_start3A_54 = tpu.memref_slice %arg15[%add3A_27, %dma_start3A_53] : memref<10000x16xf32, #tpu.memory_space<vmem_shared>> -> memref<128x16xf32, #tpu.memory_space<vmem_shared>>
      %dma_start3A_55 = arith.constant 0 : i32
      %dma_start3A_56 = tpu.memref_slice %arg15[%add3A_27, %dma_start3A_55] : memref<10000x16xf32, #tpu.memory_space<vmem_shared>> -> memref<128x16xf32, #tpu.memory_space<vmem_shared>>
      %dma_start3A_57 = arith.constant 0 : i32
      %dma_start3A_58 = arith.constant 0 : i32
      %dma_start3A_59 = tpu.memref_slice %arg11[%dma_start3A_57, %dma_start3A_58] : memref<128x16xf32, #tpu.memory_space<vmem>> -> memref<128x16xf32, #tpu.memory_space<vmem>>
      tpu.enqueue_dma source(%dma_start3A_59 : memref<128x16xf32, #tpu.memory_space<vmem>>) target(%dma_start3A_56 : memref<128x16xf32, #tpu.memory_space<vmem_shared>>) target_semaphore(%run_scoped3A : memref<!tpu.dma_semaphore, #tpu.memory_space<semaphore_mem>>)
      %dma_wait3A = arith.constant 0 : i32
      %dma_wait3A_60 = arith.constant 0 : i32
      %dma_wait3A_61 = tpu.memref_slice %arg11[%dma_wait3A, %dma_wait3A_60] : memref<128x16xf32, #tpu.memory_space<vmem>> -> memref<128x16xf32, #tpu.memory_space<vmem>>
      %dma_wait3A_62 = arith.constant 0 : i32
      %dma_wait3A_63 = tpu.memref_slice %arg15[%add3A_27, %dma_wait3A_62] : memref<10000x16xf32, #tpu.memory_space<vmem_shared>> -> memref<128x16xf32, #tpu.memory_space<vmem_shared>>
      %dma_wait3A_64 = arith.constant 0 : i32
      %dma_wait3A_65 = tpu.memref_slice %arg15[%add3A_27, %dma_wait3A_64] : memref<10000x16xf32, #tpu.memory_space<vmem_shared>> -> memref<128x16xf32, #tpu.memory_space<vmem_shared>>
      %dma_wait3A_66 = arith.constant 0 : i32
      %dma_wait3A_67 = arith.constant 0 : i32
      %dma_wait3A_68 = tpu.memref_slice %arg11[%dma_wait3A_66, %dma_wait3A_67] : memref<128x16xf32, #tpu.memory_space<vmem>> -> memref<128x16xf32, #tpu.memory_space<vmem>>
      tpu.wait_dma2 semaphore(%run_scoped3A : memref<!tpu.dma_semaphore, #tpu.memory_space<semaphore_mem>>) src(%dma_wait3A_68 : memref<128x16xf32, #tpu.memory_space<vmem>>) dst(%dma_wait3A_65 : memref<128x16xf32, #tpu.memory_space<vmem_shared>>)
      tpu.yield
    }) : () -> ()
    %add3A_28 = arith.constant 384 : i32
    %add3A_29 = arith.addi %mul3A_15, %add3A_28 : i32
    "tpu.region"() ({
      %run_scoped3A = tpu.sem_alloc : memref<!tpu.dma_semaphore, #tpu.memory_space<semaphore_mem>>
      %dma_start3A = arith.constant 0 : i32
      %dma_start3A_51 = arith.constant 0 : i32
      %dma_start3A_52 = tpu.memref_slice %arg10[%dma_start3A, %dma_start3A_51] : memref<128x128xf32, #tpu.memory_space<vmem>> -> memref<128x128xf32, #tpu.memory_space<vmem>>
      %dma_start3A_53 = arith.constant 0 : i32
      %dma_start3A_54 = tpu.memref_slice %arg14[%add3A_29, %dma_start3A_53] : memref<10000x128xf32, #tpu.memory_space<vmem_shared>> -> memref<128x128xf32, #tpu.memory_space<vmem_shared>>
      %dma_start3A_55 = arith.constant 0 : i32
      %dma_start3A_56 = tpu.memref_slice %arg14[%add3A_29, %dma_start3A_55] : memref<10000x128xf32, #tpu.memory_space<vmem_shared>> -> memref<128x128xf32, #tpu.memory_space<vmem_shared>>
      %dma_start3A_57 = arith.constant 0 : i32
      %dma_start3A_58 = arith.constant 0 : i32
      %dma_start3A_59 = tpu.memref_slice %arg10[%dma_start3A_57, %dma_start3A_58] : memref<128x128xf32, #tpu.memory_space<vmem>> -> memref<128x128xf32, #tpu.memory_space<vmem>>
      tpu.enqueue_dma source(%dma_start3A_59 : memref<128x128xf32, #tpu.memory_space<vmem>>) target(%dma_start3A_56 : memref<128x128xf32, #tpu.memory_space<vmem_shared>>) target_semaphore(%run_scoped3A : memref<!tpu.dma_semaphore, #tpu.memory_space<semaphore_mem>>)
      %dma_wait3A = arith.constant 0 : i32
      %dma_wait3A_60 = arith.constant 0 : i32
      %dma_wait3A_61 = tpu.memref_slice %arg10[%dma_wait3A, %dma_wait3A_60] : memref<128x128xf32, #tpu.memory_space<vmem>> -> memref<128x128xf32, #tpu.memory_space<vmem>>
      %dma_wait3A_62 = arith.constant 0 : i32
      %dma_wait3A_63 = tpu.memref_slice %arg14[%add3A_29, %dma_wait3A_62] : memref<10000x128xf32, #tpu.memory_space<vmem_shared>> -> memref<128x128xf32, #tpu.memory_space<vmem_shared>>
      %dma_wait3A_64 = arith.constant 0 : i32
      %dma_wait3A_65 = tpu.memref_slice %arg14[%add3A_29, %dma_wait3A_64] : memref<10000x128xf32, #tpu.memory_space<vmem_shared>> -> memref<128x128xf32, #tpu.memory_space<vmem_shared>>
      %dma_wait3A_66 = arith.constant 0 : i32
      %dma_wait3A_67 = arith.constant 0 : i32
      %dma_wait3A_68 = tpu.memref_slice %arg10[%dma_wait3A_66, %dma_wait3A_67] : memref<128x128xf32, #tpu.memory_space<vmem>> -> memref<128x128xf32, #tpu.memory_space<vmem>>
      tpu.wait_dma2 semaphore(%run_scoped3A : memref<!tpu.dma_semaphore, #tpu.memory_space<semaphore_mem>>) src(%dma_wait3A_68 : memref<128x128xf32, #tpu.memory_space<vmem>>) dst(%dma_wait3A_65 : memref<128x128xf32, #tpu.memory_space<vmem_shared>>)
      tpu.yield
    }) : () -> ()
    %add3A_30 = arith.constant 384 : i32
    %add3A_31 = arith.addi %mul3A_15, %add3A_30 : i32
    "tpu.region"() ({
      %run_scoped3A = tpu.sem_alloc : memref<!tpu.dma_semaphore, #tpu.memory_space<semaphore_mem>>
      %dma_start3A = arith.constant 0 : i32
      %dma_start3A_51 = arith.constant 0 : i32
      %dma_start3A_52 = tpu.memref_slice %arg11[%dma_start3A, %dma_start3A_51] : memref<128x16xf32, #tpu.memory_space<vmem>> -> memref<128x16xf32, #tpu.memory_space<vmem>>
      %dma_start3A_53 = arith.constant 0 : i32
      %dma_start3A_54 = tpu.memref_slice %arg15[%add3A_31, %dma_start3A_53] : memref<10000x16xf32, #tpu.memory_space<vmem_shared>> -> memref<128x16xf32, #tpu.memory_space<vmem_shared>>
      %dma_start3A_55 = arith.constant 0 : i32
      %dma_start3A_56 = tpu.memref_slice %arg15[%add3A_31, %dma_start3A_55] : memref<10000x16xf32, #tpu.memory_space<vmem_shared>> -> memref<128x16xf32, #tpu.memory_space<vmem_shared>>
      %dma_start3A_57 = arith.constant 0 : i32
      %dma_start3A_58 = arith.constant 0 : i32
      %dma_start3A_59 = tpu.memref_slice %arg11[%dma_start3A_57, %dma_start3A_58] : memref<128x16xf32, #tpu.memory_space<vmem>> -> memref<128x16xf32, #tpu.memory_space<vmem>>
      tpu.enqueue_dma source(%dma_start3A_59 : memref<128x16xf32, #tpu.memory_space<vmem>>) target(%dma_start3A_56 : memref<128x16xf32, #tpu.memory_space<vmem_shared>>) target_semaphore(%run_scoped3A : memref<!tpu.dma_semaphore, #tpu.memory_space<semaphore_mem>>)
      %dma_wait3A = arith.constant 0 : i32
      %dma_wait3A_60 = arith.constant 0 : i32
      %dma_wait3A_61 = tpu.memref_slice %arg11[%dma_wait3A, %dma_wait3A_60] : memref<128x16xf32, #tpu.memory_space<vmem>> -> memref<128x16xf32, #tpu.memory_space<vmem>>
      %dma_wait3A_62 = arith.constant 0 : i32
      %dma_wait3A_63 = tpu.memref_slice %arg15[%add3A_31, %dma_wait3A_62] : memref<10000x16xf32, #tpu.memory_space<vmem_shared>> -> memref<128x16xf32, #tpu.memory_space<vmem_shared>>
      %dma_wait3A_64 = arith.constant 0 : i32
      %dma_wait3A_65 = tpu.memref_slice %arg15[%add3A_31, %dma_wait3A_64] : memref<10000x16xf32, #tpu.memory_space<vmem_shared>> -> memref<128x16xf32, #tpu.memory_space<vmem_shared>>
      %dma_wait3A_66 = arith.constant 0 : i32
      %dma_wait3A_67 = arith.constant 0 : i32
      %dma_wait3A_68 = tpu.memref_slice %arg11[%dma_wait3A_66, %dma_wait3A_67] : memref<128x16xf32, #tpu.memory_space<vmem>> -> memref<128x16xf32, #tpu.memory_space<vmem>>
      tpu.wait_dma2 semaphore(%run_scoped3A : memref<!tpu.dma_semaphore, #tpu.memory_space<semaphore_mem>>) src(%dma_wait3A_68 : memref<128x16xf32, #tpu.memory_space<vmem>>) dst(%dma_wait3A_65 : memref<128x16xf32, #tpu.memory_space<vmem_shared>>)
      tpu.yield
    }) : () -> ()
    %add3A_32 = arith.constant 512 : i32
    %add3A_33 = arith.addi %mul3A_15, %add3A_32 : i32
    "tpu.region"() ({
      %run_scoped3A = tpu.sem_alloc : memref<!tpu.dma_semaphore, #tpu.memory_space<semaphore_mem>>
      %dma_start3A = arith.constant 0 : i32
      %dma_start3A_51 = arith.constant 0 : i32
      %dma_start3A_52 = tpu.memref_slice %arg10[%dma_start3A, %dma_start3A_51] : memref<128x128xf32, #tpu.memory_space<vmem>> -> memref<112x128xf32, #tpu.memory_space<vmem>>
      %dma_start3A_53 = arith.constant 0 : i32
      %dma_start3A_54 = tpu.memref_slice %arg14[%add3A_33, %dma_start3A_53] : memref<10000x128xf32, #tpu.memory_space<vmem_shared>> -> memref<112x128xf32, #tpu.memory_space<vmem_shared>>
      %dma_start3A_55 = arith.constant 0 : i32
      %dma_start3A_56 = tpu.memref_slice %arg14[%add3A_33, %dma_start3A_55] : memref<10000x128xf32, #tpu.memory_space<vmem_shared>> -> memref<112x128xf32, #tpu.memory_space<vmem_shared>>
      %dma_start3A_57 = arith.constant 0 : i32
      %dma_start3A_58 = arith.constant 0 : i32
      %dma_start3A_59 = tpu.memref_slice %arg10[%dma_start3A_57, %dma_start3A_58] : memref<128x128xf32, #tpu.memory_space<vmem>> -> memref<112x128xf32, #tpu.memory_space<vmem>>
      tpu.enqueue_dma source(%dma_start3A_59 : memref<112x128xf32, #tpu.memory_space<vmem>>) target(%dma_start3A_56 : memref<112x128xf32, #tpu.memory_space<vmem_shared>>) target_semaphore(%run_scoped3A : memref<!tpu.dma_semaphore, #tpu.memory_space<semaphore_mem>>)
      %dma_wait3A = arith.constant 0 : i32
      %dma_wait3A_60 = arith.constant 0 : i32
      %dma_wait3A_61 = tpu.memref_slice %arg10[%dma_wait3A, %dma_wait3A_60] : memref<128x128xf32, #tpu.memory_space<vmem>> -> memref<112x128xf32, #tpu.memory_space<vmem>>
      %dma_wait3A_62 = arith.constant 0 : i32
      %dma_wait3A_63 = tpu.memref_slice %arg14[%add3A_33, %dma_wait3A_62] : memref<10000x128xf32, #tpu.memory_space<vmem_shared>> -> memref<112x128xf32, #tpu.memory_space<vmem_shared>>
      %dma_wait3A_64 = arith.constant 0 : i32
      %dma_wait3A_65 = tpu.memref_slice %arg14[%add3A_33, %dma_wait3A_64] : memref<10000x128xf32, #tpu.memory_space<vmem_shared>> -> memref<112x128xf32, #tpu.memory_space<vmem_shared>>
      %dma_wait3A_66 = arith.constant 0 : i32
      %dma_wait3A_67 = arith.constant 0 : i32
      %dma_wait3A_68 = tpu.memref_slice %arg10[%dma_wait3A_66, %dma_wait3A_67] : memref<128x128xf32, #tpu.memory_space<vmem>> -> memref<112x128xf32, #tpu.memory_space<vmem>>
      tpu.wait_dma2 semaphore(%run_scoped3A : memref<!tpu.dma_semaphore, #tpu.memory_space<semaphore_mem>>) src(%dma_wait3A_68 : memref<112x128xf32, #tpu.memory_space<vmem>>) dst(%dma_wait3A_65 : memref<112x128xf32, #tpu.memory_space<vmem_shared>>)
      tpu.yield
    }) : () -> ()
    %add3A_34 = arith.constant 512 : i32
    %add3A_35 = arith.addi %mul3A_15, %add3A_34 : i32
    "tpu.region"() ({
      %run_scoped3A = tpu.sem_alloc : memref<!tpu.dma_semaphore, #tpu.memory_space<semaphore_mem>>
      %dma_start3A = arith.constant 0 : i32
      %dma_start3A_51 = arith.constant 0 : i32
      %dma_start3A_52 = tpu.memref_slice %arg11[%dma_start3A, %dma_start3A_51] : memref<128x16xf32, #tpu.memory_space<vmem>> -> memref<112x16xf32, #tpu.memory_space<vmem>>
      %dma_start3A_53 = arith.constant 0 : i32
      %dma_start3A_54 = tpu.memref_slice %arg15[%add3A_35, %dma_start3A_53] : memref<10000x16xf32, #tpu.memory_space<vmem_shared>> -> memref<112x16xf32, #tpu.memory_space<vmem_shared>>
      %dma_start3A_55 = arith.constant 0 : i32
      %dma_start3A_56 = tpu.memref_slice %arg15[%add3A_35, %dma_start3A_55] : memref<10000x16xf32, #tpu.memory_space<vmem_shared>> -> memref<112x16xf32, #tpu.memory_space<vmem_shared>>
      %dma_start3A_57 = arith.constant 0 : i32
      %dma_start3A_58 = arith.constant 0 : i32
      %dma_start3A_59 = tpu.memref_slice %arg11[%dma_start3A_57, %dma_start3A_58] : memref<128x16xf32, #tpu.memory_space<vmem>> -> memref<112x16xf32, #tpu.memory_space<vmem>>
      tpu.enqueue_dma source(%dma_start3A_59 : memref<112x16xf32, #tpu.memory_space<vmem>>) target(%dma_start3A_56 : memref<112x16xf32, #tpu.memory_space<vmem_shared>>) target_semaphore(%run_scoped3A : memref<!tpu.dma_semaphore, #tpu.memory_space<semaphore_mem>>)
      %dma_wait3A = arith.constant 0 : i32
      %dma_wait3A_60 = arith.constant 0 : i32
      %dma_wait3A_61 = tpu.memref_slice %arg11[%dma_wait3A, %dma_wait3A_60] : memref<128x16xf32, #tpu.memory_space<vmem>> -> memref<112x16xf32, #tpu.memory_space<vmem>>
      %dma_wait3A_62 = arith.constant 0 : i32
      %dma_wait3A_63 = tpu.memref_slice %arg15[%add3A_35, %dma_wait3A_62] : memref<10000x16xf32, #tpu.memory_space<vmem_shared>> -> memref<112x16xf32, #tpu.memory_space<vmem_shared>>
      %dma_wait3A_64 = arith.constant 0 : i32
      %dma_wait3A_65 = tpu.memref_slice %arg15[%add3A_35, %dma_wait3A_64] : memref<10000x16xf32, #tpu.memory_space<vmem_shared>> -> memref<112x16xf32, #tpu.memory_space<vmem_shared>>
      %dma_wait3A_66 = arith.constant 0 : i32
      %dma_wait3A_67 = arith.constant 0 : i32
      %dma_wait3A_68 = tpu.memref_slice %arg11[%dma_wait3A_66, %dma_wait3A_67] : memref<128x16xf32, #tpu.memory_space<vmem>> -> memref<112x16xf32, #tpu.memory_space<vmem>>
      tpu.wait_dma2 semaphore(%run_scoped3A : memref<!tpu.dma_semaphore, #tpu.memory_space<semaphore_mem>>) src(%dma_wait3A_68 : memref<112x16xf32, #tpu.memory_space<vmem>>) dst(%dma_wait3A_65 : memref<112x16xf32, #tpu.memory_space<vmem_shared>>)
      tpu.yield
    }) : () -> ()
    %eq3A = arith.constant 15 : i32
    %eq3A_36 = arith.cmpi eq, %arg1, %eq3A : i32
    %convert_element_type3A = arith.extui %eq3A_36 : i1 to i32
    %cond3A = arith.constant 0 : i32
    %cond3A_37 = arith.cmpi ne, %convert_element_type3A, %cond3A : i32
    scf.if %cond3A_37 {
      "tpu.region"() ({
        %run_scoped3A = tpu.sem_alloc : memref<!tpu.dma_semaphore, #tpu.memory_space<semaphore_mem>>
        %dma_start3A = arith.constant 0 : i32
        %dma_start3A_51 = arith.constant 0 : i32
        %dma_start3A_52 = tpu.memref_slice %arg10[%dma_start3A, %dma_start3A_51] : memref<128x128xf32, #tpu.memory_space<vmem>> -> memref<16x128xf32, #tpu.memory_space<vmem>>
        %dma_start3A_53 = arith.constant 9984 : i32
        %dma_start3A_54 = arith.constant 0 : i32
        %dma_start3A_55 = tpu.memref_slice %arg14[%dma_start3A_53, %dma_start3A_54] : memref<10000x128xf32, #tpu.memory_space<vmem_shared>> -> memref<16x128xf32, #tpu.memory_space<vmem_shared>>
        %dma_start3A_56 = arith.constant 9984 : i32
        %dma_start3A_57 = arith.constant 0 : i32
        %dma_start3A_58 = tpu.memref_slice %arg14[%dma_start3A_56, %dma_start3A_57] : memref<10000x128xf32, #tpu.memory_space<vmem_shared>> -> memref<16x128xf32, #tpu.memory_space<vmem_shared>>
        %dma_start3A_59 = arith.constant 0 : i32
        %dma_start3A_60 = arith.constant 0 : i32
        %dma_start3A_61 = tpu.memref_slice %arg10[%dma_start3A_59, %dma_start3A_60] : memref<128x128xf32, #tpu.memory_space<vmem>> -> memref<16x128xf32, #tpu.memory_space<vmem>>
        tpu.enqueue_dma source(%dma_start3A_61 : memref<16x128xf32, #tpu.memory_space<vmem>>) target(%dma_start3A_58 : memref<16x128xf32, #tpu.memory_space<vmem_shared>>) target_semaphore(%run_scoped3A : memref<!tpu.dma_semaphore, #tpu.memory_space<semaphore_mem>>)
        %dma_wait3A = arith.constant 0 : i32
        %dma_wait3A_62 = arith.constant 0 : i32
        %dma_wait3A_63 = tpu.memref_slice %arg10[%dma_wait3A, %dma_wait3A_62] : memref<128x128xf32, #tpu.memory_space<vmem>> -> memref<16x128xf32, #tpu.memory_space<vmem>>
        %dma_wait3A_64 = arith.constant 9984 : i32
        %dma_wait3A_65 = arith.constant 0 : i32
        %dma_wait3A_66 = tpu.memref_slice %arg14[%dma_wait3A_64, %dma_wait3A_65] : memref<10000x128xf32, #tpu.memory_space<vmem_shared>> -> memref<16x128xf32, #tpu.memory_space<vmem_shared>>
        %dma_wait3A_67 = arith.constant 9984 : i32
        %dma_wait3A_68 = arith.constant 0 : i32
        %dma_wait3A_69 = tpu.memref_slice %arg14[%dma_wait3A_67, %dma_wait3A_68] : memref<10000x128xf32, #tpu.memory_space<vmem_shared>> -> memref<16x128xf32, #tpu.memory_space<vmem_shared>>
        %dma_wait3A_70 = arith.constant 0 : i32
        %dma_wait3A_71 = arith.constant 0 : i32
        %dma_wait3A_72 = tpu.memref_slice %arg10[%dma_wait3A_70, %dma_wait3A_71] : memref<128x128xf32, #tpu.memory_space<vmem>> -> memref<16x128xf32, #tpu.memory_space<vmem>>
        tpu.wait_dma2 semaphore(%run_scoped3A : memref<!tpu.dma_semaphore, #tpu.memory_space<semaphore_mem>>) src(%dma_wait3A_72 : memref<16x128xf32, #tpu.memory_space<vmem>>) dst(%dma_wait3A_69 : memref<16x128xf32, #tpu.memory_space<vmem_shared>>)
        tpu.yield
      }) : () -> ()
      "tpu.region"() ({
        %run_scoped3A = tpu.sem_alloc : memref<!tpu.dma_semaphore, #tpu.memory_space<semaphore_mem>>
        %dma_start3A = arith.constant 0 : i32
        %dma_start3A_51 = arith.constant 0 : i32
        %dma_start3A_52 = tpu.memref_slice %arg11[%dma_start3A, %dma_start3A_51] : memref<128x16xf32, #tpu.memory_space<vmem>> -> memref<16x16xf32, #tpu.memory_space<vmem>>
        %dma_start3A_53 = arith.constant 9984 : i32
        %dma_start3A_54 = arith.constant 0 : i32
        %dma_start3A_55 = tpu.memref_slice %arg15[%dma_start3A_53, %dma_start3A_54] : memref<10000x16xf32, #tpu.memory_space<vmem_shared>> -> memref<16x16xf32, #tpu.memory_space<vmem_shared>>
        %dma_start3A_56 = arith.constant 9984 : i32
        %dma_start3A_57 = arith.constant 0 : i32
        %dma_start3A_58 = tpu.memref_slice %arg15[%dma_start3A_56, %dma_start3A_57] : memref<10000x16xf32, #tpu.memory_space<vmem_shared>> -> memref<16x16xf32, #tpu.memory_space<vmem_shared>>
        %dma_start3A_59 = arith.constant 0 : i32
        %dma_start3A_60 = arith.constant 0 : i32
        %dma_start3A_61 = tpu.memref_slice %arg11[%dma_start3A_59, %dma_start3A_60] : memref<128x16xf32, #tpu.memory_space<vmem>> -> memref<16x16xf32, #tpu.memory_space<vmem>>
        tpu.enqueue_dma source(%dma_start3A_61 : memref<16x16xf32, #tpu.memory_space<vmem>>) target(%dma_start3A_58 : memref<16x16xf32, #tpu.memory_space<vmem_shared>>) target_semaphore(%run_scoped3A : memref<!tpu.dma_semaphore, #tpu.memory_space<semaphore_mem>>)
        %dma_wait3A = arith.constant 0 : i32
        %dma_wait3A_62 = arith.constant 0 : i32
        %dma_wait3A_63 = tpu.memref_slice %arg11[%dma_wait3A, %dma_wait3A_62] : memref<128x16xf32, #tpu.memory_space<vmem>> -> memref<16x16xf32, #tpu.memory_space<vmem>>
        %dma_wait3A_64 = arith.constant 9984 : i32
        %dma_wait3A_65 = arith.constant 0 : i32
        %dma_wait3A_66 = tpu.memref_slice %arg15[%dma_wait3A_64, %dma_wait3A_65] : memref<10000x16xf32, #tpu.memory_space<vmem_shared>> -> memref<16x16xf32, #tpu.memory_space<vmem_shared>>
        %dma_wait3A_67 = arith.constant 9984 : i32
        %dma_wait3A_68 = arith.constant 0 : i32
        %dma_wait3A_69 = tpu.memref_slice %arg15[%dma_wait3A_67, %dma_wait3A_68] : memref<10000x16xf32, #tpu.memory_space<vmem_shared>> -> memref<16x16xf32, #tpu.memory_space<vmem_shared>>
        %dma_wait3A_70 = arith.constant 0 : i32
        %dma_wait3A_71 = arith.constant 0 : i32
        %dma_wait3A_72 = tpu.memref_slice %arg11[%dma_wait3A_70, %dma_wait3A_71] : memref<128x16xf32, #tpu.memory_space<vmem>> -> memref<16x16xf32, #tpu.memory_space<vmem>>
        tpu.wait_dma2 semaphore(%run_scoped3A : memref<!tpu.dma_semaphore, #tpu.memory_space<semaphore_mem>>) src(%dma_wait3A_72 : memref<16x16xf32, #tpu.memory_space<vmem>>) dst(%dma_wait3A_69 : memref<16x16xf32, #tpu.memory_space<vmem_shared>>)
        tpu.yield
      }) : () -> ()
    } else {
    }
    %barrier3A = arith.constant 0 : index
    tpu.barrier barrier_id(%barrier3A)
    %mul3A_38 = arith.constant 10368 : i32
    %mul3A_39 = arith.muli %add3A, %mul3A_38 : i32
    %scan3A_40 = arith.constant 0 : i32
    %scan3A_41 = arith.constant 81 : i32
    %scan3A_42 = arith.addi %scan3A_40, %scan3A_41 : i32
    %scan3A_43 = arith.constant 1 : i32
    scf.for %scan3A_51 = %scan3A_40 to %scan3A_42 step %scan3A_43  : i32 {
      %mul3A_52 = arith.constant 1 : i32
      %mul3A_53 = arith.muli %scan3A_51, %mul3A_52 : i32
      %add3A_54 = arith.constant 0 : i32
      %add3A_55 = arith.addi %add3A_54, %mul3A_53 : i32
      %mul3A_56 = arith.constant 128 : i32
      %mul3A_57 = arith.muli %add3A_55, %mul3A_56 : i32
      %add3A_58 = arith.addi %mul3A_39, %mul3A_57 : i32
      %run_scoped3A = arith.constant 0 : i32
      "tpu.region"() ({
        %run_scoped3A_112 = tpu.sem_alloc : memref<!tpu.dma_semaphore, #tpu.memory_space<semaphore_mem>>
        %dma_start3A_113 = arith.constant 0 : i32
        %dma_start3A_114 = tpu.memref_slice %arg8[%run_scoped3A, %dma_start3A_113] : memref<1x128xi32, #tpu.memory_space<vmem>> -> memref<1x128xi32, #tpu.memory_space<vmem>>
        %dma_start3A_115 = tpu.memref_squeeze %dma_start3A_114 : memref<1x128xi32, #tpu.memory_space<vmem>> -> memref<128xi32, #tpu.memory_space<vmem>>
        %dma_start3A_116 = tpu.memref_slice %arg4[%add3A_58] : memref<331776xi32, #tpu.memory_space<hbm>> -> memref<128xi32, #tpu.memory_space<hbm>>
        %dma_start3A_117 = arith.constant 0 : i32
        %dma_start3A_118 = tpu.memref_slice %arg8[%run_scoped3A, %dma_start3A_117] : memref<1x128xi32, #tpu.memory_space<vmem>> -> memref<1x128xi32, #tpu.memory_space<vmem>>
        %dma_start3A_119 = tpu.memref_squeeze %dma_start3A_118 : memref<1x128xi32, #tpu.memory_space<vmem>> -> memref<128xi32, #tpu.memory_space<vmem>>
        %dma_start3A_120 = tpu.memref_slice %arg4[%add3A_58] : memref<331776xi32, #tpu.memory_space<hbm>> -> memref<128xi32, #tpu.memory_space<hbm>>
        tpu.enqueue_dma source(%dma_start3A_120 : memref<128xi32, #tpu.memory_space<hbm>>) target(%dma_start3A_119 : memref<128xi32, #tpu.memory_space<vmem>>) target_semaphore(%run_scoped3A_112 : memref<!tpu.dma_semaphore, #tpu.memory_space<semaphore_mem>>)
        %dma_wait3A_121 = arith.constant 0 : i32
        %dma_wait3A_122 = tpu.memref_slice %arg8[%run_scoped3A, %dma_wait3A_121] : memref<1x128xi32, #tpu.memory_space<vmem>> -> memref<1x128xi32, #tpu.memory_space<vmem>>
        %dma_wait3A_123 = tpu.memref_squeeze %dma_wait3A_122 : memref<1x128xi32, #tpu.memory_space<vmem>> -> memref<128xi32, #tpu.memory_space<vmem>>
        %dma_wait3A_124 = tpu.memref_slice %arg4[%add3A_58] : memref<331776xi32, #tpu.memory_space<hbm>> -> memref<128xi32, #tpu.memory_space<hbm>>
        %dma_wait3A_125 = arith.constant 0 : i32
        %dma_wait3A_126 = tpu.memref_slice %arg8[%run_scoped3A, %dma_wait3A_125] : memref<1x128xi32, #tpu.memory_space<vmem>> -> memref<1x128xi32, #tpu.memory_space<vmem>>
        %dma_wait3A_127 = tpu.memref_squeeze %dma_wait3A_126 : memref<1x128xi32, #tpu.memory_space<vmem>> -> memref<128xi32, #tpu.memory_space<vmem>>
        %dma_wait3A_128 = tpu.memref_slice %arg4[%add3A_58] : memref<331776xi32, #tpu.memory_space<hbm>> -> memref<128xi32, #tpu.memory_space<hbm>>
        tpu.wait_dma2 semaphore(%run_scoped3A_112 : memref<!tpu.dma_semaphore, #tpu.memory_space<semaphore_mem>>) src(%dma_wait3A_128 : memref<128xi32, #tpu.memory_space<hbm>>) dst(%dma_wait3A_127 : memref<128xi32, #tpu.memory_space<vmem>>)
        tpu.yield
      }) : () -> ()
      %run_scoped3A_59 = arith.constant 0 : i32
      "tpu.region"() ({
        %run_scoped3A_112 = tpu.sem_alloc : memref<!tpu.dma_semaphore, #tpu.memory_space<semaphore_mem>>
        %dma_start3A_113 = arith.constant 0 : i32
        %dma_start3A_114 = tpu.memref_slice %arg9[%run_scoped3A_59, %dma_start3A_113] : memref<1x128xi32, #tpu.memory_space<vmem>> -> memref<1x128xi32, #tpu.memory_space<vmem>>
        %dma_start3A_115 = tpu.memref_squeeze %dma_start3A_114 : memref<1x128xi32, #tpu.memory_space<vmem>> -> memref<128xi32, #tpu.memory_space<vmem>>
        %dma_start3A_116 = tpu.memref_slice %arg5[%add3A_58] : memref<331776xi32, #tpu.memory_space<hbm>> -> memref<128xi32, #tpu.memory_space<hbm>>
        %dma_start3A_117 = arith.constant 0 : i32
        %dma_start3A_118 = tpu.memref_slice %arg9[%run_scoped3A_59, %dma_start3A_117] : memref<1x128xi32, #tpu.memory_space<vmem>> -> memref<1x128xi32, #tpu.memory_space<vmem>>
        %dma_start3A_119 = tpu.memref_squeeze %dma_start3A_118 : memref<1x128xi32, #tpu.memory_space<vmem>> -> memref<128xi32, #tpu.memory_space<vmem>>
        %dma_start3A_120 = tpu.memref_slice %arg5[%add3A_58] : memref<331776xi32, #tpu.memory_space<hbm>> -> memref<128xi32, #tpu.memory_space<hbm>>
        tpu.enqueue_dma source(%dma_start3A_120 : memref<128xi32, #tpu.memory_space<hbm>>) target(%dma_start3A_119 : memref<128xi32, #tpu.memory_space<vmem>>) target_semaphore(%run_scoped3A_112 : memref<!tpu.dma_semaphore, #tpu.memory_space<semaphore_mem>>)
        %dma_wait3A_121 = arith.constant 0 : i32
        %dma_wait3A_122 = tpu.memref_slice %arg9[%run_scoped3A_59, %dma_wait3A_121] : memref<1x128xi32, #tpu.memory_space<vmem>> -> memref<1x128xi32, #tpu.memory_space<vmem>>
        %dma_wait3A_123 = tpu.memref_squeeze %dma_wait3A_122 : memref<1x128xi32, #tpu.memory_space<vmem>> -> memref<128xi32, #tpu.memory_space<vmem>>
        %dma_wait3A_124 = tpu.memref_slice %arg5[%add3A_58] : memref<331776xi32, #tpu.memory_space<hbm>> -> memref<128xi32, #tpu.memory_space<hbm>>
        %dma_wait3A_125 = arith.constant 0 : i32
        %dma_wait3A_126 = tpu.memref_slice %arg9[%run_scoped3A_59, %dma_wait3A_125] : memref<1x128xi32, #tpu.memory_space<vmem>> -> memref<1x128xi32, #tpu.memory_space<vmem>>
        %dma_wait3A_127 = tpu.memref_squeeze %dma_wait3A_126 : memref<1x128xi32, #tpu.memory_space<vmem>> -> memref<128xi32, #tpu.memory_space<vmem>>
        %dma_wait3A_128 = tpu.memref_slice %arg5[%add3A_58] : memref<331776xi32, #tpu.memory_space<hbm>> -> memref<128xi32, #tpu.memory_space<hbm>>
        tpu.wait_dma2 semaphore(%run_scoped3A_112 : memref<!tpu.dma_semaphore, #tpu.memory_space<semaphore_mem>>) src(%dma_wait3A_128 : memref<128xi32, #tpu.memory_space<hbm>>) dst(%dma_wait3A_127 : memref<128xi32, #tpu.memory_space<vmem>>)
        tpu.yield
      }) : () -> ()
      %dma_start3A = arith.constant 0 : i32
      %dma_start3A_60 = arith.constant 0 : i32
      %dma_start3A_61 = tpu.memref_slice %arg8[%dma_start3A, %dma_start3A_60] : memref<1x128xi32, #tpu.memory_space<vmem>> -> memref<1x128xi32, #tpu.memory_space<vmem>>
      %dma_start3A_62 = tpu.memref_squeeze %dma_start3A_61 : memref<1x128xi32, #tpu.memory_space<vmem>> -> memref<128xi32, #tpu.memory_space<vmem>>
      %dma_start3A_63 = arith.constant 0 : i32
      %dma_start3A_64 = arith.constant 0 : i32
      %dma_start3A_65 = tpu.memref_slice %arg2[%dma_start3A_63, %dma_start3A_64] : memref<10000x128xf32, #tpu.memory_space<hbm>> -> memref<10000x128xf32, #tpu.memory_space<hbm>>
      tpu.enqueue_indirect_dma source(%dma_start3A_65 : memref<10000x128xf32, #tpu.memory_space<hbm>>) target(%arg10 : memref<128x128xf32, #tpu.memory_space<vmem>>) offsets(%dma_start3A_62 : memref<128xi32, #tpu.memory_space<vmem>>) semaphore(%arg16 : memref<!tpu.dma_semaphore, #tpu.memory_space<semaphore_mem>>)
      %dma_start3A_66 = arith.constant 0 : i32
      %dma_start3A_67 = arith.constant 0 : i32
      %dma_start3A_68 = tpu.memref_slice %arg8[%dma_start3A_66, %dma_start3A_67] : memref<1x128xi32, #tpu.memory_space<vmem>> -> memref<1x128xi32, #tpu.memory_space<vmem>>
      %dma_start3A_69 = tpu.memref_squeeze %dma_start3A_68 : memref<1x128xi32, #tpu.memory_space<vmem>> -> memref<128xi32, #tpu.memory_space<vmem>>
      %dma_start3A_70 = arith.constant 0 : i32
      %dma_start3A_71 = arith.constant 0 : i32
      %dma_start3A_72 = tpu.memref_slice %arg3[%dma_start3A_70, %dma_start3A_71] : memref<10000x16xf32, #tpu.memory_space<hbm>> -> memref<10000x16xf32, #tpu.memory_space<hbm>>
      tpu.enqueue_indirect_dma source(%dma_start3A_72 : memref<10000x16xf32, #tpu.memory_space<hbm>>) target(%arg12 : memref<128x16xf32, #tpu.memory_space<vmem>>) offsets(%dma_start3A_69 : memref<128xi32, #tpu.memory_space<vmem>>) semaphore(%arg17 : memref<!tpu.dma_semaphore, #tpu.memory_space<semaphore_mem>>)
      %dma_start3A_73 = arith.constant 0 : i32
      %dma_start3A_74 = arith.constant 0 : i32
      %dma_start3A_75 = tpu.memref_slice %arg9[%dma_start3A_73, %dma_start3A_74] : memref<1x128xi32, #tpu.memory_space<vmem>> -> memref<1x128xi32, #tpu.memory_space<vmem>>
      %dma_start3A_76 = tpu.memref_squeeze %dma_start3A_75 : memref<1x128xi32, #tpu.memory_space<vmem>> -> memref<128xi32, #tpu.memory_space<vmem>>
      %dma_start3A_77 = arith.constant 0 : i32
      %dma_start3A_78 = arith.constant 0 : i32
      %dma_start3A_79 = tpu.memref_slice %arg3[%dma_start3A_77, %dma_start3A_78] : memref<10000x16xf32, #tpu.memory_space<hbm>> -> memref<10000x16xf32, #tpu.memory_space<hbm>>
      tpu.enqueue_indirect_dma source(%dma_start3A_79 : memref<10000x16xf32, #tpu.memory_space<hbm>>) target(%arg13 : memref<128x16xf32, #tpu.memory_space<vmem>>) offsets(%dma_start3A_76 : memref<128xi32, #tpu.memory_space<vmem>>) semaphore(%arg17 : memref<!tpu.dma_semaphore, #tpu.memory_space<semaphore_mem>>)
      %dma_wait3A = arith.constant 0 : i32
      %dma_wait3A_80 = arith.constant 0 : i32
      %dma_wait3A_81 = tpu.memref_slice %arg8[%dma_wait3A, %dma_wait3A_80] : memref<1x128xi32, #tpu.memory_space<vmem>> -> memref<1x128xi32, #tpu.memory_space<vmem>>
      %dma_wait3A_82 = tpu.memref_squeeze %dma_wait3A_81 : memref<1x128xi32, #tpu.memory_space<vmem>> -> memref<128xi32, #tpu.memory_space<vmem>>
      %dma_wait3A_83 = arith.constant 0 : i32
      %dma_wait3A_84 = arith.constant 0 : i32
      %dma_wait3A_85 = tpu.memref_slice %arg3[%dma_wait3A_83, %dma_wait3A_84] : memref<10000x16xf32, #tpu.memory_space<hbm>> -> memref<10000x16xf32, #tpu.memory_space<hbm>>
      tpu.wait_indirect_dma semaphore(%arg17 : memref<!tpu.dma_semaphore, #tpu.memory_space<semaphore_mem>>) src(%dma_wait3A_85 : memref<10000x16xf32, #tpu.memory_space<hbm>>) dst(%arg12 : memref<128x16xf32, #tpu.memory_space<vmem>>)
      %dma_wait3A_86 = arith.constant 0 : i32
      %dma_wait3A_87 = arith.constant 0 : i32
      %dma_wait3A_88 = tpu.memref_slice %arg9[%dma_wait3A_86, %dma_wait3A_87] : memref<1x128xi32, #tpu.memory_space<vmem>> -> memref<1x128xi32, #tpu.memory_space<vmem>>
      %dma_wait3A_89 = tpu.memref_squeeze %dma_wait3A_88 : memref<1x128xi32, #tpu.memory_space<vmem>> -> memref<128xi32, #tpu.memory_space<vmem>>
      %dma_wait3A_90 = arith.constant 0 : i32
      %dma_wait3A_91 = arith.constant 0 : i32
      %dma_wait3A_92 = tpu.memref_slice %arg3[%dma_wait3A_90, %dma_wait3A_91] : memref<10000x16xf32, #tpu.memory_space<hbm>> -> memref<10000x16xf32, #tpu.memory_space<hbm>>
      tpu.wait_indirect_dma semaphore(%arg17 : memref<!tpu.dma_semaphore, #tpu.memory_space<semaphore_mem>>) src(%dma_wait3A_92 : memref<10000x16xf32, #tpu.memory_space<hbm>>) dst(%arg13 : memref<128x16xf32, #tpu.memory_space<vmem>>)
      %scan3A_93 = arith.constant 0 : i32
      %scan3A_94 = arith.constant 8 : i32
      %scan3A_95 = arith.addi %scan3A_93, %scan3A_94 : i32
      %scan3A_96 = arith.constant 1 : i32
      scf.for %scan3A_112 = %scan3A_93 to %scan3A_95 step %scan3A_96  : i32 {
        %mul3A_113 = arith.constant 1 : i32
        %mul3A_114 = arith.muli %scan3A_112, %mul3A_113 : i32
        %add3A_115 = arith.constant 0 : i32
        %add3A_116 = arith.addi %add3A_115, %mul3A_114 : i32
        %mul3A_117 = arith.constant 16 : i32
        %mul3A_118 = arith.muli %add3A_116, %mul3A_117 : i32
        %add3A_119 = vector.broadcast %mul3A_118 : i32 to vector<16xi32>
        %add3A_120 = arith.addi %add3A_119, %iota3A : vector<16xi32>
        %gather3A = tpu.vector_load_idx %arg12[%add3A_120, %broadcast_in_dim3A_3] : memref<128x16xf32, #tpu.memory_space<vmem>>[vector<16xi32>, vector<16xi32>], vector<16xf32>,
        %gather3A_121 = tpu.vector_load_idx %arg13[%add3A_120, %broadcast_in_dim3A_7] : memref<128x16xf32, #tpu.memory_space<vmem>>[vector<16xi32>, vector<16xi32>], vector<16xf32>,
        %add3A_122 = arith.addf %gather3A, %gather3A_121 : vector<16xf32>
        %gather3A_123 = tpu.vector_load_idx %arg12[%add3A_120, %broadcast_in_dim3A_5] : memref<128x16xf32, #tpu.memory_space<vmem>>[vector<16xi32>, vector<16xi32>], vector<16xf32>,
        %gather3A_124 = tpu.vector_load_idx %arg13[%add3A_120, %broadcast_in_dim3A_9] : memref<128x16xf32, #tpu.memory_space<vmem>>[vector<16xi32>, vector<16xi32>], vector<16xf32>,
        %add3A_125 = arith.addf %gather3A_123, %gather3A_124 : vector<16xf32>
        %mul3A_126 = arith.constant 2.000000e-01 : f32
        %mul3A_127 = vector.broadcast %mul3A_126 : f32 to vector<16xf32>
        %mul3A_128 = arith.mulf %mul3A_127, %add3A_122 : vector<16xf32>
        %max3A = arith.maximumf %add3A_122, %mul3A_128 : vector<16xf32>
        %mul3A_129 = arith.constant 2.000000e-01 : f32
        %mul3A_130 = vector.broadcast %mul3A_129 : f32 to vector<16xf32>
        %mul3A_131 = arith.mulf %mul3A_130, %add3A_125 : vector<16xf32>
        %max3A_132 = arith.maximumf %add3A_125, %mul3A_131 : vector<16xf32>
        %exp3A = math.exp %max3A : vector<16xf32>
        %exp3A_133 = math.exp %max3A_132 : vector<16xf32>
        %add3A_134 = vector.broadcast %add3A_58 : i32 to vector<16xi32>
        %add3A_135 = arith.addi %add3A_134, %add3A_120 : vector<16xi32>
        %lt3A = arith.constant 330000 : i32
        %lt3A_136 = vector.broadcast %lt3A : i32 to vector<16xi32>
        %lt3A_137 = arith.cmpi slt, %add3A_135, %lt3A_136 : vector<16xi32>
        %jit3A = arith.constant 0.000000e+00 : f32
        %broadcast_in_dim3A_138 = vector.broadcast %jit3A : f32 to vector<16xf32>
        %select_n3A = arith.select %lt3A_137, %exp3A, %broadcast_in_dim3A_138 : vector<16xi1>, vector<16xf32>
        %jit3A_139 = arith.constant 0.000000e+00 : f32
        %broadcast_in_dim3A_140 = vector.broadcast %jit3A_139 : f32 to vector<16xf32>
        %select_n3A_141 = arith.select %lt3A_137, %exp3A_133, %broadcast_in_dim3A_140 : vector<16xi1>, vector<16xf32>
        tpu.vector_store_idx %arg11[%add3A_120, %broadcast_in_dim3A_3], %select_n3A : memref<128x16xf32, #tpu.memory_space<vmem>>[vector<16xi32>, vector<16xi32>], vector<16xf32>,
        tpu.vector_store_idx %arg11[%add3A_120, %broadcast_in_dim3A_5], %select_n3A_141 : memref<128x16xf32, #tpu.memory_space<vmem>>[vector<16xi32>, vector<16xi32>], vector<16xf32>,
      }
      %scan3A_97 = arith.constant 8 : i32
      %dma_wait3A_98 = arith.constant 0 : i32
      %dma_wait3A_99 = arith.constant 0 : i32
      %dma_wait3A_100 = tpu.memref_slice %arg8[%dma_wait3A_98, %dma_wait3A_99] : memref<1x128xi32, #tpu.memory_space<vmem>> -> memref<1x128xi32, #tpu.memory_space<vmem>>
      %dma_wait3A_101 = tpu.memref_squeeze %dma_wait3A_100 : memref<1x128xi32, #tpu.memory_space<vmem>> -> memref<128xi32, #tpu.memory_space<vmem>>
      %dma_wait3A_102 = arith.constant 0 : i32
      %dma_wait3A_103 = arith.constant 0 : i32
      %dma_wait3A_104 = tpu.memref_slice %arg2[%dma_wait3A_102, %dma_wait3A_103] : memref<10000x128xf32, #tpu.memory_space<hbm>> -> memref<10000x128xf32, #tpu.memory_space<hbm>>
      tpu.wait_indirect_dma semaphore(%arg16 : memref<!tpu.dma_semaphore, #tpu.memory_space<semaphore_mem>>) src(%dma_wait3A_104 : memref<10000x128xf32, #tpu.memory_space<hbm>>) dst(%arg10 : memref<128x128xf32, #tpu.memory_space<vmem>>)
      %scan3A_105 = arith.constant 0 : i32
      %scan3A_106 = arith.constant 128 : i32
      %scan3A_107 = arith.addi %scan3A_105, %scan3A_106 : i32
      %scan3A_108 = arith.constant 1 : i32
      scf.for %scan3A_112 = %scan3A_105 to %scan3A_107 step %scan3A_108  : i32 {
        %mul3A_113 = arith.constant 1 : i32
        %mul3A_114 = arith.muli %scan3A_112, %mul3A_113 : i32
        %add3A_115 = arith.constant 0 : i32
        %add3A_116 = arith.addi %add3A_115, %mul3A_114 : i32
        %broadcast_in_dim3A_117 = vector.broadcast %add3A_116 : i32 to vector<16xi32>
        %gather3A = tpu.vector_load_idx %arg11[%broadcast_in_dim3A_117, %broadcast_in_dim3A_3] : memref<128x16xf32, #tpu.memory_space<vmem>>[vector<16xi32>, vector<16xi32>], vector<16xf32>,
        %gather3A_118 = tpu.vector_load_idx %arg11[%broadcast_in_dim3A_117, %broadcast_in_dim3A_5] : memref<128x16xf32, #tpu.memory_space<vmem>>[vector<16xi32>, vector<16xi32>], vector<16xf32>,
        %get3A = arith.index_cast %add3A_116 : i32 to index
        %get3A_119 = arith.constant 0 : index
        %get3A_120 = tpu.vector_load %arg10[%get3A, %get3A_119] {strides = array<i32>} : memref<128x128xf32, #tpu.memory_space<vmem>>, vector<16xf32>,
        %mul3A_121 = arith.mulf %get3A_120, %gather3A : vector<16xf32>
        %swap3A = arith.index_cast %add3A_116 : i32 to index
        %swap3A_122 = arith.constant 0 : index
        %swap3A_123 = tpu.vector_load %arg10[%swap3A, %swap3A_122] {strides = array<i32>} : memref<128x128xf32, #tpu.memory_space<vmem>>, vector<16xf32>,
        tpu.vector_store %arg10[%swap3A, %swap3A_122], %mul3A_121 {strides = array<i32>} : memref<128x128xf32, #tpu.memory_space<vmem>>, vector<16xf32>,
        %get3A_124 = arith.index_cast %add3A_116 : i32 to index
        %get3A_125 = arith.constant 16 : index
        %get3A_126 = tpu.vector_load %arg10[%get3A_124, %get3A_125] {strides = array<i32>} : memref<128x128xf32, #tpu.memory_space<vmem>>, vector<16xf32>,
        %mul3A_127 = arith.mulf %get3A_126, %gather3A : vector<16xf32>
        %swap3A_128 = arith.index_cast %add3A_116 : i32 to index
        %swap3A_129 = arith.constant 16 : index
        %swap3A_130 = tpu.vector_load %arg10[%swap3A_128, %swap3A_129] {strides = array<i32>} : memref<128x128xf32, #tpu.memory_space<vmem>>, vector<16xf32>,
        tpu.vector_store %arg10[%swap3A_128, %swap3A_129], %mul3A_127 {strides = array<i32>} : memref<128x128xf32, #tpu.memory_space<vmem>>, vector<16xf32>,
        %get3A_131 = arith.index_cast %add3A_116 : i32 to index
        %get3A_132 = arith.constant 32 : index
        %get3A_133 = tpu.vector_load %arg10[%get3A_131, %get3A_132] {strides = array<i32>} : memref<128x128xf32, #tpu.memory_space<vmem>>, vector<16xf32>,
        %mul3A_134 = arith.mulf %get3A_133, %gather3A : vector<16xf32>
        %swap3A_135 = arith.index_cast %add3A_116 : i32 to index
        %swap3A_136 = arith.constant 32 : index
        %swap3A_137 = tpu.vector_load %arg10[%swap3A_135, %swap3A_136] {strides = array<i32>} : memref<128x128xf32, #tpu.memory_space<vmem>>, vector<16xf32>,
        tpu.vector_store %arg10[%swap3A_135, %swap3A_136], %mul3A_134 {strides = array<i32>} : memref<128x128xf32, #tpu.memory_space<vmem>>, vector<16xf32>,
        %get3A_138 = arith.index_cast %add3A_116 : i32 to index
        %get3A_139 = arith.constant 48 : index
        %get3A_140 = tpu.vector_load %arg10[%get3A_138, %get3A_139] {strides = array<i32>} : memref<128x128xf32, #tpu.memory_space<vmem>>, vector<16xf32>,
        %mul3A_141 = arith.mulf %get3A_140, %gather3A : vector<16xf32>
        %swap3A_142 = arith.index_cast %add3A_116 : i32 to index
        %swap3A_143 = arith.constant 48 : index
        %swap3A_144 = tpu.vector_load %arg10[%swap3A_142, %swap3A_143] {strides = array<i32>} : memref<128x128xf32, #tpu.memory_space<vmem>>, vector<16xf32>,
        tpu.vector_store %arg10[%swap3A_142, %swap3A_143], %mul3A_141 {strides = array<i32>} : memref<128x128xf32, #tpu.memory_space<vmem>>, vector<16xf32>,
        %get3A_145 = arith.index_cast %add3A_116 : i32 to index
        %get3A_146 = arith.constant 64 : index
        %get3A_147 = tpu.vector_load %arg10[%get3A_145, %get3A_146] {strides = array<i32>} : memref<128x128xf32, #tpu.memory_space<vmem>>, vector<16xf32>,
        %mul3A_148 = arith.mulf %get3A_147, %gather3A_118 : vector<16xf32>
        %swap3A_149 = arith.index_cast %add3A_116 : i32 to index
        %swap3A_150 = arith.constant 64 : index
        %swap3A_151 = tpu.vector_load %arg10[%swap3A_149, %swap3A_150] {strides = array<i32>} : memref<128x128xf32, #tpu.memory_space<vmem>>, vector<16xf32>,
        tpu.vector_store %arg10[%swap3A_149, %swap3A_150], %mul3A_148 {strides = array<i32>} : memref<128x128xf32, #tpu.memory_space<vmem>>, vector<16xf32>,
        %get3A_152 = arith.index_cast %add3A_116 : i32 to index
        %get3A_153 = arith.constant 80 : index
        %get3A_154 = tpu.vector_load %arg10[%get3A_152, %get3A_153] {strides = array<i32>} : memref<128x128xf32, #tpu.memory_space<vmem>>, vector<16xf32>,
        %mul3A_155 = arith.mulf %get3A_154, %gather3A_118 : vector<16xf32>
        %swap3A_156 = arith.index_cast %add3A_116 : i32 to index
        %swap3A_157 = arith.constant 80 : index
        %swap3A_158 = tpu.vector_load %arg10[%swap3A_156, %swap3A_157] {strides = array<i32>} : memref<128x128xf32, #tpu.memory_space<vmem>>, vector<16xf32>,
        tpu.vector_store %arg10[%swap3A_156, %swap3A_157], %mul3A_155 {strides = array<i32>} : memref<128x128xf32, #tpu.memory_space<vmem>>, vector<16xf32>,
        %get3A_159 = arith.index_cast %add3A_116 : i32 to index
        %get3A_160 = arith.constant 96 : index
        %get3A_161 = tpu.vector_load %arg10[%get3A_159, %get3A_160] {strides = array<i32>} : memref<128x128xf32, #tpu.memory_space<vmem>>, vector<16xf32>,
        %mul3A_162 = arith.mulf %get3A_161, %gather3A_118 : vector<16xf32>
        %swap3A_163 = arith.index_cast %add3A_116 : i32 to index
        %swap3A_164 = arith.constant 96 : index
        %swap3A_165 = tpu.vector_load %arg10[%swap3A_163, %swap3A_164] {strides = array<i32>} : memref<128x128xf32, #tpu.memory_space<vmem>>, vector<16xf32>,
        tpu.vector_store %arg10[%swap3A_163, %swap3A_164], %mul3A_162 {strides = array<i32>} : memref<128x128xf32, #tpu.memory_space<vmem>>, vector<16xf32>,
        %get3A_166 = arith.index_cast %add3A_116 : i32 to index
        %get3A_167 = arith.constant 112 : index
        %get3A_168 = tpu.vector_load %arg10[%get3A_166, %get3A_167] {strides = array<i32>} : memref<128x128xf32, #tpu.memory_space<vmem>>, vector<16xf32>,
        %mul3A_169 = arith.mulf %get3A_168, %gather3A_118 : vector<16xf32>
        %swap3A_170 = arith.index_cast %add3A_116 : i32 to index
        %swap3A_171 = arith.constant 112 : index
        %swap3A_172 = tpu.vector_load %arg10[%swap3A_170, %swap3A_171] {strides = array<i32>} : memref<128x128xf32, #tpu.memory_space<vmem>>, vector<16xf32>,
        tpu.vector_store %arg10[%swap3A_170, %swap3A_171], %mul3A_169 {strides = array<i32>} : memref<128x128xf32, #tpu.memory_space<vmem>>, vector<16xf32>,
      }
      %scan3A_109 = arith.constant 128 : i32
      %run_scoped3A_110 = arith.constant 0 : i32
      "tpu.region"() ({
        %run_scoped3A_112 = tpu.sem_alloc : memref<!tpu.dma_semaphore, #tpu.memory_space<semaphore_mem>>
        %dma_start3A_113 = arith.constant 0 : i32
        %dma_start3A_114 = tpu.memref_slice %arg9[%run_scoped3A_110, %dma_start3A_113] : memref<1x128xi32, #tpu.memory_space<vmem>> -> memref<1x128xi32, #tpu.memory_space<vmem>>
        %dma_start3A_115 = tpu.memref_squeeze %dma_start3A_114 : memref<1x128xi32, #tpu.memory_space<vmem>> -> memref<128xi32, #tpu.memory_space<vmem>>
        %dma_start3A_116 = arith.constant 0 : i32
        %dma_start3A_117 = arith.constant 0 : i32
        %dma_start3A_118 = tpu.memref_slice %arg14[%dma_start3A_116, %dma_start3A_117] : memref<10000x128xf32, #tpu.memory_space<vmem_shared>> -> memref<10000x128xf32, #tpu.memory_space<vmem_shared>>
        tpu.enqueue_indirect_dma source(%arg10 : memref<128x128xf32, #tpu.memory_space<vmem>>) target(%dma_start3A_118 : memref<10000x128xf32, #tpu.memory_space<vmem_shared>>) offsets(%dma_start3A_115 : memref<128xi32, #tpu.memory_space<vmem>>) semaphore(%run_scoped3A_112 : memref<!tpu.dma_semaphore, #tpu.memory_space<semaphore_mem>>) {add = true}
        %dma_wait3A_119 = arith.constant 0 : i32
        %dma_wait3A_120 = tpu.memref_slice %arg9[%run_scoped3A_110, %dma_wait3A_119] : memref<1x128xi32, #tpu.memory_space<vmem>> -> memref<1x128xi32, #tpu.memory_space<vmem>>
        %dma_wait3A_121 = tpu.memref_squeeze %dma_wait3A_120 : memref<1x128xi32, #tpu.memory_space<vmem>> -> memref<128xi32, #tpu.memory_space<vmem>>
        %dma_wait3A_122 = arith.constant 0 : i32
        %dma_wait3A_123 = arith.constant 0 : i32
        %dma_wait3A_124 = tpu.memref_slice %arg14[%dma_wait3A_122, %dma_wait3A_123] : memref<10000x128xf32, #tpu.memory_space<vmem_shared>> -> memref<10000x128xf32, #tpu.memory_space<vmem_shared>>
        tpu.wait_indirect_dma semaphore(%run_scoped3A_112 : memref<!tpu.dma_semaphore, #tpu.memory_space<semaphore_mem>>) src(%arg10 : memref<128x128xf32, #tpu.memory_space<vmem>>) dst(%dma_wait3A_124 : memref<10000x128xf32, #tpu.memory_space<vmem_shared>>)
        tpu.yield
      }) : () -> ()
      %run_scoped3A_111 = arith.constant 0 : i32
      "tpu.region"() ({
        %run_scoped3A_112 = tpu.sem_alloc : memref<!tpu.dma_semaphore, #tpu.memory_space<semaphore_mem>>
        %dma_start3A_113 = arith.constant 0 : i32
        %dma_start3A_114 = tpu.memref_slice %arg9[%run_scoped3A_111, %dma_start3A_113] : memref<1x128xi32, #tpu.memory_space<vmem>> -> memref<1x128xi32, #tpu.memory_space<vmem>>
        %dma_start3A_115 = tpu.memref_squeeze %dma_start3A_114 : memref<1x128xi32, #tpu.memory_space<vmem>> -> memref<128xi32, #tpu.memory_space<vmem>>
        %dma_start3A_116 = arith.constant 0 : i32
        %dma_start3A_117 = arith.constant 0 : i32
        %dma_start3A_118 = tpu.memref_slice %arg15[%dma_start3A_116, %dma_start3A_117] : memref<10000x16xf32, #tpu.memory_space<vmem_shared>> -> memref<10000x16xf32, #tpu.memory_space<vmem_shared>>
        tpu.enqueue_indirect_dma source(%arg11 : memref<128x16xf32, #tpu.memory_space<vmem>>) target(%dma_start3A_118 : memref<10000x16xf32, #tpu.memory_space<vmem_shared>>) offsets(%dma_start3A_115 : memref<128xi32, #tpu.memory_space<vmem>>) semaphore(%run_scoped3A_112 : memref<!tpu.dma_semaphore, #tpu.memory_space<semaphore_mem>>) {add = true}
        %dma_wait3A_119 = arith.constant 0 : i32
        %dma_wait3A_120 = tpu.memref_slice %arg9[%run_scoped3A_111, %dma_wait3A_119] : memref<1x128xi32, #tpu.memory_space<vmem>> -> memref<1x128xi32, #tpu.memory_space<vmem>>
        %dma_wait3A_121 = tpu.memref_squeeze %dma_wait3A_120 : memref<1x128xi32, #tpu.memory_space<vmem>> -> memref<128xi32, #tpu.memory_space<vmem>>
        %dma_wait3A_122 = arith.constant 0 : i32
        %dma_wait3A_123 = arith.constant 0 : i32
        %dma_wait3A_124 = tpu.memref_slice %arg15[%dma_wait3A_122, %dma_wait3A_123] : memref<10000x16xf32, #tpu.memory_space<vmem_shared>> -> memref<10000x16xf32, #tpu.memory_space<vmem_shared>>
        tpu.wait_indirect_dma semaphore(%run_scoped3A_112 : memref<!tpu.dma_semaphore, #tpu.memory_space<semaphore_mem>>) src(%arg11 : memref<128x16xf32, #tpu.memory_space<vmem>>) dst(%dma_wait3A_124 : memref<10000x16xf32, #tpu.memory_space<vmem_shared>>)
        tpu.yield
      }) : () -> ()
    }
    %scan3A_44 = arith.constant 81 : i32
    %barrier3A_45 = arith.constant 0 : index
    tpu.barrier barrier_id(%barrier3A_45)
    "tpu.region"() ({
      %run_scoped3A = tpu.sem_alloc : memref<!tpu.dma_semaphore, #tpu.memory_space<semaphore_mem>>
      %dma_start3A = arith.constant 0 : i32
      %dma_start3A_51 = tpu.memref_slice %arg6[%arg0, %mul3A_15, %dma_start3A] : memref<2x10000x128xf32, #tpu.memory_space<hbm>> -> memref<1x624x128xf32, #tpu.memory_space<hbm>>
      %dma_start3A_52 = tpu.memref_squeeze %dma_start3A_51 : memref<1x624x128xf32, #tpu.memory_space<hbm>> -> memref<624x128xf32, #tpu.memory_space<hbm>>
      %dma_start3A_53 = arith.constant 0 : i32
      %dma_start3A_54 = tpu.memref_slice %arg14[%mul3A_15, %dma_start3A_53] : memref<10000x128xf32, #tpu.memory_space<vmem_shared>> -> memref<624x128xf32, #tpu.memory_space<vmem_shared>>
      tpu.enqueue_dma source(%dma_start3A_54 : memref<624x128xf32, #tpu.memory_space<vmem_shared>>) target(%dma_start3A_52 : memref<624x128xf32, #tpu.memory_space<hbm>>) target_semaphore(%run_scoped3A : memref<!tpu.dma_semaphore, #tpu.memory_space<semaphore_mem>>)
      %dma_wait3A = arith.constant 0 : i32
      %dma_wait3A_55 = tpu.memref_slice %arg6[%arg0, %mul3A_15, %dma_wait3A] : memref<2x10000x128xf32, #tpu.memory_space<hbm>> -> memref<1x624x128xf32, #tpu.memory_space<hbm>>
      %dma_wait3A_56 = tpu.memref_squeeze %dma_wait3A_55 : memref<1x624x128xf32, #tpu.memory_space<hbm>> -> memref<624x128xf32, #tpu.memory_space<hbm>>
      %dma_wait3A_57 = arith.constant 0 : i32
      %dma_wait3A_58 = tpu.memref_slice %arg14[%mul3A_15, %dma_wait3A_57] : memref<10000x128xf32, #tpu.memory_space<vmem_shared>> -> memref<624x128xf32, #tpu.memory_space<vmem_shared>>
      tpu.wait_dma2 semaphore(%run_scoped3A : memref<!tpu.dma_semaphore, #tpu.memory_space<semaphore_mem>>) src(%dma_wait3A_58 : memref<624x128xf32, #tpu.memory_space<vmem_shared>>) dst(%dma_wait3A_56 : memref<624x128xf32, #tpu.memory_space<hbm>>)
      tpu.yield
    }) : () -> ()
    "tpu.region"() ({
      %run_scoped3A = tpu.sem_alloc : memref<!tpu.dma_semaphore, #tpu.memory_space<semaphore_mem>>
      %dma_start3A = arith.constant 0 : i32
      %dma_start3A_51 = tpu.memref_slice %arg7[%arg0, %mul3A_15, %dma_start3A] : memref<2x10000x16xf32, #tpu.memory_space<hbm>> -> memref<1x624x16xf32, #tpu.memory_space<hbm>>
      %dma_start3A_52 = tpu.memref_squeeze %dma_start3A_51 : memref<1x624x16xf32, #tpu.memory_space<hbm>> -> memref<624x16xf32, #tpu.memory_space<hbm>>
      %dma_start3A_53 = arith.constant 0 : i32
      %dma_start3A_54 = tpu.memref_slice %arg15[%mul3A_15, %dma_start3A_53] : memref<10000x16xf32, #tpu.memory_space<vmem_shared>> -> memref<624x16xf32, #tpu.memory_space<vmem_shared>>
      tpu.enqueue_dma source(%dma_start3A_54 : memref<624x16xf32, #tpu.memory_space<vmem_shared>>) target(%dma_start3A_52 : memref<624x16xf32, #tpu.memory_space<hbm>>) target_semaphore(%run_scoped3A : memref<!tpu.dma_semaphore, #tpu.memory_space<semaphore_mem>>)
      %dma_wait3A = arith.constant 0 : i32
      %dma_wait3A_55 = tpu.memref_slice %arg7[%arg0, %mul3A_15, %dma_wait3A] : memref<2x10000x16xf32, #tpu.memory_space<hbm>> -> memref<1x624x16xf32, #tpu.memory_space<hbm>>
      %dma_wait3A_56 = tpu.memref_squeeze %dma_wait3A_55 : memref<1x624x16xf32, #tpu.memory_space<hbm>> -> memref<624x16xf32, #tpu.memory_space<hbm>>
      %dma_wait3A_57 = arith.constant 0 : i32
      %dma_wait3A_58 = tpu.memref_slice %arg15[%mul3A_15, %dma_wait3A_57] : memref<10000x16xf32, #tpu.memory_space<vmem_shared>> -> memref<624x16xf32, #tpu.memory_space<vmem_shared>>
      tpu.wait_dma2 semaphore(%run_scoped3A : memref<!tpu.dma_semaphore, #tpu.memory_space<semaphore_mem>>) src(%dma_wait3A_58 : memref<624x16xf32, #tpu.memory_space<vmem_shared>>) dst(%dma_wait3A_56 : memref<624x16xf32, #tpu.memory_space<hbm>>)
      tpu.yield
    }) : () -> ()
    %eq3A_46 = arith.constant 15 : i32
    %eq3A_47 = arith.cmpi eq, %arg1, %eq3A_46 : i32
    %convert_element_type3A_48 = arith.extui %eq3A_47 : i1 to i32
    %cond3A_49 = arith.constant 0 : i32
    %cond3A_50 = arith.cmpi ne, %convert_element_type3A_48, %cond3A_49 : i32
    scf.if %cond3A_50 {
      "tpu.region"() ({
        %run_scoped3A = tpu.sem_alloc : memref<!tpu.dma_semaphore, #tpu.memory_space<semaphore_mem>>
        %dma_start3A = arith.constant 9984 : i32
        %dma_start3A_51 = arith.constant 0 : i32
        %dma_start3A_52 = tpu.memref_slice %arg6[%arg0, %dma_start3A, %dma_start3A_51] : memref<2x10000x128xf32, #tpu.memory_space<hbm>> -> memref<1x16x128xf32, #tpu.memory_space<hbm>>
        %dma_start3A_53 = tpu.memref_squeeze %dma_start3A_52 : memref<1x16x128xf32, #tpu.memory_space<hbm>> -> memref<16x128xf32, #tpu.memory_space<hbm>>
        %dma_start3A_54 = arith.constant 9984 : i32
        %dma_start3A_55 = arith.constant 0 : i32
        %dma_start3A_56 = tpu.memref_slice %arg14[%dma_start3A_54, %dma_start3A_55] : memref<10000x128xf32, #tpu.memory_space<vmem_shared>> -> memref<16x128xf32, #tpu.memory_space<vmem_shared>>
        tpu.enqueue_dma source(%dma_start3A_56 : memref<16x128xf32, #tpu.memory_space<vmem_shared>>) target(%dma_start3A_53 : memref<16x128xf32, #tpu.memory_space<hbm>>) target_semaphore(%run_scoped3A : memref<!tpu.dma_semaphore, #tpu.memory_space<semaphore_mem>>)
        %dma_wait3A = arith.constant 9984 : i32
        %dma_wait3A_57 = arith.constant 0 : i32
        %dma_wait3A_58 = tpu.memref_slice %arg6[%arg0, %dma_wait3A, %dma_wait3A_57] : memref<2x10000x128xf32, #tpu.memory_space<hbm>> -> memref<1x16x128xf32, #tpu.memory_space<hbm>>
        %dma_wait3A_59 = tpu.memref_squeeze %dma_wait3A_58 : memref<1x16x128xf32, #tpu.memory_space<hbm>> -> memref<16x128xf32, #tpu.memory_space<hbm>>
        %dma_wait3A_60 = arith.constant 9984 : i32
        %dma_wait3A_61 = arith.constant 0 : i32
        %dma_wait3A_62 = tpu.memref_slice %arg14[%dma_wait3A_60, %dma_wait3A_61] : memref<10000x128xf32, #tpu.memory_space<vmem_shared>> -> memref<16x128xf32, #tpu.memory_space<vmem_shared>>
        tpu.wait_dma2 semaphore(%run_scoped3A : memref<!tpu.dma_semaphore, #tpu.memory_space<semaphore_mem>>) src(%dma_wait3A_62 : memref<16x128xf32, #tpu.memory_space<vmem_shared>>) dst(%dma_wait3A_59 : memref<16x128xf32, #tpu.memory_space<hbm>>)
        tpu.yield
      }) : () -> ()
      "tpu.region"() ({
        %run_scoped3A = tpu.sem_alloc : memref<!tpu.dma_semaphore, #tpu.memory_space<semaphore_mem>>
        %dma_start3A = arith.constant 9984 : i32
        %dma_start3A_51 = arith.constant 0 : i32
        %dma_start3A_52 = tpu.memref_slice %arg7[%arg0, %dma_start3A, %dma_start3A_51] : memref<2x10000x16xf32, #tpu.memory_space<hbm>> -> memref<1x16x16xf32, #tpu.memory_space<hbm>>
        %dma_start3A_53 = tpu.memref_squeeze %dma_start3A_52 : memref<1x16x16xf32, #tpu.memory_space<hbm>> -> memref<16x16xf32, #tpu.memory_space<hbm>>
        %dma_start3A_54 = arith.constant 9984 : i32
        %dma_start3A_55 = arith.constant 0 : i32
        %dma_start3A_56 = tpu.memref_slice %arg15[%dma_start3A_54, %dma_start3A_55] : memref<10000x16xf32, #tpu.memory_space<vmem_shared>> -> memref<16x16xf32, #tpu.memory_space<vmem_shared>>
        tpu.enqueue_dma source(%dma_start3A_56 : memref<16x16xf32, #tpu.memory_space<vmem_shared>>) target(%dma_start3A_53 : memref<16x16xf32, #tpu.memory_space<hbm>>) target_semaphore(%run_scoped3A : memref<!tpu.dma_semaphore, #tpu.memory_space<semaphore_mem>>)
        %dma_wait3A = arith.constant 9984 : i32
        %dma_wait3A_57 = arith.constant 0 : i32
        %dma_wait3A_58 = tpu.memref_slice %arg7[%arg0, %dma_wait3A, %dma_wait3A_57] : memref<2x10000x16xf32, #tpu.memory_space<hbm>> -> memref<1x16x16xf32, #tpu.memory_space<hbm>>
        %dma_wait3A_59 = tpu.memref_squeeze %dma_wait3A_58 : memref<1x16x16xf32, #tpu.memory_space<hbm>> -> memref<16x16xf32, #tpu.memory_space<hbm>>
        %dma_wait3A_60 = arith.constant 9984 : i32
        %dma_wait3A_61 = arith.constant 0 : i32
        %dma_wait3A_62 = tpu.memref_slice %arg15[%dma_wait3A_60, %dma_wait3A_61] : memref<10000x16xf32, #tpu.memory_space<vmem_shared>> -> memref<16x16xf32, #tpu.memory_space<vmem_shared>>
        tpu.wait_dma2 semaphore(%run_scoped3A : memref<!tpu.dma_semaphore, #tpu.memory_space<semaphore_mem>>) src(%dma_wait3A_62 : memref<16x16xf32, #tpu.memory_space<vmem_shared>>) dst(%dma_wait3A_59 : memref<16x16xf32, #tpu.memory_space<hbm>>)
        tpu.yield
      }) : () -> ()
    } else {
    }
    return
  }
}

#map = affine_map<(d0, d1) -> (0, 0)>
#map1 = affine_map<(d0, d1) -> (0)>
#map2 = affine_map<(d0, d1) -> (0, 0, 0)>
module attributes {stable_mosaic.version = 14 : i64} {
  func.func @_sc_edge_pass(%arg0: i32, %arg1: i32, %arg2: memref<10000x128xf32, #tpu.memory_space<hbm>>, %arg3: memref<10000x16xf32, #tpu.memory_space<hbm>>, %arg4: memref<331776xi32, #tpu.memory_space<hbm>>, %arg5: memref<331776xi32, #tpu.memory_space<hbm>>, %arg6: memref<2x10000x128xf32, #tpu.memory_space<hbm>>, %arg7: memref<2x10000x16xf32, #tpu.memory_space<hbm>>, %arg8: memref<1x128xi32, #tpu.memory_space<vmem>>, %arg9: memref<1x128xi32, #tpu.memory_space<vmem>>, %arg10: memref<128x128xf32, #tpu.memory_space<vmem>>, %arg11: memref<128x16xf32, #tpu.memory_space<vmem>>, %arg12: memref<128x16xf32, #tpu.memory_space<vmem>>, %arg13: memref<128x16xf32, #tpu.memory_space<vmem>>, %arg14: memref<10000x128xf32, #tpu.memory_space<vmem_shared>>, %arg15: memref<10000x16xf32, #tpu.memory_space<vmem_shared>>, %arg16: memref<!tpu.dma_semaphore, #tpu.memory_space<semaphore_mem>>, %arg17: memref<!tpu.dma_semaphore, #tpu.memory_space<semaphore_mem>>) attributes {dimension_semantics = [#tpu.dimension_semantics<core_parallel>, #tpu.dimension_semantics<subcore_parallel>], iteration_bounds = array<i64: 2, 16>, scalar_prefetch = 0 : i64, scratch_operands = 10 : i64, tpu.core_type = #tpu.core_type<sc_vector_subcore>, window_params = [{transform_indices = #map}, {transform_indices = #map}, {transform_indices = #map1}, {transform_indices = #map1}, {transform_indices = #map2}, {transform_indices = #map2}]} {
    %mul3A = arith.constant 2 : i32
    %mul3A_0 = arith.muli %arg1, %mul3A : i32
    %add3A = arith.addi %mul3A_0, %arg0 : i32
    %broadcast_in_dim3A = arith.constant 0.000000e+00 : f32
    %broadcast_in_dim3A_1 = vector.broadcast %broadcast_in_dim3A : f32 to vector<16xf32>
    %iota3A = tpu.iota {dimensions = array<i32: 0>} : vector<16xi32>
    %broadcast_in_dim3A_2 = arith.constant 0 : i32
    %broadcast_in_dim3A_3 = vector.broadcast %broadcast_in_dim3A_2 : i32 to vector<16xi32>
    %broadcast_in_dim3A_4 = arith.constant 1 : i32
    %broadcast_in_dim3A_5 = vector.broadcast %broadcast_in_dim3A_4 : i32 to vector<16xi32>
    %broadcast_in_dim3A_6 = arith.constant 2 : i32
    %broadcast_in_dim3A_7 = vector.broadcast %broadcast_in_dim3A_6 : i32 to vector<16xi32>
    %broadcast_in_dim3A_8 = arith.constant 3 : i32
    %broadcast_in_dim3A_9 = vector.broadcast %broadcast_in_dim3A_8 : i32 to vector<16xi32>
    %scan3A = arith.constant 0 : i32
    %scan3A_10 = arith.constant 128 : i32
    %scan3A_11 = arith.addi %scan3A, %scan3A_10 : i32
    %scan3A_12 = arith.constant 1 : i32
    scf.for %scan3A_51 = %scan3A to %scan3A_11 step %scan3A_12  : i32 {
      %mul3A_52 = arith.constant 1 : i32
      %mul3A_53 = arith.muli %scan3A_51, %mul3A_52 : i32
      %add3A_54 = arith.constant 0 : i32
      %add3A_55 = arith.addi %add3A_54, %mul3A_53 : i32
      %swap3A = arith.index_cast %add3A_55 : i32 to index
      %swap3A_56 = arith.constant 0 : index
      %swap3A_57 = tpu.vector_load %arg10[%swap3A, %swap3A_56] {strides = array<i32>} : memref<128x128xf32, #tpu.memory_space<vmem>>, vector<16xf32>,
      tpu.vector_store %arg10[%swap3A, %swap3A_56], %broadcast_in_dim3A_1 {strides = array<i32>} : memref<128x128xf32, #tpu.memory_space<vmem>>, vector<16xf32>,
      %swap3A_58 = arith.index_cast %add3A_55 : i32 to index
      %swap3A_59 = arith.constant 16 : index
      %swap3A_60 = tpu.vector_load %arg10[%swap3A_58, %swap3A_59] {strides = array<i32>} : memref<128x128xf32, #tpu.memory_space<vmem>>, vector<16xf32>,
      tpu.vector_store %arg10[%swap3A_58, %swap3A_59], %broadcast_in_dim3A_1 {strides = array<i32>} : memref<128x128xf32, #tpu.memory_space<vmem>>, vector<16xf32>,
      %swap3A_61 = arith.index_cast %add3A_55 : i32 to index
      %swap3A_62 = arith.constant 32 : index
      %swap3A_63 = tpu.vector_load %arg10[%swap3A_61, %swap3A_62] {strides = array<i32>} : memref<128x128xf32, #tpu.memory_space<vmem>>, vector<16xf32>,
      tpu.vector_store %arg10[%swap3A_61, %swap3A_62], %broadcast_in_dim3A_1 {strides = array<i32>} : memref<128x128xf32, #tpu.memory_space<vmem>>, vector<16xf32>,
      %swap3A_64 = arith.index_cast %add3A_55 : i32 to index
      %swap3A_65 = arith.constant 48 : index
      %swap3A_66 = tpu.vector_load %arg10[%swap3A_64, %swap3A_65] {strides = array<i32>} : memref<128x128xf32, #tpu.memory_space<vmem>>, vector<16xf32>,
      tpu.vector_store %arg10[%swap3A_64, %swap3A_65], %broadcast_in_dim3A_1 {strides = array<i32>} : memref<128x128xf32, #tpu.memory_space<vmem>>, vector<16xf32>,
      %swap3A_67 = arith.index_cast %add3A_55 : i32 to index
      %swap3A_68 = arith.constant 64 : index
      %swap3A_69 = tpu.vector_load %arg10[%swap3A_67, %swap3A_68] {strides = array<i32>} : memref<128x128xf32, #tpu.memory_space<vmem>>, vector<16xf32>,
      tpu.vector_store %arg10[%swap3A_67, %swap3A_68], %broadcast_in_dim3A_1 {strides = array<i32>} : memref<128x128xf32, #tpu.memory_space<vmem>>, vector<16xf32>,
      %swap3A_70 = arith.index_cast %add3A_55 : i32 to index
      %swap3A_71 = arith.constant 80 : index
      %swap3A_72 = tpu.vector_load %arg10[%swap3A_70, %swap3A_71] {strides = array<i32>} : memref<128x128xf32, #tpu.memory_space<vmem>>, vector<16xf32>,
      tpu.vector_store %arg10[%swap3A_70, %swap3A_71], %broadcast_in_dim3A_1 {strides = array<i32>} : memref<128x128xf32, #tpu.memory_space<vmem>>, vector<16xf32>,
      %swap3A_73 = arith.index_cast %add3A_55 : i32 to index
      %swap3A_74 = arith.constant 96 : index
      %swap3A_75 = tpu.vector_load %arg10[%swap3A_73, %swap3A_74] {strides = array<i32>} : memref<128x128xf32, #tpu.memory_space<vmem>>, vector<16xf32>,
      tpu.vector_store %arg10[%swap3A_73, %swap3A_74], %broadcast_in_dim3A_1 {strides = array<i32>} : memref<128x128xf32, #tpu.memory_space<vmem>>, vector<16xf32>,
      %swap3A_76 = arith.index_cast %add3A_55 : i32 to index
      %swap3A_77 = arith.constant 112 : index
      %swap3A_78 = tpu.vector_load %arg10[%swap3A_76, %swap3A_77] {strides = array<i32>} : memref<128x128xf32, #tpu.memory_space<vmem>>, vector<16xf32>,
      tpu.vector_store %arg10[%swap3A_76, %swap3A_77], %broadcast_in_dim3A_1 {strides = array<i32>} : memref<128x128xf32, #tpu.memory_space<vmem>>, vector<16xf32>,
      %swap3A_79 = arith.index_cast %add3A_55 : i32 to index
      %swap3A_80 = arith.constant 0 : index
      %swap3A_81 = tpu.vector_load %arg11[%swap3A_79, %swap3A_80] {strides = array<i32>} : memref<128x16xf32, #tpu.memory_space<vmem>>, vector<16xf32>,
      tpu.vector_store %arg11[%swap3A_79, %swap3A_80], %broadcast_in_dim3A_1 {strides = array<i32>} : memref<128x16xf32, #tpu.memory_space<vmem>>, vector<16xf32>,
    }
    %scan3A_13 = arith.constant 128 : i32
    %mul3A_14 = arith.constant 624 : i32
    %mul3A_15 = arith.muli %arg1, %mul3A_14 : i32
    %add3A_16 = arith.constant 0 : i32
    %add3A_17 = arith.addi %mul3A_15, %add3A_16 : i32
    "tpu.region"() ({
      %run_scoped3A = tpu.sem_alloc : memref<!tpu.dma_semaphore, #tpu.memory_space<semaphore_mem>>
      %dma_start3A = arith.constant 0 : i32
      %dma_start3A_51 = arith.constant 0 : i32
      %dma_start3A_52 = tpu.memref_slice %arg10[%dma_start3A, %dma_start3A_51] : memref<128x128xf32, #tpu.memory_space<vmem>> -> memref<128x128xf32, #tpu.memory_space<vmem>>
      %dma_start3A_53 = arith.constant 0 : i32
      %dma_start3A_54 = tpu.memref_slice %arg14[%add3A_17, %dma_start3A_53] : memref<10000x128xf32, #tpu.memory_space<vmem_shared>> -> memref<128x128xf32, #tpu.memory_space<vmem_shared>>
      %dma_start3A_55 = arith.constant 0 : i32
      %dma_start3A_56 = tpu.memref_slice %arg14[%add3A_17, %dma_start3A_55] : memref<10000x128xf32, #tpu.memory_space<vmem_shared>> -> memref<128x128xf32, #tpu.memory_space<vmem_shared>>
      %dma_start3A_57 = arith.constant 0 : i32
      %dma_start3A_58 = arith.constant 0 : i32
      %dma_start3A_59 = tpu.memref_slice %arg10[%dma_start3A_57, %dma_start3A_58] : memref<128x128xf32, #tpu.memory_space<vmem>> -> memref<128x128xf32, #tpu.memory_space<vmem>>
      tpu.enqueue_dma source(%dma_start3A_59 : memref<128x128xf32, #tpu.memory_space<vmem>>) target(%dma_start3A_56 : memref<128x128xf32, #tpu.memory_space<vmem_shared>>) target_semaphore(%run_scoped3A : memref<!tpu.dma_semaphore, #tpu.memory_space<semaphore_mem>>)
      %dma_wait3A = arith.constant 0 : i32
      %dma_wait3A_60 = arith.constant 0 : i32
      %dma_wait3A_61 = tpu.memref_slice %arg10[%dma_wait3A, %dma_wait3A_60] : memref<128x128xf32, #tpu.memory_space<vmem>> -> memref<128x128xf32, #tpu.memory_space<vmem>>
      %dma_wait3A_62 = arith.constant 0 : i32
      %dma_wait3A_63 = tpu.memref_slice %arg14[%add3A_17, %dma_wait3A_62] : memref<10000x128xf32, #tpu.memory_space<vmem_shared>> -> memref<128x128xf32, #tpu.memory_space<vmem_shared>>
      %dma_wait3A_64 = arith.constant 0 : i32
      %dma_wait3A_65 = tpu.memref_slice %arg14[%add3A_17, %dma_wait3A_64] : memref<10000x128xf32, #tpu.memory_space<vmem_shared>> -> memref<128x128xf32, #tpu.memory_space<vmem_shared>>
      %dma_wait3A_66 = arith.constant 0 : i32
      %dma_wait3A_67 = arith.constant 0 : i32
      %dma_wait3A_68 = tpu.memref_slice %arg10[%dma_wait3A_66, %dma_wait3A_67] : memref<128x128xf32, #tpu.memory_space<vmem>> -> memref<128x128xf32, #tpu.memory_space<vmem>>
      tpu.wait_dma2 semaphore(%run_scoped3A : memref<!tpu.dma_semaphore, #tpu.memory_space<semaphore_mem>>) src(%dma_wait3A_68 : memref<128x128xf32, #tpu.memory_space<vmem>>) dst(%dma_wait3A_65 : memref<128x128xf32, #tpu.memory_space<vmem_shared>>)
      tpu.yield
    }) : () -> ()
    %add3A_18 = arith.constant 0 : i32
    %add3A_19 = arith.addi %mul3A_15, %add3A_18 : i32
    "tpu.region"() ({
      %run_scoped3A = tpu.sem_alloc : memref<!tpu.dma_semaphore, #tpu.memory_space<semaphore_mem>>
      %dma_start3A = arith.constant 0 : i32
      %dma_start3A_51 = arith.constant 0 : i32
      %dma_start3A_52 = tpu.memref_slice %arg11[%dma_start3A, %dma_start3A_51] : memref<128x16xf32, #tpu.memory_space<vmem>> -> memref<128x16xf32, #tpu.memory_space<vmem>>
      %dma_start3A_53 = arith.constant 0 : i32
      %dma_start3A_54 = tpu.memref_slice %arg15[%add3A_19, %dma_start3A_53] : memref<10000x16xf32, #tpu.memory_space<vmem_shared>> -> memref<128x16xf32, #tpu.memory_space<vmem_shared>>
      %dma_start3A_55 = arith.constant 0 : i32
      %dma_start3A_56 = tpu.memref_slice %arg15[%add3A_19, %dma_start3A_55] : memref<10000x16xf32, #tpu.memory_space<vmem_shared>> -> memref<128x16xf32, #tpu.memory_space<vmem_shared>>
      %dma_start3A_57 = arith.constant 0 : i32
      %dma_start3A_58 = arith.constant 0 : i32
      %dma_start3A_59 = tpu.memref_slice %arg11[%dma_start3A_57, %dma_start3A_58] : memref<128x16xf32, #tpu.memory_space<vmem>> -> memref<128x16xf32, #tpu.memory_space<vmem>>
      tpu.enqueue_dma source(%dma_start3A_59 : memref<128x16xf32, #tpu.memory_space<vmem>>) target(%dma_start3A_56 : memref<128x16xf32, #tpu.memory_space<vmem_shared>>) target_semaphore(%run_scoped3A : memref<!tpu.dma_semaphore, #tpu.memory_space<semaphore_mem>>)
      %dma_wait3A = arith.constant 0 : i32
      %dma_wait3A_60 = arith.constant 0 : i32
      %dma_wait3A_61 = tpu.memref_slice %arg11[%dma_wait3A, %dma_wait3A_60] : memref<128x16xf32, #tpu.memory_space<vmem>> -> memref<128x16xf32, #tpu.memory_space<vmem>>
      %dma_wait3A_62 = arith.constant 0 : i32
      %dma_wait3A_63 = tpu.memref_slice %arg15[%add3A_19, %dma_wait3A_62] : memref<10000x16xf32, #tpu.memory_space<vmem_shared>> -> memref<128x16xf32, #tpu.memory_space<vmem_shared>>
      %dma_wait3A_64 = arith.constant 0 : i32
      %dma_wait3A_65 = tpu.memref_slice %arg15[%add3A_19, %dma_wait3A_64] : memref<10000x16xf32, #tpu.memory_space<vmem_shared>> -> memref<128x16xf32, #tpu.memory_space<vmem_shared>>
      %dma_wait3A_66 = arith.constant 0 : i32
      %dma_wait3A_67 = arith.constant 0 : i32
      %dma_wait3A_68 = tpu.memref_slice %arg11[%dma_wait3A_66, %dma_wait3A_67] : memref<128x16xf32, #tpu.memory_space<vmem>> -> memref<128x16xf32, #tpu.memory_space<vmem>>
      tpu.wait_dma2 semaphore(%run_scoped3A : memref<!tpu.dma_semaphore, #tpu.memory_space<semaphore_mem>>) src(%dma_wait3A_68 : memref<128x16xf32, #tpu.memory_space<vmem>>) dst(%dma_wait3A_65 : memref<128x16xf32, #tpu.memory_space<vmem_shared>>)
      tpu.yield
    }) : () -> ()
    %add3A_20 = arith.constant 128 : i32
    %add3A_21 = arith.addi %mul3A_15, %add3A_20 : i32
    "tpu.region"() ({
      %run_scoped3A = tpu.sem_alloc : memref<!tpu.dma_semaphore, #tpu.memory_space<semaphore_mem>>
      %dma_start3A = arith.constant 0 : i32
      %dma_start3A_51 = arith.constant 0 : i32
      %dma_start3A_52 = tpu.memref_slice %arg10[%dma_start3A, %dma_start3A_51] : memref<128x128xf32, #tpu.memory_space<vmem>> -> memref<128x128xf32, #tpu.memory_space<vmem>>
      %dma_start3A_53 = arith.constant 0 : i32
      %dma_start3A_54 = tpu.memref_slice %arg14[%add3A_21, %dma_start3A_53] : memref<10000x128xf32, #tpu.memory_space<vmem_shared>> -> memref<128x128xf32, #tpu.memory_space<vmem_shared>>
      %dma_start3A_55 = arith.constant 0 : i32
      %dma_start3A_56 = tpu.memref_slice %arg14[%add3A_21, %dma_start3A_55] : memref<10000x128xf32, #tpu.memory_space<vmem_shared>> -> memref<128x128xf32, #tpu.memory_space<vmem_shared>>
      %dma_start3A_57 = arith.constant 0 : i32
      %dma_start3A_58 = arith.constant 0 : i32
      %dma_start3A_59 = tpu.memref_slice %arg10[%dma_start3A_57, %dma_start3A_58] : memref<128x128xf32, #tpu.memory_space<vmem>> -> memref<128x128xf32, #tpu.memory_space<vmem>>
      tpu.enqueue_dma source(%dma_start3A_59 : memref<128x128xf32, #tpu.memory_space<vmem>>) target(%dma_start3A_56 : memref<128x128xf32, #tpu.memory_space<vmem_shared>>) target_semaphore(%run_scoped3A : memref<!tpu.dma_semaphore, #tpu.memory_space<semaphore_mem>>)
      %dma_wait3A = arith.constant 0 : i32
      %dma_wait3A_60 = arith.constant 0 : i32
      %dma_wait3A_61 = tpu.memref_slice %arg10[%dma_wait3A, %dma_wait3A_60] : memref<128x128xf32, #tpu.memory_space<vmem>> -> memref<128x128xf32, #tpu.memory_space<vmem>>
      %dma_wait3A_62 = arith.constant 0 : i32
      %dma_wait3A_63 = tpu.memref_slice %arg14[%add3A_21, %dma_wait3A_62] : memref<10000x128xf32, #tpu.memory_space<vmem_shared>> -> memref<128x128xf32, #tpu.memory_space<vmem_shared>>
      %dma_wait3A_64 = arith.constant 0 : i32
      %dma_wait3A_65 = tpu.memref_slice %arg14[%add3A_21, %dma_wait3A_64] : memref<10000x128xf32, #tpu.memory_space<vmem_shared>> -> memref<128x128xf32, #tpu.memory_space<vmem_shared>>
      %dma_wait3A_66 = arith.constant 0 : i32
      %dma_wait3A_67 = arith.constant 0 : i32
      %dma_wait3A_68 = tpu.memref_slice %arg10[%dma_wait3A_66, %dma_wait3A_67] : memref<128x128xf32, #tpu.memory_space<vmem>> -> memref<128x128xf32, #tpu.memory_space<vmem>>
      tpu.wait_dma2 semaphore(%run_scoped3A : memref<!tpu.dma_semaphore, #tpu.memory_space<semaphore_mem>>) src(%dma_wait3A_68 : memref<128x128xf32, #tpu.memory_space<vmem>>) dst(%dma_wait3A_65 : memref<128x128xf32, #tpu.memory_space<vmem_shared>>)
      tpu.yield
    }) : () -> ()
    %add3A_22 = arith.constant 128 : i32
    %add3A_23 = arith.addi %mul3A_15, %add3A_22 : i32
    "tpu.region"() ({
      %run_scoped3A = tpu.sem_alloc : memref<!tpu.dma_semaphore, #tpu.memory_space<semaphore_mem>>
      %dma_start3A = arith.constant 0 : i32
      %dma_start3A_51 = arith.constant 0 : i32
      %dma_start3A_52 = tpu.memref_slice %arg11[%dma_start3A, %dma_start3A_51] : memref<128x16xf32, #tpu.memory_space<vmem>> -> memref<128x16xf32, #tpu.memory_space<vmem>>
      %dma_start3A_53 = arith.constant 0 : i32
      %dma_start3A_54 = tpu.memref_slice %arg15[%add3A_23, %dma_start3A_53] : memref<10000x16xf32, #tpu.memory_space<vmem_shared>> -> memref<128x16xf32, #tpu.memory_space<vmem_shared>>
      %dma_start3A_55 = arith.constant 0 : i32
      %dma_start3A_56 = tpu.memref_slice %arg15[%add3A_23, %dma_start3A_55] : memref<10000x16xf32, #tpu.memory_space<vmem_shared>> -> memref<128x16xf32, #tpu.memory_space<vmem_shared>>
      %dma_start3A_57 = arith.constant 0 : i32
      %dma_start3A_58 = arith.constant 0 : i32
      %dma_start3A_59 = tpu.memref_slice %arg11[%dma_start3A_57, %dma_start3A_58] : memref<128x16xf32, #tpu.memory_space<vmem>> -> memref<128x16xf32, #tpu.memory_space<vmem>>
      tpu.enqueue_dma source(%dma_start3A_59 : memref<128x16xf32, #tpu.memory_space<vmem>>) target(%dma_start3A_56 : memref<128x16xf32, #tpu.memory_space<vmem_shared>>) target_semaphore(%run_scoped3A : memref<!tpu.dma_semaphore, #tpu.memory_space<semaphore_mem>>)
      %dma_wait3A = arith.constant 0 : i32
      %dma_wait3A_60 = arith.constant 0 : i32
      %dma_wait3A_61 = tpu.memref_slice %arg11[%dma_wait3A, %dma_wait3A_60] : memref<128x16xf32, #tpu.memory_space<vmem>> -> memref<128x16xf32, #tpu.memory_space<vmem>>
      %dma_wait3A_62 = arith.constant 0 : i32
      %dma_wait3A_63 = tpu.memref_slice %arg15[%add3A_23, %dma_wait3A_62] : memref<10000x16xf32, #tpu.memory_space<vmem_shared>> -> memref<128x16xf32, #tpu.memory_space<vmem_shared>>
      %dma_wait3A_64 = arith.constant 0 : i32
      %dma_wait3A_65 = tpu.memref_slice %arg15[%add3A_23, %dma_wait3A_64] : memref<10000x16xf32, #tpu.memory_space<vmem_shared>> -> memref<128x16xf32, #tpu.memory_space<vmem_shared>>
      %dma_wait3A_66 = arith.constant 0 : i32
      %dma_wait3A_67 = arith.constant 0 : i32
      %dma_wait3A_68 = tpu.memref_slice %arg11[%dma_wait3A_66, %dma_wait3A_67] : memref<128x16xf32, #tpu.memory_space<vmem>> -> memref<128x16xf32, #tpu.memory_space<vmem>>
      tpu.wait_dma2 semaphore(%run_scoped3A : memref<!tpu.dma_semaphore, #tpu.memory_space<semaphore_mem>>) src(%dma_wait3A_68 : memref<128x16xf32, #tpu.memory_space<vmem>>) dst(%dma_wait3A_65 : memref<128x16xf32, #tpu.memory_space<vmem_shared>>)
      tpu.yield
    }) : () -> ()
    %add3A_24 = arith.constant 256 : i32
    %add3A_25 = arith.addi %mul3A_15, %add3A_24 : i32
    "tpu.region"() ({
      %run_scoped3A = tpu.sem_alloc : memref<!tpu.dma_semaphore, #tpu.memory_space<semaphore_mem>>
      %dma_start3A = arith.constant 0 : i32
      %dma_start3A_51 = arith.constant 0 : i32
      %dma_start3A_52 = tpu.memref_slice %arg10[%dma_start3A, %dma_start3A_51] : memref<128x128xf32, #tpu.memory_space<vmem>> -> memref<128x128xf32, #tpu.memory_space<vmem>>
      %dma_start3A_53 = arith.constant 0 : i32
      %dma_start3A_54 = tpu.memref_slice %arg14[%add3A_25, %dma_start3A_53] : memref<10000x128xf32, #tpu.memory_space<vmem_shared>> -> memref<128x128xf32, #tpu.memory_space<vmem_shared>>
      %dma_start3A_55 = arith.constant 0 : i32
      %dma_start3A_56 = tpu.memref_slice %arg14[%add3A_25, %dma_start3A_55] : memref<10000x128xf32, #tpu.memory_space<vmem_shared>> -> memref<128x128xf32, #tpu.memory_space<vmem_shared>>
      %dma_start3A_57 = arith.constant 0 : i32
      %dma_start3A_58 = arith.constant 0 : i32
      %dma_start3A_59 = tpu.memref_slice %arg10[%dma_start3A_57, %dma_start3A_58] : memref<128x128xf32, #tpu.memory_space<vmem>> -> memref<128x128xf32, #tpu.memory_space<vmem>>
      tpu.enqueue_dma source(%dma_start3A_59 : memref<128x128xf32, #tpu.memory_space<vmem>>) target(%dma_start3A_56 : memref<128x128xf32, #tpu.memory_space<vmem_shared>>) target_semaphore(%run_scoped3A : memref<!tpu.dma_semaphore, #tpu.memory_space<semaphore_mem>>)
      %dma_wait3A = arith.constant 0 : i32
      %dma_wait3A_60 = arith.constant 0 : i32
      %dma_wait3A_61 = tpu.memref_slice %arg10[%dma_wait3A, %dma_wait3A_60] : memref<128x128xf32, #tpu.memory_space<vmem>> -> memref<128x128xf32, #tpu.memory_space<vmem>>
      %dma_wait3A_62 = arith.constant 0 : i32
      %dma_wait3A_63 = tpu.memref_slice %arg14[%add3A_25, %dma_wait3A_62] : memref<10000x128xf32, #tpu.memory_space<vmem_shared>> -> memref<128x128xf32, #tpu.memory_space<vmem_shared>>
      %dma_wait3A_64 = arith.constant 0 : i32
      %dma_wait3A_65 = tpu.memref_slice %arg14[%add3A_25, %dma_wait3A_64] : memref<10000x128xf32, #tpu.memory_space<vmem_shared>> -> memref<128x128xf32, #tpu.memory_space<vmem_shared>>
      %dma_wait3A_66 = arith.constant 0 : i32
      %dma_wait3A_67 = arith.constant 0 : i32
      %dma_wait3A_68 = tpu.memref_slice %arg10[%dma_wait3A_66, %dma_wait3A_67] : memref<128x128xf32, #tpu.memory_space<vmem>> -> memref<128x128xf32, #tpu.memory_space<vmem>>
      tpu.wait_dma2 semaphore(%run_scoped3A : memref<!tpu.dma_semaphore, #tpu.memory_space<semaphore_mem>>) src(%dma_wait3A_68 : memref<128x128xf32, #tpu.memory_space<vmem>>) dst(%dma_wait3A_65 : memref<128x128xf32, #tpu.memory_space<vmem_shared>>)
      tpu.yield
    }) : () -> ()
    %add3A_26 = arith.constant 256 : i32
    %add3A_27 = arith.addi %mul3A_15, %add3A_26 : i32
    "tpu.region"() ({
      %run_scoped3A = tpu.sem_alloc : memref<!tpu.dma_semaphore, #tpu.memory_space<semaphore_mem>>
      %dma_start3A = arith.constant 0 : i32
      %dma_start3A_51 = arith.constant 0 : i32
      %dma_start3A_52 = tpu.memref_slice %arg11[%dma_start3A, %dma_start3A_51] : memref<128x16xf32, #tpu.memory_space<vmem>> -> memref<128x16xf32, #tpu.memory_space<vmem>>
      %dma_start3A_53 = arith.constant 0 : i32
      %dma_start3A_54 = tpu.memref_slice %arg15[%add3A_27, %dma_start3A_53] : memref<10000x16xf32, #tpu.memory_space<vmem_shared>> -> memref<128x16xf32, #tpu.memory_space<vmem_shared>>
      %dma_start3A_55 = arith.constant 0 : i32
      %dma_start3A_56 = tpu.memref_slice %arg15[%add3A_27, %dma_start3A_55] : memref<10000x16xf32, #tpu.memory_space<vmem_shared>> -> memref<128x16xf32, #tpu.memory_space<vmem_shared>>
      %dma_start3A_57 = arith.constant 0 : i32
      %dma_start3A_58 = arith.constant 0 : i32
      %dma_start3A_59 = tpu.memref_slice %arg11[%dma_start3A_57, %dma_start3A_58] : memref<128x16xf32, #tpu.memory_space<vmem>> -> memref<128x16xf32, #tpu.memory_space<vmem>>
      tpu.enqueue_dma source(%dma_start3A_59 : memref<128x16xf32, #tpu.memory_space<vmem>>) target(%dma_start3A_56 : memref<128x16xf32, #tpu.memory_space<vmem_shared>>) target_semaphore(%run_scoped3A : memref<!tpu.dma_semaphore, #tpu.memory_space<semaphore_mem>>)
      %dma_wait3A = arith.constant 0 : i32
      %dma_wait3A_60 = arith.constant 0 : i32
      %dma_wait3A_61 = tpu.memref_slice %arg11[%dma_wait3A, %dma_wait3A_60] : memref<128x16xf32, #tpu.memory_space<vmem>> -> memref<128x16xf32, #tpu.memory_space<vmem>>
      %dma_wait3A_62 = arith.constant 0 : i32
      %dma_wait3A_63 = tpu.memref_slice %arg15[%add3A_27, %dma_wait3A_62] : memref<10000x16xf32, #tpu.memory_space<vmem_shared>> -> memref<128x16xf32, #tpu.memory_space<vmem_shared>>
      %dma_wait3A_64 = arith.constant 0 : i32
      %dma_wait3A_65 = tpu.memref_slice %arg15[%add3A_27, %dma_wait3A_64] : memref<10000x16xf32, #tpu.memory_space<vmem_shared>> -> memref<128x16xf32, #tpu.memory_space<vmem_shared>>
      %dma_wait3A_66 = arith.constant 0 : i32
      %dma_wait3A_67 = arith.constant 0 : i32
      %dma_wait3A_68 = tpu.memref_slice %arg11[%dma_wait3A_66, %dma_wait3A_67] : memref<128x16xf32, #tpu.memory_space<vmem>> -> memref<128x16xf32, #tpu.memory_space<vmem>>
      tpu.wait_dma2 semaphore(%run_scoped3A : memref<!tpu.dma_semaphore, #tpu.memory_space<semaphore_mem>>) src(%dma_wait3A_68 : memref<128x16xf32, #tpu.memory_space<vmem>>) dst(%dma_wait3A_65 : memref<128x16xf32, #tpu.memory_space<vmem_shared>>)
      tpu.yield
    }) : () -> ()
    %add3A_28 = arith.constant 384 : i32
    %add3A_29 = arith.addi %mul3A_15, %add3A_28 : i32
    "tpu.region"() ({
      %run_scoped3A = tpu.sem_alloc : memref<!tpu.dma_semaphore, #tpu.memory_space<semaphore_mem>>
      %dma_start3A = arith.constant 0 : i32
      %dma_start3A_51 = arith.constant 0 : i32
      %dma_start3A_52 = tpu.memref_slice %arg10[%dma_start3A, %dma_start3A_51] : memref<128x128xf32, #tpu.memory_space<vmem>> -> memref<128x128xf32, #tpu.memory_space<vmem>>
      %dma_start3A_53 = arith.constant 0 : i32
      %dma_start3A_54 = tpu.memref_slice %arg14[%add3A_29, %dma_start3A_53] : memref<10000x128xf32, #tpu.memory_space<vmem_shared>> -> memref<128x128xf32, #tpu.memory_space<vmem_shared>>
      %dma_start3A_55 = arith.constant 0 : i32
      %dma_start3A_56 = tpu.memref_slice %arg14[%add3A_29, %dma_start3A_55] : memref<10000x128xf32, #tpu.memory_space<vmem_shared>> -> memref<128x128xf32, #tpu.memory_space<vmem_shared>>
      %dma_start3A_57 = arith.constant 0 : i32
      %dma_start3A_58 = arith.constant 0 : i32
      %dma_start3A_59 = tpu.memref_slice %arg10[%dma_start3A_57, %dma_start3A_58] : memref<128x128xf32, #tpu.memory_space<vmem>> -> memref<128x128xf32, #tpu.memory_space<vmem>>
      tpu.enqueue_dma source(%dma_start3A_59 : memref<128x128xf32, #tpu.memory_space<vmem>>) target(%dma_start3A_56 : memref<128x128xf32, #tpu.memory_space<vmem_shared>>) target_semaphore(%run_scoped3A : memref<!tpu.dma_semaphore, #tpu.memory_space<semaphore_mem>>)
      %dma_wait3A = arith.constant 0 : i32
      %dma_wait3A_60 = arith.constant 0 : i32
      %dma_wait3A_61 = tpu.memref_slice %arg10[%dma_wait3A, %dma_wait3A_60] : memref<128x128xf32, #tpu.memory_space<vmem>> -> memref<128x128xf32, #tpu.memory_space<vmem>>
      %dma_wait3A_62 = arith.constant 0 : i32
      %dma_wait3A_63 = tpu.memref_slice %arg14[%add3A_29, %dma_wait3A_62] : memref<10000x128xf32, #tpu.memory_space<vmem_shared>> -> memref<128x128xf32, #tpu.memory_space<vmem_shared>>
      %dma_wait3A_64 = arith.constant 0 : i32
      %dma_wait3A_65 = tpu.memref_slice %arg14[%add3A_29, %dma_wait3A_64] : memref<10000x128xf32, #tpu.memory_space<vmem_shared>> -> memref<128x128xf32, #tpu.memory_space<vmem_shared>>
      %dma_wait3A_66 = arith.constant 0 : i32
      %dma_wait3A_67 = arith.constant 0 : i32
      %dma_wait3A_68 = tpu.memref_slice %arg10[%dma_wait3A_66, %dma_wait3A_67] : memref<128x128xf32, #tpu.memory_space<vmem>> -> memref<128x128xf32, #tpu.memory_space<vmem>>
      tpu.wait_dma2 semaphore(%run_scoped3A : memref<!tpu.dma_semaphore, #tpu.memory_space<semaphore_mem>>) src(%dma_wait3A_68 : memref<128x128xf32, #tpu.memory_space<vmem>>) dst(%dma_wait3A_65 : memref<128x128xf32, #tpu.memory_space<vmem_shared>>)
      tpu.yield
    }) : () -> ()
    %add3A_30 = arith.constant 384 : i32
    %add3A_31 = arith.addi %mul3A_15, %add3A_30 : i32
    "tpu.region"() ({
      %run_scoped3A = tpu.sem_alloc : memref<!tpu.dma_semaphore, #tpu.memory_space<semaphore_mem>>
      %dma_start3A = arith.constant 0 : i32
      %dma_start3A_51 = arith.constant 0 : i32
      %dma_start3A_52 = tpu.memref_slice %arg11[%dma_start3A, %dma_start3A_51] : memref<128x16xf32, #tpu.memory_space<vmem>> -> memref<128x16xf32, #tpu.memory_space<vmem>>
      %dma_start3A_53 = arith.constant 0 : i32
      %dma_start3A_54 = tpu.memref_slice %arg15[%add3A_31, %dma_start3A_53] : memref<10000x16xf32, #tpu.memory_space<vmem_shared>> -> memref<128x16xf32, #tpu.memory_space<vmem_shared>>
      %dma_start3A_55 = arith.constant 0 : i32
      %dma_start3A_56 = tpu.memref_slice %arg15[%add3A_31, %dma_start3A_55] : memref<10000x16xf32, #tpu.memory_space<vmem_shared>> -> memref<128x16xf32, #tpu.memory_space<vmem_shared>>
      %dma_start3A_57 = arith.constant 0 : i32
      %dma_start3A_58 = arith.constant 0 : i32
      %dma_start3A_59 = tpu.memref_slice %arg11[%dma_start3A_57, %dma_start3A_58] : memref<128x16xf32, #tpu.memory_space<vmem>> -> memref<128x16xf32, #tpu.memory_space<vmem>>
      tpu.enqueue_dma source(%dma_start3A_59 : memref<128x16xf32, #tpu.memory_space<vmem>>) target(%dma_start3A_56 : memref<128x16xf32, #tpu.memory_space<vmem_shared>>) target_semaphore(%run_scoped3A : memref<!tpu.dma_semaphore, #tpu.memory_space<semaphore_mem>>)
      %dma_wait3A = arith.constant 0 : i32
      %dma_wait3A_60 = arith.constant 0 : i32
      %dma_wait3A_61 = tpu.memref_slice %arg11[%dma_wait3A, %dma_wait3A_60] : memref<128x16xf32, #tpu.memory_space<vmem>> -> memref<128x16xf32, #tpu.memory_space<vmem>>
      %dma_wait3A_62 = arith.constant 0 : i32
      %dma_wait3A_63 = tpu.memref_slice %arg15[%add3A_31, %dma_wait3A_62] : memref<10000x16xf32, #tpu.memory_space<vmem_shared>> -> memref<128x16xf32, #tpu.memory_space<vmem_shared>>
      %dma_wait3A_64 = arith.constant 0 : i32
      %dma_wait3A_65 = tpu.memref_slice %arg15[%add3A_31, %dma_wait3A_64] : memref<10000x16xf32, #tpu.memory_space<vmem_shared>> -> memref<128x16xf32, #tpu.memory_space<vmem_shared>>
      %dma_wait3A_66 = arith.constant 0 : i32
      %dma_wait3A_67 = arith.constant 0 : i32
      %dma_wait3A_68 = tpu.memref_slice %arg11[%dma_wait3A_66, %dma_wait3A_67] : memref<128x16xf32, #tpu.memory_space<vmem>> -> memref<128x16xf32, #tpu.memory_space<vmem>>
      tpu.wait_dma2 semaphore(%run_scoped3A : memref<!tpu.dma_semaphore, #tpu.memory_space<semaphore_mem>>) src(%dma_wait3A_68 : memref<128x16xf32, #tpu.memory_space<vmem>>) dst(%dma_wait3A_65 : memref<128x16xf32, #tpu.memory_space<vmem_shared>>)
      tpu.yield
    }) : () -> ()
    %add3A_32 = arith.constant 512 : i32
    %add3A_33 = arith.addi %mul3A_15, %add3A_32 : i32
    "tpu.region"() ({
      %run_scoped3A = tpu.sem_alloc : memref<!tpu.dma_semaphore, #tpu.memory_space<semaphore_mem>>
      %dma_start3A = arith.constant 0 : i32
      %dma_start3A_51 = arith.constant 0 : i32
      %dma_start3A_52 = tpu.memref_slice %arg10[%dma_start3A, %dma_start3A_51] : memref<128x128xf32, #tpu.memory_space<vmem>> -> memref<112x128xf32, #tpu.memory_space<vmem>>
      %dma_start3A_53 = arith.constant 0 : i32
      %dma_start3A_54 = tpu.memref_slice %arg14[%add3A_33, %dma_start3A_53] : memref<10000x128xf32, #tpu.memory_space<vmem_shared>> -> memref<112x128xf32, #tpu.memory_space<vmem_shared>>
      %dma_start3A_55 = arith.constant 0 : i32
      %dma_start3A_56 = tpu.memref_slice %arg14[%add3A_33, %dma_start3A_55] : memref<10000x128xf32, #tpu.memory_space<vmem_shared>> -> memref<112x128xf32, #tpu.memory_space<vmem_shared>>
      %dma_start3A_57 = arith.constant 0 : i32
      %dma_start3A_58 = arith.constant 0 : i32
      %dma_start3A_59 = tpu.memref_slice %arg10[%dma_start3A_57, %dma_start3A_58] : memref<128x128xf32, #tpu.memory_space<vmem>> -> memref<112x128xf32, #tpu.memory_space<vmem>>
      tpu.enqueue_dma source(%dma_start3A_59 : memref<112x128xf32, #tpu.memory_space<vmem>>) target(%dma_start3A_56 : memref<112x128xf32, #tpu.memory_space<vmem_shared>>) target_semaphore(%run_scoped3A : memref<!tpu.dma_semaphore, #tpu.memory_space<semaphore_mem>>)
      %dma_wait3A = arith.constant 0 : i32
      %dma_wait3A_60 = arith.constant 0 : i32
      %dma_wait3A_61 = tpu.memref_slice %arg10[%dma_wait3A, %dma_wait3A_60] : memref<128x128xf32, #tpu.memory_space<vmem>> -> memref<112x128xf32, #tpu.memory_space<vmem>>
      %dma_wait3A_62 = arith.constant 0 : i32
      %dma_wait3A_63 = tpu.memref_slice %arg14[%add3A_33, %dma_wait3A_62] : memref<10000x128xf32, #tpu.memory_space<vmem_shared>> -> memref<112x128xf32, #tpu.memory_space<vmem_shared>>
      %dma_wait3A_64 = arith.constant 0 : i32
      %dma_wait3A_65 = tpu.memref_slice %arg14[%add3A_33, %dma_wait3A_64] : memref<10000x128xf32, #tpu.memory_space<vmem_shared>> -> memref<112x128xf32, #tpu.memory_space<vmem_shared>>
      %dma_wait3A_66 = arith.constant 0 : i32
      %dma_wait3A_67 = arith.constant 0 : i32
      %dma_wait3A_68 = tpu.memref_slice %arg10[%dma_wait3A_66, %dma_wait3A_67] : memref<128x128xf32, #tpu.memory_space<vmem>> -> memref<112x128xf32, #tpu.memory_space<vmem>>
      tpu.wait_dma2 semaphore(%run_scoped3A : memref<!tpu.dma_semaphore, #tpu.memory_space<semaphore_mem>>) src(%dma_wait3A_68 : memref<112x128xf32, #tpu.memory_space<vmem>>) dst(%dma_wait3A_65 : memref<112x128xf32, #tpu.memory_space<vmem_shared>>)
      tpu.yield
    }) : () -> ()
    %add3A_34 = arith.constant 512 : i32
    %add3A_35 = arith.addi %mul3A_15, %add3A_34 : i32
    "tpu.region"() ({
      %run_scoped3A = tpu.sem_alloc : memref<!tpu.dma_semaphore, #tpu.memory_space<semaphore_mem>>
      %dma_start3A = arith.constant 0 : i32
      %dma_start3A_51 = arith.constant 0 : i32
      %dma_start3A_52 = tpu.memref_slice %arg11[%dma_start3A, %dma_start3A_51] : memref<128x16xf32, #tpu.memory_space<vmem>> -> memref<112x16xf32, #tpu.memory_space<vmem>>
      %dma_start3A_53 = arith.constant 0 : i32
      %dma_start3A_54 = tpu.memref_slice %arg15[%add3A_35, %dma_start3A_53] : memref<10000x16xf32, #tpu.memory_space<vmem_shared>> -> memref<112x16xf32, #tpu.memory_space<vmem_shared>>
      %dma_start3A_55 = arith.constant 0 : i32
      %dma_start3A_56 = tpu.memref_slice %arg15[%add3A_35, %dma_start3A_55] : memref<10000x16xf32, #tpu.memory_space<vmem_shared>> -> memref<112x16xf32, #tpu.memory_space<vmem_shared>>
      %dma_start3A_57 = arith.constant 0 : i32
      %dma_start3A_58 = arith.constant 0 : i32
      %dma_start3A_59 = tpu.memref_slice %arg11[%dma_start3A_57, %dma_start3A_58] : memref<128x16xf32, #tpu.memory_space<vmem>> -> memref<112x16xf32, #tpu.memory_space<vmem>>
      tpu.enqueue_dma source(%dma_start3A_59 : memref<112x16xf32, #tpu.memory_space<vmem>>) target(%dma_start3A_56 : memref<112x16xf32, #tpu.memory_space<vmem_shared>>) target_semaphore(%run_scoped3A : memref<!tpu.dma_semaphore, #tpu.memory_space<semaphore_mem>>)
      %dma_wait3A = arith.constant 0 : i32
      %dma_wait3A_60 = arith.constant 0 : i32
      %dma_wait3A_61 = tpu.memref_slice %arg11[%dma_wait3A, %dma_wait3A_60] : memref<128x16xf32, #tpu.memory_space<vmem>> -> memref<112x16xf32, #tpu.memory_space<vmem>>
      %dma_wait3A_62 = arith.constant 0 : i32
      %dma_wait3A_63 = tpu.memref_slice %arg15[%add3A_35, %dma_wait3A_62] : memref<10000x16xf32, #tpu.memory_space<vmem_shared>> -> memref<112x16xf32, #tpu.memory_space<vmem_shared>>
      %dma_wait3A_64 = arith.constant 0 : i32
      %dma_wait3A_65 = tpu.memref_slice %arg15[%add3A_35, %dma_wait3A_64] : memref<10000x16xf32, #tpu.memory_space<vmem_shared>> -> memref<112x16xf32, #tpu.memory_space<vmem_shared>>
      %dma_wait3A_66 = arith.constant 0 : i32
      %dma_wait3A_67 = arith.constant 0 : i32
      %dma_wait3A_68 = tpu.memref_slice %arg11[%dma_wait3A_66, %dma_wait3A_67] : memref<128x16xf32, #tpu.memory_space<vmem>> -> memref<112x16xf32, #tpu.memory_space<vmem>>
      tpu.wait_dma2 semaphore(%run_scoped3A : memref<!tpu.dma_semaphore, #tpu.memory_space<semaphore_mem>>) src(%dma_wait3A_68 : memref<112x16xf32, #tpu.memory_space<vmem>>) dst(%dma_wait3A_65 : memref<112x16xf32, #tpu.memory_space<vmem_shared>>)
      tpu.yield
    }) : () -> ()
    %eq3A = arith.constant 15 : i32
    %eq3A_36 = arith.cmpi eq, %arg1, %eq3A : i32
    %convert_element_type3A = arith.extui %eq3A_36 : i1 to i32
    %cond3A = arith.constant 0 : i32
    %cond3A_37 = arith.cmpi ne, %convert_element_type3A, %cond3A : i32
    scf.if %cond3A_37 {
      "tpu.region"() ({
        %run_scoped3A = tpu.sem_alloc : memref<!tpu.dma_semaphore, #tpu.memory_space<semaphore_mem>>
        %dma_start3A = arith.constant 0 : i32
        %dma_start3A_51 = arith.constant 0 : i32
        %dma_start3A_52 = tpu.memref_slice %arg10[%dma_start3A, %dma_start3A_51] : memref<128x128xf32, #tpu.memory_space<vmem>> -> memref<16x128xf32, #tpu.memory_space<vmem>>
        %dma_start3A_53 = arith.constant 9984 : i32
        %dma_start3A_54 = arith.constant 0 : i32
        %dma_start3A_55 = tpu.memref_slice %arg14[%dma_start3A_53, %dma_start3A_54] : memref<10000x128xf32, #tpu.memory_space<vmem_shared>> -> memref<16x128xf32, #tpu.memory_space<vmem_shared>>
        %dma_start3A_56 = arith.constant 9984 : i32
        %dma_start3A_57 = arith.constant 0 : i32
        %dma_start3A_58 = tpu.memref_slice %arg14[%dma_start3A_56, %dma_start3A_57] : memref<10000x128xf32, #tpu.memory_space<vmem_shared>> -> memref<16x128xf32, #tpu.memory_space<vmem_shared>>
        %dma_start3A_59 = arith.constant 0 : i32
        %dma_start3A_60 = arith.constant 0 : i32
        %dma_start3A_61 = tpu.memref_slice %arg10[%dma_start3A_59, %dma_start3A_60] : memref<128x128xf32, #tpu.memory_space<vmem>> -> memref<16x128xf32, #tpu.memory_space<vmem>>
        tpu.enqueue_dma source(%dma_start3A_61 : memref<16x128xf32, #tpu.memory_space<vmem>>) target(%dma_start3A_58 : memref<16x128xf32, #tpu.memory_space<vmem_shared>>) target_semaphore(%run_scoped3A : memref<!tpu.dma_semaphore, #tpu.memory_space<semaphore_mem>>)
        %dma_wait3A = arith.constant 0 : i32
        %dma_wait3A_62 = arith.constant 0 : i32
        %dma_wait3A_63 = tpu.memref_slice %arg10[%dma_wait3A, %dma_wait3A_62] : memref<128x128xf32, #tpu.memory_space<vmem>> -> memref<16x128xf32, #tpu.memory_space<vmem>>
        %dma_wait3A_64 = arith.constant 9984 : i32
        %dma_wait3A_65 = arith.constant 0 : i32
        %dma_wait3A_66 = tpu.memref_slice %arg14[%dma_wait3A_64, %dma_wait3A_65] : memref<10000x128xf32, #tpu.memory_space<vmem_shared>> -> memref<16x128xf32, #tpu.memory_space<vmem_shared>>
        %dma_wait3A_67 = arith.constant 9984 : i32
        %dma_wait3A_68 = arith.constant 0 : i32
        %dma_wait3A_69 = tpu.memref_slice %arg14[%dma_wait3A_67, %dma_wait3A_68] : memref<10000x128xf32, #tpu.memory_space<vmem_shared>> -> memref<16x128xf32, #tpu.memory_space<vmem_shared>>
        %dma_wait3A_70 = arith.constant 0 : i32
        %dma_wait3A_71 = arith.constant 0 : i32
        %dma_wait3A_72 = tpu.memref_slice %arg10[%dma_wait3A_70, %dma_wait3A_71] : memref<128x128xf32, #tpu.memory_space<vmem>> -> memref<16x128xf32, #tpu.memory_space<vmem>>
        tpu.wait_dma2 semaphore(%run_scoped3A : memref<!tpu.dma_semaphore, #tpu.memory_space<semaphore_mem>>) src(%dma_wait3A_72 : memref<16x128xf32, #tpu.memory_space<vmem>>) dst(%dma_wait3A_69 : memref<16x128xf32, #tpu.memory_space<vmem_shared>>)
        tpu.yield
      }) : () -> ()
      "tpu.region"() ({
        %run_scoped3A = tpu.sem_alloc : memref<!tpu.dma_semaphore, #tpu.memory_space<semaphore_mem>>
        %dma_start3A = arith.constant 0 : i32
        %dma_start3A_51 = arith.constant 0 : i32
        %dma_start3A_52 = tpu.memref_slice %arg11[%dma_start3A, %dma_start3A_51] : memref<128x16xf32, #tpu.memory_space<vmem>> -> memref<16x16xf32, #tpu.memory_space<vmem>>
        %dma_start3A_53 = arith.constant 9984 : i32
        %dma_start3A_54 = arith.constant 0 : i32
        %dma_start3A_55 = tpu.memref_slice %arg15[%dma_start3A_53, %dma_start3A_54] : memref<10000x16xf32, #tpu.memory_space<vmem_shared>> -> memref<16x16xf32, #tpu.memory_space<vmem_shared>>
        %dma_start3A_56 = arith.constant 9984 : i32
        %dma_start3A_57 = arith.constant 0 : i32
        %dma_start3A_58 = tpu.memref_slice %arg15[%dma_start3A_56, %dma_start3A_57] : memref<10000x16xf32, #tpu.memory_space<vmem_shared>> -> memref<16x16xf32, #tpu.memory_space<vmem_shared>>
        %dma_start3A_59 = arith.constant 0 : i32
        %dma_start3A_60 = arith.constant 0 : i32
        %dma_start3A_61 = tpu.memref_slice %arg11[%dma_start3A_59, %dma_start3A_60] : memref<128x16xf32, #tpu.memory_space<vmem>> -> memref<16x16xf32, #tpu.memory_space<vmem>>
        tpu.enqueue_dma source(%dma_start3A_61 : memref<16x16xf32, #tpu.memory_space<vmem>>) target(%dma_start3A_58 : memref<16x16xf32, #tpu.memory_space<vmem_shared>>) target_semaphore(%run_scoped3A : memref<!tpu.dma_semaphore, #tpu.memory_space<semaphore_mem>>)
        %dma_wait3A = arith.constant 0 : i32
        %dma_wait3A_62 = arith.constant 0 : i32
        %dma_wait3A_63 = tpu.memref_slice %arg11[%dma_wait3A, %dma_wait3A_62] : memref<128x16xf32, #tpu.memory_space<vmem>> -> memref<16x16xf32, #tpu.memory_space<vmem>>
        %dma_wait3A_64 = arith.constant 9984 : i32
        %dma_wait3A_65 = arith.constant 0 : i32
        %dma_wait3A_66 = tpu.memref_slice %arg15[%dma_wait3A_64, %dma_wait3A_65] : memref<10000x16xf32, #tpu.memory_space<vmem_shared>> -> memref<16x16xf32, #tpu.memory_space<vmem_shared>>
        %dma_wait3A_67 = arith.constant 9984 : i32
        %dma_wait3A_68 = arith.constant 0 : i32
        %dma_wait3A_69 = tpu.memref_slice %arg15[%dma_wait3A_67, %dma_wait3A_68] : memref<10000x16xf32, #tpu.memory_space<vmem_shared>> -> memref<16x16xf32, #tpu.memory_space<vmem_shared>>
        %dma_wait3A_70 = arith.constant 0 : i32
        %dma_wait3A_71 = arith.constant 0 : i32
        %dma_wait3A_72 = tpu.memref_slice %arg11[%dma_wait3A_70, %dma_wait3A_71] : memref<128x16xf32, #tpu.memory_space<vmem>> -> memref<16x16xf32, #tpu.memory_space<vmem>>
        tpu.wait_dma2 semaphore(%run_scoped3A : memref<!tpu.dma_semaphore, #tpu.memory_space<semaphore_mem>>) src(%dma_wait3A_72 : memref<16x16xf32, #tpu.memory_space<vmem>>) dst(%dma_wait3A_69 : memref<16x16xf32, #tpu.memory_space<vmem_shared>>)
        tpu.yield
      }) : () -> ()
    } else {
    }
    %barrier3A = arith.constant 0 : index
    tpu.barrier barrier_id(%barrier3A)
    %mul3A_38 = arith.constant 10368 : i32
    %mul3A_39 = arith.muli %add3A, %mul3A_38 : i32
    %scan3A_40 = arith.constant 0 : i32
    %scan3A_41 = arith.constant 81 : i32
    %scan3A_42 = arith.addi %scan3A_40, %scan3A_41 : i32
    %scan3A_43 = arith.constant 1 : i32
    scf.for %scan3A_51 = %scan3A_40 to %scan3A_42 step %scan3A_43  : i32 {
      %mul3A_52 = arith.constant 1 : i32
      %mul3A_53 = arith.muli %scan3A_51, %mul3A_52 : i32
      %add3A_54 = arith.constant 0 : i32
      %add3A_55 = arith.addi %add3A_54, %mul3A_53 : i32
      %mul3A_56 = arith.constant 128 : i32
      %mul3A_57 = arith.muli %add3A_55, %mul3A_56 : i32
      %add3A_58 = arith.addi %mul3A_39, %mul3A_57 : i32
      %run_scoped3A = arith.constant 0 : i32
      "tpu.region"() ({
        %run_scoped3A_112 = tpu.sem_alloc : memref<!tpu.dma_semaphore, #tpu.memory_space<semaphore_mem>>
        %dma_start3A_113 = arith.constant 0 : i32
        %dma_start3A_114 = tpu.memref_slice %arg8[%run_scoped3A, %dma_start3A_113] : memref<1x128xi32, #tpu.memory_space<vmem>> -> memref<1x128xi32, #tpu.memory_space<vmem>>
        %dma_start3A_115 = tpu.memref_squeeze %dma_start3A_114 : memref<1x128xi32, #tpu.memory_space<vmem>> -> memref<128xi32, #tpu.memory_space<vmem>>
        %dma_start3A_116 = tpu.memref_slice %arg4[%add3A_58] : memref<331776xi32, #tpu.memory_space<hbm>> -> memref<128xi32, #tpu.memory_space<hbm>>
        %dma_start3A_117 = arith.constant 0 : i32
        %dma_start3A_118 = tpu.memref_slice %arg8[%run_scoped3A, %dma_start3A_117] : memref<1x128xi32, #tpu.memory_space<vmem>> -> memref<1x128xi32, #tpu.memory_space<vmem>>
        %dma_start3A_119 = tpu.memref_squeeze %dma_start3A_118 : memref<1x128xi32, #tpu.memory_space<vmem>> -> memref<128xi32, #tpu.memory_space<vmem>>
        %dma_start3A_120 = tpu.memref_slice %arg4[%add3A_58] : memref<331776xi32, #tpu.memory_space<hbm>> -> memref<128xi32, #tpu.memory_space<hbm>>
        tpu.enqueue_dma source(%dma_start3A_120 : memref<128xi32, #tpu.memory_space<hbm>>) target(%dma_start3A_119 : memref<128xi32, #tpu.memory_space<vmem>>) target_semaphore(%run_scoped3A_112 : memref<!tpu.dma_semaphore, #tpu.memory_space<semaphore_mem>>)
        %dma_wait3A_121 = arith.constant 0 : i32
        %dma_wait3A_122 = tpu.memref_slice %arg8[%run_scoped3A, %dma_wait3A_121] : memref<1x128xi32, #tpu.memory_space<vmem>> -> memref<1x128xi32, #tpu.memory_space<vmem>>
        %dma_wait3A_123 = tpu.memref_squeeze %dma_wait3A_122 : memref<1x128xi32, #tpu.memory_space<vmem>> -> memref<128xi32, #tpu.memory_space<vmem>>
        %dma_wait3A_124 = tpu.memref_slice %arg4[%add3A_58] : memref<331776xi32, #tpu.memory_space<hbm>> -> memref<128xi32, #tpu.memory_space<hbm>>
        %dma_wait3A_125 = arith.constant 0 : i32
        %dma_wait3A_126 = tpu.memref_slice %arg8[%run_scoped3A, %dma_wait3A_125] : memref<1x128xi32, #tpu.memory_space<vmem>> -> memref<1x128xi32, #tpu.memory_space<vmem>>
        %dma_wait3A_127 = tpu.memref_squeeze %dma_wait3A_126 : memref<1x128xi32, #tpu.memory_space<vmem>> -> memref<128xi32, #tpu.memory_space<vmem>>
        %dma_wait3A_128 = tpu.memref_slice %arg4[%add3A_58] : memref<331776xi32, #tpu.memory_space<hbm>> -> memref<128xi32, #tpu.memory_space<hbm>>
        tpu.wait_dma2 semaphore(%run_scoped3A_112 : memref<!tpu.dma_semaphore, #tpu.memory_space<semaphore_mem>>) src(%dma_wait3A_128 : memref<128xi32, #tpu.memory_space<hbm>>) dst(%dma_wait3A_127 : memref<128xi32, #tpu.memory_space<vmem>>)
        tpu.yield
      }) : () -> ()
      %run_scoped3A_59 = arith.constant 0 : i32
      "tpu.region"() ({
        %run_scoped3A_112 = tpu.sem_alloc : memref<!tpu.dma_semaphore, #tpu.memory_space<semaphore_mem>>
        %dma_start3A_113 = arith.constant 0 : i32
        %dma_start3A_114 = tpu.memref_slice %arg9[%run_scoped3A_59, %dma_start3A_113] : memref<1x128xi32, #tpu.memory_space<vmem>> -> memref<1x128xi32, #tpu.memory_space<vmem>>
        %dma_start3A_115 = tpu.memref_squeeze %dma_start3A_114 : memref<1x128xi32, #tpu.memory_space<vmem>> -> memref<128xi32, #tpu.memory_space<vmem>>
        %dma_start3A_116 = tpu.memref_slice %arg5[%add3A_58] : memref<331776xi32, #tpu.memory_space<hbm>> -> memref<128xi32, #tpu.memory_space<hbm>>
        %dma_start3A_117 = arith.constant 0 : i32
        %dma_start3A_118 = tpu.memref_slice %arg9[%run_scoped3A_59, %dma_start3A_117] : memref<1x128xi32, #tpu.memory_space<vmem>> -> memref<1x128xi32, #tpu.memory_space<vmem>>
        %dma_start3A_119 = tpu.memref_squeeze %dma_start3A_118 : memref<1x128xi32, #tpu.memory_space<vmem>> -> memref<128xi32, #tpu.memory_space<vmem>>
        %dma_start3A_120 = tpu.memref_slice %arg5[%add3A_58] : memref<331776xi32, #tpu.memory_space<hbm>> -> memref<128xi32, #tpu.memory_space<hbm>>
        tpu.enqueue_dma source(%dma_start3A_120 : memref<128xi32, #tpu.memory_space<hbm>>) target(%dma_start3A_119 : memref<128xi32, #tpu.memory_space<vmem>>) target_semaphore(%run_scoped3A_112 : memref<!tpu.dma_semaphore, #tpu.memory_space<semaphore_mem>>)
        %dma_wait3A_121 = arith.constant 0 : i32
        %dma_wait3A_122 = tpu.memref_slice %arg9[%run_scoped3A_59, %dma_wait3A_121] : memref<1x128xi32, #tpu.memory_space<vmem>> -> memref<1x128xi32, #tpu.memory_space<vmem>>
        %dma_wait3A_123 = tpu.memref_squeeze %dma_wait3A_122 : memref<1x128xi32, #tpu.memory_space<vmem>> -> memref<128xi32, #tpu.memory_space<vmem>>
        %dma_wait3A_124 = tpu.memref_slice %arg5[%add3A_58] : memref<331776xi32, #tpu.memory_space<hbm>> -> memref<128xi32, #tpu.memory_space<hbm>>
        %dma_wait3A_125 = arith.constant 0 : i32
        %dma_wait3A_126 = tpu.memref_slice %arg9[%run_scoped3A_59, %dma_wait3A_125] : memref<1x128xi32, #tpu.memory_space<vmem>> -> memref<1x128xi32, #tpu.memory_space<vmem>>
        %dma_wait3A_127 = tpu.memref_squeeze %dma_wait3A_126 : memref<1x128xi32, #tpu.memory_space<vmem>> -> memref<128xi32, #tpu.memory_space<vmem>>
        %dma_wait3A_128 = tpu.memref_slice %arg5[%add3A_58] : memref<331776xi32, #tpu.memory_space<hbm>> -> memref<128xi32, #tpu.memory_space<hbm>>
        tpu.wait_dma2 semaphore(%run_scoped3A_112 : memref<!tpu.dma_semaphore, #tpu.memory_space<semaphore_mem>>) src(%dma_wait3A_128 : memref<128xi32, #tpu.memory_space<hbm>>) dst(%dma_wait3A_127 : memref<128xi32, #tpu.memory_space<vmem>>)
        tpu.yield
      }) : () -> ()
      %dma_start3A = arith.constant 0 : i32
      %dma_start3A_60 = arith.constant 0 : i32
      %dma_start3A_61 = tpu.memref_slice %arg8[%dma_start3A, %dma_start3A_60] : memref<1x128xi32, #tpu.memory_space<vmem>> -> memref<1x128xi32, #tpu.memory_space<vmem>>
      %dma_start3A_62 = tpu.memref_squeeze %dma_start3A_61 : memref<1x128xi32, #tpu.memory_space<vmem>> -> memref<128xi32, #tpu.memory_space<vmem>>
      %dma_start3A_63 = arith.constant 0 : i32
      %dma_start3A_64 = arith.constant 0 : i32
      %dma_start3A_65 = tpu.memref_slice %arg2[%dma_start3A_63, %dma_start3A_64] : memref<10000x128xf32, #tpu.memory_space<hbm>> -> memref<10000x128xf32, #tpu.memory_space<hbm>>
      tpu.enqueue_indirect_dma source(%dma_start3A_65 : memref<10000x128xf32, #tpu.memory_space<hbm>>) target(%arg10 : memref<128x128xf32, #tpu.memory_space<vmem>>) offsets(%dma_start3A_62 : memref<128xi32, #tpu.memory_space<vmem>>) semaphore(%arg16 : memref<!tpu.dma_semaphore, #tpu.memory_space<semaphore_mem>>)
      %dma_start3A_66 = arith.constant 0 : i32
      %dma_start3A_67 = arith.constant 0 : i32
      %dma_start3A_68 = tpu.memref_slice %arg8[%dma_start3A_66, %dma_start3A_67] : memref<1x128xi32, #tpu.memory_space<vmem>> -> memref<1x128xi32, #tpu.memory_space<vmem>>
      %dma_start3A_69 = tpu.memref_squeeze %dma_start3A_68 : memref<1x128xi32, #tpu.memory_space<vmem>> -> memref<128xi32, #tpu.memory_space<vmem>>
      %dma_start3A_70 = arith.constant 0 : i32
      %dma_start3A_71 = arith.constant 0 : i32
      %dma_start3A_72 = tpu.memref_slice %arg3[%dma_start3A_70, %dma_start3A_71] : memref<10000x16xf32, #tpu.memory_space<hbm>> -> memref<10000x16xf32, #tpu.memory_space<hbm>>
      tpu.enqueue_indirect_dma source(%dma_start3A_72 : memref<10000x16xf32, #tpu.memory_space<hbm>>) target(%arg12 : memref<128x16xf32, #tpu.memory_space<vmem>>) offsets(%dma_start3A_69 : memref<128xi32, #tpu.memory_space<vmem>>) semaphore(%arg17 : memref<!tpu.dma_semaphore, #tpu.memory_space<semaphore_mem>>)
      %dma_start3A_73 = arith.constant 0 : i32
      %dma_start3A_74 = arith.constant 0 : i32
      %dma_start3A_75 = tpu.memref_slice %arg9[%dma_start3A_73, %dma_start3A_74] : memref<1x128xi32, #tpu.memory_space<vmem>> -> memref<1x128xi32, #tpu.memory_space<vmem>>
      %dma_start3A_76 = tpu.memref_squeeze %dma_start3A_75 : memref<1x128xi32, #tpu.memory_space<vmem>> -> memref<128xi32, #tpu.memory_space<vmem>>
      %dma_start3A_77 = arith.constant 0 : i32
      %dma_start3A_78 = arith.constant 0 : i32
      %dma_start3A_79 = tpu.memref_slice %arg3[%dma_start3A_77, %dma_start3A_78] : memref<10000x16xf32, #tpu.memory_space<hbm>> -> memref<10000x16xf32, #tpu.memory_space<hbm>>
      tpu.enqueue_indirect_dma source(%dma_start3A_79 : memref<10000x16xf32, #tpu.memory_space<hbm>>) target(%arg13 : memref<128x16xf32, #tpu.memory_space<vmem>>) offsets(%dma_start3A_76 : memref<128xi32, #tpu.memory_space<vmem>>) semaphore(%arg17 : memref<!tpu.dma_semaphore, #tpu.memory_space<semaphore_mem>>)
      %dma_wait3A = arith.constant 0 : i32
      %dma_wait3A_80 = arith.constant 0 : i32
      %dma_wait3A_81 = tpu.memref_slice %arg8[%dma_wait3A, %dma_wait3A_80] : memref<1x128xi32, #tpu.memory_space<vmem>> -> memref<1x128xi32, #tpu.memory_space<vmem>>
      %dma_wait3A_82 = tpu.memref_squeeze %dma_wait3A_81 : memref<1x128xi32, #tpu.memory_space<vmem>> -> memref<128xi32, #tpu.memory_space<vmem>>
      %dma_wait3A_83 = arith.constant 0 : i32
      %dma_wait3A_84 = arith.constant 0 : i32
      %dma_wait3A_85 = tpu.memref_slice %arg3[%dma_wait3A_83, %dma_wait3A_84] : memref<10000x16xf32, #tpu.memory_space<hbm>> -> memref<10000x16xf32, #tpu.memory_space<hbm>>
      tpu.wait_indirect_dma semaphore(%arg17 : memref<!tpu.dma_semaphore, #tpu.memory_space<semaphore_mem>>) src(%dma_wait3A_85 : memref<10000x16xf32, #tpu.memory_space<hbm>>) dst(%arg12 : memref<128x16xf32, #tpu.memory_space<vmem>>)
      %dma_wait3A_86 = arith.constant 0 : i32
      %dma_wait3A_87 = arith.constant 0 : i32
      %dma_wait3A_88 = tpu.memref_slice %arg9[%dma_wait3A_86, %dma_wait3A_87] : memref<1x128xi32, #tpu.memory_space<vmem>> -> memref<1x128xi32, #tpu.memory_space<vmem>>
      %dma_wait3A_89 = tpu.memref_squeeze %dma_wait3A_88 : memref<1x128xi32, #tpu.memory_space<vmem>> -> memref<128xi32, #tpu.memory_space<vmem>>
      %dma_wait3A_90 = arith.constant 0 : i32
      %dma_wait3A_91 = arith.constant 0 : i32
      %dma_wait3A_92 = tpu.memref_slice %arg3[%dma_wait3A_90, %dma_wait3A_91] : memref<10000x16xf32, #tpu.memory_space<hbm>> -> memref<10000x16xf32, #tpu.memory_space<hbm>>
      tpu.wait_indirect_dma semaphore(%arg17 : memref<!tpu.dma_semaphore, #tpu.memory_space<semaphore_mem>>) src(%dma_wait3A_92 : memref<10000x16xf32, #tpu.memory_space<hbm>>) dst(%arg13 : memref<128x16xf32, #tpu.memory_space<vmem>>)
      %scan3A_93 = arith.constant 0 : i32
      %scan3A_94 = arith.constant 8 : i32
      %scan3A_95 = arith.addi %scan3A_93, %scan3A_94 : i32
      %scan3A_96 = arith.constant 1 : i32
      scf.for %scan3A_112 = %scan3A_93 to %scan3A_95 step %scan3A_96  : i32 {
        %mul3A_113 = arith.constant 1 : i32
        %mul3A_114 = arith.muli %scan3A_112, %mul3A_113 : i32
        %add3A_115 = arith.constant 0 : i32
        %add3A_116 = arith.addi %add3A_115, %mul3A_114 : i32
        %mul3A_117 = arith.constant 16 : i32
        %mul3A_118 = arith.muli %add3A_116, %mul3A_117 : i32
        %add3A_119 = vector.broadcast %mul3A_118 : i32 to vector<16xi32>
        %add3A_120 = arith.addi %add3A_119, %iota3A : vector<16xi32>
        %gather3A = tpu.vector_load_idx %arg12[%add3A_120, %broadcast_in_dim3A_3] : memref<128x16xf32, #tpu.memory_space<vmem>>[vector<16xi32>, vector<16xi32>], vector<16xf32>,
        %gather3A_121 = tpu.vector_load_idx %arg13[%add3A_120, %broadcast_in_dim3A_7] : memref<128x16xf32, #tpu.memory_space<vmem>>[vector<16xi32>, vector<16xi32>], vector<16xf32>,
        %add3A_122 = arith.addf %gather3A, %gather3A_121 : vector<16xf32>
        %gather3A_123 = tpu.vector_load_idx %arg12[%add3A_120, %broadcast_in_dim3A_5] : memref<128x16xf32, #tpu.memory_space<vmem>>[vector<16xi32>, vector<16xi32>], vector<16xf32>,
        %gather3A_124 = tpu.vector_load_idx %arg13[%add3A_120, %broadcast_in_dim3A_9] : memref<128x16xf32, #tpu.memory_space<vmem>>[vector<16xi32>, vector<16xi32>], vector<16xf32>,
        %add3A_125 = arith.addf %gather3A_123, %gather3A_124 : vector<16xf32>
        %mul3A_126 = arith.constant 2.000000e-01 : f32
        %mul3A_127 = vector.broadcast %mul3A_126 : f32 to vector<16xf32>
        %mul3A_128 = arith.mulf %mul3A_127, %add3A_122 : vector<16xf32>
        %max3A = arith.maximumf %add3A_122, %mul3A_128 : vector<16xf32>
        %mul3A_129 = arith.constant 2.000000e-01 : f32
        %mul3A_130 = vector.broadcast %mul3A_129 : f32 to vector<16xf32>
        %mul3A_131 = arith.mulf %mul3A_130, %add3A_125 : vector<16xf32>
        %max3A_132 = arith.maximumf %add3A_125, %mul3A_131 : vector<16xf32>
        %exp3A = math.exp %max3A : vector<16xf32>
        %exp3A_133 = math.exp %max3A_132 : vector<16xf32>
        %add3A_134 = vector.broadcast %add3A_58 : i32 to vector<16xi32>
        %add3A_135 = arith.addi %add3A_134, %add3A_120 : vector<16xi32>
        %lt3A = arith.constant 330000 : i32
        %lt3A_136 = vector.broadcast %lt3A : i32 to vector<16xi32>
        %lt3A_137 = arith.cmpi slt, %add3A_135, %lt3A_136 : vector<16xi32>
        %jit3A = arith.constant 0.000000e+00 : f32
        %broadcast_in_dim3A_138 = vector.broadcast %jit3A : f32 to vector<16xf32>
        %select_n3A = arith.select %lt3A_137, %exp3A, %broadcast_in_dim3A_138 : vector<16xi1>, vector<16xf32>
        %jit3A_139 = arith.constant 0.000000e+00 : f32
        %broadcast_in_dim3A_140 = vector.broadcast %jit3A_139 : f32 to vector<16xf32>
        %select_n3A_141 = arith.select %lt3A_137, %exp3A_133, %broadcast_in_dim3A_140 : vector<16xi1>, vector<16xf32>
        tpu.vector_store_idx %arg11[%add3A_120, %broadcast_in_dim3A_3], %select_n3A : memref<128x16xf32, #tpu.memory_space<vmem>>[vector<16xi32>, vector<16xi32>], vector<16xf32>,
        tpu.vector_store_idx %arg11[%add3A_120, %broadcast_in_dim3A_5], %select_n3A_141 : memref<128x16xf32, #tpu.memory_space<vmem>>[vector<16xi32>, vector<16xi32>], vector<16xf32>,
      }
      %scan3A_97 = arith.constant 8 : i32
      %dma_wait3A_98 = arith.constant 0 : i32
      %dma_wait3A_99 = arith.constant 0 : i32
      %dma_wait3A_100 = tpu.memref_slice %arg8[%dma_wait3A_98, %dma_wait3A_99] : memref<1x128xi32, #tpu.memory_space<vmem>> -> memref<1x128xi32, #tpu.memory_space<vmem>>
      %dma_wait3A_101 = tpu.memref_squeeze %dma_wait3A_100 : memref<1x128xi32, #tpu.memory_space<vmem>> -> memref<128xi32, #tpu.memory_space<vmem>>
      %dma_wait3A_102 = arith.constant 0 : i32
      %dma_wait3A_103 = arith.constant 0 : i32
      %dma_wait3A_104 = tpu.memref_slice %arg2[%dma_wait3A_102, %dma_wait3A_103] : memref<10000x128xf32, #tpu.memory_space<hbm>> -> memref<10000x128xf32, #tpu.memory_space<hbm>>
      tpu.wait_indirect_dma semaphore(%arg16 : memref<!tpu.dma_semaphore, #tpu.memory_space<semaphore_mem>>) src(%dma_wait3A_104 : memref<10000x128xf32, #tpu.memory_space<hbm>>) dst(%arg10 : memref<128x128xf32, #tpu.memory_space<vmem>>)
      %scan3A_105 = arith.constant 0 : i32
      %scan3A_106 = arith.constant 128 : i32
      %scan3A_107 = arith.addi %scan3A_105, %scan3A_106 : i32
      %scan3A_108 = arith.constant 1 : i32
      scf.for %scan3A_112 = %scan3A_105 to %scan3A_107 step %scan3A_108  : i32 {
        %mul3A_113 = arith.constant 1 : i32
        %mul3A_114 = arith.muli %scan3A_112, %mul3A_113 : i32
        %add3A_115 = arith.constant 0 : i32
        %add3A_116 = arith.addi %add3A_115, %mul3A_114 : i32
        %broadcast_in_dim3A_117 = vector.broadcast %add3A_116 : i32 to vector<16xi32>
        %gather3A = tpu.vector_load_idx %arg11[%broadcast_in_dim3A_117, %broadcast_in_dim3A_3] : memref<128x16xf32, #tpu.memory_space<vmem>>[vector<16xi32>, vector<16xi32>], vector<16xf32>,
        %gather3A_118 = tpu.vector_load_idx %arg11[%broadcast_in_dim3A_117, %broadcast_in_dim3A_5] : memref<128x16xf32, #tpu.memory_space<vmem>>[vector<16xi32>, vector<16xi32>], vector<16xf32>,
        %get3A = arith.index_cast %add3A_116 : i32 to index
        %get3A_119 = arith.constant 0 : index
        %get3A_120 = tpu.vector_load %arg10[%get3A, %get3A_119] {strides = array<i32>} : memref<128x128xf32, #tpu.memory_space<vmem>>, vector<16xf32>,
        %mul3A_121 = arith.mulf %get3A_120, %gather3A : vector<16xf32>
        %swap3A = arith.index_cast %add3A_116 : i32 to index
        %swap3A_122 = arith.constant 0 : index
        %swap3A_123 = tpu.vector_load %arg10[%swap3A, %swap3A_122] {strides = array<i32>} : memref<128x128xf32, #tpu.memory_space<vmem>>, vector<16xf32>,
        tpu.vector_store %arg10[%swap3A, %swap3A_122], %mul3A_121 {strides = array<i32>} : memref<128x128xf32, #tpu.memory_space<vmem>>, vector<16xf32>,
        %get3A_124 = arith.index_cast %add3A_116 : i32 to index
        %get3A_125 = arith.constant 16 : index
        %get3A_126 = tpu.vector_load %arg10[%get3A_124, %get3A_125] {strides = array<i32>} : memref<128x128xf32, #tpu.memory_space<vmem>>, vector<16xf32>,
        %mul3A_127 = arith.mulf %get3A_126, %gather3A : vector<16xf32>
        %swap3A_128 = arith.index_cast %add3A_116 : i32 to index
        %swap3A_129 = arith.constant 16 : index
        %swap3A_130 = tpu.vector_load %arg10[%swap3A_128, %swap3A_129] {strides = array<i32>} : memref<128x128xf32, #tpu.memory_space<vmem>>, vector<16xf32>,
        tpu.vector_store %arg10[%swap3A_128, %swap3A_129], %mul3A_127 {strides = array<i32>} : memref<128x128xf32, #tpu.memory_space<vmem>>, vector<16xf32>,
        %get3A_131 = arith.index_cast %add3A_116 : i32 to index
        %get3A_132 = arith.constant 32 : index
        %get3A_133 = tpu.vector_load %arg10[%get3A_131, %get3A_132] {strides = array<i32>} : memref<128x128xf32, #tpu.memory_space<vmem>>, vector<16xf32>,
        %mul3A_134 = arith.mulf %get3A_133, %gather3A : vector<16xf32>
        %swap3A_135 = arith.index_cast %add3A_116 : i32 to index
        %swap3A_136 = arith.constant 32 : index
        %swap3A_137 = tpu.vector_load %arg10[%swap3A_135, %swap3A_136] {strides = array<i32>} : memref<128x128xf32, #tpu.memory_space<vmem>>, vector<16xf32>,
        tpu.vector_store %arg10[%swap3A_135, %swap3A_136], %mul3A_134 {strides = array<i32>} : memref<128x128xf32, #tpu.memory_space<vmem>>, vector<16xf32>,
        %get3A_138 = arith.index_cast %add3A_116 : i32 to index
        %get3A_139 = arith.constant 48 : index
        %get3A_140 = tpu.vector_load %arg10[%get3A_138, %get3A_139] {strides = array<i32>} : memref<128x128xf32, #tpu.memory_space<vmem>>, vector<16xf32>,
        %mul3A_141 = arith.mulf %get3A_140, %gather3A : vector<16xf32>
        %swap3A_142 = arith.index_cast %add3A_116 : i32 to index
        %swap3A_143 = arith.constant 48 : index
        %swap3A_144 = tpu.vector_load %arg10[%swap3A_142, %swap3A_143] {strides = array<i32>} : memref<128x128xf32, #tpu.memory_space<vmem>>, vector<16xf32>,
        tpu.vector_store %arg10[%swap3A_142, %swap3A_143], %mul3A_141 {strides = array<i32>} : memref<128x128xf32, #tpu.memory_space<vmem>>, vector<16xf32>,
        %get3A_145 = arith.index_cast %add3A_116 : i32 to index
        %get3A_146 = arith.constant 64 : index
        %get3A_147 = tpu.vector_load %arg10[%get3A_145, %get3A_146] {strides = array<i32>} : memref<128x128xf32, #tpu.memory_space<vmem>>, vector<16xf32>,
        %mul3A_148 = arith.mulf %get3A_147, %gather3A_118 : vector<16xf32>
        %swap3A_149 = arith.index_cast %add3A_116 : i32 to index
        %swap3A_150 = arith.constant 64 : index
        %swap3A_151 = tpu.vector_load %arg10[%swap3A_149, %swap3A_150] {strides = array<i32>} : memref<128x128xf32, #tpu.memory_space<vmem>>, vector<16xf32>,
        tpu.vector_store %arg10[%swap3A_149, %swap3A_150], %mul3A_148 {strides = array<i32>} : memref<128x128xf32, #tpu.memory_space<vmem>>, vector<16xf32>,
        %get3A_152 = arith.index_cast %add3A_116 : i32 to index
        %get3A_153 = arith.constant 80 : index
        %get3A_154 = tpu.vector_load %arg10[%get3A_152, %get3A_153] {strides = array<i32>} : memref<128x128xf32, #tpu.memory_space<vmem>>, vector<16xf32>,
        %mul3A_155 = arith.mulf %get3A_154, %gather3A_118 : vector<16xf32>
        %swap3A_156 = arith.index_cast %add3A_116 : i32 to index
        %swap3A_157 = arith.constant 80 : index
        %swap3A_158 = tpu.vector_load %arg10[%swap3A_156, %swap3A_157] {strides = array<i32>} : memref<128x128xf32, #tpu.memory_space<vmem>>, vector<16xf32>,
        tpu.vector_store %arg10[%swap3A_156, %swap3A_157], %mul3A_155 {strides = array<i32>} : memref<128x128xf32, #tpu.memory_space<vmem>>, vector<16xf32>,
        %get3A_159 = arith.index_cast %add3A_116 : i32 to index
        %get3A_160 = arith.constant 96 : index
        %get3A_161 = tpu.vector_load %arg10[%get3A_159, %get3A_160] {strides = array<i32>} : memref<128x128xf32, #tpu.memory_space<vmem>>, vector<16xf32>,
        %mul3A_162 = arith.mulf %get3A_161, %gather3A_118 : vector<16xf32>
        %swap3A_163 = arith.index_cast %add3A_116 : i32 to index
        %swap3A_164 = arith.constant 96 : index
        %swap3A_165 = tpu.vector_load %arg10[%swap3A_163, %swap3A_164] {strides = array<i32>} : memref<128x128xf32, #tpu.memory_space<vmem>>, vector<16xf32>,
        tpu.vector_store %arg10[%swap3A_163, %swap3A_164], %mul3A_162 {strides = array<i32>} : memref<128x128xf32, #tpu.memory_space<vmem>>, vector<16xf32>,
        %get3A_166 = arith.index_cast %add3A_116 : i32 to index
        %get3A_167 = arith.constant 112 : index
        %get3A_168 = tpu.vector_load %arg10[%get3A_166, %get3A_167] {strides = array<i32>} : memref<128x128xf32, #tpu.memory_space<vmem>>, vector<16xf32>,
        %mul3A_169 = arith.mulf %get3A_168, %gather3A_118 : vector<16xf32>
        %swap3A_170 = arith.index_cast %add3A_116 : i32 to index
        %swap3A_171 = arith.constant 112 : index
        %swap3A_172 = tpu.vector_load %arg10[%swap3A_170, %swap3A_171] {strides = array<i32>} : memref<128x128xf32, #tpu.memory_space<vmem>>, vector<16xf32>,
        tpu.vector_store %arg10[%swap3A_170, %swap3A_171], %mul3A_169 {strides = array<i32>} : memref<128x128xf32, #tpu.memory_space<vmem>>, vector<16xf32>,
      }
      %scan3A_109 = arith.constant 128 : i32
      %run_scoped3A_110 = arith.constant 0 : i32
      "tpu.region"() ({
        %run_scoped3A_112 = tpu.sem_alloc : memref<!tpu.dma_semaphore, #tpu.memory_space<semaphore_mem>>
        %dma_start3A_113 = arith.constant 0 : i32
        %dma_start3A_114 = tpu.memref_slice %arg9[%run_scoped3A_110, %dma_start3A_113] : memref<1x128xi32, #tpu.memory_space<vmem>> -> memref<1x128xi32, #tpu.memory_space<vmem>>
        %dma_start3A_115 = tpu.memref_squeeze %dma_start3A_114 : memref<1x128xi32, #tpu.memory_space<vmem>> -> memref<128xi32, #tpu.memory_space<vmem>>
        %dma_start3A_116 = arith.constant 0 : i32
        %dma_start3A_117 = arith.constant 0 : i32
        %dma_start3A_118 = tpu.memref_slice %arg14[%dma_start3A_116, %dma_start3A_117] : memref<10000x128xf32, #tpu.memory_space<vmem_shared>> -> memref<10000x128xf32, #tpu.memory_space<vmem_shared>>
        tpu.enqueue_indirect_dma source(%arg10 : memref<128x128xf32, #tpu.memory_space<vmem>>) target(%dma_start3A_118 : memref<10000x128xf32, #tpu.memory_space<vmem_shared>>) offsets(%dma_start3A_115 : memref<128xi32, #tpu.memory_space<vmem>>) semaphore(%run_scoped3A_112 : memref<!tpu.dma_semaphore, #tpu.memory_space<semaphore_mem>>) {add = true}
        %dma_wait3A_119 = arith.constant 0 : i32
        %dma_wait3A_120 = tpu.memref_slice %arg9[%run_scoped3A_110, %dma_wait3A_119] : memref<1x128xi32, #tpu.memory_space<vmem>> -> memref<1x128xi32, #tpu.memory_space<vmem>>
        %dma_wait3A_121 = tpu.memref_squeeze %dma_wait3A_120 : memref<1x128xi32, #tpu.memory_space<vmem>> -> memref<128xi32, #tpu.memory_space<vmem>>
        %dma_wait3A_122 = arith.constant 0 : i32
        %dma_wait3A_123 = arith.constant 0 : i32
        %dma_wait3A_124 = tpu.memref_slice %arg14[%dma_wait3A_122, %dma_wait3A_123] : memref<10000x128xf32, #tpu.memory_space<vmem_shared>> -> memref<10000x128xf32, #tpu.memory_space<vmem_shared>>
        tpu.wait_indirect_dma semaphore(%run_scoped3A_112 : memref<!tpu.dma_semaphore, #tpu.memory_space<semaphore_mem>>) src(%arg10 : memref<128x128xf32, #tpu.memory_space<vmem>>) dst(%dma_wait3A_124 : memref<10000x128xf32, #tpu.memory_space<vmem_shared>>)
        tpu.yield
      }) : () -> ()
      %run_scoped3A_111 = arith.constant 0 : i32
      "tpu.region"() ({
        %run_scoped3A_112 = tpu.sem_alloc : memref<!tpu.dma_semaphore, #tpu.memory_space<semaphore_mem>>
        %dma_start3A_113 = arith.constant 0 : i32
        %dma_start3A_114 = tpu.memref_slice %arg9[%run_scoped3A_111, %dma_start3A_113] : memref<1x128xi32, #tpu.memory_space<vmem>> -> memref<1x128xi32, #tpu.memory_space<vmem>>
        %dma_start3A_115 = tpu.memref_squeeze %dma_start3A_114 : memref<1x128xi32, #tpu.memory_space<vmem>> -> memref<128xi32, #tpu.memory_space<vmem>>
        %dma_start3A_116 = arith.constant 0 : i32
        %dma_start3A_117 = arith.constant 0 : i32
        %dma_start3A_118 = tpu.memref_slice %arg15[%dma_start3A_116, %dma_start3A_117] : memref<10000x16xf32, #tpu.memory_space<vmem_shared>> -> memref<10000x16xf32, #tpu.memory_space<vmem_shared>>
        tpu.enqueue_indirect_dma source(%arg11 : memref<128x16xf32, #tpu.memory_space<vmem>>) target(%dma_start3A_118 : memref<10000x16xf32, #tpu.memory_space<vmem_shared>>) offsets(%dma_start3A_115 : memref<128xi32, #tpu.memory_space<vmem>>) semaphore(%run_scoped3A_112 : memref<!tpu.dma_semaphore, #tpu.memory_space<semaphore_mem>>) {add = true}
        %dma_wait3A_119 = arith.constant 0 : i32
        %dma_wait3A_120 = tpu.memref_slice %arg9[%run_scoped3A_111, %dma_wait3A_119] : memref<1x128xi32, #tpu.memory_space<vmem>> -> memref<1x128xi32, #tpu.memory_space<vmem>>
        %dma_wait3A_121 = tpu.memref_squeeze %dma_wait3A_120 : memref<1x128xi32, #tpu.memory_space<vmem>> -> memref<128xi32, #tpu.memory_space<vmem>>
        %dma_wait3A_122 = arith.constant 0 : i32
        %dma_wait3A_123 = arith.constant 0 : i32
        %dma_wait3A_124 = tpu.memref_slice %arg15[%dma_wait3A_122, %dma_wait3A_123] : memref<10000x16xf32, #tpu.memory_space<vmem_shared>> -> memref<10000x16xf32, #tpu.memory_space<vmem_shared>>
        tpu.wait_indirect_dma semaphore(%run_scoped3A_112 : memref<!tpu.dma_semaphore, #tpu.memory_space<semaphore_mem>>) src(%arg11 : memref<128x16xf32, #tpu.memory_space<vmem>>) dst(%dma_wait3A_124 : memref<10000x16xf32, #tpu.memory_space<vmem_shared>>)
        tpu.yield
      }) : () -> ()
    }
    %scan3A_44 = arith.constant 81 : i32
    %barrier3A_45 = arith.constant 0 : index
    tpu.barrier barrier_id(%barrier3A_45)
    "tpu.region"() ({
      %run_scoped3A = tpu.sem_alloc : memref<!tpu.dma_semaphore, #tpu.memory_space<semaphore_mem>>
      %dma_start3A = arith.constant 0 : i32
      %dma_start3A_51 = tpu.memref_slice %arg6[%arg0, %mul3A_15, %dma_start3A] : memref<2x10000x128xf32, #tpu.memory_space<hbm>> -> memref<1x624x128xf32, #tpu.memory_space<hbm>>
      %dma_start3A_52 = tpu.memref_squeeze %dma_start3A_51 : memref<1x624x128xf32, #tpu.memory_space<hbm>> -> memref<624x128xf32, #tpu.memory_space<hbm>>
      %dma_start3A_53 = arith.constant 0 : i32
      %dma_start3A_54 = tpu.memref_slice %arg14[%mul3A_15, %dma_start3A_53] : memref<10000x128xf32, #tpu.memory_space<vmem_shared>> -> memref<624x128xf32, #tpu.memory_space<vmem_shared>>
      tpu.enqueue_dma source(%dma_start3A_54 : memref<624x128xf32, #tpu.memory_space<vmem_shared>>) target(%dma_start3A_52 : memref<624x128xf32, #tpu.memory_space<hbm>>) target_semaphore(%run_scoped3A : memref<!tpu.dma_semaphore, #tpu.memory_space<semaphore_mem>>)
      %dma_wait3A = arith.constant 0 : i32
      %dma_wait3A_55 = tpu.memref_slice %arg6[%arg0, %mul3A_15, %dma_wait3A] : memref<2x10000x128xf32, #tpu.memory_space<hbm>> -> memref<1x624x128xf32, #tpu.memory_space<hbm>>
      %dma_wait3A_56 = tpu.memref_squeeze %dma_wait3A_55 : memref<1x624x128xf32, #tpu.memory_space<hbm>> -> memref<624x128xf32, #tpu.memory_space<hbm>>
      %dma_wait3A_57 = arith.constant 0 : i32
      %dma_wait3A_58 = tpu.memref_slice %arg14[%mul3A_15, %dma_wait3A_57] : memref<10000x128xf32, #tpu.memory_space<vmem_shared>> -> memref<624x128xf32, #tpu.memory_space<vmem_shared>>
      tpu.wait_dma2 semaphore(%run_scoped3A : memref<!tpu.dma_semaphore, #tpu.memory_space<semaphore_mem>>) src(%dma_wait3A_58 : memref<624x128xf32, #tpu.memory_space<vmem_shared>>) dst(%dma_wait3A_56 : memref<624x128xf32, #tpu.memory_space<hbm>>)
      tpu.yield
    }) : () -> ()
    "tpu.region"() ({
      %run_scoped3A = tpu.sem_alloc : memref<!tpu.dma_semaphore, #tpu.memory_space<semaphore_mem>>
      %dma_start3A = arith.constant 0 : i32
      %dma_start3A_51 = tpu.memref_slice %arg7[%arg0, %mul3A_15, %dma_start3A] : memref<2x10000x16xf32, #tpu.memory_space<hbm>> -> memref<1x624x16xf32, #tpu.memory_space<hbm>>
      %dma_start3A_52 = tpu.memref_squeeze %dma_start3A_51 : memref<1x624x16xf32, #tpu.memory_space<hbm>> -> memref<624x16xf32, #tpu.memory_space<hbm>>
      %dma_start3A_53 = arith.constant 0 : i32
      %dma_start3A_54 = tpu.memref_slice %arg15[%mul3A_15, %dma_start3A_53] : memref<10000x16xf32, #tpu.memory_space<vmem_shared>> -> memref<624x16xf32, #tpu.memory_space<vmem_shared>>
      tpu.enqueue_dma source(%dma_start3A_54 : memref<624x16xf32, #tpu.memory_space<vmem_shared>>) target(%dma_start3A_52 : memref<624x16xf32, #tpu.memory_space<hbm>>) target_semaphore(%run_scoped3A : memref<!tpu.dma_semaphore, #tpu.memory_space<semaphore_mem>>)
      %dma_wait3A = arith.constant 0 : i32
      %dma_wait3A_55 = tpu.memref_slice %arg7[%arg0, %mul3A_15, %dma_wait3A] : memref<2x10000x16xf32, #tpu.memory_space<hbm>> -> memref<1x624x16xf32, #tpu.memory_space<hbm>>
      %dma_wait3A_56 = tpu.memref_squeeze %dma_wait3A_55 : memref<1x624x16xf32, #tpu.memory_space<hbm>> -> memref<624x16xf32, #tpu.memory_space<hbm>>
      %dma_wait3A_57 = arith.constant 0 : i32
      %dma_wait3A_58 = tpu.memref_slice %arg15[%mul3A_15, %dma_wait3A_57] : memref<10000x16xf32, #tpu.memory_space<vmem_shared>> -> memref<624x16xf32, #tpu.memory_space<vmem_shared>>
      tpu.wait_dma2 semaphore(%run_scoped3A : memref<!tpu.dma_semaphore, #tpu.memory_space<semaphore_mem>>) src(%dma_wait3A_58 : memref<624x16xf32, #tpu.memory_space<vmem_shared>>) dst(%dma_wait3A_56 : memref<624x16xf32, #tpu.memory_space<hbm>>)
      tpu.yield
    }) : () -> ()
    %eq3A_46 = arith.constant 15 : i32
    %eq3A_47 = arith.cmpi eq, %arg1, %eq3A_46 : i32
    %convert_element_type3A_48 = arith.extui %eq3A_47 : i1 to i32
    %cond3A_49 = arith.constant 0 : i32
    %cond3A_50 = arith.cmpi ne, %convert_element_type3A_48, %cond3A_49 : i32
    scf.if %cond3A_50 {
      "tpu.region"() ({
        %run_scoped3A = tpu.sem_alloc : memref<!tpu.dma_semaphore, #tpu.memory_space<semaphore_mem>>
        %dma_start3A = arith.constant 9984 : i32
        %dma_start3A_51 = arith.constant 0 : i32
        %dma_start3A_52 = tpu.memref_slice %arg6[%arg0, %dma_start3A, %dma_start3A_51] : memref<2x10000x128xf32, #tpu.memory_space<hbm>> -> memref<1x16x128xf32, #tpu.memory_space<hbm>>
        %dma_start3A_53 = tpu.memref_squeeze %dma_start3A_52 : memref<1x16x128xf32, #tpu.memory_space<hbm>> -> memref<16x128xf32, #tpu.memory_space<hbm>>
        %dma_start3A_54 = arith.constant 9984 : i32
        %dma_start3A_55 = arith.constant 0 : i32
        %dma_start3A_56 = tpu.memref_slice %arg14[%dma_start3A_54, %dma_start3A_55] : memref<10000x128xf32, #tpu.memory_space<vmem_shared>> -> memref<16x128xf32, #tpu.memory_space<vmem_shared>>
        tpu.enqueue_dma source(%dma_start3A_56 : memref<16x128xf32, #tpu.memory_space<vmem_shared>>) target(%dma_start3A_53 : memref<16x128xf32, #tpu.memory_space<hbm>>) target_semaphore(%run_scoped3A : memref<!tpu.dma_semaphore, #tpu.memory_space<semaphore_mem>>)
        %dma_wait3A = arith.constant 9984 : i32
        %dma_wait3A_57 = arith.constant 0 : i32
        %dma_wait3A_58 = tpu.memref_slice %arg6[%arg0, %dma_wait3A, %dma_wait3A_57] : memref<2x10000x128xf32, #tpu.memory_space<hbm>> -> memref<1x16x128xf32, #tpu.memory_space<hbm>>
        %dma_wait3A_59 = tpu.memref_squeeze %dma_wait3A_58 : memref<1x16x128xf32, #tpu.memory_space<hbm>> -> memref<16x128xf32, #tpu.memory_space<hbm>>
        %dma_wait3A_60 = arith.constant 9984 : i32
        %dma_wait3A_61 = arith.constant 0 : i32
        %dma_wait3A_62 = tpu.memref_slice %arg14[%dma_wait3A_60, %dma_wait3A_61] : memref<10000x128xf32, #tpu.memory_space<vmem_shared>> -> memref<16x128xf32, #tpu.memory_space<vmem_shared>>
        tpu.wait_dma2 semaphore(%run_scoped3A : memref<!tpu.dma_semaphore, #tpu.memory_space<semaphore_mem>>) src(%dma_wait3A_62 : memref<16x128xf32, #tpu.memory_space<vmem_shared>>) dst(%dma_wait3A_59 : memref<16x128xf32, #tpu.memory_space<hbm>>)
        tpu.yield
      }) : () -> ()
      "tpu.region"() ({
        %run_scoped3A = tpu.sem_alloc : memref<!tpu.dma_semaphore, #tpu.memory_space<semaphore_mem>>
        %dma_start3A = arith.constant 9984 : i32
        %dma_start3A_51 = arith.constant 0 : i32
        %dma_start3A_52 = tpu.memref_slice %arg7[%arg0, %dma_start3A, %dma_start3A_51] : memref<2x10000x16xf32, #tpu.memory_space<hbm>> -> memref<1x16x16xf32, #tpu.memory_space<hbm>>
        %dma_start3A_53 = tpu.memref_squeeze %dma_start3A_52 : memref<1x16x16xf32, #tpu.memory_space<hbm>> -> memref<16x16xf32, #tpu.memory_space<hbm>>
        %dma_start3A_54 = arith.constant 9984 : i32
        %dma_start3A_55 = arith.constant 0 : i32
        %dma_start3A_56 = tpu.memref_slice %arg15[%dma_start3A_54, %dma_start3A_55] : memref<10000x16xf32, #tpu.memory_space<vmem_shared>> -> memref<16x16xf32, #tpu.memory_space<vmem_shared>>
        tpu.enqueue_dma source(%dma_start3A_56 : memref<16x16xf32, #tpu.memory_space<vmem_shared>>) target(%dma_start3A_53 : memref<16x16xf32, #tpu.memory_space<hbm>>) target_semaphore(%run_scoped3A : memref<!tpu.dma_semaphore, #tpu.memory_space<semaphore_mem>>)
        %dma_wait3A = arith.constant 9984 : i32
        %dma_wait3A_57 = arith.constant 0 : i32
        %dma_wait3A_58 = tpu.memref_slice %arg7[%arg0, %dma_wait3A, %dma_wait3A_57] : memref<2x10000x16xf32, #tpu.memory_space<hbm>> -> memref<1x16x16xf32, #tpu.memory_space<hbm>>
        %dma_wait3A_59 = tpu.memref_squeeze %dma_wait3A_58 : memref<1x16x16xf32, #tpu.memory_space<hbm>> -> memref<16x16xf32, #tpu.memory_space<hbm>>
        %dma_wait3A_60 = arith.constant 9984 : i32
        %dma_wait3A_61 = arith.constant 0 : i32
        %dma_wait3A_62 = tpu.memref_slice %arg15[%dma_wait3A_60, %dma_wait3A_61] : memref<10000x16xf32, #tpu.memory_space<vmem_shared>> -> memref<16x16xf32, #tpu.memory_space<vmem_shared>>
        tpu.wait_dma2 semaphore(%run_scoped3A : memref<!tpu.dma_semaphore, #tpu.memory_space<semaphore_mem>>) src(%dma_wait3A_62 : memref<16x16xf32, #tpu.memory_space<vmem_shared>>) dst(%dma_wait3A_59 : memref<16x16xf32, #tpu.memory_space<hbm>>)
        tpu.yield
      }) : () -> ()
    } else {
    }
    return
  }
}

#map = affine_map<(d0, d1) -> (0, 0)>
#map1 = affine_map<(d0, d1) -> (0)>
#map2 = affine_map<(d0, d1) -> (0, 0, 0)>
module attributes {stable_mosaic.version = 14 : i64} {
  func.func @_sc_edge_pass(%arg0: i32, %arg1: i32, %arg2: memref<10000x128xf32, #tpu.memory_space<hbm>>, %arg3: memref<10000x16xf32, #tpu.memory_space<hbm>>, %arg4: memref<331776xi32, #tpu.memory_space<hbm>>, %arg5: memref<331776xi32, #tpu.memory_space<hbm>>, %arg6: memref<2x10000x128xf32, #tpu.memory_space<hbm>>, %arg7: memref<2x10000x16xf32, #tpu.memory_space<hbm>>, %arg8: memref<1x128xi32, #tpu.memory_space<vmem>>, %arg9: memref<1x128xi32, #tpu.memory_space<vmem>>, %arg10: memref<128x128xf32, #tpu.memory_space<vmem>>, %arg11: memref<128x16xf32, #tpu.memory_space<vmem>>, %arg12: memref<128x16xf32, #tpu.memory_space<vmem>>, %arg13: memref<128x16xf32, #tpu.memory_space<vmem>>, %arg14: memref<10000x128xf32, #tpu.memory_space<vmem_shared>>, %arg15: memref<10000x16xf32, #tpu.memory_space<vmem_shared>>, %arg16: memref<!tpu.dma_semaphore, #tpu.memory_space<semaphore_mem>>, %arg17: memref<!tpu.dma_semaphore, #tpu.memory_space<semaphore_mem>>) attributes {dimension_semantics = [#tpu.dimension_semantics<core_parallel>, #tpu.dimension_semantics<subcore_parallel>], iteration_bounds = array<i64: 2, 16>, scalar_prefetch = 0 : i64, scratch_operands = 10 : i64, tpu.core_type = #tpu.core_type<sc_vector_subcore>, window_params = [{transform_indices = #map}, {transform_indices = #map}, {transform_indices = #map1}, {transform_indices = #map1}, {transform_indices = #map2}, {transform_indices = #map2}]} {
    %mul3A = arith.constant 2 : i32
    %mul3A_0 = arith.muli %arg1, %mul3A : i32
    %add3A = arith.addi %mul3A_0, %arg0 : i32
    %broadcast_in_dim3A = arith.constant 0.000000e+00 : f32
    %broadcast_in_dim3A_1 = vector.broadcast %broadcast_in_dim3A : f32 to vector<16xf32>
    %iota3A = tpu.iota {dimensions = array<i32: 0>} : vector<16xi32>
    %broadcast_in_dim3A_2 = arith.constant 0 : i32
    %broadcast_in_dim3A_3 = vector.broadcast %broadcast_in_dim3A_2 : i32 to vector<16xi32>
    %broadcast_in_dim3A_4 = arith.constant 1 : i32
    %broadcast_in_dim3A_5 = vector.broadcast %broadcast_in_dim3A_4 : i32 to vector<16xi32>
    %broadcast_in_dim3A_6 = arith.constant 2 : i32
    %broadcast_in_dim3A_7 = vector.broadcast %broadcast_in_dim3A_6 : i32 to vector<16xi32>
    %broadcast_in_dim3A_8 = arith.constant 3 : i32
    %broadcast_in_dim3A_9 = vector.broadcast %broadcast_in_dim3A_8 : i32 to vector<16xi32>
    %scan3A = arith.constant 0 : i32
    %scan3A_10 = arith.constant 128 : i32
    %scan3A_11 = arith.addi %scan3A, %scan3A_10 : i32
    %scan3A_12 = arith.constant 1 : i32
    scf.for %scan3A_51 = %scan3A to %scan3A_11 step %scan3A_12  : i32 {
      %mul3A_52 = arith.constant 1 : i32
      %mul3A_53 = arith.muli %scan3A_51, %mul3A_52 : i32
      %add3A_54 = arith.constant 0 : i32
      %add3A_55 = arith.addi %add3A_54, %mul3A_53 : i32
      %swap3A = arith.index_cast %add3A_55 : i32 to index
      %swap3A_56 = arith.constant 0 : index
      %swap3A_57 = tpu.vector_load %arg10[%swap3A, %swap3A_56] {strides = array<i32>} : memref<128x128xf32, #tpu.memory_space<vmem>>, vector<16xf32>,
      tpu.vector_store %arg10[%swap3A, %swap3A_56], %broadcast_in_dim3A_1 {strides = array<i32>} : memref<128x128xf32, #tpu.memory_space<vmem>>, vector<16xf32>,
      %swap3A_58 = arith.index_cast %add3A_55 : i32 to index
      %swap3A_59 = arith.constant 16 : index
      %swap3A_60 = tpu.vector_load %arg10[%swap3A_58, %swap3A_59] {strides = array<i32>} : memref<128x128xf32, #tpu.memory_space<vmem>>, vector<16xf32>,
      tpu.vector_store %arg10[%swap3A_58, %swap3A_59], %broadcast_in_dim3A_1 {strides = array<i32>} : memref<128x128xf32, #tpu.memory_space<vmem>>, vector<16xf32>,
      %swap3A_61 = arith.index_cast %add3A_55 : i32 to index
      %swap3A_62 = arith.constant 32 : index
      %swap3A_63 = tpu.vector_load %arg10[%swap3A_61, %swap3A_62] {strides = array<i32>} : memref<128x128xf32, #tpu.memory_space<vmem>>, vector<16xf32>,
      tpu.vector_store %arg10[%swap3A_61, %swap3A_62], %broadcast_in_dim3A_1 {strides = array<i32>} : memref<128x128xf32, #tpu.memory_space<vmem>>, vector<16xf32>,
      %swap3A_64 = arith.index_cast %add3A_55 : i32 to index
      %swap3A_65 = arith.constant 48 : index
      %swap3A_66 = tpu.vector_load %arg10[%swap3A_64, %swap3A_65] {strides = array<i32>} : memref<128x128xf32, #tpu.memory_space<vmem>>, vector<16xf32>,
      tpu.vector_store %arg10[%swap3A_64, %swap3A_65], %broadcast_in_dim3A_1 {strides = array<i32>} : memref<128x128xf32, #tpu.memory_space<vmem>>, vector<16xf32>,
      %swap3A_67 = arith.index_cast %add3A_55 : i32 to index
      %swap3A_68 = arith.constant 64 : index
      %swap3A_69 = tpu.vector_load %arg10[%swap3A_67, %swap3A_68] {strides = array<i32>} : memref<128x128xf32, #tpu.memory_space<vmem>>, vector<16xf32>,
      tpu.vector_store %arg10[%swap3A_67, %swap3A_68], %broadcast_in_dim3A_1 {strides = array<i32>} : memref<128x128xf32, #tpu.memory_space<vmem>>, vector<16xf32>,
      %swap3A_70 = arith.index_cast %add3A_55 : i32 to index
      %swap3A_71 = arith.constant 80 : index
      %swap3A_72 = tpu.vector_load %arg10[%swap3A_70, %swap3A_71] {strides = array<i32>} : memref<128x128xf32, #tpu.memory_space<vmem>>, vector<16xf32>,
      tpu.vector_store %arg10[%swap3A_70, %swap3A_71], %broadcast_in_dim3A_1 {strides = array<i32>} : memref<128x128xf32, #tpu.memory_space<vmem>>, vector<16xf32>,
      %swap3A_73 = arith.index_cast %add3A_55 : i32 to index
      %swap3A_74 = arith.constant 96 : index
      %swap3A_75 = tpu.vector_load %arg10[%swap3A_73, %swap3A_74] {strides = array<i32>} : memref<128x128xf32, #tpu.memory_space<vmem>>, vector<16xf32>,
      tpu.vector_store %arg10[%swap3A_73, %swap3A_74], %broadcast_in_dim3A_1 {strides = array<i32>} : memref<128x128xf32, #tpu.memory_space<vmem>>, vector<16xf32>,
      %swap3A_76 = arith.index_cast %add3A_55 : i32 to index
      %swap3A_77 = arith.constant 112 : index
      %swap3A_78 = tpu.vector_load %arg10[%swap3A_76, %swap3A_77] {strides = array<i32>} : memref<128x128xf32, #tpu.memory_space<vmem>>, vector<16xf32>,
      tpu.vector_store %arg10[%swap3A_76, %swap3A_77], %broadcast_in_dim3A_1 {strides = array<i32>} : memref<128x128xf32, #tpu.memory_space<vmem>>, vector<16xf32>,
      %swap3A_79 = arith.index_cast %add3A_55 : i32 to index
      %swap3A_80 = arith.constant 0 : index
      %swap3A_81 = tpu.vector_load %arg11[%swap3A_79, %swap3A_80] {strides = array<i32>} : memref<128x16xf32, #tpu.memory_space<vmem>>, vector<16xf32>,
      tpu.vector_store %arg11[%swap3A_79, %swap3A_80], %broadcast_in_dim3A_1 {strides = array<i32>} : memref<128x16xf32, #tpu.memory_space<vmem>>, vector<16xf32>,
    }
    %scan3A_13 = arith.constant 128 : i32
    %mul3A_14 = arith.constant 624 : i32
    %mul3A_15 = arith.muli %arg1, %mul3A_14 : i32
    %add3A_16 = arith.constant 0 : i32
    %add3A_17 = arith.addi %mul3A_15, %add3A_16 : i32
    "tpu.region"() ({
      %run_scoped3A = tpu.sem_alloc : memref<!tpu.dma_semaphore, #tpu.memory_space<semaphore_mem>>
      %dma_start3A = arith.constant 0 : i32
      %dma_start3A_51 = arith.constant 0 : i32
      %dma_start3A_52 = tpu.memref_slice %arg10[%dma_start3A, %dma_start3A_51] : memref<128x128xf32, #tpu.memory_space<vmem>> -> memref<128x128xf32, #tpu.memory_space<vmem>>
      %dma_start3A_53 = arith.constant 0 : i32
      %dma_start3A_54 = tpu.memref_slice %arg14[%add3A_17, %dma_start3A_53] : memref<10000x128xf32, #tpu.memory_space<vmem_shared>> -> memref<128x128xf32, #tpu.memory_space<vmem_shared>>
      %dma_start3A_55 = arith.constant 0 : i32
      %dma_start3A_56 = tpu.memref_slice %arg14[%add3A_17, %dma_start3A_55] : memref<10000x128xf32, #tpu.memory_space<vmem_shared>> -> memref<128x128xf32, #tpu.memory_space<vmem_shared>>
      %dma_start3A_57 = arith.constant 0 : i32
      %dma_start3A_58 = arith.constant 0 : i32
      %dma_start3A_59 = tpu.memref_slice %arg10[%dma_start3A_57, %dma_start3A_58] : memref<128x128xf32, #tpu.memory_space<vmem>> -> memref<128x128xf32, #tpu.memory_space<vmem>>
      tpu.enqueue_dma source(%dma_start3A_59 : memref<128x128xf32, #tpu.memory_space<vmem>>) target(%dma_start3A_56 : memref<128x128xf32, #tpu.memory_space<vmem_shared>>) target_semaphore(%run_scoped3A : memref<!tpu.dma_semaphore, #tpu.memory_space<semaphore_mem>>)
      %dma_wait3A = arith.constant 0 : i32
      %dma_wait3A_60 = arith.constant 0 : i32
      %dma_wait3A_61 = tpu.memref_slice %arg10[%dma_wait3A, %dma_wait3A_60] : memref<128x128xf32, #tpu.memory_space<vmem>> -> memref<128x128xf32, #tpu.memory_space<vmem>>
      %dma_wait3A_62 = arith.constant 0 : i32
      %dma_wait3A_63 = tpu.memref_slice %arg14[%add3A_17, %dma_wait3A_62] : memref<10000x128xf32, #tpu.memory_space<vmem_shared>> -> memref<128x128xf32, #tpu.memory_space<vmem_shared>>
      %dma_wait3A_64 = arith.constant 0 : i32
      %dma_wait3A_65 = tpu.memref_slice %arg14[%add3A_17, %dma_wait3A_64] : memref<10000x128xf32, #tpu.memory_space<vmem_shared>> -> memref<128x128xf32, #tpu.memory_space<vmem_shared>>
      %dma_wait3A_66 = arith.constant 0 : i32
      %dma_wait3A_67 = arith.constant 0 : i32
      %dma_wait3A_68 = tpu.memref_slice %arg10[%dma_wait3A_66, %dma_wait3A_67] : memref<128x128xf32, #tpu.memory_space<vmem>> -> memref<128x128xf32, #tpu.memory_space<vmem>>
      tpu.wait_dma2 semaphore(%run_scoped3A : memref<!tpu.dma_semaphore, #tpu.memory_space<semaphore_mem>>) src(%dma_wait3A_68 : memref<128x128xf32, #tpu.memory_space<vmem>>) dst(%dma_wait3A_65 : memref<128x128xf32, #tpu.memory_space<vmem_shared>>)
      tpu.yield
    }) : () -> ()
    %add3A_18 = arith.constant 0 : i32
    %add3A_19 = arith.addi %mul3A_15, %add3A_18 : i32
    "tpu.region"() ({
      %run_scoped3A = tpu.sem_alloc : memref<!tpu.dma_semaphore, #tpu.memory_space<semaphore_mem>>
      %dma_start3A = arith.constant 0 : i32
      %dma_start3A_51 = arith.constant 0 : i32
      %dma_start3A_52 = tpu.memref_slice %arg11[%dma_start3A, %dma_start3A_51] : memref<128x16xf32, #tpu.memory_space<vmem>> -> memref<128x16xf32, #tpu.memory_space<vmem>>
      %dma_start3A_53 = arith.constant 0 : i32
      %dma_start3A_54 = tpu.memref_slice %arg15[%add3A_19, %dma_start3A_53] : memref<10000x16xf32, #tpu.memory_space<vmem_shared>> -> memref<128x16xf32, #tpu.memory_space<vmem_shared>>
      %dma_start3A_55 = arith.constant 0 : i32
      %dma_start3A_56 = tpu.memref_slice %arg15[%add3A_19, %dma_start3A_55] : memref<10000x16xf32, #tpu.memory_space<vmem_shared>> -> memref<128x16xf32, #tpu.memory_space<vmem_shared>>
      %dma_start3A_57 = arith.constant 0 : i32
      %dma_start3A_58 = arith.constant 0 : i32
      %dma_start3A_59 = tpu.memref_slice %arg11[%dma_start3A_57, %dma_start3A_58] : memref<128x16xf32, #tpu.memory_space<vmem>> -> memref<128x16xf32, #tpu.memory_space<vmem>>
      tpu.enqueue_dma source(%dma_start3A_59 : memref<128x16xf32, #tpu.memory_space<vmem>>) target(%dma_start3A_56 : memref<128x16xf32, #tpu.memory_space<vmem_shared>>) target_semaphore(%run_scoped3A : memref<!tpu.dma_semaphore, #tpu.memory_space<semaphore_mem>>)
      %dma_wait3A = arith.constant 0 : i32
      %dma_wait3A_60 = arith.constant 0 : i32
      %dma_wait3A_61 = tpu.memref_slice %arg11[%dma_wait3A, %dma_wait3A_60] : memref<128x16xf32, #tpu.memory_space<vmem>> -> memref<128x16xf32, #tpu.memory_space<vmem>>
      %dma_wait3A_62 = arith.constant 0 : i32
      %dma_wait3A_63 = tpu.memref_slice %arg15[%add3A_19, %dma_wait3A_62] : memref<10000x16xf32, #tpu.memory_space<vmem_shared>> -> memref<128x16xf32, #tpu.memory_space<vmem_shared>>
      %dma_wait3A_64 = arith.constant 0 : i32
      %dma_wait3A_65 = tpu.memref_slice %arg15[%add3A_19, %dma_wait3A_64] : memref<10000x16xf32, #tpu.memory_space<vmem_shared>> -> memref<128x16xf32, #tpu.memory_space<vmem_shared>>
      %dma_wait3A_66 = arith.constant 0 : i32
      %dma_wait3A_67 = arith.constant 0 : i32
      %dma_wait3A_68 = tpu.memref_slice %arg11[%dma_wait3A_66, %dma_wait3A_67] : memref<128x16xf32, #tpu.memory_space<vmem>> -> memref<128x16xf32, #tpu.memory_space<vmem>>
      tpu.wait_dma2 semaphore(%run_scoped3A : memref<!tpu.dma_semaphore, #tpu.memory_space<semaphore_mem>>) src(%dma_wait3A_68 : memref<128x16xf32, #tpu.memory_space<vmem>>) dst(%dma_wait3A_65 : memref<128x16xf32, #tpu.memory_space<vmem_shared>>)
      tpu.yield
    }) : () -> ()
    %add3A_20 = arith.constant 128 : i32
    %add3A_21 = arith.addi %mul3A_15, %add3A_20 : i32
    "tpu.region"() ({
      %run_scoped3A = tpu.sem_alloc : memref<!tpu.dma_semaphore, #tpu.memory_space<semaphore_mem>>
      %dma_start3A = arith.constant 0 : i32
      %dma_start3A_51 = arith.constant 0 : i32
      %dma_start3A_52 = tpu.memref_slice %arg10[%dma_start3A, %dma_start3A_51] : memref<128x128xf32, #tpu.memory_space<vmem>> -> memref<128x128xf32, #tpu.memory_space<vmem>>
      %dma_start3A_53 = arith.constant 0 : i32
      %dma_start3A_54 = tpu.memref_slice %arg14[%add3A_21, %dma_start3A_53] : memref<10000x128xf32, #tpu.memory_space<vmem_shared>> -> memref<128x128xf32, #tpu.memory_space<vmem_shared>>
      %dma_start3A_55 = arith.constant 0 : i32
      %dma_start3A_56 = tpu.memref_slice %arg14[%add3A_21, %dma_start3A_55] : memref<10000x128xf32, #tpu.memory_space<vmem_shared>> -> memref<128x128xf32, #tpu.memory_space<vmem_shared>>
      %dma_start3A_57 = arith.constant 0 : i32
      %dma_start3A_58 = arith.constant 0 : i32
      %dma_start3A_59 = tpu.memref_slice %arg10[%dma_start3A_57, %dma_start3A_58] : memref<128x128xf32, #tpu.memory_space<vmem>> -> memref<128x128xf32, #tpu.memory_space<vmem>>
      tpu.enqueue_dma source(%dma_start3A_59 : memref<128x128xf32, #tpu.memory_space<vmem>>) target(%dma_start3A_56 : memref<128x128xf32, #tpu.memory_space<vmem_shared>>) target_semaphore(%run_scoped3A : memref<!tpu.dma_semaphore, #tpu.memory_space<semaphore_mem>>)
      %dma_wait3A = arith.constant 0 : i32
      %dma_wait3A_60 = arith.constant 0 : i32
      %dma_wait3A_61 = tpu.memref_slice %arg10[%dma_wait3A, %dma_wait3A_60] : memref<128x128xf32, #tpu.memory_space<vmem>> -> memref<128x128xf32, #tpu.memory_space<vmem>>
      %dma_wait3A_62 = arith.constant 0 : i32
      %dma_wait3A_63 = tpu.memref_slice %arg14[%add3A_21, %dma_wait3A_62] : memref<10000x128xf32, #tpu.memory_space<vmem_shared>> -> memref<128x128xf32, #tpu.memory_space<vmem_shared>>
      %dma_wait3A_64 = arith.constant 0 : i32
      %dma_wait3A_65 = tpu.memref_slice %arg14[%add3A_21, %dma_wait3A_64] : memref<10000x128xf32, #tpu.memory_space<vmem_shared>> -> memref<128x128xf32, #tpu.memory_space<vmem_shared>>
      %dma_wait3A_66 = arith.constant 0 : i32
      %dma_wait3A_67 = arith.constant 0 : i32
      %dma_wait3A_68 = tpu.memref_slice %arg10[%dma_wait3A_66, %dma_wait3A_67] : memref<128x128xf32, #tpu.memory_space<vmem>> -> memref<128x128xf32, #tpu.memory_space<vmem>>
      tpu.wait_dma2 semaphore(%run_scoped3A : memref<!tpu.dma_semaphore, #tpu.memory_space<semaphore_mem>>) src(%dma_wait3A_68 : memref<128x128xf32, #tpu.memory_space<vmem>>) dst(%dma_wait3A_65 : memref<128x128xf32, #tpu.memory_space<vmem_shared>>)
      tpu.yield
    }) : () -> ()
    %add3A_22 = arith.constant 128 : i32
    %add3A_23 = arith.addi %mul3A_15, %add3A_22 : i32
    "tpu.region"() ({
      %run_scoped3A = tpu.sem_alloc : memref<!tpu.dma_semaphore, #tpu.memory_space<semaphore_mem>>
      %dma_start3A = arith.constant 0 : i32
      %dma_start3A_51 = arith.constant 0 : i32
      %dma_start3A_52 = tpu.memref_slice %arg11[%dma_start3A, %dma_start3A_51] : memref<128x16xf32, #tpu.memory_space<vmem>> -> memref<128x16xf32, #tpu.memory_space<vmem>>
      %dma_start3A_53 = arith.constant 0 : i32
      %dma_start3A_54 = tpu.memref_slice %arg15[%add3A_23, %dma_start3A_53] : memref<10000x16xf32, #tpu.memory_space<vmem_shared>> -> memref<128x16xf32, #tpu.memory_space<vmem_shared>>
      %dma_start3A_55 = arith.constant 0 : i32
      %dma_start3A_56 = tpu.memref_slice %arg15[%add3A_23, %dma_start3A_55] : memref<10000x16xf32, #tpu.memory_space<vmem_shared>> -> memref<128x16xf32, #tpu.memory_space<vmem_shared>>
      %dma_start3A_57 = arith.constant 0 : i32
      %dma_start3A_58 = arith.constant 0 : i32
      %dma_start3A_59 = tpu.memref_slice %arg11[%dma_start3A_57, %dma_start3A_58] : memref<128x16xf32, #tpu.memory_space<vmem>> -> memref<128x16xf32, #tpu.memory_space<vmem>>
      tpu.enqueue_dma source(%dma_start3A_59 : memref<128x16xf32, #tpu.memory_space<vmem>>) target(%dma_start3A_56 : memref<128x16xf32, #tpu.memory_space<vmem_shared>>) target_semaphore(%run_scoped3A : memref<!tpu.dma_semaphore, #tpu.memory_space<semaphore_mem>>)
      %dma_wait3A = arith.constant 0 : i32
      %dma_wait3A_60 = arith.constant 0 : i32
      %dma_wait3A_61 = tpu.memref_slice %arg11[%dma_wait3A, %dma_wait3A_60] : memref<128x16xf32, #tpu.memory_space<vmem>> -> memref<128x16xf32, #tpu.memory_space<vmem>>
      %dma_wait3A_62 = arith.constant 0 : i32
      %dma_wait3A_63 = tpu.memref_slice %arg15[%add3A_23, %dma_wait3A_62] : memref<10000x16xf32, #tpu.memory_space<vmem_shared>> -> memref<128x16xf32, #tpu.memory_space<vmem_shared>>
      %dma_wait3A_64 = arith.constant 0 : i32
      %dma_wait3A_65 = tpu.memref_slice %arg15[%add3A_23, %dma_wait3A_64] : memref<10000x16xf32, #tpu.memory_space<vmem_shared>> -> memref<128x16xf32, #tpu.memory_space<vmem_shared>>
      %dma_wait3A_66 = arith.constant 0 : i32
      %dma_wait3A_67 = arith.constant 0 : i32
      %dma_wait3A_68 = tpu.memref_slice %arg11[%dma_wait3A_66, %dma_wait3A_67] : memref<128x16xf32, #tpu.memory_space<vmem>> -> memref<128x16xf32, #tpu.memory_space<vmem>>
      tpu.wait_dma2 semaphore(%run_scoped3A : memref<!tpu.dma_semaphore, #tpu.memory_space<semaphore_mem>>) src(%dma_wait3A_68 : memref<128x16xf32, #tpu.memory_space<vmem>>) dst(%dma_wait3A_65 : memref<128x16xf32, #tpu.memory_space<vmem_shared>>)
      tpu.yield
    }) : () -> ()
    %add3A_24 = arith.constant 256 : i32
    %add3A_25 = arith.addi %mul3A_15, %add3A_24 : i32
    "tpu.region"() ({
      %run_scoped3A = tpu.sem_alloc : memref<!tpu.dma_semaphore, #tpu.memory_space<semaphore_mem>>
      %dma_start3A = arith.constant 0 : i32
      %dma_start3A_51 = arith.constant 0 : i32
      %dma_start3A_52 = tpu.memref_slice %arg10[%dma_start3A, %dma_start3A_51] : memref<128x128xf32, #tpu.memory_space<vmem>> -> memref<128x128xf32, #tpu.memory_space<vmem>>
      %dma_start3A_53 = arith.constant 0 : i32
      %dma_start3A_54 = tpu.memref_slice %arg14[%add3A_25, %dma_start3A_53] : memref<10000x128xf32, #tpu.memory_space<vmem_shared>> -> memref<128x128xf32, #tpu.memory_space<vmem_shared>>
      %dma_start3A_55 = arith.constant 0 : i32
      %dma_start3A_56 = tpu.memref_slice %arg14[%add3A_25, %dma_start3A_55] : memref<10000x128xf32, #tpu.memory_space<vmem_shared>> -> memref<128x128xf32, #tpu.memory_space<vmem_shared>>
      %dma_start3A_57 = arith.constant 0 : i32
      %dma_start3A_58 = arith.constant 0 : i32
      %dma_start3A_59 = tpu.memref_slice %arg10[%dma_start3A_57, %dma_start3A_58] : memref<128x128xf32, #tpu.memory_space<vmem>> -> memref<128x128xf32, #tpu.memory_space<vmem>>
      tpu.enqueue_dma source(%dma_start3A_59 : memref<128x128xf32, #tpu.memory_space<vmem>>) target(%dma_start3A_56 : memref<128x128xf32, #tpu.memory_space<vmem_shared>>) target_semaphore(%run_scoped3A : memref<!tpu.dma_semaphore, #tpu.memory_space<semaphore_mem>>)
      %dma_wait3A = arith.constant 0 : i32
      %dma_wait3A_60 = arith.constant 0 : i32
      %dma_wait3A_61 = tpu.memref_slice %arg10[%dma_wait3A, %dma_wait3A_60] : memref<128x128xf32, #tpu.memory_space<vmem>> -> memref<128x128xf32, #tpu.memory_space<vmem>>
      %dma_wait3A_62 = arith.constant 0 : i32
      %dma_wait3A_63 = tpu.memref_slice %arg14[%add3A_25, %dma_wait3A_62] : memref<10000x128xf32, #tpu.memory_space<vmem_shared>> -> memref<128x128xf32, #tpu.memory_space<vmem_shared>>
      %dma_wait3A_64 = arith.constant 0 : i32
      %dma_wait3A_65 = tpu.memref_slice %arg14[%add3A_25, %dma_wait3A_64] : memref<10000x128xf32, #tpu.memory_space<vmem_shared>> -> memref<128x128xf32, #tpu.memory_space<vmem_shared>>
      %dma_wait3A_66 = arith.constant 0 : i32
      %dma_wait3A_67 = arith.constant 0 : i32
      %dma_wait3A_68 = tpu.memref_slice %arg10[%dma_wait3A_66, %dma_wait3A_67] : memref<128x128xf32, #tpu.memory_space<vmem>> -> memref<128x128xf32, #tpu.memory_space<vmem>>
      tpu.wait_dma2 semaphore(%run_scoped3A : memref<!tpu.dma_semaphore, #tpu.memory_space<semaphore_mem>>) src(%dma_wait3A_68 : memref<128x128xf32, #tpu.memory_space<vmem>>) dst(%dma_wait3A_65 : memref<128x128xf32, #tpu.memory_space<vmem_shared>>)
      tpu.yield
    }) : () -> ()
    %add3A_26 = arith.constant 256 : i32
    %add3A_27 = arith.addi %mul3A_15, %add3A_26 : i32
    "tpu.region"() ({
      %run_scoped3A = tpu.sem_alloc : memref<!tpu.dma_semaphore, #tpu.memory_space<semaphore_mem>>
      %dma_start3A = arith.constant 0 : i32
      %dma_start3A_51 = arith.constant 0 : i32
      %dma_start3A_52 = tpu.memref_slice %arg11[%dma_start3A, %dma_start3A_51] : memref<128x16xf32, #tpu.memory_space<vmem>> -> memref<128x16xf32, #tpu.memory_space<vmem>>
      %dma_start3A_53 = arith.constant 0 : i32
      %dma_start3A_54 = tpu.memref_slice %arg15[%add3A_27, %dma_start3A_53] : memref<10000x16xf32, #tpu.memory_space<vmem_shared>> -> memref<128x16xf32, #tpu.memory_space<vmem_shared>>
      %dma_start3A_55 = arith.constant 0 : i32
      %dma_start3A_56 = tpu.memref_slice %arg15[%add3A_27, %dma_start3A_55] : memref<10000x16xf32, #tpu.memory_space<vmem_shared>> -> memref<128x16xf32, #tpu.memory_space<vmem_shared>>
      %dma_start3A_57 = arith.constant 0 : i32
      %dma_start3A_58 = arith.constant 0 : i32
      %dma_start3A_59 = tpu.memref_slice %arg11[%dma_start3A_57, %dma_start3A_58] : memref<128x16xf32, #tpu.memory_space<vmem>> -> memref<128x16xf32, #tpu.memory_space<vmem>>
      tpu.enqueue_dma source(%dma_start3A_59 : memref<128x16xf32, #tpu.memory_space<vmem>>) target(%dma_start3A_56 : memref<128x16xf32, #tpu.memory_space<vmem_shared>>) target_semaphore(%run_scoped3A : memref<!tpu.dma_semaphore, #tpu.memory_space<semaphore_mem>>)
      %dma_wait3A = arith.constant 0 : i32
      %dma_wait3A_60 = arith.constant 0 : i32
      %dma_wait3A_61 = tpu.memref_slice %arg11[%dma_wait3A, %dma_wait3A_60] : memref<128x16xf32, #tpu.memory_space<vmem>> -> memref<128x16xf32, #tpu.memory_space<vmem>>
      %dma_wait3A_62 = arith.constant 0 : i32
      %dma_wait3A_63 = tpu.memref_slice %arg15[%add3A_27, %dma_wait3A_62] : memref<10000x16xf32, #tpu.memory_space<vmem_shared>> -> memref<128x16xf32, #tpu.memory_space<vmem_shared>>
      %dma_wait3A_64 = arith.constant 0 : i32
      %dma_wait3A_65 = tpu.memref_slice %arg15[%add3A_27, %dma_wait3A_64] : memref<10000x16xf32, #tpu.memory_space<vmem_shared>> -> memref<128x16xf32, #tpu.memory_space<vmem_shared>>
      %dma_wait3A_66 = arith.constant 0 : i32
      %dma_wait3A_67 = arith.constant 0 : i32
      %dma_wait3A_68 = tpu.memref_slice %arg11[%dma_wait3A_66, %dma_wait3A_67] : memref<128x16xf32, #tpu.memory_space<vmem>> -> memref<128x16xf32, #tpu.memory_space<vmem>>
      tpu.wait_dma2 semaphore(%run_scoped3A : memref<!tpu.dma_semaphore, #tpu.memory_space<semaphore_mem>>) src(%dma_wait3A_68 : memref<128x16xf32, #tpu.memory_space<vmem>>) dst(%dma_wait3A_65 : memref<128x16xf32, #tpu.memory_space<vmem_shared>>)
      tpu.yield
    }) : () -> ()
    %add3A_28 = arith.constant 384 : i32
    %add3A_29 = arith.addi %mul3A_15, %add3A_28 : i32
    "tpu.region"() ({
      %run_scoped3A = tpu.sem_alloc : memref<!tpu.dma_semaphore, #tpu.memory_space<semaphore_mem>>
      %dma_start3A = arith.constant 0 : i32
      %dma_start3A_51 = arith.constant 0 : i32
      %dma_start3A_52 = tpu.memref_slice %arg10[%dma_start3A, %dma_start3A_51] : memref<128x128xf32, #tpu.memory_space<vmem>> -> memref<128x128xf32, #tpu.memory_space<vmem>>
      %dma_start3A_53 = arith.constant 0 : i32
      %dma_start3A_54 = tpu.memref_slice %arg14[%add3A_29, %dma_start3A_53] : memref<10000x128xf32, #tpu.memory_space<vmem_shared>> -> memref<128x128xf32, #tpu.memory_space<vmem_shared>>
      %dma_start3A_55 = arith.constant 0 : i32
      %dma_start3A_56 = tpu.memref_slice %arg14[%add3A_29, %dma_start3A_55] : memref<10000x128xf32, #tpu.memory_space<vmem_shared>> -> memref<128x128xf32, #tpu.memory_space<vmem_shared>>
      %dma_start3A_57 = arith.constant 0 : i32
      %dma_start3A_58 = arith.constant 0 : i32
      %dma_start3A_59 = tpu.memref_slice %arg10[%dma_start3A_57, %dma_start3A_58] : memref<128x128xf32, #tpu.memory_space<vmem>> -> memref<128x128xf32, #tpu.memory_space<vmem>>
      tpu.enqueue_dma source(%dma_start3A_59 : memref<128x128xf32, #tpu.memory_space<vmem>>) target(%dma_start3A_56 : memref<128x128xf32, #tpu.memory_space<vmem_shared>>) target_semaphore(%run_scoped3A : memref<!tpu.dma_semaphore, #tpu.memory_space<semaphore_mem>>)
      %dma_wait3A = arith.constant 0 : i32
      %dma_wait3A_60 = arith.constant 0 : i32
      %dma_wait3A_61 = tpu.memref_slice %arg10[%dma_wait3A, %dma_wait3A_60] : memref<128x128xf32, #tpu.memory_space<vmem>> -> memref<128x128xf32, #tpu.memory_space<vmem>>
      %dma_wait3A_62 = arith.constant 0 : i32
      %dma_wait3A_63 = tpu.memref_slice %arg14[%add3A_29, %dma_wait3A_62] : memref<10000x128xf32, #tpu.memory_space<vmem_shared>> -> memref<128x128xf32, #tpu.memory_space<vmem_shared>>
      %dma_wait3A_64 = arith.constant 0 : i32
      %dma_wait3A_65 = tpu.memref_slice %arg14[%add3A_29, %dma_wait3A_64] : memref<10000x128xf32, #tpu.memory_space<vmem_shared>> -> memref<128x128xf32, #tpu.memory_space<vmem_shared>>
      %dma_wait3A_66 = arith.constant 0 : i32
      %dma_wait3A_67 = arith.constant 0 : i32
      %dma_wait3A_68 = tpu.memref_slice %arg10[%dma_wait3A_66, %dma_wait3A_67] : memref<128x128xf32, #tpu.memory_space<vmem>> -> memref<128x128xf32, #tpu.memory_space<vmem>>
      tpu.wait_dma2 semaphore(%run_scoped3A : memref<!tpu.dma_semaphore, #tpu.memory_space<semaphore_mem>>) src(%dma_wait3A_68 : memref<128x128xf32, #tpu.memory_space<vmem>>) dst(%dma_wait3A_65 : memref<128x128xf32, #tpu.memory_space<vmem_shared>>)
      tpu.yield
    }) : () -> ()
    %add3A_30 = arith.constant 384 : i32
    %add3A_31 = arith.addi %mul3A_15, %add3A_30 : i32
    "tpu.region"() ({
      %run_scoped3A = tpu.sem_alloc : memref<!tpu.dma_semaphore, #tpu.memory_space<semaphore_mem>>
      %dma_start3A = arith.constant 0 : i32
      %dma_start3A_51 = arith.constant 0 : i32
      %dma_start3A_52 = tpu.memref_slice %arg11[%dma_start3A, %dma_start3A_51] : memref<128x16xf32, #tpu.memory_space<vmem>> -> memref<128x16xf32, #tpu.memory_space<vmem>>
      %dma_start3A_53 = arith.constant 0 : i32
      %dma_start3A_54 = tpu.memref_slice %arg15[%add3A_31, %dma_start3A_53] : memref<10000x16xf32, #tpu.memory_space<vmem_shared>> -> memref<128x16xf32, #tpu.memory_space<vmem_shared>>
      %dma_start3A_55 = arith.constant 0 : i32
      %dma_start3A_56 = tpu.memref_slice %arg15[%add3A_31, %dma_start3A_55] : memref<10000x16xf32, #tpu.memory_space<vmem_shared>> -> memref<128x16xf32, #tpu.memory_space<vmem_shared>>
      %dma_start3A_57 = arith.constant 0 : i32
      %dma_start3A_58 = arith.constant 0 : i32
      %dma_start3A_59 = tpu.memref_slice %arg11[%dma_start3A_57, %dma_start3A_58] : memref<128x16xf32, #tpu.memory_space<vmem>> -> memref<128x16xf32, #tpu.memory_space<vmem>>
      tpu.enqueue_dma source(%dma_start3A_59 : memref<128x16xf32, #tpu.memory_space<vmem>>) target(%dma_start3A_56 : memref<128x16xf32, #tpu.memory_space<vmem_shared>>) target_semaphore(%run_scoped3A : memref<!tpu.dma_semaphore, #tpu.memory_space<semaphore_mem>>)
      %dma_wait3A = arith.constant 0 : i32
      %dma_wait3A_60 = arith.constant 0 : i32
      %dma_wait3A_61 = tpu.memref_slice %arg11[%dma_wait3A, %dma_wait3A_60] : memref<128x16xf32, #tpu.memory_space<vmem>> -> memref<128x16xf32, #tpu.memory_space<vmem>>
      %dma_wait3A_62 = arith.constant 0 : i32
      %dma_wait3A_63 = tpu.memref_slice %arg15[%add3A_31, %dma_wait3A_62] : memref<10000x16xf32, #tpu.memory_space<vmem_shared>> -> memref<128x16xf32, #tpu.memory_space<vmem_shared>>
      %dma_wait3A_64 = arith.constant 0 : i32
      %dma_wait3A_65 = tpu.memref_slice %arg15[%add3A_31, %dma_wait3A_64] : memref<10000x16xf32, #tpu.memory_space<vmem_shared>> -> memref<128x16xf32, #tpu.memory_space<vmem_shared>>
      %dma_wait3A_66 = arith.constant 0 : i32
      %dma_wait3A_67 = arith.constant 0 : i32
      %dma_wait3A_68 = tpu.memref_slice %arg11[%dma_wait3A_66, %dma_wait3A_67] : memref<128x16xf32, #tpu.memory_space<vmem>> -> memref<128x16xf32, #tpu.memory_space<vmem>>
      tpu.wait_dma2 semaphore(%run_scoped3A : memref<!tpu.dma_semaphore, #tpu.memory_space<semaphore_mem>>) src(%dma_wait3A_68 : memref<128x16xf32, #tpu.memory_space<vmem>>) dst(%dma_wait3A_65 : memref<128x16xf32, #tpu.memory_space<vmem_shared>>)
      tpu.yield
    }) : () -> ()
    %add3A_32 = arith.constant 512 : i32
    %add3A_33 = arith.addi %mul3A_15, %add3A_32 : i32
    "tpu.region"() ({
      %run_scoped3A = tpu.sem_alloc : memref<!tpu.dma_semaphore, #tpu.memory_space<semaphore_mem>>
      %dma_start3A = arith.constant 0 : i32
      %dma_start3A_51 = arith.constant 0 : i32
      %dma_start3A_52 = tpu.memref_slice %arg10[%dma_start3A, %dma_start3A_51] : memref<128x128xf32, #tpu.memory_space<vmem>> -> memref<112x128xf32, #tpu.memory_space<vmem>>
      %dma_start3A_53 = arith.constant 0 : i32
      %dma_start3A_54 = tpu.memref_slice %arg14[%add3A_33, %dma_start3A_53] : memref<10000x128xf32, #tpu.memory_space<vmem_shared>> -> memref<112x128xf32, #tpu.memory_space<vmem_shared>>
      %dma_start3A_55 = arith.constant 0 : i32
      %dma_start3A_56 = tpu.memref_slice %arg14[%add3A_33, %dma_start3A_55] : memref<10000x128xf32, #tpu.memory_space<vmem_shared>> -> memref<112x128xf32, #tpu.memory_space<vmem_shared>>
      %dma_start3A_57 = arith.constant 0 : i32
      %dma_start3A_58 = arith.constant 0 : i32
      %dma_start3A_59 = tpu.memref_slice %arg10[%dma_start3A_57, %dma_start3A_58] : memref<128x128xf32, #tpu.memory_space<vmem>> -> memref<112x128xf32, #tpu.memory_space<vmem>>
      tpu.enqueue_dma source(%dma_start3A_59 : memref<112x128xf32, #tpu.memory_space<vmem>>) target(%dma_start3A_56 : memref<112x128xf32, #tpu.memory_space<vmem_shared>>) target_semaphore(%run_scoped3A : memref<!tpu.dma_semaphore, #tpu.memory_space<semaphore_mem>>)
      %dma_wait3A = arith.constant 0 : i32
      %dma_wait3A_60 = arith.constant 0 : i32
      %dma_wait3A_61 = tpu.memref_slice %arg10[%dma_wait3A, %dma_wait3A_60] : memref<128x128xf32, #tpu.memory_space<vmem>> -> memref<112x128xf32, #tpu.memory_space<vmem>>
      %dma_wait3A_62 = arith.constant 0 : i32
      %dma_wait3A_63 = tpu.memref_slice %arg14[%add3A_33, %dma_wait3A_62] : memref<10000x128xf32, #tpu.memory_space<vmem_shared>> -> memref<112x128xf32, #tpu.memory_space<vmem_shared>>
      %dma_wait3A_64 = arith.constant 0 : i32
      %dma_wait3A_65 = tpu.memref_slice %arg14[%add3A_33, %dma_wait3A_64] : memref<10000x128xf32, #tpu.memory_space<vmem_shared>> -> memref<112x128xf32, #tpu.memory_space<vmem_shared>>
      %dma_wait3A_66 = arith.constant 0 : i32
      %dma_wait3A_67 = arith.constant 0 : i32
      %dma_wait3A_68 = tpu.memref_slice %arg10[%dma_wait3A_66, %dma_wait3A_67] : memref<128x128xf32, #tpu.memory_space<vmem>> -> memref<112x128xf32, #tpu.memory_space<vmem>>
      tpu.wait_dma2 semaphore(%run_scoped3A : memref<!tpu.dma_semaphore, #tpu.memory_space<semaphore_mem>>) src(%dma_wait3A_68 : memref<112x128xf32, #tpu.memory_space<vmem>>) dst(%dma_wait3A_65 : memref<112x128xf32, #tpu.memory_space<vmem_shared>>)
      tpu.yield
    }) : () -> ()
    %add3A_34 = arith.constant 512 : i32
    %add3A_35 = arith.addi %mul3A_15, %add3A_34 : i32
    "tpu.region"() ({
      %run_scoped3A = tpu.sem_alloc : memref<!tpu.dma_semaphore, #tpu.memory_space<semaphore_mem>>
      %dma_start3A = arith.constant 0 : i32
      %dma_start3A_51 = arith.constant 0 : i32
      %dma_start3A_52 = tpu.memref_slice %arg11[%dma_start3A, %dma_start3A_51] : memref<128x16xf32, #tpu.memory_space<vmem>> -> memref<112x16xf32, #tpu.memory_space<vmem>>
      %dma_start3A_53 = arith.constant 0 : i32
      %dma_start3A_54 = tpu.memref_slice %arg15[%add3A_35, %dma_start3A_53] : memref<10000x16xf32, #tpu.memory_space<vmem_shared>> -> memref<112x16xf32, #tpu.memory_space<vmem_shared>>
      %dma_start3A_55 = arith.constant 0 : i32
      %dma_start3A_56 = tpu.memref_slice %arg15[%add3A_35, %dma_start3A_55] : memref<10000x16xf32, #tpu.memory_space<vmem_shared>> -> memref<112x16xf32, #tpu.memory_space<vmem_shared>>
      %dma_start3A_57 = arith.constant 0 : i32
      %dma_start3A_58 = arith.constant 0 : i32
      %dma_start3A_59 = tpu.memref_slice %arg11[%dma_start3A_57, %dma_start3A_58] : memref<128x16xf32, #tpu.memory_space<vmem>> -> memref<112x16xf32, #tpu.memory_space<vmem>>
      tpu.enqueue_dma source(%dma_start3A_59 : memref<112x16xf32, #tpu.memory_space<vmem>>) target(%dma_start3A_56 : memref<112x16xf32, #tpu.memory_space<vmem_shared>>) target_semaphore(%run_scoped3A : memref<!tpu.dma_semaphore, #tpu.memory_space<semaphore_mem>>)
      %dma_wait3A = arith.constant 0 : i32
      %dma_wait3A_60 = arith.constant 0 : i32
      %dma_wait3A_61 = tpu.memref_slice %arg11[%dma_wait3A, %dma_wait3A_60] : memref<128x16xf32, #tpu.memory_space<vmem>> -> memref<112x16xf32, #tpu.memory_space<vmem>>
      %dma_wait3A_62 = arith.constant 0 : i32
      %dma_wait3A_63 = tpu.memref_slice %arg15[%add3A_35, %dma_wait3A_62] : memref<10000x16xf32, #tpu.memory_space<vmem_shared>> -> memref<112x16xf32, #tpu.memory_space<vmem_shared>>
      %dma_wait3A_64 = arith.constant 0 : i32
      %dma_wait3A_65 = tpu.memref_slice %arg15[%add3A_35, %dma_wait3A_64] : memref<10000x16xf32, #tpu.memory_space<vmem_shared>> -> memref<112x16xf32, #tpu.memory_space<vmem_shared>>
      %dma_wait3A_66 = arith.constant 0 : i32
      %dma_wait3A_67 = arith.constant 0 : i32
      %dma_wait3A_68 = tpu.memref_slice %arg11[%dma_wait3A_66, %dma_wait3A_67] : memref<128x16xf32, #tpu.memory_space<vmem>> -> memref<112x16xf32, #tpu.memory_space<vmem>>
      tpu.wait_dma2 semaphore(%run_scoped3A : memref<!tpu.dma_semaphore, #tpu.memory_space<semaphore_mem>>) src(%dma_wait3A_68 : memref<112x16xf32, #tpu.memory_space<vmem>>) dst(%dma_wait3A_65 : memref<112x16xf32, #tpu.memory_space<vmem_shared>>)
      tpu.yield
    }) : () -> ()
    %eq3A = arith.constant 15 : i32
    %eq3A_36 = arith.cmpi eq, %arg1, %eq3A : i32
    %convert_element_type3A = arith.extui %eq3A_36 : i1 to i32
    %cond3A = arith.constant 0 : i32
    %cond3A_37 = arith.cmpi ne, %convert_element_type3A, %cond3A : i32
    scf.if %cond3A_37 {
      "tpu.region"() ({
        %run_scoped3A = tpu.sem_alloc : memref<!tpu.dma_semaphore, #tpu.memory_space<semaphore_mem>>
        %dma_start3A = arith.constant 0 : i32
        %dma_start3A_51 = arith.constant 0 : i32
        %dma_start3A_52 = tpu.memref_slice %arg10[%dma_start3A, %dma_start3A_51] : memref<128x128xf32, #tpu.memory_space<vmem>> -> memref<16x128xf32, #tpu.memory_space<vmem>>
        %dma_start3A_53 = arith.constant 9984 : i32
        %dma_start3A_54 = arith.constant 0 : i32
        %dma_start3A_55 = tpu.memref_slice %arg14[%dma_start3A_53, %dma_start3A_54] : memref<10000x128xf32, #tpu.memory_space<vmem_shared>> -> memref<16x128xf32, #tpu.memory_space<vmem_shared>>
        %dma_start3A_56 = arith.constant 9984 : i32
        %dma_start3A_57 = arith.constant 0 : i32
        %dma_start3A_58 = tpu.memref_slice %arg14[%dma_start3A_56, %dma_start3A_57] : memref<10000x128xf32, #tpu.memory_space<vmem_shared>> -> memref<16x128xf32, #tpu.memory_space<vmem_shared>>
        %dma_start3A_59 = arith.constant 0 : i32
        %dma_start3A_60 = arith.constant 0 : i32
        %dma_start3A_61 = tpu.memref_slice %arg10[%dma_start3A_59, %dma_start3A_60] : memref<128x128xf32, #tpu.memory_space<vmem>> -> memref<16x128xf32, #tpu.memory_space<vmem>>
        tpu.enqueue_dma source(%dma_start3A_61 : memref<16x128xf32, #tpu.memory_space<vmem>>) target(%dma_start3A_58 : memref<16x128xf32, #tpu.memory_space<vmem_shared>>) target_semaphore(%run_scoped3A : memref<!tpu.dma_semaphore, #tpu.memory_space<semaphore_mem>>)
        %dma_wait3A = arith.constant 0 : i32
        %dma_wait3A_62 = arith.constant 0 : i32
        %dma_wait3A_63 = tpu.memref_slice %arg10[%dma_wait3A, %dma_wait3A_62] : memref<128x128xf32, #tpu.memory_space<vmem>> -> memref<16x128xf32, #tpu.memory_space<vmem>>
        %dma_wait3A_64 = arith.constant 9984 : i32
        %dma_wait3A_65 = arith.constant 0 : i32
        %dma_wait3A_66 = tpu.memref_slice %arg14[%dma_wait3A_64, %dma_wait3A_65] : memref<10000x128xf32, #tpu.memory_space<vmem_shared>> -> memref<16x128xf32, #tpu.memory_space<vmem_shared>>
        %dma_wait3A_67 = arith.constant 9984 : i32
        %dma_wait3A_68 = arith.constant 0 : i32
        %dma_wait3A_69 = tpu.memref_slice %arg14[%dma_wait3A_67, %dma_wait3A_68] : memref<10000x128xf32, #tpu.memory_space<vmem_shared>> -> memref<16x128xf32, #tpu.memory_space<vmem_shared>>
        %dma_wait3A_70 = arith.constant 0 : i32
        %dma_wait3A_71 = arith.constant 0 : i32
        %dma_wait3A_72 = tpu.memref_slice %arg10[%dma_wait3A_70, %dma_wait3A_71] : memref<128x128xf32, #tpu.memory_space<vmem>> -> memref<16x128xf32, #tpu.memory_space<vmem>>
        tpu.wait_dma2 semaphore(%run_scoped3A : memref<!tpu.dma_semaphore, #tpu.memory_space<semaphore_mem>>) src(%dma_wait3A_72 : memref<16x128xf32, #tpu.memory_space<vmem>>) dst(%dma_wait3A_69 : memref<16x128xf32, #tpu.memory_space<vmem_shared>>)
        tpu.yield
      }) : () -> ()
      "tpu.region"() ({
        %run_scoped3A = tpu.sem_alloc : memref<!tpu.dma_semaphore, #tpu.memory_space<semaphore_mem>>
        %dma_start3A = arith.constant 0 : i32
        %dma_start3A_51 = arith.constant 0 : i32
        %dma_start3A_52 = tpu.memref_slice %arg11[%dma_start3A, %dma_start3A_51] : memref<128x16xf32, #tpu.memory_space<vmem>> -> memref<16x16xf32, #tpu.memory_space<vmem>>
        %dma_start3A_53 = arith.constant 9984 : i32
        %dma_start3A_54 = arith.constant 0 : i32
        %dma_start3A_55 = tpu.memref_slice %arg15[%dma_start3A_53, %dma_start3A_54] : memref<10000x16xf32, #tpu.memory_space<vmem_shared>> -> memref<16x16xf32, #tpu.memory_space<vmem_shared>>
        %dma_start3A_56 = arith.constant 9984 : i32
        %dma_start3A_57 = arith.constant 0 : i32
        %dma_start3A_58 = tpu.memref_slice %arg15[%dma_start3A_56, %dma_start3A_57] : memref<10000x16xf32, #tpu.memory_space<vmem_shared>> -> memref<16x16xf32, #tpu.memory_space<vmem_shared>>
        %dma_start3A_59 = arith.constant 0 : i32
        %dma_start3A_60 = arith.constant 0 : i32
        %dma_start3A_61 = tpu.memref_slice %arg11[%dma_start3A_59, %dma_start3A_60] : memref<128x16xf32, #tpu.memory_space<vmem>> -> memref<16x16xf32, #tpu.memory_space<vmem>>
        tpu.enqueue_dma source(%dma_start3A_61 : memref<16x16xf32, #tpu.memory_space<vmem>>) target(%dma_start3A_58 : memref<16x16xf32, #tpu.memory_space<vmem_shared>>) target_semaphore(%run_scoped3A : memref<!tpu.dma_semaphore, #tpu.memory_space<semaphore_mem>>)
        %dma_wait3A = arith.constant 0 : i32
        %dma_wait3A_62 = arith.constant 0 : i32
        %dma_wait3A_63 = tpu.memref_slice %arg11[%dma_wait3A, %dma_wait3A_62] : memref<128x16xf32, #tpu.memory_space<vmem>> -> memref<16x16xf32, #tpu.memory_space<vmem>>
        %dma_wait3A_64 = arith.constant 9984 : i32
        %dma_wait3A_65 = arith.constant 0 : i32
        %dma_wait3A_66 = tpu.memref_slice %arg15[%dma_wait3A_64, %dma_wait3A_65] : memref<10000x16xf32, #tpu.memory_space<vmem_shared>> -> memref<16x16xf32, #tpu.memory_space<vmem_shared>>
        %dma_wait3A_67 = arith.constant 9984 : i32
        %dma_wait3A_68 = arith.constant 0 : i32
        %dma_wait3A_69 = tpu.memref_slice %arg15[%dma_wait3A_67, %dma_wait3A_68] : memref<10000x16xf32, #tpu.memory_space<vmem_shared>> -> memref<16x16xf32, #tpu.memory_space<vmem_shared>>
        %dma_wait3A_70 = arith.constant 0 : i32
        %dma_wait3A_71 = arith.constant 0 : i32
        %dma_wait3A_72 = tpu.memref_slice %arg11[%dma_wait3A_70, %dma_wait3A_71] : memref<128x16xf32, #tpu.memory_space<vmem>> -> memref<16x16xf32, #tpu.memory_space<vmem>>
        tpu.wait_dma2 semaphore(%run_scoped3A : memref<!tpu.dma_semaphore, #tpu.memory_space<semaphore_mem>>) src(%dma_wait3A_72 : memref<16x16xf32, #tpu.memory_space<vmem>>) dst(%dma_wait3A_69 : memref<16x16xf32, #tpu.memory_space<vmem_shared>>)
        tpu.yield
      }) : () -> ()
    } else {
    }
    %barrier3A = arith.constant 0 : index
    tpu.barrier barrier_id(%barrier3A)
    %mul3A_38 = arith.constant 10368 : i32
    %mul3A_39 = arith.muli %add3A, %mul3A_38 : i32
    %scan3A_40 = arith.constant 0 : i32
    %scan3A_41 = arith.constant 81 : i32
    %scan3A_42 = arith.addi %scan3A_40, %scan3A_41 : i32
    %scan3A_43 = arith.constant 1 : i32
    scf.for %scan3A_51 = %scan3A_40 to %scan3A_42 step %scan3A_43  : i32 {
      %mul3A_52 = arith.constant 1 : i32
      %mul3A_53 = arith.muli %scan3A_51, %mul3A_52 : i32
      %add3A_54 = arith.constant 0 : i32
      %add3A_55 = arith.addi %add3A_54, %mul3A_53 : i32
      %mul3A_56 = arith.constant 128 : i32
      %mul3A_57 = arith.muli %add3A_55, %mul3A_56 : i32
      %add3A_58 = arith.addi %mul3A_39, %mul3A_57 : i32
      %run_scoped3A = arith.constant 0 : i32
      "tpu.region"() ({
        %run_scoped3A_112 = tpu.sem_alloc : memref<!tpu.dma_semaphore, #tpu.memory_space<semaphore_mem>>
        %dma_start3A_113 = arith.constant 0 : i32
        %dma_start3A_114 = tpu.memref_slice %arg8[%run_scoped3A, %dma_start3A_113] : memref<1x128xi32, #tpu.memory_space<vmem>> -> memref<1x128xi32, #tpu.memory_space<vmem>>
        %dma_start3A_115 = tpu.memref_squeeze %dma_start3A_114 : memref<1x128xi32, #tpu.memory_space<vmem>> -> memref<128xi32, #tpu.memory_space<vmem>>
        %dma_start3A_116 = tpu.memref_slice %arg4[%add3A_58] : memref<331776xi32, #tpu.memory_space<hbm>> -> memref<128xi32, #tpu.memory_space<hbm>>
        %dma_start3A_117 = arith.constant 0 : i32
        %dma_start3A_118 = tpu.memref_slice %arg8[%run_scoped3A, %dma_start3A_117] : memref<1x128xi32, #tpu.memory_space<vmem>> -> memref<1x128xi32, #tpu.memory_space<vmem>>
        %dma_start3A_119 = tpu.memref_squeeze %dma_start3A_118 : memref<1x128xi32, #tpu.memory_space<vmem>> -> memref<128xi32, #tpu.memory_space<vmem>>
        %dma_start3A_120 = tpu.memref_slice %arg4[%add3A_58] : memref<331776xi32, #tpu.memory_space<hbm>> -> memref<128xi32, #tpu.memory_space<hbm>>
        tpu.enqueue_dma source(%dma_start3A_120 : memref<128xi32, #tpu.memory_space<hbm>>) target(%dma_start3A_119 : memref<128xi32, #tpu.memory_space<vmem>>) target_semaphore(%run_scoped3A_112 : memref<!tpu.dma_semaphore, #tpu.memory_space<semaphore_mem>>)
        %dma_wait3A_121 = arith.constant 0 : i32
        %dma_wait3A_122 = tpu.memref_slice %arg8[%run_scoped3A, %dma_wait3A_121] : memref<1x128xi32, #tpu.memory_space<vmem>> -> memref<1x128xi32, #tpu.memory_space<vmem>>
        %dma_wait3A_123 = tpu.memref_squeeze %dma_wait3A_122 : memref<1x128xi32, #tpu.memory_space<vmem>> -> memref<128xi32, #tpu.memory_space<vmem>>
        %dma_wait3A_124 = tpu.memref_slice %arg4[%add3A_58] : memref<331776xi32, #tpu.memory_space<hbm>> -> memref<128xi32, #tpu.memory_space<hbm>>
        %dma_wait3A_125 = arith.constant 0 : i32
        %dma_wait3A_126 = tpu.memref_slice %arg8[%run_scoped3A, %dma_wait3A_125] : memref<1x128xi32, #tpu.memory_space<vmem>> -> memref<1x128xi32, #tpu.memory_space<vmem>>
        %dma_wait3A_127 = tpu.memref_squeeze %dma_wait3A_126 : memref<1x128xi32, #tpu.memory_space<vmem>> -> memref<128xi32, #tpu.memory_space<vmem>>
        %dma_wait3A_128 = tpu.memref_slice %arg4[%add3A_58] : memref<331776xi32, #tpu.memory_space<hbm>> -> memref<128xi32, #tpu.memory_space<hbm>>
        tpu.wait_dma2 semaphore(%run_scoped3A_112 : memref<!tpu.dma_semaphore, #tpu.memory_space<semaphore_mem>>) src(%dma_wait3A_128 : memref<128xi32, #tpu.memory_space<hbm>>) dst(%dma_wait3A_127 : memref<128xi32, #tpu.memory_space<vmem>>)
        tpu.yield
      }) : () -> ()
      %run_scoped3A_59 = arith.constant 0 : i32
      "tpu.region"() ({
        %run_scoped3A_112 = tpu.sem_alloc : memref<!tpu.dma_semaphore, #tpu.memory_space<semaphore_mem>>
        %dma_start3A_113 = arith.constant 0 : i32
        %dma_start3A_114 = tpu.memref_slice %arg9[%run_scoped3A_59, %dma_start3A_113] : memref<1x128xi32, #tpu.memory_space<vmem>> -> memref<1x128xi32, #tpu.memory_space<vmem>>
        %dma_start3A_115 = tpu.memref_squeeze %dma_start3A_114 : memref<1x128xi32, #tpu.memory_space<vmem>> -> memref<128xi32, #tpu.memory_space<vmem>>
        %dma_start3A_116 = tpu.memref_slice %arg5[%add3A_58] : memref<331776xi32, #tpu.memory_space<hbm>> -> memref<128xi32, #tpu.memory_space<hbm>>
        %dma_start3A_117 = arith.constant 0 : i32
        %dma_start3A_118 = tpu.memref_slice %arg9[%run_scoped3A_59, %dma_start3A_117] : memref<1x128xi32, #tpu.memory_space<vmem>> -> memref<1x128xi32, #tpu.memory_space<vmem>>
        %dma_start3A_119 = tpu.memref_squeeze %dma_start3A_118 : memref<1x128xi32, #tpu.memory_space<vmem>> -> memref<128xi32, #tpu.memory_space<vmem>>
        %dma_start3A_120 = tpu.memref_slice %arg5[%add3A_58] : memref<331776xi32, #tpu.memory_space<hbm>> -> memref<128xi32, #tpu.memory_space<hbm>>
        tpu.enqueue_dma source(%dma_start3A_120 : memref<128xi32, #tpu.memory_space<hbm>>) target(%dma_start3A_119 : memref<128xi32, #tpu.memory_space<vmem>>) target_semaphore(%run_scoped3A_112 : memref<!tpu.dma_semaphore, #tpu.memory_space<semaphore_mem>>)
        %dma_wait3A_121 = arith.constant 0 : i32
        %dma_wait3A_122 = tpu.memref_slice %arg9[%run_scoped3A_59, %dma_wait3A_121] : memref<1x128xi32, #tpu.memory_space<vmem>> -> memref<1x128xi32, #tpu.memory_space<vmem>>
        %dma_wait3A_123 = tpu.memref_squeeze %dma_wait3A_122 : memref<1x128xi32, #tpu.memory_space<vmem>> -> memref<128xi32, #tpu.memory_space<vmem>>
        %dma_wait3A_124 = tpu.memref_slice %arg5[%add3A_58] : memref<331776xi32, #tpu.memory_space<hbm>> -> memref<128xi32, #tpu.memory_space<hbm>>
        %dma_wait3A_125 = arith.constant 0 : i32
        %dma_wait3A_126 = tpu.memref_slice %arg9[%run_scoped3A_59, %dma_wait3A_125] : memref<1x128xi32, #tpu.memory_space<vmem>> -> memref<1x128xi32, #tpu.memory_space<vmem>>
        %dma_wait3A_127 = tpu.memref_squeeze %dma_wait3A_126 : memref<1x128xi32, #tpu.memory_space<vmem>> -> memref<128xi32, #tpu.memory_space<vmem>>
        %dma_wait3A_128 = tpu.memref_slice %arg5[%add3A_58] : memref<331776xi32, #tpu.memory_space<hbm>> -> memref<128xi32, #tpu.memory_space<hbm>>
        tpu.wait_dma2 semaphore(%run_scoped3A_112 : memref<!tpu.dma_semaphore, #tpu.memory_space<semaphore_mem>>) src(%dma_wait3A_128 : memref<128xi32, #tpu.memory_space<hbm>>) dst(%dma_wait3A_127 : memref<128xi32, #tpu.memory_space<vmem>>)
        tpu.yield
      }) : () -> ()
      %dma_start3A = arith.constant 0 : i32
      %dma_start3A_60 = arith.constant 0 : i32
      %dma_start3A_61 = tpu.memref_slice %arg8[%dma_start3A, %dma_start3A_60] : memref<1x128xi32, #tpu.memory_space<vmem>> -> memref<1x128xi32, #tpu.memory_space<vmem>>
      %dma_start3A_62 = tpu.memref_squeeze %dma_start3A_61 : memref<1x128xi32, #tpu.memory_space<vmem>> -> memref<128xi32, #tpu.memory_space<vmem>>
      %dma_start3A_63 = arith.constant 0 : i32
      %dma_start3A_64 = arith.constant 0 : i32
      %dma_start3A_65 = tpu.memref_slice %arg2[%dma_start3A_63, %dma_start3A_64] : memref<10000x128xf32, #tpu.memory_space<hbm>> -> memref<10000x128xf32, #tpu.memory_space<hbm>>
      tpu.enqueue_indirect_dma source(%dma_start3A_65 : memref<10000x128xf32, #tpu.memory_space<hbm>>) target(%arg10 : memref<128x128xf32, #tpu.memory_space<vmem>>) offsets(%dma_start3A_62 : memref<128xi32, #tpu.memory_space<vmem>>) semaphore(%arg16 : memref<!tpu.dma_semaphore, #tpu.memory_space<semaphore_mem>>)
      %dma_start3A_66 = arith.constant 0 : i32
      %dma_start3A_67 = arith.constant 0 : i32
      %dma_start3A_68 = tpu.memref_slice %arg8[%dma_start3A_66, %dma_start3A_67] : memref<1x128xi32, #tpu.memory_space<vmem>> -> memref<1x128xi32, #tpu.memory_space<vmem>>
      %dma_start3A_69 = tpu.memref_squeeze %dma_start3A_68 : memref<1x128xi32, #tpu.memory_space<vmem>> -> memref<128xi32, #tpu.memory_space<vmem>>
      %dma_start3A_70 = arith.constant 0 : i32
      %dma_start3A_71 = arith.constant 0 : i32
      %dma_start3A_72 = tpu.memref_slice %arg3[%dma_start3A_70, %dma_start3A_71] : memref<10000x16xf32, #tpu.memory_space<hbm>> -> memref<10000x16xf32, #tpu.memory_space<hbm>>
      tpu.enqueue_indirect_dma source(%dma_start3A_72 : memref<10000x16xf32, #tpu.memory_space<hbm>>) target(%arg12 : memref<128x16xf32, #tpu.memory_space<vmem>>) offsets(%dma_start3A_69 : memref<128xi32, #tpu.memory_space<vmem>>) semaphore(%arg17 : memref<!tpu.dma_semaphore, #tpu.memory_space<semaphore_mem>>)
      %dma_start3A_73 = arith.constant 0 : i32
      %dma_start3A_74 = arith.constant 0 : i32
      %dma_start3A_75 = tpu.memref_slice %arg9[%dma_start3A_73, %dma_start3A_74] : memref<1x128xi32, #tpu.memory_space<vmem>> -> memref<1x128xi32, #tpu.memory_space<vmem>>
      %dma_start3A_76 = tpu.memref_squeeze %dma_start3A_75 : memref<1x128xi32, #tpu.memory_space<vmem>> -> memref<128xi32, #tpu.memory_space<vmem>>
      %dma_start3A_77 = arith.constant 0 : i32
      %dma_start3A_78 = arith.constant 0 : i32
      %dma_start3A_79 = tpu.memref_slice %arg3[%dma_start3A_77, %dma_start3A_78] : memref<10000x16xf32, #tpu.memory_space<hbm>> -> memref<10000x16xf32, #tpu.memory_space<hbm>>
      tpu.enqueue_indirect_dma source(%dma_start3A_79 : memref<10000x16xf32, #tpu.memory_space<hbm>>) target(%arg13 : memref<128x16xf32, #tpu.memory_space<vmem>>) offsets(%dma_start3A_76 : memref<128xi32, #tpu.memory_space<vmem>>) semaphore(%arg17 : memref<!tpu.dma_semaphore, #tpu.memory_space<semaphore_mem>>)
      %dma_wait3A = arith.constant 0 : i32
      %dma_wait3A_80 = arith.constant 0 : i32
      %dma_wait3A_81 = tpu.memref_slice %arg8[%dma_wait3A, %dma_wait3A_80] : memref<1x128xi32, #tpu.memory_space<vmem>> -> memref<1x128xi32, #tpu.memory_space<vmem>>
      %dma_wait3A_82 = tpu.memref_squeeze %dma_wait3A_81 : memref<1x128xi32, #tpu.memory_space<vmem>> -> memref<128xi32, #tpu.memory_space<vmem>>
      %dma_wait3A_83 = arith.constant 0 : i32
      %dma_wait3A_84 = arith.constant 0 : i32
      %dma_wait3A_85 = tpu.memref_slice %arg3[%dma_wait3A_83, %dma_wait3A_84] : memref<10000x16xf32, #tpu.memory_space<hbm>> -> memref<10000x16xf32, #tpu.memory_space<hbm>>
      tpu.wait_indirect_dma semaphore(%arg17 : memref<!tpu.dma_semaphore, #tpu.memory_space<semaphore_mem>>) src(%dma_wait3A_85 : memref<10000x16xf32, #tpu.memory_space<hbm>>) dst(%arg12 : memref<128x16xf32, #tpu.memory_space<vmem>>)
      %dma_wait3A_86 = arith.constant 0 : i32
      %dma_wait3A_87 = arith.constant 0 : i32
      %dma_wait3A_88 = tpu.memref_slice %arg9[%dma_wait3A_86, %dma_wait3A_87] : memref<1x128xi32, #tpu.memory_space<vmem>> -> memref<1x128xi32, #tpu.memory_space<vmem>>
      %dma_wait3A_89 = tpu.memref_squeeze %dma_wait3A_88 : memref<1x128xi32, #tpu.memory_space<vmem>> -> memref<128xi32, #tpu.memory_space<vmem>>
      %dma_wait3A_90 = arith.constant 0 : i32
      %dma_wait3A_91 = arith.constant 0 : i32
      %dma_wait3A_92 = tpu.memref_slice %arg3[%dma_wait3A_90, %dma_wait3A_91] : memref<10000x16xf32, #tpu.memory_space<hbm>> -> memref<10000x16xf32, #tpu.memory_space<hbm>>
      tpu.wait_indirect_dma semaphore(%arg17 : memref<!tpu.dma_semaphore, #tpu.memory_space<semaphore_mem>>) src(%dma_wait3A_92 : memref<10000x16xf32, #tpu.memory_space<hbm>>) dst(%arg13 : memref<128x16xf32, #tpu.memory_space<vmem>>)
      %scan3A_93 = arith.constant 0 : i32
      %scan3A_94 = arith.constant 8 : i32
      %scan3A_95 = arith.addi %scan3A_93, %scan3A_94 : i32
      %scan3A_96 = arith.constant 1 : i32
      scf.for %scan3A_112 = %scan3A_93 to %scan3A_95 step %scan3A_96  : i32 {
        %mul3A_113 = arith.constant 1 : i32
        %mul3A_114 = arith.muli %scan3A_112, %mul3A_113 : i32
        %add3A_115 = arith.constant 0 : i32
        %add3A_116 = arith.addi %add3A_115, %mul3A_114 : i32
        %mul3A_117 = arith.constant 16 : i32
        %mul3A_118 = arith.muli %add3A_116, %mul3A_117 : i32
        %add3A_119 = vector.broadcast %mul3A_118 : i32 to vector<16xi32>
        %add3A_120 = arith.addi %add3A_119, %iota3A : vector<16xi32>
        %gather3A = tpu.vector_load_idx %arg12[%add3A_120, %broadcast_in_dim3A_3] : memref<128x16xf32, #tpu.memory_space<vmem>>[vector<16xi32>, vector<16xi32>], vector<16xf32>,
        %gather3A_121 = tpu.vector_load_idx %arg13[%add3A_120, %broadcast_in_dim3A_7] : memref<128x16xf32, #tpu.memory_space<vmem>>[vector<16xi32>, vector<16xi32>], vector<16xf32>,
        %add3A_122 = arith.addf %gather3A, %gather3A_121 : vector<16xf32>
        %gather3A_123 = tpu.vector_load_idx %arg12[%add3A_120, %broadcast_in_dim3A_5] : memref<128x16xf32, #tpu.memory_space<vmem>>[vector<16xi32>, vector<16xi32>], vector<16xf32>,
        %gather3A_124 = tpu.vector_load_idx %arg13[%add3A_120, %broadcast_in_dim3A_9] : memref<128x16xf32, #tpu.memory_space<vmem>>[vector<16xi32>, vector<16xi32>], vector<16xf32>,
        %add3A_125 = arith.addf %gather3A_123, %gather3A_124 : vector<16xf32>
        %mul3A_126 = arith.constant 2.000000e-01 : f32
        %mul3A_127 = vector.broadcast %mul3A_126 : f32 to vector<16xf32>
        %mul3A_128 = arith.mulf %mul3A_127, %add3A_122 : vector<16xf32>
        %max3A = arith.maximumf %add3A_122, %mul3A_128 : vector<16xf32>
        %mul3A_129 = arith.constant 2.000000e-01 : f32
        %mul3A_130 = vector.broadcast %mul3A_129 : f32 to vector<16xf32>
        %mul3A_131 = arith.mulf %mul3A_130, %add3A_125 : vector<16xf32>
        %max3A_132 = arith.maximumf %add3A_125, %mul3A_131 : vector<16xf32>
        %exp3A = math.exp %max3A : vector<16xf32>
        %exp3A_133 = math.exp %max3A_132 : vector<16xf32>
        %add3A_134 = vector.broadcast %add3A_58 : i32 to vector<16xi32>
        %add3A_135 = arith.addi %add3A_134, %add3A_120 : vector<16xi32>
        %lt3A = arith.constant 330000 : i32
        %lt3A_136 = vector.broadcast %lt3A : i32 to vector<16xi32>
        %lt3A_137 = arith.cmpi slt, %add3A_135, %lt3A_136 : vector<16xi32>
        %jit3A = arith.constant 0.000000e+00 : f32
        %broadcast_in_dim3A_138 = vector.broadcast %jit3A : f32 to vector<16xf32>
        %select_n3A = arith.select %lt3A_137, %exp3A, %broadcast_in_dim3A_138 : vector<16xi1>, vector<16xf32>
        %jit3A_139 = arith.constant 0.000000e+00 : f32
        %broadcast_in_dim3A_140 = vector.broadcast %jit3A_139 : f32 to vector<16xf32>
        %select_n3A_141 = arith.select %lt3A_137, %exp3A_133, %broadcast_in_dim3A_140 : vector<16xi1>, vector<16xf32>
        tpu.vector_store_idx %arg11[%add3A_120, %broadcast_in_dim3A_3], %select_n3A : memref<128x16xf32, #tpu.memory_space<vmem>>[vector<16xi32>, vector<16xi32>], vector<16xf32>,
        tpu.vector_store_idx %arg11[%add3A_120, %broadcast_in_dim3A_5], %select_n3A_141 : memref<128x16xf32, #tpu.memory_space<vmem>>[vector<16xi32>, vector<16xi32>], vector<16xf32>,
      }
      %scan3A_97 = arith.constant 8 : i32
      %dma_wait3A_98 = arith.constant 0 : i32
      %dma_wait3A_99 = arith.constant 0 : i32
      %dma_wait3A_100 = tpu.memref_slice %arg8[%dma_wait3A_98, %dma_wait3A_99] : memref<1x128xi32, #tpu.memory_space<vmem>> -> memref<1x128xi32, #tpu.memory_space<vmem>>
      %dma_wait3A_101 = tpu.memref_squeeze %dma_wait3A_100 : memref<1x128xi32, #tpu.memory_space<vmem>> -> memref<128xi32, #tpu.memory_space<vmem>>
      %dma_wait3A_102 = arith.constant 0 : i32
      %dma_wait3A_103 = arith.constant 0 : i32
      %dma_wait3A_104 = tpu.memref_slice %arg2[%dma_wait3A_102, %dma_wait3A_103] : memref<10000x128xf32, #tpu.memory_space<hbm>> -> memref<10000x128xf32, #tpu.memory_space<hbm>>
      tpu.wait_indirect_dma semaphore(%arg16 : memref<!tpu.dma_semaphore, #tpu.memory_space<semaphore_mem>>) src(%dma_wait3A_104 : memref<10000x128xf32, #tpu.memory_space<hbm>>) dst(%arg10 : memref<128x128xf32, #tpu.memory_space<vmem>>)
      %scan3A_105 = arith.constant 0 : i32
      %scan3A_106 = arith.constant 128 : i32
      %scan3A_107 = arith.addi %scan3A_105, %scan3A_106 : i32
      %scan3A_108 = arith.constant 1 : i32
      scf.for %scan3A_112 = %scan3A_105 to %scan3A_107 step %scan3A_108  : i32 {
        %mul3A_113 = arith.constant 1 : i32
        %mul3A_114 = arith.muli %scan3A_112, %mul3A_113 : i32
        %add3A_115 = arith.constant 0 : i32
        %add3A_116 = arith.addi %add3A_115, %mul3A_114 : i32
        %broadcast_in_dim3A_117 = vector.broadcast %add3A_116 : i32 to vector<16xi32>
        %gather3A = tpu.vector_load_idx %arg11[%broadcast_in_dim3A_117, %broadcast_in_dim3A_3] : memref<128x16xf32, #tpu.memory_space<vmem>>[vector<16xi32>, vector<16xi32>], vector<16xf32>,
        %gather3A_118 = tpu.vector_load_idx %arg11[%broadcast_in_dim3A_117, %broadcast_in_dim3A_5] : memref<128x16xf32, #tpu.memory_space<vmem>>[vector<16xi32>, vector<16xi32>], vector<16xf32>,
        %get3A = arith.index_cast %add3A_116 : i32 to index
        %get3A_119 = arith.constant 0 : index
        %get3A_120 = tpu.vector_load %arg10[%get3A, %get3A_119] {strides = array<i32>} : memref<128x128xf32, #tpu.memory_space<vmem>>, vector<16xf32>,
        %mul3A_121 = arith.mulf %get3A_120, %gather3A : vector<16xf32>
        %swap3A = arith.index_cast %add3A_116 : i32 to index
        %swap3A_122 = arith.constant 0 : index
        %swap3A_123 = tpu.vector_load %arg10[%swap3A, %swap3A_122] {strides = array<i32>} : memref<128x128xf32, #tpu.memory_space<vmem>>, vector<16xf32>,
        tpu.vector_store %arg10[%swap3A, %swap3A_122], %mul3A_121 {strides = array<i32>} : memref<128x128xf32, #tpu.memory_space<vmem>>, vector<16xf32>,
        %get3A_124 = arith.index_cast %add3A_116 : i32 to index
        %get3A_125 = arith.constant 16 : index
        %get3A_126 = tpu.vector_load %arg10[%get3A_124, %get3A_125] {strides = array<i32>} : memref<128x128xf32, #tpu.memory_space<vmem>>, vector<16xf32>,
        %mul3A_127 = arith.mulf %get3A_126, %gather3A : vector<16xf32>
        %swap3A_128 = arith.index_cast %add3A_116 : i32 to index
        %swap3A_129 = arith.constant 16 : index
        %swap3A_130 = tpu.vector_load %arg10[%swap3A_128, %swap3A_129] {strides = array<i32>} : memref<128x128xf32, #tpu.memory_space<vmem>>, vector<16xf32>,
        tpu.vector_store %arg10[%swap3A_128, %swap3A_129], %mul3A_127 {strides = array<i32>} : memref<128x128xf32, #tpu.memory_space<vmem>>, vector<16xf32>,
        %get3A_131 = arith.index_cast %add3A_116 : i32 to index
        %get3A_132 = arith.constant 32 : index
        %get3A_133 = tpu.vector_load %arg10[%get3A_131, %get3A_132] {strides = array<i32>} : memref<128x128xf32, #tpu.memory_space<vmem>>, vector<16xf32>,
        %mul3A_134 = arith.mulf %get3A_133, %gather3A : vector<16xf32>
        %swap3A_135 = arith.index_cast %add3A_116 : i32 to index
        %swap3A_136 = arith.constant 32 : index
        %swap3A_137 = tpu.vector_load %arg10[%swap3A_135, %swap3A_136] {strides = array<i32>} : memref<128x128xf32, #tpu.memory_space<vmem>>, vector<16xf32>,
        tpu.vector_store %arg10[%swap3A_135, %swap3A_136], %mul3A_134 {strides = array<i32>} : memref<128x128xf32, #tpu.memory_space<vmem>>, vector<16xf32>,
        %get3A_138 = arith.index_cast %add3A_116 : i32 to index
        %get3A_139 = arith.constant 48 : index
        %get3A_140 = tpu.vector_load %arg10[%get3A_138, %get3A_139] {strides = array<i32>} : memref<128x128xf32, #tpu.memory_space<vmem>>, vector<16xf32>,
        %mul3A_141 = arith.mulf %get3A_140, %gather3A : vector<16xf32>
        %swap3A_142 = arith.index_cast %add3A_116 : i32 to index
        %swap3A_143 = arith.constant 48 : index
        %swap3A_144 = tpu.vector_load %arg10[%swap3A_142, %swap3A_143] {strides = array<i32>} : memref<128x128xf32, #tpu.memory_space<vmem>>, vector<16xf32>,
        tpu.vector_store %arg10[%swap3A_142, %swap3A_143], %mul3A_141 {strides = array<i32>} : memref<128x128xf32, #tpu.memory_space<vmem>>, vector<16xf32>,
        %get3A_145 = arith.index_cast %add3A_116 : i32 to index
        %get3A_146 = arith.constant 64 : index
        %get3A_147 = tpu.vector_load %arg10[%get3A_145, %get3A_146] {strides = array<i32>} : memref<128x128xf32, #tpu.memory_space<vmem>>, vector<16xf32>,
        %mul3A_148 = arith.mulf %get3A_147, %gather3A_118 : vector<16xf32>
        %swap3A_149 = arith.index_cast %add3A_116 : i32 to index
        %swap3A_150 = arith.constant 64 : index
        %swap3A_151 = tpu.vector_load %arg10[%swap3A_149, %swap3A_150] {strides = array<i32>} : memref<128x128xf32, #tpu.memory_space<vmem>>, vector<16xf32>,
        tpu.vector_store %arg10[%swap3A_149, %swap3A_150], %mul3A_148 {strides = array<i32>} : memref<128x128xf32, #tpu.memory_space<vmem>>, vector<16xf32>,
        %get3A_152 = arith.index_cast %add3A_116 : i32 to index
        %get3A_153 = arith.constant 80 : index
        %get3A_154 = tpu.vector_load %arg10[%get3A_152, %get3A_153] {strides = array<i32>} : memref<128x128xf32, #tpu.memory_space<vmem>>, vector<16xf32>,
        %mul3A_155 = arith.mulf %get3A_154, %gather3A_118 : vector<16xf32>
        %swap3A_156 = arith.index_cast %add3A_116 : i32 to index
        %swap3A_157 = arith.constant 80 : index
        %swap3A_158 = tpu.vector_load %arg10[%swap3A_156, %swap3A_157] {strides = array<i32>} : memref<128x128xf32, #tpu.memory_space<vmem>>, vector<16xf32>,
        tpu.vector_store %arg10[%swap3A_156, %swap3A_157], %mul3A_155 {strides = array<i32>} : memref<128x128xf32, #tpu.memory_space<vmem>>, vector<16xf32>,
        %get3A_159 = arith.index_cast %add3A_116 : i32 to index
        %get3A_160 = arith.constant 96 : index
        %get3A_161 = tpu.vector_load %arg10[%get3A_159, %get3A_160] {strides = array<i32>} : memref<128x128xf32, #tpu.memory_space<vmem>>, vector<16xf32>,
        %mul3A_162 = arith.mulf %get3A_161, %gather3A_118 : vector<16xf32>
        %swap3A_163 = arith.index_cast %add3A_116 : i32 to index
        %swap3A_164 = arith.constant 96 : index
        %swap3A_165 = tpu.vector_load %arg10[%swap3A_163, %swap3A_164] {strides = array<i32>} : memref<128x128xf32, #tpu.memory_space<vmem>>, vector<16xf32>,
        tpu.vector_store %arg10[%swap3A_163, %swap3A_164], %mul3A_162 {strides = array<i32>} : memref<128x128xf32, #tpu.memory_space<vmem>>, vector<16xf32>,
        %get3A_166 = arith.index_cast %add3A_116 : i32 to index
        %get3A_167 = arith.constant 112 : index
        %get3A_168 = tpu.vector_load %arg10[%get3A_166, %get3A_167] {strides = array<i32>} : memref<128x128xf32, #tpu.memory_space<vmem>>, vector<16xf32>,
        %mul3A_169 = arith.mulf %get3A_168, %gather3A_118 : vector<16xf32>
        %swap3A_170 = arith.index_cast %add3A_116 : i32 to index
        %swap3A_171 = arith.constant 112 : index
        %swap3A_172 = tpu.vector_load %arg10[%swap3A_170, %swap3A_171] {strides = array<i32>} : memref<128x128xf32, #tpu.memory_space<vmem>>, vector<16xf32>,
        tpu.vector_store %arg10[%swap3A_170, %swap3A_171], %mul3A_169 {strides = array<i32>} : memref<128x128xf32, #tpu.memory_space<vmem>>, vector<16xf32>,
      }
      %scan3A_109 = arith.constant 128 : i32
      %run_scoped3A_110 = arith.constant 0 : i32
      "tpu.region"() ({
        %run_scoped3A_112 = tpu.sem_alloc : memref<!tpu.dma_semaphore, #tpu.memory_space<semaphore_mem>>
        %dma_start3A_113 = arith.constant 0 : i32
        %dma_start3A_114 = tpu.memref_slice %arg9[%run_scoped3A_110, %dma_start3A_113] : memref<1x128xi32, #tpu.memory_space<vmem>> -> memref<1x128xi32, #tpu.memory_space<vmem>>
        %dma_start3A_115 = tpu.memref_squeeze %dma_start3A_114 : memref<1x128xi32, #tpu.memory_space<vmem>> -> memref<128xi32, #tpu.memory_space<vmem>>
        %dma_start3A_116 = arith.constant 0 : i32
        %dma_start3A_117 = arith.constant 0 : i32
        %dma_start3A_118 = tpu.memref_slice %arg14[%dma_start3A_116, %dma_start3A_117] : memref<10000x128xf32, #tpu.memory_space<vmem_shared>> -> memref<10000x128xf32, #tpu.memory_space<vmem_shared>>
        tpu.enqueue_indirect_dma source(%arg10 : memref<128x128xf32, #tpu.memory_space<vmem>>) target(%dma_start3A_118 : memref<10000x128xf32, #tpu.memory_space<vmem_shared>>) offsets(%dma_start3A_115 : memref<128xi32, #tpu.memory_space<vmem>>) semaphore(%run_scoped3A_112 : memref<!tpu.dma_semaphore, #tpu.memory_space<semaphore_mem>>) {add = true}
        %dma_wait3A_119 = arith.constant 0 : i32
        %dma_wait3A_120 = tpu.memref_slice %arg9[%run_scoped3A_110, %dma_wait3A_119] : memref<1x128xi32, #tpu.memory_space<vmem>> -> memref<1x128xi32, #tpu.memory_space<vmem>>
        %dma_wait3A_121 = tpu.memref_squeeze %dma_wait3A_120 : memref<1x128xi32, #tpu.memory_space<vmem>> -> memref<128xi32, #tpu.memory_space<vmem>>
        %dma_wait3A_122 = arith.constant 0 : i32
        %dma_wait3A_123 = arith.constant 0 : i32
        %dma_wait3A_124 = tpu.memref_slice %arg14[%dma_wait3A_122, %dma_wait3A_123] : memref<10000x128xf32, #tpu.memory_space<vmem_shared>> -> memref<10000x128xf32, #tpu.memory_space<vmem_shared>>
        tpu.wait_indirect_dma semaphore(%run_scoped3A_112 : memref<!tpu.dma_semaphore, #tpu.memory_space<semaphore_mem>>) src(%arg10 : memref<128x128xf32, #tpu.memory_space<vmem>>) dst(%dma_wait3A_124 : memref<10000x128xf32, #tpu.memory_space<vmem_shared>>)
        tpu.yield
      }) : () -> ()
      %run_scoped3A_111 = arith.constant 0 : i32
      "tpu.region"() ({
        %run_scoped3A_112 = tpu.sem_alloc : memref<!tpu.dma_semaphore, #tpu.memory_space<semaphore_mem>>
        %dma_start3A_113 = arith.constant 0 : i32
        %dma_start3A_114 = tpu.memref_slice %arg9[%run_scoped3A_111, %dma_start3A_113] : memref<1x128xi32, #tpu.memory_space<vmem>> -> memref<1x128xi32, #tpu.memory_space<vmem>>
        %dma_start3A_115 = tpu.memref_squeeze %dma_start3A_114 : memref<1x128xi32, #tpu.memory_space<vmem>> -> memref<128xi32, #tpu.memory_space<vmem>>
        %dma_start3A_116 = arith.constant 0 : i32
        %dma_start3A_117 = arith.constant 0 : i32
        %dma_start3A_118 = tpu.memref_slice %arg15[%dma_start3A_116, %dma_start3A_117] : memref<10000x16xf32, #tpu.memory_space<vmem_shared>> -> memref<10000x16xf32, #tpu.memory_space<vmem_shared>>
        tpu.enqueue_indirect_dma source(%arg11 : memref<128x16xf32, #tpu.memory_space<vmem>>) target(%dma_start3A_118 : memref<10000x16xf32, #tpu.memory_space<vmem_shared>>) offsets(%dma_start3A_115 : memref<128xi32, #tpu.memory_space<vmem>>) semaphore(%run_scoped3A_112 : memref<!tpu.dma_semaphore, #tpu.memory_space<semaphore_mem>>) {add = true}
        %dma_wait3A_119 = arith.constant 0 : i32
        %dma_wait3A_120 = tpu.memref_slice %arg9[%run_scoped3A_111, %dma_wait3A_119] : memref<1x128xi32, #tpu.memory_space<vmem>> -> memref<1x128xi32, #tpu.memory_space<vmem>>
        %dma_wait3A_121 = tpu.memref_squeeze %dma_wait3A_120 : memref<1x128xi32, #tpu.memory_space<vmem>> -> memref<128xi32, #tpu.memory_space<vmem>>
        %dma_wait3A_122 = arith.constant 0 : i32
        %dma_wait3A_123 = arith.constant 0 : i32
        %dma_wait3A_124 = tpu.memref_slice %arg15[%dma_wait3A_122, %dma_wait3A_123] : memref<10000x16xf32, #tpu.memory_space<vmem_shared>> -> memref<10000x16xf32, #tpu.memory_space<vmem_shared>>
        tpu.wait_indirect_dma semaphore(%run_scoped3A_112 : memref<!tpu.dma_semaphore, #tpu.memory_space<semaphore_mem>>) src(%arg11 : memref<128x16xf32, #tpu.memory_space<vmem>>) dst(%dma_wait3A_124 : memref<10000x16xf32, #tpu.memory_space<vmem_shared>>)
        tpu.yield
      }) : () -> ()
    }
    %scan3A_44 = arith.constant 81 : i32
    %barrier3A_45 = arith.constant 0 : index
    tpu.barrier barrier_id(%barrier3A_45)
    "tpu.region"() ({
      %run_scoped3A = tpu.sem_alloc : memref<!tpu.dma_semaphore, #tpu.memory_space<semaphore_mem>>
      %dma_start3A = arith.constant 0 : i32
      %dma_start3A_51 = tpu.memref_slice %arg6[%arg0, %mul3A_15, %dma_start3A] : memref<2x10000x128xf32, #tpu.memory_space<hbm>> -> memref<1x624x128xf32, #tpu.memory_space<hbm>>
      %dma_start3A_52 = tpu.memref_squeeze %dma_start3A_51 : memref<1x624x128xf32, #tpu.memory_space<hbm>> -> memref<624x128xf32, #tpu.memory_space<hbm>>
      %dma_start3A_53 = arith.constant 0 : i32
      %dma_start3A_54 = tpu.memref_slice %arg14[%mul3A_15, %dma_start3A_53] : memref<10000x128xf32, #tpu.memory_space<vmem_shared>> -> memref<624x128xf32, #tpu.memory_space<vmem_shared>>
      tpu.enqueue_dma source(%dma_start3A_54 : memref<624x128xf32, #tpu.memory_space<vmem_shared>>) target(%dma_start3A_52 : memref<624x128xf32, #tpu.memory_space<hbm>>) target_semaphore(%run_scoped3A : memref<!tpu.dma_semaphore, #tpu.memory_space<semaphore_mem>>)
      %dma_wait3A = arith.constant 0 : i32
      %dma_wait3A_55 = tpu.memref_slice %arg6[%arg0, %mul3A_15, %dma_wait3A] : memref<2x10000x128xf32, #tpu.memory_space<hbm>> -> memref<1x624x128xf32, #tpu.memory_space<hbm>>
      %dma_wait3A_56 = tpu.memref_squeeze %dma_wait3A_55 : memref<1x624x128xf32, #tpu.memory_space<hbm>> -> memref<624x128xf32, #tpu.memory_space<hbm>>
      %dma_wait3A_57 = arith.constant 0 : i32
      %dma_wait3A_58 = tpu.memref_slice %arg14[%mul3A_15, %dma_wait3A_57] : memref<10000x128xf32, #tpu.memory_space<vmem_shared>> -> memref<624x128xf32, #tpu.memory_space<vmem_shared>>
      tpu.wait_dma2 semaphore(%run_scoped3A : memref<!tpu.dma_semaphore, #tpu.memory_space<semaphore_mem>>) src(%dma_wait3A_58 : memref<624x128xf32, #tpu.memory_space<vmem_shared>>) dst(%dma_wait3A_56 : memref<624x128xf32, #tpu.memory_space<hbm>>)
      tpu.yield
    }) : () -> ()
    "tpu.region"() ({
      %run_scoped3A = tpu.sem_alloc : memref<!tpu.dma_semaphore, #tpu.memory_space<semaphore_mem>>
      %dma_start3A = arith.constant 0 : i32
      %dma_start3A_51 = tpu.memref_slice %arg7[%arg0, %mul3A_15, %dma_start3A] : memref<2x10000x16xf32, #tpu.memory_space<hbm>> -> memref<1x624x16xf32, #tpu.memory_space<hbm>>
      %dma_start3A_52 = tpu.memref_squeeze %dma_start3A_51 : memref<1x624x16xf32, #tpu.memory_space<hbm>> -> memref<624x16xf32, #tpu.memory_space<hbm>>
      %dma_start3A_53 = arith.constant 0 : i32
      %dma_start3A_54 = tpu.memref_slice %arg15[%mul3A_15, %dma_start3A_53] : memref<10000x16xf32, #tpu.memory_space<vmem_shared>> -> memref<624x16xf32, #tpu.memory_space<vmem_shared>>
      tpu.enqueue_dma source(%dma_start3A_54 : memref<624x16xf32, #tpu.memory_space<vmem_shared>>) target(%dma_start3A_52 : memref<624x16xf32, #tpu.memory_space<hbm>>) target_semaphore(%run_scoped3A : memref<!tpu.dma_semaphore, #tpu.memory_space<semaphore_mem>>)
      %dma_wait3A = arith.constant 0 : i32
      %dma_wait3A_55 = tpu.memref_slice %arg7[%arg0, %mul3A_15, %dma_wait3A] : memref<2x10000x16xf32, #tpu.memory_space<hbm>> -> memref<1x624x16xf32, #tpu.memory_space<hbm>>
      %dma_wait3A_56 = tpu.memref_squeeze %dma_wait3A_55 : memref<1x624x16xf32, #tpu.memory_space<hbm>> -> memref<624x16xf32, #tpu.memory_space<hbm>>
      %dma_wait3A_57 = arith.constant 0 : i32
      %dma_wait3A_58 = tpu.memref_slice %arg15[%mul3A_15, %dma_wait3A_57] : memref<10000x16xf32, #tpu.memory_space<vmem_shared>> -> memref<624x16xf32, #tpu.memory_space<vmem_shared>>
      tpu.wait_dma2 semaphore(%run_scoped3A : memref<!tpu.dma_semaphore, #tpu.memory_space<semaphore_mem>>) src(%dma_wait3A_58 : memref<624x16xf32, #tpu.memory_space<vmem_shared>>) dst(%dma_wait3A_56 : memref<624x16xf32, #tpu.memory_space<hbm>>)
      tpu.yield
    }) : () -> ()
    %eq3A_46 = arith.constant 15 : i32
    %eq3A_47 = arith.cmpi eq, %arg1, %eq3A_46 : i32
    %convert_element_type3A_48 = arith.extui %eq3A_47 : i1 to i32
    %cond3A_49 = arith.constant 0 : i32
    %cond3A_50 = arith.cmpi ne, %convert_element_type3A_48, %cond3A_49 : i32
    scf.if %cond3A_50 {
      "tpu.region"() ({
        %run_scoped3A = tpu.sem_alloc : memref<!tpu.dma_semaphore, #tpu.memory_space<semaphore_mem>>
        %dma_start3A = arith.constant 9984 : i32
        %dma_start3A_51 = arith.constant 0 : i32
        %dma_start3A_52 = tpu.memref_slice %arg6[%arg0, %dma_start3A, %dma_start3A_51] : memref<2x10000x128xf32, #tpu.memory_space<hbm>> -> memref<1x16x128xf32, #tpu.memory_space<hbm>>
        %dma_start3A_53 = tpu.memref_squeeze %dma_start3A_52 : memref<1x16x128xf32, #tpu.memory_space<hbm>> -> memref<16x128xf32, #tpu.memory_space<hbm>>
        %dma_start3A_54 = arith.constant 9984 : i32
        %dma_start3A_55 = arith.constant 0 : i32
        %dma_start3A_56 = tpu.memref_slice %arg14[%dma_start3A_54, %dma_start3A_55] : memref<10000x128xf32, #tpu.memory_space<vmem_shared>> -> memref<16x128xf32, #tpu.memory_space<vmem_shared>>
        tpu.enqueue_dma source(%dma_start3A_56 : memref<16x128xf32, #tpu.memory_space<vmem_shared>>) target(%dma_start3A_53 : memref<16x128xf32, #tpu.memory_space<hbm>>) target_semaphore(%run_scoped3A : memref<!tpu.dma_semaphore, #tpu.memory_space<semaphore_mem>>)
        %dma_wait3A = arith.constant 9984 : i32
        %dma_wait3A_57 = arith.constant 0 : i32
        %dma_wait3A_58 = tpu.memref_slice %arg6[%arg0, %dma_wait3A, %dma_wait3A_57] : memref<2x10000x128xf32, #tpu.memory_space<hbm>> -> memref<1x16x128xf32, #tpu.memory_space<hbm>>
        %dma_wait3A_59 = tpu.memref_squeeze %dma_wait3A_58 : memref<1x16x128xf32, #tpu.memory_space<hbm>> -> memref<16x128xf32, #tpu.memory_space<hbm>>
        %dma_wait3A_60 = arith.constant 9984 : i32
        %dma_wait3A_61 = arith.constant 0 : i32
        %dma_wait3A_62 = tpu.memref_slice %arg14[%dma_wait3A_60, %dma_wait3A_61] : memref<10000x128xf32, #tpu.memory_space<vmem_shared>> -> memref<16x128xf32, #tpu.memory_space<vmem_shared>>
        tpu.wait_dma2 semaphore(%run_scoped3A : memref<!tpu.dma_semaphore, #tpu.memory_space<semaphore_mem>>) src(%dma_wait3A_62 : memref<16x128xf32, #tpu.memory_space<vmem_shared>>) dst(%dma_wait3A_59 : memref<16x128xf32, #tpu.memory_space<hbm>>)
        tpu.yield
      }) : () -> ()
      "tpu.region"() ({
        %run_scoped3A = tpu.sem_alloc : memref<!tpu.dma_semaphore, #tpu.memory_space<semaphore_mem>>
        %dma_start3A = arith.constant 9984 : i32
        %dma_start3A_51 = arith.constant 0 : i32
        %dma_start3A_52 = tpu.memref_slice %arg7[%arg0, %dma_start3A, %dma_start3A_51] : memref<2x10000x16xf32, #tpu.memory_space<hbm>> -> memref<1x16x16xf32, #tpu.memory_space<hbm>>
        %dma_start3A_53 = tpu.memref_squeeze %dma_start3A_52 : memref<1x16x16xf32, #tpu.memory_space<hbm>> -> memref<16x16xf32, #tpu.memory_space<hbm>>
        %dma_start3A_54 = arith.constant 9984 : i32
        %dma_start3A_55 = arith.constant 0 : i32
        %dma_start3A_56 = tpu.memref_slice %arg15[%dma_start3A_54, %dma_start3A_55] : memref<10000x16xf32, #tpu.memory_space<vmem_shared>> -> memref<16x16xf32, #tpu.memory_space<vmem_shared>>
        tpu.enqueue_dma source(%dma_start3A_56 : memref<16x16xf32, #tpu.memory_space<vmem_shared>>) target(%dma_start3A_53 : memref<16x16xf32, #tpu.memory_space<hbm>>) target_semaphore(%run_scoped3A : memref<!tpu.dma_semaphore, #tpu.memory_space<semaphore_mem>>)
        %dma_wait3A = arith.constant 9984 : i32
        %dma_wait3A_57 = arith.constant 0 : i32
        %dma_wait3A_58 = tpu.memref_slice %arg7[%arg0, %dma_wait3A, %dma_wait3A_57] : memref<2x10000x16xf32, #tpu.memory_space<hbm>> -> memref<1x16x16xf32, #tpu.memory_space<hbm>>
        %dma_wait3A_59 = tpu.memref_squeeze %dma_wait3A_58 : memref<1x16x16xf32, #tpu.memory_space<hbm>> -> memref<16x16xf32, #tpu.memory_space<hbm>>
        %dma_wait3A_60 = arith.constant 9984 : i32
        %dma_wait3A_61 = arith.constant 0 : i32
        %dma_wait3A_62 = tpu.memref_slice %arg15[%dma_wait3A_60, %dma_wait3A_61] : memref<10000x16xf32, #tpu.memory_space<vmem_shared>> -> memref<16x16xf32, #tpu.memory_space<vmem_shared>>
        tpu.wait_dma2 semaphore(%run_scoped3A : memref<!tpu.dma_semaphore, #tpu.memory_space<semaphore_mem>>) src(%dma_wait3A_62 : memref<16x16xf32, #tpu.memory_space<vmem_shared>>) dst(%dma_wait3A_59 : memref<16x16xf32, #tpu.memory_space<hbm>>)
        tpu.yield
      }) : () -> ()
    } else {
    }
    return
  }
}

module attributes {stable_mosaic.version = 14 : i64} {
  func.func @_tc0_body(%arg0: memref<10000x128xf32, #tpu.memory_space<vmem>>, %arg1: memref<128x128xf32, #tpu.memory_space<vmem>>, %arg2: memref<128x8xf32, #tpu.memory_space<vmem>>, %arg3: memref<10000x128xf32, #tpu.memory_space<vmem>>, %arg4: memref<8x10000xf32, #tpu.memory_space<vmem>>) attributes {dimension_semantics = [], scalar_prefetch = 0 : i64, scratch_operands = 0 : i64, tpu.core_type = #tpu.core_type<tc>} {
    %get3A = arith.constant 0 : index
    %get3A_0 = arith.constant 0 : index
    %get3A_1 = vector.load %arg0[%get3A, %get3A_0] : memref<10000x128xf32, #tpu.memory_space<vmem>>, vector<10000x128xf32>
    %get3A_2 = arith.constant 0 : index
    %get3A_3 = arith.constant 0 : index
    %get3A_4 = vector.load %arg1[%get3A_2, %get3A_3] : memref<128x128xf32, #tpu.memory_space<vmem>>, vector<128x128xf32>
    %dot_general3A = arith.constant dense<0.000000e+00> : vector<10000x128xf32>
    %dot_general3A_5 = tpu.matmul %get3A_1, %get3A_4, %dot_general3A {dimension_numbers = #tpu.dot_dimension_numbers<[1], [0], [0], [1], [0, 0, 1, 1], [], []>, precision = #tpu.contract_precision<fp32>, transpose_lhs_hint = false} : vector<10000x128xf32>, vector<128x128xf32>, vector<10000x128xf32> -> vector<10000x128xf32>
    %swap3A = arith.constant 0 : index
    %swap3A_6 = arith.constant 0 : index
    %swap3A_7 = vector.load %arg3[%swap3A, %swap3A_6] : memref<10000x128xf32, #tpu.memory_space<vmem>>, vector<10000x128xf32>
    tpu.vector_store %arg3[%swap3A, %swap3A_6], %dot_general3A_5 {strides = array<i32>} : memref<10000x128xf32, #tpu.memory_space<vmem>>, vector<10000x128xf32>,
    %get3A_8 = arith.constant 0 : index
    %get3A_9 = arith.constant 0 : index
    %get3A_10 = vector.load %arg2[%get3A_8, %get3A_9] : memref<128x8xf32, #tpu.memory_space<vmem>>, vector<128x8xf32>
    %dot_general3A_11 = arith.constant dense<0.000000e+00> : vector<8x10000xf32>
    %dot_general3A_12 = tpu.matmul %get3A_10, %dot_general3A_5, %dot_general3A_11 {dimension_numbers = #tpu.dot_dimension_numbers<[0], [1], [1], [0], [0, 1, 1, 0], [], []>, precision = #tpu.contract_precision<fp32>, transpose_lhs_hint = false} : vector<128x8xf32>, vector<10000x128xf32>, vector<8x10000xf32> -> vector<8x10000xf32>
    %swap3A_13 = arith.constant 0 : index
    %swap3A_14 = arith.constant 0 : index
    %swap3A_15 = vector.load %arg4[%swap3A_13, %swap3A_14] : memref<8x10000xf32, #tpu.memory_space<vmem>>, vector<8x10000xf32>
    tpu.vector_store %arg4[%swap3A_13, %swap3A_14], %dot_general3A_12 {strides = array<i32>} : memref<8x10000xf32, #tpu.memory_space<vmem>>, vector<8x10000xf32>,
    return
  }
}

module attributes {stable_mosaic.version = 14 : i64} {
  func.func @_mid_body(%arg0: memref<2x10000x128xf32, #tpu.memory_space<vmem>>, %arg1: memref<2x10000x16xf32, #tpu.memory_space<vmem>>, %arg2: memref<1x128xf32, #tpu.memory_space<vmem>>, %arg3: memref<128x128xf32, #tpu.memory_space<vmem>>, %arg4: memref<128x8xf32, #tpu.memory_space<vmem>>, %arg5: memref<10000x128xf32, #tpu.memory_space<vmem>>, %arg6: memref<8x10000xf32, #tpu.memory_space<vmem>>) attributes {dimension_semantics = [], scalar_prefetch = 0 : i64, scratch_operands = 0 : i64, tpu.core_type = #tpu.core_type<tc>} {
    %get3A = arith.constant 0 : index
    %get3A_0 = arith.constant 0 : index
    %get3A_1 = arith.constant 0 : index
    %get3A_2 = vector.load %arg0[%get3A, %get3A_0, %get3A_1] : memref<2x10000x128xf32, #tpu.memory_space<vmem>>, vector<1x10000x128xf32>
    %get3A_3 = vector.shape_cast %get3A_2 : vector<1x10000x128xf32> to vector<10000x128xf32>
    %get3A_4 = arith.constant 1 : index
    %get3A_5 = arith.constant 0 : index
    %get3A_6 = arith.constant 0 : index
    %get3A_7 = vector.load %arg0[%get3A_4, %get3A_5, %get3A_6] : memref<2x10000x128xf32, #tpu.memory_space<vmem>>, vector<1x10000x128xf32>
    %get3A_8 = vector.shape_cast %get3A_7 : vector<1x10000x128xf32> to vector<10000x128xf32>
    %add3A = arith.addf %get3A_3, %get3A_8 : vector<10000x128xf32>
    %get3A_9 = arith.constant 0 : index
    %get3A_10 = arith.constant 0 : index
    %get3A_11 = arith.constant 0 : index
    %get3A_12 = vector.load %arg1[%get3A_9, %get3A_10, %get3A_11] : memref<2x10000x16xf32, #tpu.memory_space<vmem>>, vector<1x10000x16xf32>
    %get3A_13 = vector.shape_cast %get3A_12 : vector<1x10000x16xf32> to vector<10000x16xf32>
    %get3A_14 = arith.constant 1 : index
    %get3A_15 = arith.constant 0 : index
    %get3A_16 = arith.constant 0 : index
    %get3A_17 = vector.load %arg1[%get3A_14, %get3A_15, %get3A_16] : memref<2x10000x16xf32, #tpu.memory_space<vmem>>, vector<1x10000x16xf32>
    %get3A_18 = vector.shape_cast %get3A_17 : vector<1x10000x16xf32> to vector<10000x16xf32>
    %add3A_19 = arith.addf %get3A_13, %get3A_18 : vector<10000x16xf32>
    %iota3A = tpu.iota {dimensions = array<i32: 1>} : vector<1x128xi32>
    %lt3A = arith.constant 64 : i32
    %lt3A_20 = vector.broadcast %lt3A : i32 to vector<1x128xi32>
    %lt3A_21 = arith.cmpi slt, %iota3A, %lt3A_20 : vector<1x128xi32>
    %slice3A = vector.extract_strided_slice %add3A_19 {offsets = [0, 0], sizes = [10000, 1], strides = [1, 1]} : vector<10000x16xf32> to vector<10000x1xf32>
    %slice3A_22 = vector.extract_strided_slice %add3A_19 {offsets = [0, 1], sizes = [10000, 1], strides = [1, 1]} : vector<10000x16xf32> to vector<10000x1xf32>
    %broadcast_in_dim3A = vector.shape_cast %lt3A_21 : vector<1x128xi1> to vector<1x128xi1>
    %broadcast_in_dim3A_23 = vector.broadcast %broadcast_in_dim3A : vector<1x128xi1> to vector<10000x128xi1>
    %broadcast_in_dim3A_24 = vector.shape_cast %slice3A : vector<10000x1xf32> to vector<10000x1xf32>
    %broadcast_in_dim3A_25 = vector.broadcast %broadcast_in_dim3A_24 : vector<10000x1xf32> to vector<10000x128xf32>
    %broadcast_in_dim3A_26 = vector.shape_cast %slice3A_22 : vector<10000x1xf32> to vector<10000x1xf32>
    %broadcast_in_dim3A_27 = vector.broadcast %broadcast_in_dim3A_26 : vector<10000x1xf32> to vector<10000x128xf32>
    %select_n3A = arith.select %broadcast_in_dim3A_23, %broadcast_in_dim3A_25, %broadcast_in_dim3A_27 : vector<10000x128xi1>, vector<10000x128xf32>
    %add3A_28 = arith.constant 1.000000e-16 : f32
    %add3A_29 = vector.broadcast %add3A_28 : f32 to vector<10000x128xf32>
    %add3A_30 = arith.addf %select_n3A, %add3A_29 : vector<10000x128xf32>
    %div3A = arith.divf %add3A, %add3A_30 : vector<10000x128xf32>
    %get3A_31 = arith.constant 0 : index
    %get3A_32 = arith.constant 0 : index
    %get3A_33 = vector.load %arg2[%get3A_31, %get3A_32] : memref<1x128xf32, #tpu.memory_space<vmem>>, vector<1x128xf32>
    %add3A_34 = vector.broadcast %get3A_33 : vector<1x128xf32> to vector<10000x128xf32>
    %add3A_35 = arith.addf %div3A, %add3A_34 : vector<10000x128xf32>
    %gt3A = arith.constant 0.000000e+00 : f32
    %gt3A_36 = vector.broadcast %gt3A : f32 to vector<10000x128xf32>
    %gt3A_37 = arith.cmpf ogt, %add3A_35, %gt3A_36 : vector<10000x128xf32>
    %exp3A = math.exp %add3A_35 : vector<10000x128xf32>
    %sub3A = arith.constant 1.000000e+00 : f32
    %sub3A_38 = vector.broadcast %sub3A : f32 to vector<10000x128xf32>
    %sub3A_39 = arith.subf %exp3A, %sub3A_38 : vector<10000x128xf32>
    %select_n3A_40 = arith.select %gt3A_37, %add3A_35, %sub3A_39 : vector<10000x128xi1>, vector<10000x128xf32>
    %get3A_41 = arith.constant 0 : index
    %get3A_42 = arith.constant 0 : index
    %get3A_43 = vector.load %arg3[%get3A_41, %get3A_42] : memref<128x128xf32, #tpu.memory_space<vmem>>, vector<128x128xf32>
    %dot_general3A = arith.constant dense<0.000000e+00> : vector<10000x128xf32>
    %dot_general3A_44 = tpu.matmul %select_n3A_40, %get3A_43, %dot_general3A {dimension_numbers = #tpu.dot_dimension_numbers<[1], [0], [0], [1], [0, 0, 1, 1], [], []>, precision = #tpu.contract_precision<fp32>, transpose_lhs_hint = false} : vector<10000x128xf32>, vector<128x128xf32>, vector<10000x128xf32> -> vector<10000x128xf32>
    %swap3A = arith.constant 0 : index
    %swap3A_45 = arith.constant 0 : index
    %swap3A_46 = vector.load %arg5[%swap3A, %swap3A_45] : memref<10000x128xf32, #tpu.memory_space<vmem>>, vector<10000x128xf32>
    tpu.vector_store %arg5[%swap3A, %swap3A_45], %dot_general3A_44 {strides = array<i32>} : memref<10000x128xf32, #tpu.memory_space<vmem>>, vector<10000x128xf32>,
    %get3A_47 = arith.constant 0 : index
    %get3A_48 = arith.constant 0 : index
    %get3A_49 = vector.load %arg4[%get3A_47, %get3A_48] : memref<128x8xf32, #tpu.memory_space<vmem>>, vector<128x8xf32>
    %dot_general3A_50 = arith.constant dense<0.000000e+00> : vector<8x10000xf32>
    %dot_general3A_51 = tpu.matmul %get3A_49, %dot_general3A_44, %dot_general3A_50 {dimension_numbers = #tpu.dot_dimension_numbers<[0], [1], [1], [0], [0, 1, 1, 0], [], []>, precision = #tpu.contract_precision<fp32>, transpose_lhs_hint = false} : vector<128x8xf32>, vector<10000x128xf32>, vector<8x10000xf32> -> vector<8x10000xf32>
    %swap3A_52 = arith.constant 0 : index
    %swap3A_53 = arith.constant 0 : index
    %swap3A_54 = vector.load %arg6[%swap3A_52, %swap3A_53] : memref<8x10000xf32, #tpu.memory_space<vmem>>, vector<8x10000xf32>
    tpu.vector_store %arg6[%swap3A_52, %swap3A_53], %dot_general3A_51 {strides = array<i32>} : memref<8x10000xf32, #tpu.memory_space<vmem>>, vector<8x10000xf32>,
    return
  }
}

module attributes {stable_mosaic.version = 14 : i64} {
  func.func @_fin_body(%arg0: memref<2x10000x128xf32, #tpu.memory_space<vmem>>, %arg1: memref<2x10000x16xf32, #tpu.memory_space<vmem>>, %arg2: memref<1x128xf32, #tpu.memory_space<vmem>>, %arg3: memref<10000x8xf32, #tpu.memory_space<vmem>>, %arg4: memref<128x40xf32, #tpu.memory_space<vmem>>, %arg5: memref<1x40xf32, #tpu.memory_space<vmem>>, %arg6: memref<8x40xf32, #tpu.memory_space<vmem>>) attributes {dimension_semantics = [], scalar_prefetch = 0 : i64, scratch_operands = 0 : i64, tpu.core_type = #tpu.core_type<tc>} {
    %get3A = arith.constant 0 : index
    %get3A_0 = arith.constant 0 : index
    %get3A_1 = arith.constant 0 : index
    %get3A_2 = vector.load %arg0[%get3A, %get3A_0, %get3A_1] : memref<2x10000x128xf32, #tpu.memory_space<vmem>>, vector<1x10000x128xf32>
    %get3A_3 = vector.shape_cast %get3A_2 : vector<1x10000x128xf32> to vector<10000x128xf32>
    %get3A_4 = arith.constant 1 : index
    %get3A_5 = arith.constant 0 : index
    %get3A_6 = arith.constant 0 : index
    %get3A_7 = vector.load %arg0[%get3A_4, %get3A_5, %get3A_6] : memref<2x10000x128xf32, #tpu.memory_space<vmem>>, vector<1x10000x128xf32>
    %get3A_8 = vector.shape_cast %get3A_7 : vector<1x10000x128xf32> to vector<10000x128xf32>
    %add3A = arith.addf %get3A_3, %get3A_8 : vector<10000x128xf32>
    %get3A_9 = arith.constant 0 : index
    %get3A_10 = arith.constant 0 : index
    %get3A_11 = arith.constant 0 : index
    %get3A_12 = vector.load %arg1[%get3A_9, %get3A_10, %get3A_11] : memref<2x10000x16xf32, #tpu.memory_space<vmem>>, vector<1x10000x16xf32>
    %get3A_13 = vector.shape_cast %get3A_12 : vector<1x10000x16xf32> to vector<10000x16xf32>
    %get3A_14 = arith.constant 1 : index
    %get3A_15 = arith.constant 0 : index
    %get3A_16 = arith.constant 0 : index
    %get3A_17 = vector.load %arg1[%get3A_14, %get3A_15, %get3A_16] : memref<2x10000x16xf32, #tpu.memory_space<vmem>>, vector<1x10000x16xf32>
    %get3A_18 = vector.shape_cast %get3A_17 : vector<1x10000x16xf32> to vector<10000x16xf32>
    %add3A_19 = arith.addf %get3A_13, %get3A_18 : vector<10000x16xf32>
    %iota3A = tpu.iota {dimensions = array<i32: 1>} : vector<1x128xi32>
    %lt3A = arith.constant 64 : i32
    %lt3A_20 = vector.broadcast %lt3A : i32 to vector<1x128xi32>
    %lt3A_21 = arith.cmpi slt, %iota3A, %lt3A_20 : vector<1x128xi32>
    %slice3A = vector.extract_strided_slice %add3A_19 {offsets = [0, 0], sizes = [10000, 1], strides = [1, 1]} : vector<10000x16xf32> to vector<10000x1xf32>
    %slice3A_22 = vector.extract_strided_slice %add3A_19 {offsets = [0, 1], sizes = [10000, 1], strides = [1, 1]} : vector<10000x16xf32> to vector<10000x1xf32>
    %broadcast_in_dim3A = vector.shape_cast %lt3A_21 : vector<1x128xi1> to vector<1x128xi1>
    %broadcast_in_dim3A_23 = vector.broadcast %broadcast_in_dim3A : vector<1x128xi1> to vector<10000x128xi1>
    %broadcast_in_dim3A_24 = vector.shape_cast %slice3A : vector<10000x1xf32> to vector<10000x1xf32>
    %broadcast_in_dim3A_25 = vector.broadcast %broadcast_in_dim3A_24 : vector<10000x1xf32> to vector<10000x128xf32>
    %broadcast_in_dim3A_26 = vector.shape_cast %slice3A_22 : vector<10000x1xf32> to vector<10000x1xf32>
    %broadcast_in_dim3A_27 = vector.broadcast %broadcast_in_dim3A_26 : vector<10000x1xf32> to vector<10000x128xf32>
    %select_n3A = arith.select %broadcast_in_dim3A_23, %broadcast_in_dim3A_25, %broadcast_in_dim3A_27 : vector<10000x128xi1>, vector<10000x128xf32>
    %add3A_28 = arith.constant 1.000000e-16 : f32
    %add3A_29 = vector.broadcast %add3A_28 : f32 to vector<10000x128xf32>
    %add3A_30 = arith.addf %select_n3A, %add3A_29 : vector<10000x128xf32>
    %div3A = arith.divf %add3A, %add3A_30 : vector<10000x128xf32>
    %get3A_31 = arith.constant 0 : index
    %get3A_32 = arith.constant 0 : index
    %get3A_33 = vector.load %arg2[%get3A_31, %get3A_32] : memref<1x128xf32, #tpu.memory_space<vmem>>, vector<1x128xf32>
    %add3A_34 = vector.broadcast %get3A_33 : vector<1x128xf32> to vector<10000x128xf32>
    %add3A_35 = arith.addf %div3A, %add3A_34 : vector<10000x128xf32>
    %get3A_36 = arith.constant 0 : index
    %get3A_37 = arith.constant 0 : index
    %get3A_38 = vector.load %arg3[%get3A_36, %get3A_37] : memref<10000x8xf32, #tpu.memory_space<vmem>>, vector<10000x8xf32>
    %dot_general3A = arith.constant dense<0.000000e+00> : vector<8x128xf32>
    %dot_general3A_39 = tpu.matmul %get3A_38, %add3A_35, %dot_general3A {dimension_numbers = #tpu.dot_dimension_numbers<[0], [0], [1], [1], [0, 1, 1, 1], [], []>, precision = #tpu.contract_precision<fp32>, transpose_lhs_hint = false} : vector<10000x8xf32>, vector<10000x128xf32>, vector<8x128xf32> -> vector<8x128xf32>
    %reduce_sum3A = arith.constant dense<0.000000e+00> : vector<8xf32>
    %reduce_sum3A_40 = vector.multi_reduction <add>, %get3A_38, %reduce_sum3A [0] : vector<10000x8xf32> to vector<8xf32>
    %broadcast_in_dim3A_41 = vector.shape_cast %reduce_sum3A_40 : vector<8xf32> to vector<8x1xf32>
    %max3A = arith.constant 1.000000e+00 : f32
    %max3A_42 = vector.broadcast %max3A : f32 to vector<8x1xf32>
    %max3A_43 = arith.maximumf %broadcast_in_dim3A_41, %max3A_42 : vector<8x1xf32>
    %div3A_44 = vector.broadcast %max3A_43 : vector<8x1xf32> to vector<8x128xf32>
    %div3A_45 = arith.divf %dot_general3A_39, %div3A_44 : vector<8x128xf32>
    %get3A_46 = arith.constant 0 : index
    %get3A_47 = arith.constant 0 : index
    %get3A_48 = vector.load %arg4[%get3A_46, %get3A_47] : memref<128x40xf32, #tpu.memory_space<vmem>>, vector<128x40xf32>
    %dot_general3A_49 = arith.constant dense<0.000000e+00> : vector<8x40xf32>
    %dot_general3A_50 = tpu.matmul %div3A_45, %get3A_48, %dot_general3A_49 {dimension_numbers = #tpu.dot_dimension_numbers<[1], [0], [0], [1], [0, 0, 1, 1], [], []>, precision = #tpu.contract_precision<fp32>, transpose_lhs_hint = false} : vector<8x128xf32>, vector<128x40xf32>, vector<8x40xf32> -> vector<8x40xf32>
    %get3A_51 = arith.constant 0 : index
    %get3A_52 = arith.constant 0 : index
    %get3A_53 = vector.load %arg5[%get3A_51, %get3A_52] : memref<1x40xf32, #tpu.memory_space<vmem>>, vector<1x40xf32>
    %add3A_54 = vector.broadcast %get3A_53 : vector<1x40xf32> to vector<8x40xf32>
    %add3A_55 = arith.addf %dot_general3A_50, %add3A_54 : vector<8x40xf32>
    %reduce_max3A = arith.constant dense<0xFF800000> : vector<8xf32>
    %reduce_max3A_56 = vector.multi_reduction <maximumf>, %add3A_55, %reduce_max3A [1] : vector<8x40xf32> to vector<8xf32>
    %broadcast_in_dim3A_57 = vector.shape_cast %reduce_max3A_56 : vector<8xf32> to vector<8x1xf32>
    %sub3A = vector.broadcast %broadcast_in_dim3A_57 : vector<8x1xf32> to vector<8x40xf32>
    %sub3A_58 = arith.subf %add3A_55, %sub3A : vector<8x40xf32>
    %exp3A = math.exp %sub3A_58 : vector<8x40xf32>
    %reduce_sum3A_59 = arith.constant dense<0.000000e+00> : vector<8xf32>
    %reduce_sum3A_60 = vector.multi_reduction <add>, %exp3A, %reduce_sum3A_59 [1] : vector<8x40xf32> to vector<8xf32>
    %broadcast_in_dim3A_61 = vector.shape_cast %reduce_sum3A_60 : vector<8xf32> to vector<8x1xf32>
    %div3A_62 = vector.broadcast %broadcast_in_dim3A_61 : vector<8x1xf32> to vector<8x40xf32>
    %div3A_63 = arith.divf %exp3A, %div3A_62 : vector<8x40xf32>
    %swap3A = arith.constant 0 : index
    %swap3A_64 = arith.constant 0 : index
    %swap3A_65 = vector.load %arg6[%swap3A, %swap3A_64] : memref<8x40xf32, #tpu.memory_space<vmem>>, vector<8x40xf32>
    tpu.vector_store %arg6[%swap3A, %swap3A_64], %div3A_63 {strides = array<i32>} : memref<8x40xf32, #tpu.memory_space<vmem>>, vector<8x40xf32>,
    return
  }
}

</mosaic_0001>

<sc_bundles>
// kernel: kernel.12.cloned.1.call-start
scs
__scs_entry_jumppad:
0x0: {  	(pc) =	sbr.rel $0x88, $3  }
0x1: {  	(tag) =	ssettag $0x0;
	lr =	simm.s32 $0x1  }
0x2: {  	[smem:$0x3F90] =	sst lr;
	_ =	strace $0xD0000000  }
0x3: {  	_ = 	snop  }
0x4: {  	_ = 	snop  }
0x5: {  	_ = 	snop  }
0x6: {  	_ = 	snop  }
0x7: {  	_ = 	snop  }
__scs_overlays_trampoline_lowered:
0x8: {  	[smem:$0x3F9F] =	sst s0  }
0x9: {  	[smem:$0x3FA0] =	sst s1  }
0xa: {  	[smem:$0x3FA1] =	sst s2  }
0xb: {  	[smem:$0x3FA2] =	sst s3  }
0xc: {  	[smem:$0x3FA3] =	sst s4  }
0xd: {  	[smem:$0x3FA4] =	sst s5  }
0xe: {  	[smem:$0x3FA5] =	sst s6  }
0xf: {  	[smem:$0x3FA6] =	sst s7  }
0x10: {  	[smem:$0x3FA7] =	sst s8  }
0x11: {  	[smem:$0x3FA8] =	sst s9;
	s0 =	simm.s32 @!p0 $0x0  }
0x12: {  	s1 =	sld [smem:$0x3F8E];
	s0 =	simm.s32 @p0 $0x1  }
0x13: {  	[smem:$0x3FA9] =	sst s0;
	s0 =	simm.s32 @!p1 $0x0  }
0x14: {  	s2 =	sld [smem:$0x3F8D];
	s0 =	simm.s32 @p1 $0x1  }
0x15: {  	[smem:$0x3FAA] =	sst s0;
	s0 =	simm.s32 @!p2 $0x0  }
0x16: {  	s3 =	sld [smem:$0x3FDB];
	s0 =	simm.s32 @p2 $0x1  }
0x17: {  	s4 =	simm.s32 $0x1BF5;
	[smem:$0x3FAC] =	sst s0  }
0x18: {  	s0 =	sld [smem:$0x3F8F];
	_ =	swait.ge [sflag:s4], $0x0  }
0x19: {  	s7 =	sld [smem:$0x3F90]  }
0x1a: {  	s8 =	sadd.s32 $0xFFFFE003, lr  }
0x1b: {  	s9 =	sadd.s32 $0xFFFFFEF7, lr;
	s5 =	simm.s32 $0xFFFFFFFF;
	p2 =	slt.u32 s8, $0xFFFFF086  }
0x1c: {  	p1 =	slt.u32 s9, $0xF7A;
	s5 =	simm.s32 @!p2 $0x0  }
0x1d: {  	s5 =	simm.s32 @p1 $0x1;
	p0 =	seq.s32 s7, s2  }
0x1e: {  	s7 =	smul.u32 @!p0 $0xF7A, s2;
	p2 =	seq.s32 @!p0 s5, $0x0  }
0x1f: {  	s9 =	smul.u32 $0xF7A, s1;
	s8 =	simm.s32 @!p0 $0x1BF5;
	p2 =	por !p2, p0  }
0x20: {  	[sflag:s8] =	ssyncset.s32 @!p0 $0xFFFFF086;
	s6 =	sadd.s32 @!p0 s3, s7;
	s7 =	simm.s32 @!p0 $0x108  }
0x21: {  	s3 =	sadd.s32 s3, s9;
	s6 =	sadd.s32 @!p0 $0x88, s6;
	s7 =	simm.s32 @p2 $0x1082  }
0x22: {  	[simem:s7], [sflag:s8] =	dma.local @!p0 [hbm:s6], $0xF7A  }
0x23: {  	s9 =	sor.u32 $0xD0000000, s2;
	s6 =	simm.s32 $0x108;
	_ =	swait.ge @!p0 [sflag:s8], $0x0  }
0x24: {  	s3 =	sadd.s32 $0x88, s3;
	s6 =	simm.s32 @!p1 $0x1082;
	[sflag:s4] =	ssyncset.s32 $0xFFFFF086  }
0x25: {  	[simem:s6], [sflag:s4] =	dma.local [hbm:s3], $0xF7A  }
0x26: {  	[smem:$0x3F90] =	sst s1;
	(tag) =	ssettag s2;
	_ =	strace s9  }
0x27: {  	s1 =	sld [smem:$0x3FA0]  }
0x28: {  	s2 =	sld [smem:$0x3FA1]  }
0x29: {  	s4 =	sld [smem:$0x3FA3]  }
0x2a: {  	p0 =	seq.s32 s5, $0x0;
	s5 =	sld [smem:$0x3FA4]  }
0x2b: {  	s6 =	sld [smem:$0x3FA5]  }
0x2c: {  	s7 =	sld [smem:$0x3FA6]  }
0x2d: {  	s3 =	simm.s32 $0x108;
	s8 =	sld [smem:$0x3FA7]  }
0x2e: {  	s3 =	simm.s32 @!p0 $0x1082;
	s9 =	sld [smem:$0x3FA8]  }
0x2f: {  	lr =	sadd.s32 s0, s3;
	s0 =	sld [smem:$0x3F9F]  }
0x30: {  	s3 =	sld [smem:$0x3FA2]  }
0x31: {  	[smem:$0x3FAB] =	sst s10  }
0x32: {  	s10 =	sld [smem:$0x3FA9];
	_ =	sdelay $0x3  }
0x33: {  	p0 =	seq.s32 s10, $0x1;
	s10 =	sld [smem:$0x3FAB];
	_ =	sdelay $0x3  }
0x34: {  	[smem:$0x3FAB] =	sst s10  }
0x35: {  	s10 =	sld [smem:$0x3FAA];
	_ =	sdelay $0x3  }
0x36: {  	p1 =	seq.s32 s10, $0x1;
	s10 =	sld [smem:$0x3FAB];
	_ =	sdelay $0x3  }
0x37: {  	[smem:$0x3FAB] =	sst s10  }
0x38: {  	s10 =	sld [smem:$0x3FAC]  }
0x39: {  	_ = 	snop;
	(pc) =	sbr.ind lr, $3  }
0x3a: {  	_ = 	snop  }
0x3b: {  	_ = 	snop  }
0x3c: {  	p2 =	seq.s32 s10, $0x1;
	s10 =	sld [smem:$0x3FAB]  }
0x3d: {  	_ =	shalt  }
0x3e: {  	_ =	shalt  }
0x3f: {  	_ =	shalt  }
0x40: {  	_ =	shalt  }
0x41: {  	_ =	shalt  }
0x42: {  	_ =	shalt  }
0x43: {  	_ =	shalt  }
0x44: {  	_ =	shalt  }
0x45: {  	_ =	shalt  }
0x46: {  	_ =	shalt  }
0x47: {  	_ =	shalt  }
0x48: {  	_ =	shalt  }
0x49: {  	_ =	shalt  }
0x4a: {  	_ =	shalt  }
0x4b: {  	_ =	shalt  }
0x4c: {  	_ =	shalt  }
0x4d: {  	_ =	shalt  }
0x4e: {  	_ =	shalt  }
0x4f: {  	_ =	shalt  }
0x50: {  	_ =	shalt  }
0x51: {  	_ =	shalt  }
0x52: {  	_ =	shalt  }
0x53: {  	_ =	shalt  }
0x54: {  	_ =	shalt  }
0x55: {  	_ =	shalt  }
0x56: {  	_ =	shalt  }
0x57: {  	_ =	shalt  }
0x58: {  	_ =	shalt  }
0x59: {  	_ =	shalt  }
0x5a: {  	_ =	shalt  }
0x5b: {  	_ =	shalt  }
0x5c: {  	_ =	shalt  }
0x5d: {  	_ =	shalt  }
0x5e: {  	_ =	shalt  }
0x5f: {  	_ =	shalt  }
0x60: {  	_ =	shalt  }
0x61: {  	_ =	shalt  }
0x62: {  	_ =	shalt  }
0x63: {  	_ =	shalt  }
0x64: {  	_ =	shalt  }
0x65: {  	_ =	shalt  }
0x66: {  	_ =	shalt  }
0x67: {  	_ =	shalt  }
0x68: {  	_ =	shalt  }
0x69: {  	_ =	shalt  }
0x6a: {  	_ =	shalt  }
0x6b: {  	_ =	shalt  }
0x6c: {  	_ =	shalt  }
0x6d: {  	_ =	shalt  }
0x6e: {  	_ =	shalt  }
0x6f: {  	_ =	shalt  }
0x70: {  	_ =	shalt  }
0x71: {  	_ =	shalt  }
0x72: {  	_ =	shalt  }
0x73: {  	_ =	shalt  }
0x74: {  	_ =	shalt  }
0x75: {  	_ =	shalt  }
0x76: {  	_ =	shalt  }
0x77: {  	_ =	shalt  }
0x78: {  	_ =	shalt  }
0x79: {  	_ =	shalt  }
0x7a: {  	_ =	shalt  }
0x7b: {  	_ =	shalt  }
0x7c: {  	_ =	shalt  }
0x7d: {  	_ =	shalt  }
0x7e: {  	_ =	shalt  }
0x7f: {  	_ =	shalt  }
0x80: {  	_ =	shalt  }
0x81: {  	_ =	shalt  }
0x82: {  	_ =	shalt  }
0x83: {  	_ =	shalt  }
0x84: {  	_ =	shalt  }
0x85: {  	_ =	shalt  }
0x86: {  	_ =	shalt  }
0x87: {  	_ =	shalt  }
.Lfunc_end0:
.L_simem_size_0:
called_computation.1_lowered:
.L_overlay_start_0:
0x88: {  	s2 =	sld [smem:$0x3FD9]  }
0x89: {  	s3 =	sld [smem:$0x3FFE];
	_ =	sdelay $0x1  }
0x8a: {  	s1 =	srdreg.scid  }
0x8b: {  	s0 =	sand.u32 $0x1, s1  }
0x8c: {  	s16 =	sshll.u32 s0, $0xA;
	s2 =	sadd.s32 s3, s2  }
0x8d: {  	s2 =	sadd.s32 s2, s16  }
0x8e: {  	[smem:$0x3FB7] =	sst s2  }
0x8f: {  	_ = 	snop  }
0x90: {  	(tm) =	ssettm $0x1  }
0x91: {  	s17 =	sld [smem:$0x3FFB];
	_ =	sdelay $0x3  }
0x92: {  	_ =	strace s17  }
0x93: {  	s2 =	sld [smem:$0x3FFC];
	_ =	sdelay $0x3  }
0x94: {  	_ =	strace s2  }
0x95: {  	s2 =	sld [smem:$0x3FFD];
	_ =	sdelay $0x3  }
0x96: {  	_ =	strace s2  }
0x97: {  	_ =	strace $0x8FFFFFFF  }
0x98: {  	s18 =	sld [smem:$0x3FDB];
	_ =	sdelay $0x1  }
0x99: {  	s19 =	simm.s32 $_scs_section_size  }
0x9a: {  	s4 =	simm.s32 $_size__tile_overlayer_lowered;
	s5 =	simm.s32 $_tile_overlayer_lowered  }
0x9b: {  	s22 =	simm.s32 $0x1BFF;
	s21 =	sshll.u32 s5, $0x1;
	s2 =	sadd.s32 s19, s18  }
0x9c: {  	s6 =	simm.s32 $0x0;
	s20 =	sshll.u32 s4, $0x1;
	s4 =	sadd.s32 s21, s2  }
0x9d: {  	[timem:s6], [sflag:s22] =	dma.local [hbm:s4], s20  }
0x9e: {  	_ =	swait.ge [sflag:s22], s20  }
0x9f: {  	s3 =	ssub.s32 $0x0, s20;
	[sflag:s22] =	ssyncset.done $0x0  }
0xa0: {  	[sflag:s22] =	ssyncadd.s32 s3;
	_ =	sdelay $0x1  }
0xa1: {  	s23 =	simm.s32 $0x1B8B  }
0xa2: {  	_ =	swait.ge [sflag:s23], $0x1  }
0xa3: {  	[sflag:s23] =	ssyncset.done $0x0  }
0xa4: {  	s25 =	simm.s32 $0x1B8E;
	s24 =	sld [smem:$0x3FFE];
	[sflag:s23] =	ssyncadd.s32 $0xFFFFFFFF  }
0xa5: {  	s26 =	simm.s32 $execute0_lowered;
	[smem:$0x3FD2] =	sst s25  }
0xa6: {  	s4 =	sshll.u32 s26, $0x1;
	_ =	strace $0x80000049;
	[dreg:$0x1] =	wrdreg $0xFFFFFFFF  }
0xa7: {  	s28 =	simm.s32 $_size_execute0_lowered;
	s2 =	sadd.s32 s2, s4;
	[dreg:$0x0] =	wrdreg $0x0  }
0xa8: {  	s4 =	sshll.u32 s28, $0x1;
	[dreg:$0x2] =	wrdreg s2  }
0xa9: {  	[dreg:$0x3] =	wrdreg s4  }
0xaa: {  	[dreg:$0x4] =	wrdreg $0xC0  }
0xab: {  	_ =	task [dreg:s6], $0x5FFFF  }
0xac: {  	[dreg:$0x1] =	wrdreg $0xFFFFFFFF  }
0xad: {  	[dreg:$0x0] =	wrdreg $0x60  }
0xae: {  	[dreg:$0x2] =	wrdreg s24  }
0xaf: {  	[dreg:$0x3] =	wrdreg $0x59000  }
0xb0: {  	[dreg:$0x4] =	wrdreg $0x191800  }
0xb1: {  	[dreg:$0x5] =	wrdreg $0x9  }
0xb2: {  	_ =	task.clear_ibuf [dreg:s6], $0x6FFFF;
	_ =	strace $0x90000049  }
0xb3: {  	s29 =	simm.s32 $0x9;
	_ =	strace $0x8000004B  }
0xb4: {  	_ =	swait.ge [sflag:s29], $0x1  }
0xb5: {  	[sflag:s29] =	ssyncadd.s32 $0xFFFFFFFF  }
0xb6: {  	_ =	strace $0x9000004B  }
0xb7: {  	_ =	sfence  }
0xb8: {  	s30 =	sld [smem:$0x0];
	_ =	sdelay $0x2  }
0xb9: {  	s31 =	sshll.u32 s1, $0xD;
	s1 =	sshrl.u32 s1, $0x2  }
0xba: {  	s3 =	sand.u32 $0x4000, s31;
	s1 =	sadd.s32 s1, s30  }
0xbb: {  	s0 =	sor.u32 s3, s0;
	s1 =	sshll.u32 s1, $0x11  }
0xbc: {  	s0 =	sor.u32 s1, s0  }
0xbd: {  	s0 =	sadd.s32 $0x8F2B, s0  }
0xbe: {  	[sflag:s0] =	ssyncadd.remote.s32 $0x1  }
0xbf: {  	_ =	sfence.sel $0xFFFF  }
0xc0: {  	[dreg:$0x0] =	wrdreg $0xFFFFFFFF;
	(pc) =	sbr.abs _section_cstart, $3  }
0xc1: {  	[dreg:$0x1] =	wrdreg $0xFFFFFFFF  }
0xc2: {  	_ =	task.clear_ibuf [dreg:s6], $0x2FFFF;
	_ =	strace $0x9FFFFFFF  }
0xc3: {  	(tm) =	ssettm $0x7FFFFFFF  }
tec
execute0_lowered:
.L_overlay_start_1:
0x0: {  	(tag) =	ssettag $0x1  }
0x1: {  	s0 =	rddreg [dreg:$0x0]  }
0x2: {  	s1 =	rddreg [dreg:$0x1]  }
0x3: {  	s2 =	rddreg [dreg:$0x2];
	s3 =	simm.s32 $0x0;
	s5 =	srdreg.scid  }
0x4: {  	s26 =	stileid.u32;
	s28 =	simm.s32 $0x100;
	s29 =	simm.s32 $0x3  }
0x5: {  	s30 =	simm.s32 $0x4100;
	[smem:$0x7FF] =	sst s3;
	s4 =	sadd.s32 $0x4C00, s0  }
0x6: {  	s6 =	sadd.s32 $0x2BE00, s0;
	s7 =	sadd.s32 $0x3B200, s0;
	s8 =	sadd.s32 $0x31000, s0  }
0x7: {  	s11 =	sadd.s32 $0x4F200, s0;
	s5 =	sand.u32 $0x1, s5;
	s12 =	smul.u32 $0x270, s26  }
0x8: {  	s0 =	sadd.s32 $0x45400, s0;
	s13 =	smul.u32 $0x13800, s26;
	s14 =	sshll.u32 s26, $0x1  }
0x9: {  	s15 =	smul.u32 $0x2700, s26;
	p0 =	sne.s32 s26, $0xF;
	s26 =	sadd.s32 $0x27000, s2  }
0xa: {  	s31 =	simm.s32 $0x80;
	_ =	strace $0x8000004A;
	s21 =	smul.u32 $0x138800, s5  }
0xb: {  	s9 =	ssub.s32 $0x2, s5;
	s14 =	sor.u32 s5, s14;
	s5 =	smul.u32 $0x27100, s5  }
0xc: {  	s10 =	sshrl.u32 s9, $0x1;
	s17 =	sadd.s32 $0x80, s12;
	s24 =	sadd.s32 $0x100, s12  }
0xd: {  	s19 =	sadd.s32 $0x180, s12;
	s12 =	sadd.s32 $0x200, s12;
	s16 =	ssub.s32 s9, s10  }
0xe: {  	s9 =	sadd.s32 s13, s1;
	s10 =	sadd.s32 s15, s2;
	s18 =	sshll.u32 s17, $0x7  }
0xf: {  	s17 =	sshll.u32 s17, $0x4;
	s25 =	sshll.u32 s24, $0x7;
	s20 =	sshll.u32 s19, $0x7  }
0x10: {  	s22 =	sshll.u32 s19, $0x4;
	s13 =	sadd.s32 s13, s21;
	s23 =	sshrl.u32 s21, $0x3  }
0x11: {  	s21 =	sadd.s32 $0x138000, s1;
	s18 =	sadd.s32 s18, s1;
	s17 =	sadd.s32 s17, s2  }
0x12: {  	s20 =	sadd.s32 s20, s1;
	s13 =	sshrl.u32 s13, $0x3;
	[dreg:$0x4] =	wrdreg s18  }
0x13: {  	[dreg:$0x5] =	wrdreg s17;
	s18 =	sshll.u32 s24, $0x4;
	s17 =	sadd.s32 s25, s1  }
0x14: {  	[dreg:$0x8] =	wrdreg s20;
	s13 =	sadd.s32 s11, s13;
	s11 =	sadd.s32 s11, s23  }
0x15: {  	s24 =	sshll.u32 s12, $0x7;
	s25 =	sadd.s32 s15, s5;
	s12 =	sshll.u32 s12, $0x4  }
0x16: {  	s5 =	sshrl.u32 s5, $0x3;
	[dreg:$0x6] =	wrdreg s17;
	s18 =	sadd.s32 s18, s2  }
0x17: {  	[dreg:$0x9] =	wrdreg s13;
	s17 =	sadd.s32 s22, s2;
	s13 =	sadd.s32 s24, s1  }
0x18: {  	s19 =	sadd.s32 s12, s2;
	s22 =	smul.u32 $0x2880, s14;
	[dreg:$0x7] =	wrdreg s18  }
0x19: {  	s23 =	sadd.s32 $0x27000, s11;
	s11 =	simm.s32 $0x2;
	[dreg:$0xa] =	wrdreg s17  }
0x1a: {  	s12 =	simm.s32 $0x1;
	[dreg:$0xb] =	wrdreg s13;
	s13 =	sshrl.u32 s25, $0x3  }
0x1b: {  	v1 =	vlaneseq.u32;
	s25 =	smax.u32 s16, $0x1;
	s20 =	sadd.s32 s0, s13;
	s0 =	sadd.s32 s0, s5  }
0x1c: {  	v0 =	vimm.f32 $0.0e+00;
	v1 =	vmul.u32 $0x10, v1;
	s5 =	simm.s32 $0x5100;
	s24 =	sadd.s32 $0x4E00, s0;
	s0 =	simm.s32 $0x4900  }
.LBB2_1:
0x1d: {  	s13 =	simm.s32 $0x140  }
0x1e: {  	[tilespmem:s13+$0xFFFFFFD0] =	vst v0  }
0x1f: {  	[tilespmem:s13+$0xFFFFFFE0] =	vst v0  }
0x20: {  	[tilespmem:s13+$0xFFFFFFF0] =	vst v0  }
0x21: {  	[tilespmem:s13+$0x0] =	vst v0  }
0x22: {  	[tilespmem:s13+$0x10] =	vst v0  }
0x23: {  	[tilespmem:s13+$0x20] =	vst v0  }
0x24: {  	[tilespmem:s13+$0x30] =	vst v0  }
0x25: {  	s15 =	simm.s32 $0x0;
	s14 =	simm.s32 $0x40;
	[tilespmem:s13+$0xFFFFFFC0] =	vst v0  }
.LBB2_2:
0x26: {  	p1 =	sne.s32 s14, $0x1FC0;
	[tilespmem:s15+$0x4100] =	vst v0;
	s13 =	sadd.s32 $0x80, s13  }
0x27: {  	[tilespmem:s13+$0xFFFFFFD0] =	vst v0  }
0x28: {  	[tilespmem:s13+$0xFFFFFFE0] =	vst v0  }
0x29: {  	[tilespmem:s13+$0xFFFFFFF0] =	vst v0  }
.Ltmp0:
0x2a: {  	[tilespmem:s13+$0x0] =	vst v0;
	(pc) =	sbr.rel @p1 .LBB2_2-.Ltmp0, $4  }
0x2b: {  	[tilespmem:s13+$0x10] =	vst v0  }
0x2c: {  	[tilespmem:s13+$0x20] =	vst v0  }
0x2d: {  	[tilespmem:s13+$0x30] =	vst v0  }
0x2e: {  	s15 =	sshra.s32 s14, $0x2;
	s14 =	sadd.s32 $0x40, s14;
	[tilespmem:s13+$0xFFFFFFC0] =	vst v0  }
0x2f: {  	[tilespmem:s15+$0x4100] =	vst v0  }
0x30: {  	[spmem:s9] =	stream.linear.scatter [tilespmem:s28], [sflag:$0x3], $0x4000, $0x38;
	[tilespmem:$0x1B890] =	vst v63  }
0x31: {  	_ =	swait.ge [sflag:s29], $0x4000  }
0x32: {  	[sflag:s29] =	ssyncset.done $0x0  }
0x33: {  	[sflag:s29] =	ssyncadd.s32 $0xFFFFC000  }
0x34: {  	[spmem:s10] =	stream.linear.scatter [tilespmem:s30], [sflag:$0x3], $0x800, $0x38;
	[tilespmem:$0x1B890] =	vst v63  }
0x35: {  	_ =	swait.ge [sflag:s29], $0x800  }
0x36: {  	[sflag:s29] =	ssyncset.done $0x0  }
0x37: {  	s13 =	rddreg [dreg:$0x4];
	[sflag:s29] =	ssyncadd.s32 $0xFFFFF800  }
0x38: {  	[spmem:s13] =	stream.linear.scatter [tilespmem:s28], [sflag:$0x3], $0x4000, $0x38;
	[tilespmem:$0x1B890] =	vst v63  }
0x39: {  	_ =	swait.ge [sflag:s29], $0x4000  }
0x3a: {  	[sflag:s29] =	ssyncset.done $0x0  }
0x3b: {  	s18 =	rddreg [dreg:$0x5];
	[sflag:s29] =	ssyncadd.s32 $0xFFFFC000  }
0x3c: {  	[spmem:s18] =	stream.linear.scatter [tilespmem:s30], [sflag:$0x3], $0x800, $0x38;
	[tilespmem:$0x1B890] =	vst v63  }
0x3d: {  	_ =	swait.ge [sflag:s29], $0x800  }
0x3e: {  	[sflag:s29] =	ssyncset.done $0x0  }
0x3f: {  	s14 =	rddreg [dreg:$0x6];
	[sflag:s29] =	ssyncadd.s32 $0xFFFFF800  }
0x40: {  	[spmem:s14] =	stream.linear.scatter [tilespmem:s28], [sflag:$0x3], $0x4000, $0x38;
	[tilespmem:$0x1B890] =	vst v63  }
0x41: {  	_ =	swait.ge [sflag:s29], $0x4000  }
0x42: {  	[sflag:s29] =	ssyncset.done $0x0  }
0x43: {  	s15 =	rddreg [dreg:$0x7];
	[sflag:s29] =	ssyncadd.s32 $0xFFFFC000  }
0x44: {  	[spmem:s15] =	stream.linear.scatter [tilespmem:s30], [sflag:$0x3], $0x800, $0x38;
	[tilespmem:$0x1B890] =	vst v63  }
0x45: {  	_ =	swait.ge [sflag:s29], $0x800  }
0x46: {  	[sflag:s29] =	ssyncset.done $0x0  }
0x47: {  	s16 =	rddreg [dreg:$0x8];
	[sflag:s29] =	ssyncadd.s32 $0xFFFFF800  }
0x48: {  	[spmem:s16] =	stream.linear.scatter [tilespmem:s28], [sflag:$0x3], $0x4000, $0x38;
	[tilespmem:$0x1B890] =	vst v63  }
0x49: {  	_ =	swait.ge [sflag:s29], $0x4000  }
0x4a: {  	[sflag:s29] =	ssyncset.done $0x0  }
0x4b: {  	s17 =	rddreg [dreg:$0xa];
	[sflag:s29] =	ssyncadd.s32 $0xFFFFC000  }
0x4c: {  	[spmem:s17] =	stream.linear.scatter [tilespmem:s30], [sflag:$0x3], $0x800, $0x38;
	[tilespmem:$0x1B890] =	vst v63  }
0x4d: {  	_ =	swait.ge [sflag:s29], $0x800  }
0x4e: {  	[sflag:s29] =	ssyncset.done $0x0  }
0x4f: {  	s18 =	rddreg [dreg:$0xb];
	[sflag:s29] =	ssyncadd.s32 $0xFFFFF800  }
0x50: {  	[spmem:s18] =	stream.linear.scatter [tilespmem:s28], [sflag:$0x3], $0x3800, $0x38;
	[tilespmem:$0x1B890] =	vst v63  }
0x51: {  	_ =	swait.ge [sflag:s29], $0x3800  }
0x52: {  	[sflag:s29] =	ssyncset.done $0x0  }
0x53: {  	[sflag:s29] =	ssyncadd.s32 $0xFFFFC800  }
0x54: {  	[spmem:s19] =	stream.linear.scatter [tilespmem:s30], [sflag:$0x3], $0x700, $0x38;
	[tilespmem:$0x1B890] =	vst v63  }
0x55: {  	_ =	swait.ge [sflag:s29], $0x700  }
0x56: {  	[sflag:s29] =	ssyncset.done $0x0  }
0x57: {  	s13 =	simm.s32 @!p0 $0x100;
	[sflag:s29] =	ssyncadd.s32 $0xFFFFF900  }
0x58: {  	[spmem:s21] =	stream.linear.scatter @!p0 [tilespmem:s13], [sflag:$0x3], $0x800, $0x38;
	[tilespmem:$0x1B890] =	vst v63  }
0x59: {  	s13 =	simm.s32 @!p0 $0x3  }
0x5a: {  	_ =	swait.ge @!p0 [sflag:s13], $0x800  }
0x5b: {  	[sflag:s13] =	ssyncset.done @!p0 $0x0  }
0x5c: {  	s14 =	simm.s32 @!p0 $0x4100;
	[sflag:s13] =	ssyncadd.s32 @!p0 $0xFFFFF800  }
0x5d: {  	[spmem:s26] =	stream.linear.scatter @!p0 [tilespmem:s14], [sflag:$0x3], $0x100, $0x38;
	[tilespmem:$0x1B890] =	vst v63  }
0x5e: {  	_ =	swait.ge @!p0 [sflag:s13], $0x100  }
0x5f: {  	[sflag:s13] =	ssyncset.done @!p0 $0x0  }
0x60: {  	[sflag:s13] =	ssyncadd.s32 @!p0 $0xFFFFFF00  }
0x61: {  	s14 =	simm.s32 $0x0;
	s13 =	simm.s32 $0x0;
	[bflag:$0x0] =	sbarrier.arrive $0xFFFF  }
.LBB2_4:
0x62: {  	s15 =	sshll.u32 s14, $0x7  }
0x63: {  	s15 =	sadd.s32 s22, s15  }
0x64: {  	s16 =	sshrl.u32 s15, $0x3  }
0x65: {  	s17 =	sadd.s32 s7, s16  }
0x66: {  	[tilespmem:s13], [sflag:$0x3] =	stream.linear.gather [hbm4b:s17+s13], $0x80, $0x38;
	[tilespmem:$0x1B890] =	vst v63  }
0x67: {  	_ =	swait.ge [sflag:s29], $0x80  }
0x68: {  	[sflag:s29] =	ssyncset.done $0x0  }
0x69: {  	s16 =	sadd.s32 s8, s16;
	[sflag:s29] =	ssyncadd.s32 $0xFFFFFF80  }
0x6a: {  	[tilespmem:s31], [sflag:$0x3] =	stream.linear.gather [hbm4b:s16+s13], $0x80, $0x38;
	[tilespmem:$0x1B890] =	vst v63  }
0x6b: {  	_ =	swait.ge [sflag:s29], $0x80  }
0x6c: {  	[sflag:s29] =	ssyncset.done $0x0  }
0x6d: {  	[sflag:s29] =	ssyncadd.s32 $0xFFFFFF80  }
0x6e: {  	[tilespmem:s28], [sflag:$0x1] =	stream.indirect.gather [hbm4b:s4+s31], $0x80, s13, s31, $0xb8;
	[tilespmem:$0x1B890] =	vst v63  }
0x6f: {  	_ = 	snop  }
0x70: {  	[tilespmem:s0], [sflag:$0x2] =	stream.indirect.gather [hbm4b:s6+s31], $0x10, s13, s31, $0xb8;
	[tilespmem:$0x1B890] =	vst v63  }
0x71: {  	v2 =	vmov s13  }
0x72: {  	v2 =	vshll.u32 v2, $0x4;
	[tilespmem:s5], [sflag:$0x2] =	stream.indirect.gather [hbm4b:s6+s31], $0x10, s31, s31, $0xb8;
	[tilespmem:$0x1B890] =	vst v63  }
0x73: {  	v2 =	vor.u32 v1, v2;
	_ =	swait.ge [sflag:s11], $0x800  }
0x74: {  	v4 =	vor.u32 $0x3, v2;
	[sflag:s11] =	ssyncset.done $0x0  }
0x75: {  	v5 =	vor.u32 $0x2, v2;
	[sflag:s11] =	ssyncadd.s32 $0xFFFFF800  }
0x76: {  	_ =	swait.ge [sflag:s11], $0x800  }
0x77: {  	v3 =	vor.u32 $0x1, v2;
	[sflag:s11] =	ssyncset.done $0x0  }
0x78: {  	[sflag:s11] =	ssyncadd.s32 $0xFFFFF800  }
0x79: {  	v4 =	vld.idx.msk [tilespmem:v4+s5+$0x0], $0xffff  }
0x7a: {  	v5 =	vld.idx.msk [tilespmem:v5+s5+$0x0], $0xffff  }
0x7b: {  	v6 =	vld.idx.msk [tilespmem:v2+s0+$0x0], $0xffff  }
0x7c: {  	v7 =	vld.idx.msk [tilespmem:v3+s0+$0x0], $0xffff;
	_ =	sdelay $0x3  }
0x7d: {  	v5 =	vadd.f32 v5, v6  }
0x7e: {  	v4 =	vadd.f32 v4, v7  }
0x7f: {  	v6 =	vmul.f32 $2.000000030e-01, v5  }
0x80: {  	v7 =	vmul.f32 $2.000000030e-01, v4  }
0x81: {  	v5 =	vmax.f32 v5, v6  }
0x82: {  	v4 =	vmax.f32 v4, v7;
	v5 =	vmul.f32 $1.442695020e+00, v5  }
0x83: {  	v7 =	vmul.f32 $1.442695020e+00, v4  }
0x84: {  	(erf) = vpow2.f32 v5  }
0x85: {  	(erf) = vpow2.f32 v7;
	_ =	sdelay $0x2  }
0x86: {  	s16 =	simm.s32 $0x10  }
0x87: {  	v6 =	vmov s16  }
0x88: {  	v4 =	vshll.u32 v6, $0x4  }
0x89: {  	v4 =	vor.u32 v1, v4  }
0x8a: {  	s18 =	sor.u32 s15, s13;
	s17 =	simm.s32 $0x20;
	v5 =	vor.u32 $0x3, v4  }
.LBB2_5:
0x8b: {  	p1 =	sne.s32 s17, $0x70;
	v6 =	vor.u32 $0x2, v4;
	p2 =	slt.u32 s18, $0x50910;
	v7 =	vpop (erf)  }
0x8c: {  	v7 =	vpsel !p2, $0x0, v7;
	v8 =	vpop (erf)  }
0x8d: {  	v9 =	vor.u32 $0x1, v4;
	v8 =	vpsel !p2, $0x0, v8;
	[tilespmem:v2+s30+$0x0] =	vst.idx.msk $0xffff, v7;
	v2 =	vmov v4  }
0x8e: {  	[tilespmem:v3+s30+$0x0] =	vst.idx.msk $0xffff, v8;
	v3 =	vmov v9  }
0x8f: {  	v5 =	vld.idx.msk [tilespmem:v5+s5+$0x0], $0xffff  }
0x90: {  	v6 =	vld.idx.msk [tilespmem:v6+s5+$0x0], $0xffff  }
0x91: {  	v4 =	vld.idx.msk [tilespmem:v4+s0+$0x0], $0xffff  }
0x92: {  	v7 =	vld.idx.msk [tilespmem:v9+s0+$0x0], $0xffff;
	_ =	sdelay $0x4  }
0x93: {  	v4 =	vadd.f32 v6, v4  }
0x94: {  	v5 =	vadd.f32 v5, v7  }
0x95: {  	v6 =	vmul.f32 $2.000000030e-01, v4  }
0x96: {  	v7 =	vmul.f32 $2.000000030e-01, v5  }
0x97: {  	v4 =	vmax.f32 v4, v6  }
0x98: {  	v5 =	vmax.f32 v5, v7;
	v4 =	vmul.f32 $1.442695020e+00, v4  }
0x99: {  	v5 =	vmul.f32 $1.442695020e+00, v5  }
0x9a: {  	(erf) = vpow2.f32 v4  }
0x9b: {  	(erf) = vpow2.f32 v5;
	_ =	sdelay $0x2  }
.Ltmp1:
0x9c: {  	(pc) =	sbr.rel @p1 .LBB2_5-.Ltmp1, $4  }
0x9d: {  	v4 =	vmov s17  }
0x9e: {  	v4 =	vshll.u32 v4, $0x4  }
0x9f: {  	v4 =	vor.u32 v1, v4  }
0xa0: {  	s18 =	sor.u32 s15, s16;
	s16 =	smov.u32 s17;
	s17 =	sadd.s32 $0x10, s17;
	v5 =	vor.u32 $0x3, v4  }
0xa1: {  	_ =	sdelay $0x1  }
0xa2: {  	p1 =	slt.u32 s18, $0x50910;
	v7 =	vpop (erf)  }
0xa3: {  	v6 =	vor.u32 $0x2, v4;
	v7 =	vpsel !p1, $0x0, v7;
	v8 =	vpop (erf)  }
0xa4: {  	v9 =	vor.u32 $0x1, v4;
	v8 =	vpsel !p1, $0x0, v8;
	[tilespmem:v2+s30+$0x0] =	vst.idx.msk $0xffff, v7  }
0xa5: {  	[tilespmem:v3+s30+$0x0] =	vst.idx.msk $0xffff, v8  }
0xa6: {  	v2 =	vld.idx.msk [tilespmem:v5+s5+$0x0], $0xffff  }
0xa7: {  	v5 =	vld.idx.msk [tilespmem:v4+s0+$0x0], $0xffff  }
0xa8: {  	v3 =	vld.idx.msk [tilespmem:v6+s5+$0x0], $0xffff  }
0xa9: {  	v6 =	vld.idx.msk [tilespmem:v9+s0+$0x0], $0xffff;
	_ =	sdelay $0x3  }
0xaa: {  	v3 =	vadd.f32 v3, v5  }
0xab: {  	v2 =	vadd.f32 v2, v6  }
0xac: {  	v5 =	vmul.f32 $2.000000030e-01, v3  }
0xad: {  	v6 =	vmul.f32 $2.000000030e-01, v2  }
0xae: {  	v3 =	vmax.f32 v3, v5  }
0xaf: {  	v2 =	vmax.f32 v2, v6;
	v3 =	vmul.f32 $1.442695020e+00, v3  }
0xb0: {  	v2 =	vmul.f32 $1.442695020e+00, v2  }
0xb1: {  	(erf) = vpow2.f32 v3  }
0xb2: {  	(erf) = vpow2.f32 v2;
	_ =	sdelay $0x6  }
0xb3: {  	s15 =	sor.u32 s15, s16  }
0xb4: {  	p6 =	slt.u32 s15, $0x50910;
	v2 =	vpop (erf)  }
0xb5: {  	v2 =	vpsel !p6, $0x0, v2;
	v3 =	vpop (erf)  }
0xb6: {  	v3 =	vpsel !p6, $0x0, v3;
	[tilespmem:v4+s30+$0x0] =	vst.idx.msk $0xffff, v2  }
0xb7: {  	s18 =	simm.s32 $0x0;
	[tilespmem:v9+s30+$0x0] =	vst.idx.msk $0xffff, v3  }
0xb8: {  	v2 =	vmov s18;
	_ =	swait.ge [sflag:s12], $0x4000  }
0xb9: {  	[sflag:s12] =	ssyncset.done $0x0  }
0xba: {  	s15 =	simm.s32 $0x140;
	v3 =	vor.u32 $0x1, v2;
	[sflag:s12] =	ssyncadd.s32 $0xFFFFC000  }
0xbb: {  	v4 =	vld [tilespmem:s15+$0xFFFFFFF0]  }
0xbc: {  	v5 =	vld [tilespmem:s15+$0xFFFFFFC0]  }
0xbd: {  	v10 =	vld.idx.msk [tilespmem:v2+s30+$0x0], $0xffff  }
0xbe: {  	v7 =	vld [tilespmem:s15+$0x0]  }
0xbf: {  	v3 =	vld.idx.msk [tilespmem:v3+s30+$0x0], $0xffff  }
0xc0: {  	v8 =	vld [tilespmem:s15+$0xFFFFFFE0]  }
0xc1: {  	v6 =	vld [tilespmem:s15+$0xFFFFFFD0]  }
0xc2: {  	v11 =	vld [tilespmem:s15+$0x20]  }
0xc3: {  	v2 =	vld [tilespmem:s15+$0x30]  }
0xc4: {  	v12 =	vmul.f32 v5, v10;
	v5 =	vmul.f32 v7, v3;
	v7 =	vld [tilespmem:s15+$0x10];
	_ =	sdelay $0x1  }
0xc5: {  	v6 =	vmul.f32 v6, v10;
	v9 =	vmul.f32 v4, v10  }
0xc6: {  	s16 =	simm.s32 $0x1;
	s17 =	simm.s32 $0x140;
	v8 =	vmul.f32 v8, v10;
	v4 =	vmul.f32 v11, v3;
	[tilespmem:s15+$0xFFFFFFC0] =	vst v12  }
.LBB2_7:
0xc7: {  	p1 =	sne.s32 s16, $0x7F  }
0xc8: {  	[tilespmem:s15+$0xFFFFFFF0] =	vst v9;
	v7 =	vmul.f32 v7, v3;
	v2 =	vmul.f32 v2, v3;
	s17 =	sadd.s32 $0x80, s17;
	s18 =	smov.u32 s16;
	s16 =	sadd.s32 $0x1, s16  }
0xc9: {  	s18 =	sshll.u32 s18, $0x4;
	[tilespmem:s15+$0xFFFFFFD0] =	vst v6  }
0xca: {  	v3 =	vmov s18;
	v9 =	vld [tilespmem:s17+$0xFFFFFFF0];
	[tilespmem:s15+$0xFFFFFFE0] =	vst v8  }
0xcb: {  	v6 =	vor.u32 $0x1, v3;
	v8 =	vld [tilespmem:s17+$0xFFFFFFC0];
	[tilespmem:s15+$0x0] =	vst v5  }
0xcc: {  	v10 =	vld [tilespmem:s17+$0xFFFFFFE0];
	[tilespmem:s15+$0x30] =	vst v2  }
0xcd: {  	v2 =	vld [tilespmem:s17+$0x30];
	[tilespmem:s15+$0x10] =	vst v7  }
0xce: {  	v5 =	vld [tilespmem:s17+$0xFFFFFFD0];
	[tilespmem:s15+$0x20] =	vst v4;
	s15 =	smov.u32 s17  }
0xcf: {  	v4 =	vld.idx.msk [tilespmem:v3+s30+$0x0], $0xffff  }
0xd0: {  	v3 =	vld.idx.msk [tilespmem:v6+s30+$0x0], $0xffff  }
0xd1: {  	v11 =	vld [tilespmem:s17+$0x0]  }
0xd2: {  	v12 =	vld [tilespmem:s17+$0x20]  }
.Ltmp2:
0xd3: {  	v7 =	vld [tilespmem:s17+$0x10];
	(pc) =	sbr.rel @p1 .LBB2_7-.Ltmp2, $4  }
0xd4: {  	_ = 	snop  }
0xd5: {  	v8 =	vmul.f32 v8, v4;
	v6 =	vmul.f32 v5, v4  }
0xd6: {  	v9 =	vmul.f32 v9, v4;
	v5 =	vmul.f32 v11, v3  }
0xd7: {  	[tilespmem:s17+$0xFFFFFFC0] =	vst v8;
	v8 =	vmul.f32 v10, v4;
	v4 =	vmul.f32 v12, v3  }
0xd8: {  	[tilespmem:s15+$0xFFFFFFF0] =	vst v9  }
0xd9: {  	[tilespmem:s15+$0xFFFFFFD0] =	vst v6  }
0xda: {  	[tilespmem:s15+$0x0] =	vst v5  }
0xdb: {  	v2 =	vmul.f32 v2, v3;
	[tilespmem:s15+$0xFFFFFFE0] =	vst v8  }
0xdc: {  	v3 =	vmul.f32 v7, v3;
	[tilespmem:s15+$0x20] =	vst v4  }
0xdd: {  	[tilespmem:s15+$0x30] =	vst v2  }
0xde: {  	[tilespmem:s15+$0x10] =	vst v3  }
0xdf: {  	[spmem:s1] =	stream.indirect.scatter.add.f32 [tilespmem:s28], [sflag:$0x3], $0x80, s31, s31, $0xb8;
	[tilespmem:$0x1B890] =	vst v63  }
0xe0: {  	s14 =	sadd.s32 $0x1, s14;
	_ =	swait.ge [sflag:s29], $0x4000  }
0xe1: {  	p1 =	sne.s32 s14, $0x51;
	[sflag:s29] =	ssyncset.done $0x0  }
.Ltmp3:
0xe2: {  	[sflag:s29] =	ssyncadd.s32 $0xFFFFC000;
	(pc) =	sbr.rel @p1 .LBB2_4-.Ltmp3, $4  }
0xe3: {  	[spmem:s2] =	stream.indirect.scatter.add.f32 [tilespmem:s30], [sflag:$0x3], $0x10, s31, s31, $0xb8;
	[tilespmem:$0x1B890] =	vst v63  }
0xe4: {  	_ =	swait.ge [sflag:s29], $0x800  }
0xe5: {  	[sflag:s29] =	ssyncset.done $0x0  }
0xe6: {  	[sflag:s29] =	ssyncadd.s32 $0xFFFFF800  }
0xe7: {  	s13 =	stileid.u32  }
0xe8: {  	[bflag:$0x0] =	sbarrier.arrive $0xFFFF;
	s13 =	sshll.u32 s13, $0x6  }
0xe9: {  	s14 =	sshrl.u32 s9, $0x3;
	s15 =	rddreg [dreg:$0x9];
	s13 =	sor.u32 $0x1C03, s13  }
0xea: {  	[hbm:s15], [sflag:s13] =	dma.local [spmem:s14], $0x2700  }
0xeb: {  	_ =	swait.ge [sflag:s29], $0x2700  }
0xec: {  	[sflag:s29] =	ssyncset.done $0x0  }
0xed: {  	s18 =	sshrl.u32 s10, $0x3;
	[sflag:s29] =	ssyncadd.s32 $0xFFFFD900  }
0xee: {  	[hbm:s20], [sflag:s13] =	dma.local [spmem:s18], $0x4E0  }
0xef: {  	_ =	swait.ge [sflag:s29], $0x4E0  }
0xf0: {  	[sflag:s29] =	ssyncset.done $0x0  }
0xf1: {  	s14 =	sshrl.u32 @!p0 s21, $0x3;
	[sflag:s29] =	ssyncadd.s32 $0xFFFFFB20  }
0xf2: {  	[hbm:s23], [sflag:s13] =	dma.local @!p0 [spmem:s14], $0x100  }
0xf3: {  	s14 =	simm.s32 @!p0 $0x3  }
0xf4: {  	s3 =	sadd.s32 $0x1, s3;
	_ =	swait.ge @!p0 [sflag:s14], $0x100  }
0xf5: {  	p1 =	sne.s32 s3, s25;
	[sflag:s14] =	ssyncset.done @!p0 $0x0  }
.Ltmp4:
0xf6: {  	s15 =	sshrl.u32 @!p0 s26, $0x3;
	[sflag:s14] =	ssyncadd.s32 @!p0 $0xFFFFFF00;
	(pc) =	sbr.rel @p1 .LBB2_1-.Ltmp4, $4  }
0xf7: {  	[hbm:s24], [sflag:s13] =	dma.local @!p0 [spmem:s15], $0x20  }
0xf8: {  	_ =	swait.ge @!p0 [sflag:s14], $0x20  }
0xf9: {  	[sflag:s14] =	ssyncset.done @!p0 $0x0  }
0xfa: {  	[sflag:s14] =	ssyncadd.s32 @!p0 $0xFFFFFFE0  }
0xfb: {  	_ =	sfence.sel $0x180000  }
0xfc: {  	[bflag:$0x0] =	sbarrier.arrive $0xFFFF  }
0xfd: {  	_ =	strace $0x9000004A  }
0xfe: {  	s0 =	stileid.u32;
	[bflag:$0x2] =	sbarrier.arrive $0xFFFF  }
0xff: {  	p0 =	sne.s32 s0, $0x0;
	s0 =	rddreg [dreg:$0x3]  }
0x100: {  	s0 =	sadd.s32 @!p0 $0x100000, s0  }
0x101: {  	[sflag:s0] =	ssyncadd.tile.s32 @!p0 $0x1;
	_ =	shalt  }
.Lfunc_end2:
_tile_overlayer_lowered:
.L_overlay_start_2:
0x102: {  	(tag) =	ssettag $0x2  }
0x103: {  	s0 =	rddreg [dreg:$0x0];
	s2 =	stileid.u32  }
0x104: {  	s1 =	rddreg [dreg:$0x1];
	p0 =	sne.s32 s2, $0x0  }
0x105: {  	s3 =	rddreg [dreg:$0x2];
	[bflag:$0x3] =	sbarrier.arrive $0xFFFF;
	s2 =	simm.s32 @!p0 $0x1C03  }
0x106: {  	[timem:s3], [sflag:s2] =	dma.local @!p0 [hbm:s0], s1  }
0x107: {  	s0 =	simm.s32 @!p0 $0x3  }
0x108: {  	_ =	swait.ge @!p0 [sflag:s0], s1  }
0x109: {  	s1 =	ssub.s32 @!p0 $0x0, s1;
	[sflag:s0] =	ssyncset.done @!p0 $0x0  }
0x10a: {  	[sflag:s0] =	ssyncadd.s32 @!p0 s1  }
0x10b: {  	[bflag:$0x3] =	sbarrier.arrive $0xFFFF  }
0x10c: {  	_ =	shalt  }

// kernel: kernel.15.cloned.1.call-start
scs
__scs_entry_jumppad:
0x0: {  	(pc) =	sbr.rel $0x88, $3  }
0x1: {  	(tag) =	ssettag $0x0;
	lr =	simm.s32 $0x1  }
0x2: {  	[smem:$0x3F90] =	sst lr;
	_ =	strace $0xD0000000  }
0x3: {  	_ = 	snop  }
0x4: {  	_ = 	snop  }
0x5: {  	_ = 	snop  }
0x6: {  	_ = 	snop  }
0x7: {  	_ = 	snop  }
__scs_overlays_trampoline_lowered:
0x8: {  	[smem:$0x3F9F] =	sst s0  }
0x9: {  	[smem:$0x3FA0] =	sst s1  }
0xa: {  	[smem:$0x3FA1] =	sst s2  }
0xb: {  	[smem:$0x3FA2] =	sst s3  }
0xc: {  	[smem:$0x3FA3] =	sst s4  }
0xd: {  	[smem:$0x3FA4] =	sst s5  }
0xe: {  	[smem:$0x3FA5] =	sst s6  }
0xf: {  	[smem:$0x3FA6] =	sst s7  }
0x10: {  	[smem:$0x3FA7] =	sst s8  }
0x11: {  	[smem:$0x3FA8] =	sst s9;
	s0 =	simm.s32 @!p0 $0x0  }
0x12: {  	s1 =	sld [smem:$0x3F8E];
	s0 =	simm.s32 @p0 $0x1  }
0x13: {  	[smem:$0x3FA9] =	sst s0;
	s0 =	simm.s32 @!p1 $0x0  }
0x14: {  	s2 =	sld [smem:$0x3F8D];
	s0 =	simm.s32 @p1 $0x1  }
0x15: {  	[smem:$0x3FAA] =	sst s0;
	s0 =	simm.s32 @!p2 $0x0  }
0x16: {  	s3 =	sld [smem:$0x3FDB];
	s0 =	simm.s32 @p2 $0x1  }
0x17: {  	s4 =	simm.s32 $0x1BF5;
	[smem:$0x3FAC] =	sst s0  }
0x18: {  	s0 =	sld [smem:$0x3F8F];
	_ =	swait.ge [sflag:s4], $0x0  }
0x19: {  	s7 =	sld [smem:$0x3F90]  }
0x1a: {  	s8 =	sadd.s32 $0xFFFFE003, lr  }
0x1b: {  	s9 =	sadd.s32 $0xFFFFFEF7, lr;
	s5 =	simm.s32 $0xFFFFFFFF;
	p2 =	slt.u32 s8, $0xFFFFF086  }
0x1c: {  	p1 =	slt.u32 s9, $0xF7A;
	s5 =	simm.s32 @!p2 $0x0  }
0x1d: {  	s5 =	simm.s32 @p1 $0x1;
	p0 =	seq.s32 s7, s2  }
0x1e: {  	s7 =	smul.u32 @!p0 $0xF7A, s2;
	p2 =	seq.s32 @!p0 s5, $0x0  }
0x1f: {  	s9 =	smul.u32 $0xF7A, s1;
	s8 =	simm.s32 @!p0 $0x1BF5;
	p2 =	por !p2, p0  }
0x20: {  	[sflag:s8] =	ssyncset.s32 @!p0 $0xFFFFF086;
	s6 =	sadd.s32 @!p0 s3, s7;
	s7 =	simm.s32 @!p0 $0x108  }
0x21: {  	s3 =	sadd.s32 s3, s9;
	s6 =	sadd.s32 @!p0 $0x88, s6;
	s7 =	simm.s32 @p2 $0x1082  }
0x22: {  	[simem:s7], [sflag:s8] =	dma.local @!p0 [hbm:s6], $0xF7A  }
0x23: {  	s9 =	sor.u32 $0xD0000000, s2;
	s6 =	simm.s32 $0x108;
	_ =	swait.ge @!p0 [sflag:s8], $0x0  }
0x24: {  	s3 =	sadd.s32 $0x88, s3;
	s6 =	simm.s32 @!p1 $0x1082;
	[sflag:s4] =	ssyncset.s32 $0xFFFFF086  }
0x25: {  	[simem:s6], [sflag:s4] =	dma.local [hbm:s3], $0xF7A  }
0x26: {  	[smem:$0x3F90] =	sst s1;
	(tag) =	ssettag s2;
	_ =	strace s9  }
0x27: {  	s1 =	sld [smem:$0x3FA0]  }
0x28: {  	s2 =	sld [smem:$0x3FA1]  }
0x29: {  	s4 =	sld [smem:$0x3FA3]  }
0x2a: {  	p0 =	seq.s32 s5, $0x0;
	s5 =	sld [smem:$0x3FA4]  }
0x2b: {  	s6 =	sld [smem:$0x3FA5]  }
0x2c: {  	s7 =	sld [smem:$0x3FA6]  }
0x2d: {  	s3 =	simm.s32 $0x108;
	s8 =	sld [smem:$0x3FA7]  }
0x2e: {  	s3 =	simm.s32 @!p0 $0x1082;
	s9 =	sld [smem:$0x3FA8]  }
0x2f: {  	lr =	sadd.s32 s0, s3;
	s0 =	sld [smem:$0x3F9F]  }
0x30: {  	s3 =	sld [smem:$0x3FA2]  }
0x31: {  	[smem:$0x3FAB] =	sst s10  }
0x32: {  	s10 =	sld [smem:$0x3FA9];
	_ =	sdelay $0x3  }
0x33: {  	p0 =	seq.s32 s10, $0x1;
	s10 =	sld [smem:$0x3FAB];
	_ =	sdelay $0x3  }
0x34: {  	[smem:$0x3FAB] =	sst s10  }
0x35: {  	s10 =	sld [smem:$0x3FAA];
	_ =	sdelay $0x3  }
0x36: {  	p1 =	seq.s32 s10, $0x1;
	s10 =	sld [smem:$0x3FAB];
	_ =	sdelay $0x3  }
0x37: {  	[smem:$0x3FAB] =	sst s10  }
0x38: {  	s10 =	sld [smem:$0x3FAC]  }
0x39: {  	_ = 	snop;
	(pc) =	sbr.ind lr, $3  }
0x3a: {  	_ = 	snop  }
0x3b: {  	_ = 	snop  }
0x3c: {  	p2 =	seq.s32 s10, $0x1;
	s10 =	sld [smem:$0x3FAB]  }
0x3d: {  	_ =	shalt  }
0x3e: {  	_ =	shalt  }
0x3f: {  	_ =	shalt  }
0x40: {  	_ =	shalt  }
0x41: {  	_ =	shalt  }
0x42: {  	_ =	shalt  }
0x43: {  	_ =	shalt  }
0x44: {  	_ =	shalt  }
0x45: {  	_ =	shalt  }
0x46: {  	_ =	shalt  }
0x47: {  	_ =	shalt  }
0x48: {  	_ =	shalt  }
0x49: {  	_ =	shalt  }
0x4a: {  	_ =	shalt  }
0x4b: {  	_ =	shalt  }
0x4c: {  	_ =	shalt  }
0x4d: {  	_ =	shalt  }
0x4e: {  	_ =	shalt  }
0x4f: {  	_ =	shalt  }
0x50: {  	_ =	shalt  }
0x51: {  	_ =	shalt  }
0x52: {  	_ =	shalt  }
0x53: {  	_ =	shalt  }
0x54: {  	_ =	shalt  }
0x55: {  	_ =	shalt  }
0x56: {  	_ =	shalt  }
0x57: {  	_ =	shalt  }
0x58: {  	_ =	shalt  }
0x59: {  	_ =	shalt  }
0x5a: {  	_ =	shalt  }
0x5b: {  	_ =	shalt  }
0x5c: {  	_ =	shalt  }
0x5d: {  	_ =	shalt  }
0x5e: {  	_ =	shalt  }
0x5f: {  	_ =	shalt  }
0x60: {  	_ =	shalt  }
0x61: {  	_ =	shalt  }
0x62: {  	_ =	shalt  }
0x63: {  	_ =	shalt  }
0x64: {  	_ =	shalt  }
0x65: {  	_ =	shalt  }
0x66: {  	_ =	shalt  }
0x67: {  	_ =	shalt  }
0x68: {  	_ =	shalt  }
0x69: {  	_ =	shalt  }
0x6a: {  	_ =	shalt  }
0x6b: {  	_ =	shalt  }
0x6c: {  	_ =	shalt  }
0x6d: {  	_ =	shalt  }
0x6e: {  	_ =	shalt  }
0x6f: {  	_ =	shalt  }
0x70: {  	_ =	shalt  }
0x71: {  	_ =	shalt  }
0x72: {  	_ =	shalt  }
0x73: {  	_ =	shalt  }
0x74: {  	_ =	shalt  }
0x75: {  	_ =	shalt  }
0x76: {  	_ =	shalt  }
0x77: {  	_ =	shalt  }
0x78: {  	_ =	shalt  }
0x79: {  	_ =	shalt  }
0x7a: {  	_ =	shalt  }
0x7b: {  	_ =	shalt  }
0x7c: {  	_ =	shalt  }
0x7d: {  	_ =	shalt  }
0x7e: {  	_ =	shalt  }
0x7f: {  	_ =	shalt  }
0x80: {  	_ =	shalt  }
0x81: {  	_ =	shalt  }
0x82: {  	_ =	shalt  }
0x83: {  	_ =	shalt  }
0x84: {  	_ =	shalt  }
0x85: {  	_ =	shalt  }
0x86: {  	_ =	shalt  }
0x87: {  	_ =	shalt  }
.Lfunc_end0:
.L_simem_size_0:
called_computation.2_lowered:
.L_overlay_start_0:
0x88: {  	s2 =	sld [smem:$0x3FD9]  }
0x89: {  	s3 =	sld [smem:$0x3FFE];
	_ =	sdelay $0x1  }
0x8a: {  	s1 =	srdreg.scid  }
0x8b: {  	s0 =	sand.u32 $0x1, s1  }
0x8c: {  	s16 =	sshll.u32 s0, $0xA;
	s2 =	sadd.s32 s3, s2  }
0x8d: {  	s2 =	sadd.s32 s2, s16  }
0x8e: {  	[smem:$0x3FB7] =	sst s2  }
0x8f: {  	_ = 	snop  }
0x90: {  	(tm) =	ssettm $0x1  }
0x91: {  	s17 =	sld [smem:$0x3FFB];
	_ =	sdelay $0x3  }
0x92: {  	_ =	strace s17  }
0x93: {  	s2 =	sld [smem:$0x3FFC];
	_ =	sdelay $0x3  }
0x94: {  	_ =	strace s2  }
0x95: {  	s2 =	sld [smem:$0x3FFD];
	_ =	sdelay $0x3  }
0x96: {  	_ =	strace s2  }
0x97: {  	_ =	strace $0x8FFFFFFF  }
0x98: {  	s18 =	sld [smem:$0x3FDB];
	_ =	sdelay $0x1  }
0x99: {  	s19 =	simm.s32 $_scs_section_size  }
0x9a: {  	s4 =	simm.s32 $_size__tile_overlayer_lowered;
	s5 =	simm.s32 $_tile_overlayer_lowered  }
0x9b: {  	s22 =	simm.s32 $0x1BFF;
	s21 =	sshll.u32 s5, $0x1;
	s2 =	sadd.s32 s19, s18  }
0x9c: {  	s6 =	simm.s32 $0x0;
	s20 =	sshll.u32 s4, $0x1;
	s4 =	sadd.s32 s21, s2  }
0x9d: {  	[timem:s6], [sflag:s22] =	dma.local [hbm:s4], s20  }
0x9e: {  	_ =	swait.ge [sflag:s22], s20  }
0x9f: {  	s3 =	ssub.s32 $0x0, s20;
	[sflag:s22] =	ssyncset.done $0x0  }
0xa0: {  	[sflag:s22] =	ssyncadd.s32 s3;
	_ =	sdelay $0x1  }
0xa1: {  	s23 =	simm.s32 $0x1B8B  }
0xa2: {  	_ =	swait.ge [sflag:s23], $0x1  }
0xa3: {  	[sflag:s23] =	ssyncset.done $0x0  }
0xa4: {  	s25 =	simm.s32 $0x1B8E;
	s24 =	sld [smem:$0x3FFE];
	[sflag:s23] =	ssyncadd.s32 $0xFFFFFFFF  }
0xa5: {  	s26 =	simm.s32 $execute0_lowered;
	[smem:$0x3FD2] =	sst s25  }
0xa6: {  	s4 =	sshll.u32 s26, $0x1;
	_ =	strace $0x8000004C;
	[dreg:$0x1] =	wrdreg $0xFFFFFFFF  }
0xa7: {  	s28 =	simm.s32 $_size_execute0_lowered;
	s2 =	sadd.s32 s2, s4;
	[dreg:$0x0] =	wrdreg $0x0  }
0xa8: {  	s4 =	sshll.u32 s28, $0x1;
	[dreg:$0x2] =	wrdreg s2  }
0xa9: {  	[dreg:$0x3] =	wrdreg s4  }
0xaa: {  	[dreg:$0x4] =	wrdreg $0xC0  }
0xab: {  	_ =	task [dreg:s6], $0x5FFFF  }
0xac: {  	[dreg:$0x1] =	wrdreg $0xFFFFFFFF  }
0xad: {  	[dreg:$0x0] =	wrdreg $0x60  }
0xae: {  	[dreg:$0x2] =	wrdreg s24  }
0xaf: {  	[dreg:$0x3] =	wrdreg $0x59000  }
0xb0: {  	[dreg:$0x4] =	wrdreg $0x191800  }
0xb1: {  	[dreg:$0x5] =	wrdreg $0x9  }
0xb2: {  	_ =	task.clear_ibuf [dreg:s6], $0x6FFFF;
	_ =	strace $0x9000004C  }
0xb3: {  	s29 =	simm.s32 $0x9;
	_ =	strace $0x8000004E  }
0xb4: {  	_ =	swait.ge [sflag:s29], $0x1  }
0xb5: {  	[sflag:s29] =	ssyncadd.s32 $0xFFFFFFFF  }
0xb6: {  	_ =	strace $0x9000004E  }
0xb7: {  	_ =	sfence  }
0xb8: {  	s30 =	sld [smem:$0x0];
	_ =	sdelay $0x2  }
0xb9: {  	s31 =	sshll.u32 s1, $0xD;
	s1 =	sshrl.u32 s1, $0x2  }
0xba: {  	s3 =	sand.u32 $0x4000, s31;
	s1 =	sadd.s32 s1, s30  }
0xbb: {  	s0 =	sor.u32 s3, s0;
	s1 =	sshll.u32 s1, $0x11  }
0xbc: {  	s0 =	sor.u32 s1, s0  }
0xbd: {  	s0 =	sadd.s32 $0x8F2B, s0  }
0xbe: {  	[sflag:s0] =	ssyncadd.remote.s32 $0x1  }
0xbf: {  	_ =	sfence.sel $0xFFFF  }
0xc0: {  	[dreg:$0x0] =	wrdreg $0xFFFFFFFF;
	(pc) =	sbr.abs _section_cstart, $3  }
0xc1: {  	[dreg:$0x1] =	wrdreg $0xFFFFFFFF  }
0xc2: {  	_ =	task.clear_ibuf [dreg:s6], $0x2FFFF;
	_ =	strace $0x9FFFFFFF  }
0xc3: {  	(tm) =	ssettm $0x7FFFFFFF  }
tec
execute0_lowered:
.L_overlay_start_1:
0x0: {  	(tag) =	ssettag $0x1  }
0x1: {  	s0 =	rddreg [dreg:$0x0]  }
0x2: {  	s1 =	rddreg [dreg:$0x1]  }
0x3: {  	s2 =	rddreg [dreg:$0x2];
	s3 =	simm.s32 $0x0;
	s5 =	srdreg.scid  }
0x4: {  	s26 =	stileid.u32;
	s28 =	simm.s32 $0x100;
	s29 =	simm.s32 $0x3  }
0x5: {  	s30 =	simm.s32 $0x4100;
	[smem:$0x7FF] =	sst s3;
	s4 =	sadd.s32 $0x4A00, s0  }
0x6: {  	s6 =	sadd.s32 $0x2BC00, s0;
	s7 =	sadd.s32 $0x3B200, s0;
	s8 =	sadd.s32 $0x31000, s0  }
0x7: {  	s11 =	sadd.s32 $0x4F200, s0;
	s5 =	sand.u32 $0x1, s5;
	s12 =	smul.u32 $0x270, s26  }
0x8: {  	s0 =	sadd.s32 $0x45400, s0;
	s13 =	smul.u32 $0x13800, s26;
	s14 =	sshll.u32 s26, $0x1  }
0x9: {  	s15 =	smul.u32 $0x2700, s26;
	p0 =	sne.s32 s26, $0xF;
	s26 =	sadd.s32 $0x27000, s2  }
0xa: {  	s31 =	simm.s32 $0x80;
	_ =	strace $0x8000004D;
	s21 =	smul.u32 $0x138800, s5  }
0xb: {  	s9 =	ssub.s32 $0x2, s5;
	s14 =	sor.u32 s5, s14;
	s5 =	smul.u32 $0x27100, s5  }
0xc: {  	s10 =	sshrl.u32 s9, $0x1;
	s17 =	sadd.s32 $0x80, s12;
	s24 =	sadd.s32 $0x100, s12  }
0xd: {  	s19 =	sadd.s32 $0x180, s12;
	s12 =	sadd.s32 $0x200, s12;
	s16 =	ssub.s32 s9, s10  }
0xe: {  	s9 =	sadd.s32 s13, s1;
	s10 =	sadd.s32 s15, s2;
	s18 =	sshll.u32 s17, $0x7  }
0xf: {  	s17 =	sshll.u32 s17, $0x4;
	s25 =	sshll.u32 s24, $0x7;
	s20 =	sshll.u32 s19, $0x7  }
0x10: {  	s22 =	sshll.u32 s19, $0x4;
	s13 =	sadd.s32 s13, s21;
	s23 =	sshrl.u32 s21, $0x3  }
0x11: {  	s21 =	sadd.s32 $0x138000, s1;
	s18 =	sadd.s32 s18, s1;
	s17 =	sadd.s32 s17, s2  }
0x12: {  	s20 =	sadd.s32 s20, s1;
	s13 =	sshrl.u32 s13, $0x3;
	[dreg:$0x4] =	wrdreg s18  }
0x13: {  	[dreg:$0x5] =	wrdreg s17;
	s18 =	sshll.u32 s24, $0x4;
	s17 =	sadd.s32 s25, s1  }
0x14: {  	[dreg:$0x8] =	wrdreg s20;
	s13 =	sadd.s32 s11, s13;
	s11 =	sadd.s32 s11, s23  }
0x15: {  	s24 =	sshll.u32 s12, $0x7;
	s25 =	sadd.s32 s15, s5;
	s12 =	sshll.u32 s12, $0x4  }
0x16: {  	s5 =	sshrl.u32 s5, $0x3;
	[dreg:$0x6] =	wrdreg s17;
	s18 =	sadd.s32 s18, s2  }
0x17: {  	[dreg:$0x9] =	wrdreg s13;
	s17 =	sadd.s32 s22, s2;
	s13 =	sadd.s32 s24, s1  }
0x18: {  	s19 =	sadd.s32 s12, s2;
	s22 =	smul.u32 $0x2880, s14;
	[dreg:$0x7] =	wrdreg s18  }
0x19: {  	s23 =	sadd.s32 $0x27000, s11;
	s11 =	simm.s32 $0x2;
	[dreg:$0xa] =	wrdreg s17  }
0x1a: {  	s12 =	simm.s32 $0x1;
	[dreg:$0xb] =	wrdreg s13;
	s13 =	sshrl.u32 s25, $0x3  }
0x1b: {  	v1 =	vlaneseq.u32;
	s25 =	smax.u32 s16, $0x1;
	s20 =	sadd.s32 s0, s13;
	s0 =	sadd.s32 s0, s5  }
0x1c: {  	v0 =	vimm.f32 $0.0e+00;
	v1 =	vmul.u32 $0x10, v1;
	s5 =	simm.s32 $0x5100;
	s24 =	sadd.s32 $0x4E00, s0;
	s0 =	simm.s32 $0x4900  }
.LBB2_1:
0x1d: {  	s13 =	simm.s32 $0x140  }
0x1e: {  	[tilespmem:s13+$0xFFFFFFD0] =	vst v0  }
0x1f: {  	[tilespmem:s13+$0xFFFFFFE0] =	vst v0  }
0x20: {  	[tilespmem:s13+$0xFFFFFFF0] =	vst v0  }
0x21: {  	[tilespmem:s13+$0x0] =	vst v0  }
0x22: {  	[tilespmem:s13+$0x10] =	vst v0  }
0x23: {  	[tilespmem:s13+$0x20] =	vst v0  }
0x24: {  	[tilespmem:s13+$0x30] =	vst v0  }
0x25: {  	s15 =	simm.s32 $0x0;
	s14 =	simm.s32 $0x40;
	[tilespmem:s13+$0xFFFFFFC0] =	vst v0  }
.LBB2_2:
0x26: {  	p1 =	sne.s32 s14, $0x1FC0;
	[tilespmem:s15+$0x4100] =	vst v0;
	s13 =	sadd.s32 $0x80, s13  }
0x27: {  	[tilespmem:s13+$0xFFFFFFD0] =	vst v0  }
0x28: {  	[tilespmem:s13+$0xFFFFFFE0] =	vst v0  }
0x29: {  	[tilespmem:s13+$0xFFFFFFF0] =	vst v0  }
.Ltmp0:
0x2a: {  	[tilespmem:s13+$0x0] =	vst v0;
	(pc) =	sbr.rel @p1 .LBB2_2-.Ltmp0, $4  }
0x2b: {  	[tilespmem:s13+$0x10] =	vst v0  }
0x2c: {  	[tilespmem:s13+$0x20] =	vst v0  }
0x2d: {  	[tilespmem:s13+$0x30] =	vst v0  }
0x2e: {  	s15 =	sshra.s32 s14, $0x2;
	s14 =	sadd.s32 $0x40, s14;
	[tilespmem:s13+$0xFFFFFFC0] =	vst v0  }
0x2f: {  	[tilespmem:s15+$0x4100] =	vst v0  }
0x30: {  	[spmem:s9] =	stream.linear.scatter [tilespmem:s28], [sflag:$0x3], $0x4000, $0x38;
	[tilespmem:$0x1B890] =	vst v63  }
0x31: {  	_ =	swait.ge [sflag:s29], $0x4000  }
0x32: {  	[sflag:s29] =	ssyncset.done $0x0  }
0x33: {  	[sflag:s29] =	ssyncadd.s32 $0xFFFFC000  }
0x34: {  	[spmem:s10] =	stream.linear.scatter [tilespmem:s30], [sflag:$0x3], $0x800, $0x38;
	[tilespmem:$0x1B890] =	vst v63  }
0x35: {  	_ =	swait.ge [sflag:s29], $0x800  }
0x36: {  	[sflag:s29] =	ssyncset.done $0x0  }
0x37: {  	s13 =	rddreg [dreg:$0x4];
	[sflag:s29] =	ssyncadd.s32 $0xFFFFF800  }
0x38: {  	[spmem:s13] =	stream.linear.scatter [tilespmem:s28], [sflag:$0x3], $0x4000, $0x38;
	[tilespmem:$0x1B890] =	vst v63  }
0x39: {  	_ =	swait.ge [sflag:s29], $0x4000  }
0x3a: {  	[sflag:s29] =	ssyncset.done $0x0  }
0x3b: {  	s18 =	rddreg [dreg:$0x5];
	[sflag:s29] =	ssyncadd.s32 $0xFFFFC000  }
0x3c: {  	[spmem:s18] =	stream.linear.scatter [tilespmem:s30], [sflag:$0x3], $0x800, $0x38;
	[tilespmem:$0x1B890] =	vst v63  }
0x3d: {  	_ =	swait.ge [sflag:s29], $0x800  }
0x3e: {  	[sflag:s29] =	ssyncset.done $0x0  }
0x3f: {  	s14 =	rddreg [dreg:$0x6];
	[sflag:s29] =	ssyncadd.s32 $0xFFFFF800  }
0x40: {  	[spmem:s14] =	stream.linear.scatter [tilespmem:s28], [sflag:$0x3], $0x4000, $0x38;
	[tilespmem:$0x1B890] =	vst v63  }
0x41: {  	_ =	swait.ge [sflag:s29], $0x4000  }
0x42: {  	[sflag:s29] =	ssyncset.done $0x0  }
0x43: {  	s15 =	rddreg [dreg:$0x7];
	[sflag:s29] =	ssyncadd.s32 $0xFFFFC000  }
0x44: {  	[spmem:s15] =	stream.linear.scatter [tilespmem:s30], [sflag:$0x3], $0x800, $0x38;
	[tilespmem:$0x1B890] =	vst v63  }
0x45: {  	_ =	swait.ge [sflag:s29], $0x800  }
0x46: {  	[sflag:s29] =	ssyncset.done $0x0  }
0x47: {  	s16 =	rddreg [dreg:$0x8];
	[sflag:s29] =	ssyncadd.s32 $0xFFFFF800  }
0x48: {  	[spmem:s16] =	stream.linear.scatter [tilespmem:s28], [sflag:$0x3], $0x4000, $0x38;
	[tilespmem:$0x1B890] =	vst v63  }
0x49: {  	_ =	swait.ge [sflag:s29], $0x4000  }
0x4a: {  	[sflag:s29] =	ssyncset.done $0x0  }
0x4b: {  	s17 =	rddreg [dreg:$0xa];
	[sflag:s29] =	ssyncadd.s32 $0xFFFFC000  }
0x4c: {  	[spmem:s17] =	stream.linear.scatter [tilespmem:s30], [sflag:$0x3], $0x800, $0x38;
	[tilespmem:$0x1B890] =	vst v63  }
0x4d: {  	_ =	swait.ge [sflag:s29], $0x800  }
0x4e: {  	[sflag:s29] =	ssyncset.done $0x0  }
0x4f: {  	s18 =	rddreg [dreg:$0xb];
	[sflag:s29] =	ssyncadd.s32 $0xFFFFF800  }
0x50: {  	[spmem:s18] =	stream.linear.scatter [tilespmem:s28], [sflag:$0x3], $0x3800, $0x38;
	[tilespmem:$0x1B890] =	vst v63  }
0x51: {  	_ =	swait.ge [sflag:s29], $0x3800  }
0x52: {  	[sflag:s29] =	ssyncset.done $0x0  }
0x53: {  	[sflag:s29] =	ssyncadd.s32 $0xFFFFC800  }
0x54: {  	[spmem:s19] =	stream.linear.scatter [tilespmem:s30], [sflag:$0x3], $0x700, $0x38;
	[tilespmem:$0x1B890] =	vst v63  }
0x55: {  	_ =	swait.ge [sflag:s29], $0x700  }
0x56: {  	[sflag:s29] =	ssyncset.done $0x0  }
0x57: {  	s13 =	simm.s32 @!p0 $0x100;
	[sflag:s29] =	ssyncadd.s32 $0xFFFFF900  }
0x58: {  	[spmem:s21] =	stream.linear.scatter @!p0 [tilespmem:s13], [sflag:$0x3], $0x800, $0x38;
	[tilespmem:$0x1B890] =	vst v63  }
0x59: {  	s13 =	simm.s32 @!p0 $0x3  }
0x5a: {  	_ =	swait.ge @!p0 [sflag:s13], $0x800  }
0x5b: {  	[sflag:s13] =	ssyncset.done @!p0 $0x0  }
0x5c: {  	s14 =	simm.s32 @!p0 $0x4100;
	[sflag:s13] =	ssyncadd.s32 @!p0 $0xFFFFF800  }
0x5d: {  	[spmem:s26] =	stream.linear.scatter @!p0 [tilespmem:s14], [sflag:$0x3], $0x100, $0x38;
	[tilespmem:$0x1B890] =	vst v63  }
0x5e: {  	_ =	swait.ge @!p0 [sflag:s13], $0x100  }
0x5f: {  	[sflag:s13] =	ssyncset.done @!p0 $0x0  }
0x60: {  	[sflag:s13] =	ssyncadd.s32 @!p0 $0xFFFFFF00  }
0x61: {  	s14 =	simm.s32 $0x0;
	s13 =	simm.s32 $0x0;
	[bflag:$0x0] =	sbarrier.arrive $0xFFFF  }
.LBB2_4:
0x62: {  	s15 =	sshll.u32 s14, $0x7  }
0x63: {  	s15 =	sadd.s32 s22, s15  }
0x64: {  	s16 =	sshrl.u32 s15, $0x3  }
0x65: {  	s17 =	sadd.s32 s7, s16  }
0x66: {  	[tilespmem:s13], [sflag:$0x3] =	stream.linear.gather [hbm4b:s17+s13], $0x80, $0x38;
	[tilespmem:$0x1B890] =	vst v63  }
0x67: {  	_ =	swait.ge [sflag:s29], $0x80  }
0x68: {  	[sflag:s29] =	ssyncset.done $0x0  }
0x69: {  	s16 =	sadd.s32 s8, s16;
	[sflag:s29] =	ssyncadd.s32 $0xFFFFFF80  }
0x6a: {  	[tilespmem:s31], [sflag:$0x3] =	stream.linear.gather [hbm4b:s16+s13], $0x80, $0x38;
	[tilespmem:$0x1B890] =	vst v63  }
0x6b: {  	_ =	swait.ge [sflag:s29], $0x80  }
0x6c: {  	[sflag:s29] =	ssyncset.done $0x0  }
0x6d: {  	[sflag:s29] =	ssyncadd.s32 $0xFFFFFF80  }
0x6e: {  	[tilespmem:s28], [sflag:$0x1] =	stream.indirect.gather [hbm4b:s4+s31], $0x80, s13, s31, $0xb8;
	[tilespmem:$0x1B890] =	vst v63  }
0x6f: {  	_ = 	snop  }
0x70: {  	[tilespmem:s0], [sflag:$0x2] =	stream.indirect.gather [hbm4b:s6+s31], $0x10, s13, s31, $0xb8;
	[tilespmem:$0x1B890] =	vst v63  }
0x71: {  	v2 =	vmov s13  }
0x72: {  	v2 =	vshll.u32 v2, $0x4;
	[tilespmem:s5], [sflag:$0x2] =	stream.indirect.gather [hbm4b:s6+s31], $0x10, s31, s31, $0xb8;
	[tilespmem:$0x1B890] =	vst v63  }
0x73: {  	v2 =	vor.u32 v1, v2;
	_ =	swait.ge [sflag:s11], $0x800  }
0x74: {  	v4 =	vor.u32 $0x3, v2;
	[sflag:s11] =	ssyncset.done $0x0  }
0x75: {  	v5 =	vor.u32 $0x2, v2;
	[sflag:s11] =	ssyncadd.s32 $0xFFFFF800  }
0x76: {  	_ =	swait.ge [sflag:s11], $0x800  }
0x77: {  	v3 =	vor.u32 $0x1, v2;
	[sflag:s11] =	ssyncset.done $0x0  }
0x78: {  	[sflag:s11] =	ssyncadd.s32 $0xFFFFF800  }
0x79: {  	v4 =	vld.idx.msk [tilespmem:v4+s5+$0x0], $0xffff  }
0x7a: {  	v5 =	vld.idx.msk [tilespmem:v5+s5+$0x0], $0xffff  }
0x7b: {  	v6 =	vld.idx.msk [tilespmem:v2+s0+$0x0], $0xffff  }
0x7c: {  	v7 =	vld.idx.msk [tilespmem:v3+s0+$0x0], $0xffff;
	_ =	sdelay $0x3  }
0x7d: {  	v5 =	vadd.f32 v5, v6  }
0x7e: {  	v4 =	vadd.f32 v4, v7  }
0x7f: {  	v6 =	vmul.f32 $2.000000030e-01, v5  }
0x80: {  	v7 =	vmul.f32 $2.000000030e-01, v4  }
0x81: {  	v5 =	vmax.f32 v5, v6  }
0x82: {  	v4 =	vmax.f32 v4, v7;
	v5 =	vmul.f32 $1.442695020e+00, v5  }
0x83: {  	v7 =	vmul.f32 $1.442695020e+00, v4  }
0x84: {  	(erf) = vpow2.f32 v5  }
0x85: {  	(erf) = vpow2.f32 v7;
	_ =	sdelay $0x2  }
0x86: {  	s16 =	simm.s32 $0x10  }
0x87: {  	v6 =	vmov s16  }
0x88: {  	v4 =	vshll.u32 v6, $0x4  }
0x89: {  	v4 =	vor.u32 v1, v4  }
0x8a: {  	s18 =	sor.u32 s15, s13;
	s17 =	simm.s32 $0x20;
	v5 =	vor.u32 $0x3, v4  }
.LBB2_5:
0x8b: {  	p1 =	sne.s32 s17, $0x70;
	v6 =	vor.u32 $0x2, v4;
	p2 =	slt.u32 s18, $0x50910;
	v7 =	vpop (erf)  }
0x8c: {  	v7 =	vpsel !p2, $0x0, v7;
	v8 =	vpop (erf)  }
0x8d: {  	v9 =	vor.u32 $0x1, v4;
	v8 =	vpsel !p2, $0x0, v8;
	[tilespmem:v2+s30+$0x0] =	vst.idx.msk $0xffff, v7;
	v2 =	vmov v4  }
0x8e: {  	[tilespmem:v3+s30+$0x0] =	vst.idx.msk $0xffff, v8;
	v3 =	vmov v9  }
0x8f: {  	v5 =	vld.idx.msk [tilespmem:v5+s5+$0x0], $0xffff  }
0x90: {  	v6 =	vld.idx.msk [tilespmem:v6+s5+$0x0], $0xffff  }
0x91: {  	v4 =	vld.idx.msk [tilespmem:v4+s0+$0x0], $0xffff  }
0x92: {  	v7 =	vld.idx.msk [tilespmem:v9+s0+$0x0], $0xffff;
	_ =	sdelay $0x4  }
0x93: {  	v4 =	vadd.f32 v6, v4  }
0x94: {  	v5 =	vadd.f32 v5, v7  }
0x95: {  	v6 =	vmul.f32 $2.000000030e-01, v4  }
0x96: {  	v7 =	vmul.f32 $2.000000030e-01, v5  }
0x97: {  	v4 =	vmax.f32 v4, v6  }
0x98: {  	v5 =	vmax.f32 v5, v7;
	v4 =	vmul.f32 $1.442695020e+00, v4  }
0x99: {  	v5 =	vmul.f32 $1.442695020e+00, v5  }
0x9a: {  	(erf) = vpow2.f32 v4  }
0x9b: {  	(erf) = vpow2.f32 v5;
	_ =	sdelay $0x2  }
.Ltmp1:
0x9c: {  	(pc) =	sbr.rel @p1 .LBB2_5-.Ltmp1, $4  }
0x9d: {  	v4 =	vmov s17  }
0x9e: {  	v4 =	vshll.u32 v4, $0x4  }
0x9f: {  	v4 =	vor.u32 v1, v4  }
0xa0: {  	s18 =	sor.u32 s15, s16;
	s16 =	smov.u32 s17;
	s17 =	sadd.s32 $0x10, s17;
	v5 =	vor.u32 $0x3, v4  }
0xa1: {  	_ =	sdelay $0x1  }
0xa2: {  	p1 =	slt.u32 s18, $0x50910;
	v7 =	vpop (erf)  }
0xa3: {  	v6 =	vor.u32 $0x2, v4;
	v7 =	vpsel !p1, $0x0, v7;
	v8 =	vpop (erf)  }
0xa4: {  	v9 =	vor.u32 $0x1, v4;
	v8 =	vpsel !p1, $0x0, v8;
	[tilespmem:v2+s30+$0x0] =	vst.idx.msk $0xffff, v7  }
0xa5: {  	[tilespmem:v3+s30+$0x0] =	vst.idx.msk $0xffff, v8  }
0xa6: {  	v2 =	vld.idx.msk [tilespmem:v5+s5+$0x0], $0xffff  }
0xa7: {  	v5 =	vld.idx.msk [tilespmem:v4+s0+$0x0], $0xffff  }
0xa8: {  	v3 =	vld.idx.msk [tilespmem:v6+s5+$0x0], $0xffff  }
0xa9: {  	v6 =	vld.idx.msk [tilespmem:v9+s0+$0x0], $0xffff;
	_ =	sdelay $0x3  }
0xaa: {  	v3 =	vadd.f32 v3, v5  }
0xab: {  	v2 =	vadd.f32 v2, v6  }
0xac: {  	v5 =	vmul.f32 $2.000000030e-01, v3  }
0xad: {  	v6 =	vmul.f32 $2.000000030e-01, v2  }
0xae: {  	v3 =	vmax.f32 v3, v5  }
0xaf: {  	v2 =	vmax.f32 v2, v6;
	v3 =	vmul.f32 $1.442695020e+00, v3  }
0xb0: {  	v2 =	vmul.f32 $1.442695020e+00, v2  }
0xb1: {  	(erf) = vpow2.f32 v3  }
0xb2: {  	(erf) = vpow2.f32 v2;
	_ =	sdelay $0x6  }
0xb3: {  	s15 =	sor.u32 s15, s16  }
0xb4: {  	p6 =	slt.u32 s15, $0x50910;
	v2 =	vpop (erf)  }
0xb5: {  	v2 =	vpsel !p6, $0x0, v2;
	v3 =	vpop (erf)  }
0xb6: {  	v3 =	vpsel !p6, $0x0, v3;
	[tilespmem:v4+s30+$0x0] =	vst.idx.msk $0xffff, v2  }
0xb7: {  	s18 =	simm.s32 $0x0;
	[tilespmem:v9+s30+$0x0] =	vst.idx.msk $0xffff, v3  }
0xb8: {  	v2 =	vmov s18;
	_ =	swait.ge [sflag:s12], $0x4000  }
0xb9: {  	[sflag:s12] =	ssyncset.done $0x0  }
0xba: {  	s15 =	simm.s32 $0x140;
	v3 =	vor.u32 $0x1, v2;
	[sflag:s12] =	ssyncadd.s32 $0xFFFFC000  }
0xbb: {  	v4 =	vld [tilespmem:s15+$0xFFFFFFF0]  }
0xbc: {  	v5 =	vld [tilespmem:s15+$0xFFFFFFC0]  }
0xbd: {  	v10 =	vld.idx.msk [tilespmem:v2+s30+$0x0], $0xffff  }
0xbe: {  	v7 =	vld [tilespmem:s15+$0x0]  }
0xbf: {  	v3 =	vld.idx.msk [tilespmem:v3+s30+$0x0], $0xffff  }
0xc0: {  	v8 =	vld [tilespmem:s15+$0xFFFFFFE0]  }
0xc1: {  	v6 =	vld [tilespmem:s15+$0xFFFFFFD0]  }
0xc2: {  	v11 =	vld [tilespmem:s15+$0x20]  }
0xc3: {  	v2 =	vld [tilespmem:s15+$0x30]  }
0xc4: {  	v12 =	vmul.f32 v5, v10;
	v5 =	vmul.f32 v7, v3;
	v7 =	vld [tilespmem:s15+$0x10];
	_ =	sdelay $0x1  }
0xc5: {  	v6 =	vmul.f32 v6, v10;
	v9 =	vmul.f32 v4, v10  }
0xc6: {  	s16 =	simm.s32 $0x1;
	s17 =	simm.s32 $0x140;
	v8 =	vmul.f32 v8, v10;
	v4 =	vmul.f32 v11, v3;
	[tilespmem:s15+$0xFFFFFFC0] =	vst v12  }
.LBB2_7:
0xc7: {  	p1 =	sne.s32 s16, $0x7F  }
0xc8: {  	[tilespmem:s15+$0xFFFFFFF0] =	vst v9;
	v7 =	vmul.f32 v7, v3;
	v2 =	vmul.f32 v2, v3;
	s17 =	sadd.s32 $0x80, s17;
	s18 =	smov.u32 s16;
	s16 =	sadd.s32 $0x1, s16  }
0xc9: {  	s18 =	sshll.u32 s18, $0x4;
	[tilespmem:s15+$0xFFFFFFD0] =	vst v6  }
0xca: {  	v3 =	vmov s18;
	v9 =	vld [tilespmem:s17+$0xFFFFFFF0];
	[tilespmem:s15+$0xFFFFFFE0] =	vst v8  }
0xcb: {  	v6 =	vor.u32 $0x1, v3;
	v8 =	vld [tilespmem:s17+$0xFFFFFFC0];
	[tilespmem:s15+$0x0] =	vst v5  }
0xcc: {  	v10 =	vld [tilespmem:s17+$0xFFFFFFE0];
	[tilespmem:s15+$0x30] =	vst v2  }
0xcd: {  	v2 =	vld [tilespmem:s17+$0x30];
	[tilespmem:s15+$0x10] =	vst v7  }
0xce: {  	v5 =	vld [tilespmem:s17+$0xFFFFFFD0];
	[tilespmem:s15+$0x20] =	vst v4;
	s15 =	smov.u32 s17  }
0xcf: {  	v4 =	vld.idx.msk [tilespmem:v3+s30+$0x0], $0xffff  }
0xd0: {  	v3 =	vld.idx.msk [tilespmem:v6+s30+$0x0], $0xffff  }
0xd1: {  	v11 =	vld [tilespmem:s17+$0x0]  }
0xd2: {  	v12 =	vld [tilespmem:s17+$0x20]  }
.Ltmp2:
0xd3: {  	v7 =	vld [tilespmem:s17+$0x10];
	(pc) =	sbr.rel @p1 .LBB2_7-.Ltmp2, $4  }
0xd4: {  	_ = 	snop  }
0xd5: {  	v8 =	vmul.f32 v8, v4;
	v6 =	vmul.f32 v5, v4  }
0xd6: {  	v9 =	vmul.f32 v9, v4;
	v5 =	vmul.f32 v11, v3  }
0xd7: {  	[tilespmem:s17+$0xFFFFFFC0] =	vst v8;
	v8 =	vmul.f32 v10, v4;
	v4 =	vmul.f32 v12, v3  }
0xd8: {  	[tilespmem:s15+$0xFFFFFFF0] =	vst v9  }
0xd9: {  	[tilespmem:s15+$0xFFFFFFD0] =	vst v6  }
0xda: {  	[tilespmem:s15+$0x0] =	vst v5  }
0xdb: {  	v2 =	vmul.f32 v2, v3;
	[tilespmem:s15+$0xFFFFFFE0] =	vst v8  }
0xdc: {  	v3 =	vmul.f32 v7, v3;
	[tilespmem:s15+$0x20] =	vst v4  }
0xdd: {  	[tilespmem:s15+$0x30] =	vst v2  }
0xde: {  	[tilespmem:s15+$0x10] =	vst v3  }
0xdf: {  	[spmem:s1] =	stream.indirect.scatter.add.f32 [tilespmem:s28], [sflag:$0x3], $0x80, s31, s31, $0xb8;
	[tilespmem:$0x1B890] =	vst v63  }
0xe0: {  	s14 =	sadd.s32 $0x1, s14;
	_ =	swait.ge [sflag:s29], $0x4000  }
0xe1: {  	p1 =	sne.s32 s14, $0x51;
	[sflag:s29] =	ssyncset.done $0x0  }
.Ltmp3:
0xe2: {  	[sflag:s29] =	ssyncadd.s32 $0xFFFFC000;
	(pc) =	sbr.rel @p1 .LBB2_4-.Ltmp3, $4  }
0xe3: {  	[spmem:s2] =	stream.indirect.scatter.add.f32 [tilespmem:s30], [sflag:$0x3], $0x10, s31, s31, $0xb8;
	[tilespmem:$0x1B890] =	vst v63  }
0xe4: {  	_ =	swait.ge [sflag:s29], $0x800  }
0xe5: {  	[sflag:s29] =	ssyncset.done $0x0  }
0xe6: {  	[sflag:s29] =	ssyncadd.s32 $0xFFFFF800  }
0xe7: {  	s13 =	stileid.u32  }
0xe8: {  	[bflag:$0x0] =	sbarrier.arrive $0xFFFF;
	s13 =	sshll.u32 s13, $0x6  }
0xe9: {  	s14 =	sshrl.u32 s9, $0x3;
	s15 =	rddreg [dreg:$0x9];
	s13 =	sor.u32 $0x1C03, s13  }
0xea: {  	[hbm:s15], [sflag:s13] =	dma.local [spmem:s14], $0x2700  }
0xeb: {  	_ =	swait.ge [sflag:s29], $0x2700  }
0xec: {  	[sflag:s29] =	ssyncset.done $0x0  }
0xed: {  	s18 =	sshrl.u32 s10, $0x3;
	[sflag:s29] =	ssyncadd.s32 $0xFFFFD900  }
0xee: {  	[hbm:s20], [sflag:s13] =	dma.local [spmem:s18], $0x4E0  }
0xef: {  	_ =	swait.ge [sflag:s29], $0x4E0  }
0xf0: {  	[sflag:s29] =	ssyncset.done $0x0  }
0xf1: {  	s14 =	sshrl.u32 @!p0 s21, $0x3;
	[sflag:s29] =	ssyncadd.s32 $0xFFFFFB20  }
0xf2: {  	[hbm:s23], [sflag:s13] =	dma.local @!p0 [spmem:s14], $0x100  }
0xf3: {  	s14 =	simm.s32 @!p0 $0x3  }
0xf4: {  	s3 =	sadd.s32 $0x1, s3;
	_ =	swait.ge @!p0 [sflag:s14], $0x100  }
0xf5: {  	p1 =	sne.s32 s3, s25;
	[sflag:s14] =	ssyncset.done @!p0 $0x0  }
.Ltmp4:
0xf6: {  	s15 =	sshrl.u32 @!p0 s26, $0x3;
	[sflag:s14] =	ssyncadd.s32 @!p0 $0xFFFFFF00;
	(pc) =	sbr.rel @p1 .LBB2_1-.Ltmp4, $4  }
0xf7: {  	[hbm:s24], [sflag:s13] =	dma.local @!p0 [spmem:s15], $0x20  }
0xf8: {  	_ =	swait.ge @!p0 [sflag:s14], $0x20  }
0xf9: {  	[sflag:s14] =	ssyncset.done @!p0 $0x0  }
0xfa: {  	[sflag:s14] =	ssyncadd.s32 @!p0 $0xFFFFFFE0  }
0xfb: {  	_ =	sfence.sel $0x180000  }
0xfc: {  	[bflag:$0x0] =	sbarrier.arrive $0xFFFF  }
0xfd: {  	_ =	strace $0x9000004D  }
0xfe: {  	s0 =	stileid.u32;
	[bflag:$0x2] =	sbarrier.arrive $0xFFFF  }
0xff: {  	p0 =	sne.s32 s0, $0x0;
	s0 =	rddreg [dreg:$0x3]  }
0x100: {  	s0 =	sadd.s32 @!p0 $0x100000, s0  }
0x101: {  	[sflag:s0] =	ssyncadd.tile.s32 @!p0 $0x1;
	_ =	shalt  }
.Lfunc_end2:
_tile_overlayer_lowered:
.L_overlay_start_2:
0x102: {  	(tag) =	ssettag $0x2  }
0x103: {  	s0 =	rddreg [dreg:$0x0];
	s2 =	stileid.u32  }
0x104: {  	s1 =	rddreg [dreg:$0x1];
	p0 =	sne.s32 s2, $0x0  }
0x105: {  	s3 =	rddreg [dreg:$0x2];
	[bflag:$0x3] =	sbarrier.arrive $0xFFFF;
	s2 =	simm.s32 @!p0 $0x1C03  }
0x106: {  	[timem:s3], [sflag:s2] =	dma.local @!p0 [hbm:s0], s1  }
0x107: {  	s0 =	simm.s32 @!p0 $0x3  }
0x108: {  	_ =	swait.ge @!p0 [sflag:s0], s1  }
0x109: {  	s1 =	ssub.s32 @!p0 $0x0, s1;
	[sflag:s0] =	ssyncset.done @!p0 $0x0  }
0x10a: {  	[sflag:s0] =	ssyncadd.s32 @!p0 s1  }
0x10b: {  	[bflag:$0x3] =	sbarrier.arrive $0xFFFF  }
0x10c: {  	_ =	shalt  }

// kernel: kernel.9.cloned.1.call-start
scs
__scs_entry_jumppad:
0x0: {  	(pc) =	sbr.rel $0x88, $3  }
0x1: {  	(tag) =	ssettag $0x0;
	lr =	simm.s32 $0x1  }
0x2: {  	[smem:$0x3F90] =	sst lr;
	_ =	strace $0xD0000000  }
0x3: {  	_ = 	snop  }
0x4: {  	_ = 	snop  }
0x5: {  	_ = 	snop  }
0x6: {  	_ = 	snop  }
0x7: {  	_ = 	snop  }
__scs_overlays_trampoline_lowered:
0x8: {  	[smem:$0x3F9F] =	sst s0  }
0x9: {  	[smem:$0x3FA0] =	sst s1  }
0xa: {  	[smem:$0x3FA1] =	sst s2  }
0xb: {  	[smem:$0x3FA2] =	sst s3  }
0xc: {  	[smem:$0x3FA3] =	sst s4  }
0xd: {  	[smem:$0x3FA4] =	sst s5  }
0xe: {  	[smem:$0x3FA5] =	sst s6  }
0xf: {  	[smem:$0x3FA6] =	sst s7  }
0x10: {  	[smem:$0x3FA7] =	sst s8  }
0x11: {  	[smem:$0x3FA8] =	sst s9;
	s0 =	simm.s32 @!p0 $0x0  }
0x12: {  	s1 =	sld [smem:$0x3F8E];
	s0 =	simm.s32 @p0 $0x1  }
0x13: {  	[smem:$0x3FA9] =	sst s0;
	s0 =	simm.s32 @!p1 $0x0  }
0x14: {  	s2 =	sld [smem:$0x3F8D];
	s0 =	simm.s32 @p1 $0x1  }
0x15: {  	[smem:$0x3FAA] =	sst s0;
	s0 =	simm.s32 @!p2 $0x0  }
0x16: {  	s3 =	sld [smem:$0x3FDB];
	s0 =	simm.s32 @p2 $0x1  }
0x17: {  	s4 =	simm.s32 $0x1BF5;
	[smem:$0x3FAC] =	sst s0  }
0x18: {  	s0 =	sld [smem:$0x3F8F];
	_ =	swait.ge [sflag:s4], $0x0  }
0x19: {  	s7 =	sld [smem:$0x3F90]  }
0x1a: {  	s8 =	sadd.s32 $0xFFFFE003, lr  }
0x1b: {  	s9 =	sadd.s32 $0xFFFFFEF7, lr;
	s5 =	simm.s32 $0xFFFFFFFF;
	p2 =	slt.u32 s8, $0xFFFFF086  }
0x1c: {  	p1 =	slt.u32 s9, $0xF7A;
	s5 =	simm.s32 @!p2 $0x0  }
0x1d: {  	s5 =	simm.s32 @p1 $0x1;
	p0 =	seq.s32 s7, s2  }
0x1e: {  	s7 =	smul.u32 @!p0 $0xF7A, s2;
	p2 =	seq.s32 @!p0 s5, $0x0  }
0x1f: {  	s9 =	smul.u32 $0xF7A, s1;
	s8 =	simm.s32 @!p0 $0x1BF5;
	p2 =	por !p2, p0  }
0x20: {  	[sflag:s8] =	ssyncset.s32 @!p0 $0xFFFFF086;
	s6 =	sadd.s32 @!p0 s3, s7;
	s7 =	simm.s32 @!p0 $0x108  }
0x21: {  	s3 =	sadd.s32 s3, s9;
	s6 =	sadd.s32 @!p0 $0x88, s6;
	s7 =	simm.s32 @p2 $0x1082  }
0x22: {  	[simem:s7], [sflag:s8] =	dma.local @!p0 [hbm:s6], $0xF7A  }
0x23: {  	s9 =	sor.u32 $0xD0000000, s2;
	s6 =	simm.s32 $0x108;
	_ =	swait.ge @!p0 [sflag:s8], $0x0  }
0x24: {  	s3 =	sadd.s32 $0x88, s3;
	s6 =	simm.s32 @!p1 $0x1082;
	[sflag:s4] =	ssyncset.s32 $0xFFFFF086  }
0x25: {  	[simem:s6], [sflag:s4] =	dma.local [hbm:s3], $0xF7A  }
0x26: {  	[smem:$0x3F90] =	sst s1;
	(tag) =	ssettag s2;
	_ =	strace s9  }
0x27: {  	s1 =	sld [smem:$0x3FA0]  }
0x28: {  	s2 =	sld [smem:$0x3FA1]  }
0x29: {  	s4 =	sld [smem:$0x3FA3]  }
0x2a: {  	p0 =	seq.s32 s5, $0x0;
	s5 =	sld [smem:$0x3FA4]  }
0x2b: {  	s6 =	sld [smem:$0x3FA5]  }
0x2c: {  	s7 =	sld [smem:$0x3FA6]  }
0x2d: {  	s3 =	simm.s32 $0x108;
	s8 =	sld [smem:$0x3FA7]  }
0x2e: {  	s3 =	simm.s32 @!p0 $0x1082;
	s9 =	sld [smem:$0x3FA8]  }
0x2f: {  	lr =	sadd.s32 s0, s3;
	s0 =	sld [smem:$0x3F9F]  }
0x30: {  	s3 =	sld [smem:$0x3FA2]  }
0x31: {  	[smem:$0x3FAB] =	sst s10  }
0x32: {  	s10 =	sld [smem:$0x3FA9];
	_ =	sdelay $0x3  }
0x33: {  	p0 =	seq.s32 s10, $0x1;
	s10 =	sld [smem:$0x3FAB];
	_ =	sdelay $0x3  }
0x34: {  	[smem:$0x3FAB] =	sst s10  }
0x35: {  	s10 =	sld [smem:$0x3FAA];
	_ =	sdelay $0x3  }
0x36: {  	p1 =	seq.s32 s10, $0x1;
	s10 =	sld [smem:$0x3FAB];
	_ =	sdelay $0x3  }
0x37: {  	[smem:$0x3FAB] =	sst s10  }
0x38: {  	s10 =	sld [smem:$0x3FAC]  }
0x39: {  	_ = 	snop;
	(pc) =	sbr.ind lr, $3  }
0x3a: {  	_ = 	snop  }
0x3b: {  	_ = 	snop  }
0x3c: {  	p2 =	seq.s32 s10, $0x1;
	s10 =	sld [smem:$0x3FAB]  }
0x3d: {  	_ =	shalt  }
0x3e: {  	_ =	shalt  }
0x3f: {  	_ =	shalt  }
0x40: {  	_ =	shalt  }
0x41: {  	_ =	shalt  }
0x42: {  	_ =	shalt  }
0x43: {  	_ =	shalt  }
0x44: {  	_ =	shalt  }
0x45: {  	_ =	shalt  }
0x46: {  	_ =	shalt  }
0x47: {  	_ =	shalt  }
0x48: {  	_ =	shalt  }
0x49: {  	_ =	shalt  }
0x4a: {  	_ =	shalt  }
0x4b: {  	_ =	shalt  }
0x4c: {  	_ =	shalt  }
0x4d: {  	_ =	shalt  }
0x4e: {  	_ =	shalt  }
0x4f: {  	_ =	shalt  }
0x50: {  	_ =	shalt  }
0x51: {  	_ =	shalt  }
0x52: {  	_ =	shalt  }
0x53: {  	_ =	shalt  }
0x54: {  	_ =	shalt  }
0x55: {  	_ =	shalt  }
0x56: {  	_ =	shalt  }
0x57: {  	_ =	shalt  }
0x58: {  	_ =	shalt  }
0x59: {  	_ =	shalt  }
0x5a: {  	_ =	shalt  }
0x5b: {  	_ =	shalt  }
0x5c: {  	_ =	shalt  }
0x5d: {  	_ =	shalt  }
0x5e: {  	_ =	shalt  }
0x5f: {  	_ =	shalt  }
0x60: {  	_ =	shalt  }
0x61: {  	_ =	shalt  }
0x62: {  	_ =	shalt  }
0x63: {  	_ =	shalt  }
0x64: {  	_ =	shalt  }
0x65: {  	_ =	shalt  }
0x66: {  	_ =	shalt  }
0x67: {  	_ =	shalt  }
0x68: {  	_ =	shalt  }
0x69: {  	_ =	shalt  }
0x6a: {  	_ =	shalt  }
0x6b: {  	_ =	shalt  }
0x6c: {  	_ =	shalt  }
0x6d: {  	_ =	shalt  }
0x6e: {  	_ =	shalt  }
0x6f: {  	_ =	shalt  }
0x70: {  	_ =	shalt  }
0x71: {  	_ =	shalt  }
0x72: {  	_ =	shalt  }
0x73: {  	_ =	shalt  }
0x74: {  	_ =	shalt  }
0x75: {  	_ =	shalt  }
0x76: {  	_ =	shalt  }
0x77: {  	_ =	shalt  }
0x78: {  	_ =	shalt  }
0x79: {  	_ =	shalt  }
0x7a: {  	_ =	shalt  }
0x7b: {  	_ =	shalt  }
0x7c: {  	_ =	shalt  }
0x7d: {  	_ =	shalt  }
0x7e: {  	_ =	shalt  }
0x7f: {  	_ =	shalt  }
0x80: {  	_ =	shalt  }
0x81: {  	_ =	shalt  }
0x82: {  	_ =	shalt  }
0x83: {  	_ =	shalt  }
0x84: {  	_ =	shalt  }
0x85: {  	_ =	shalt  }
0x86: {  	_ =	shalt  }
0x87: {  	_ =	shalt  }
.Lfunc_end0:
.L_simem_size_0:
called_computation_lowered:
.L_overlay_start_0:
0x88: {  	s2 =	sld [smem:$0x3FD9]  }
0x89: {  	s3 =	sld [smem:$0x3FFE];
	_ =	sdelay $0x1  }
0x8a: {  	s1 =	srdreg.scid  }
0x8b: {  	s0 =	sand.u32 $0x1, s1  }
0x8c: {  	s16 =	sshll.u32 s0, $0xA;
	s2 =	sadd.s32 s3, s2  }
0x8d: {  	s2 =	sadd.s32 s2, s16  }
0x8e: {  	[smem:$0x3FB7] =	sst s2  }
0x8f: {  	_ = 	snop  }
0x90: {  	(tm) =	ssettm $0x1  }
0x91: {  	s17 =	sld [smem:$0x3FFB];
	_ =	sdelay $0x3  }
0x92: {  	_ =	strace s17  }
0x93: {  	s2 =	sld [smem:$0x3FFC];
	_ =	sdelay $0x3  }
0x94: {  	_ =	strace s2  }
0x95: {  	s2 =	sld [smem:$0x3FFD];
	_ =	sdelay $0x3  }
0x96: {  	_ =	strace s2  }
0x97: {  	_ =	strace $0x8FFFFFFF  }
0x98: {  	s18 =	sld [smem:$0x3FDB];
	_ =	sdelay $0x1  }
0x99: {  	s19 =	simm.s32 $_scs_section_size  }
0x9a: {  	s4 =	simm.s32 $_size__tile_overlayer_lowered;
	s5 =	simm.s32 $_tile_overlayer_lowered  }
0x9b: {  	s22 =	simm.s32 $0x1BFF;
	s21 =	sshll.u32 s5, $0x1;
	s2 =	sadd.s32 s19, s18  }
0x9c: {  	s6 =	simm.s32 $0x0;
	s20 =	sshll.u32 s4, $0x1;
	s4 =	sadd.s32 s21, s2  }
0x9d: {  	[timem:s6], [sflag:s22] =	dma.local [hbm:s4], s20  }
0x9e: {  	_ =	swait.ge [sflag:s22], s20  }
0x9f: {  	s3 =	ssub.s32 $0x0, s20;
	[sflag:s22] =	ssyncset.done $0x0  }
0xa0: {  	[sflag:s22] =	ssyncadd.s32 s3;
	_ =	sdelay $0x1  }
0xa1: {  	s23 =	simm.s32 $0x1B8B  }
0xa2: {  	_ =	swait.ge [sflag:s23], $0x1  }
0xa3: {  	[sflag:s23] =	ssyncset.done $0x0  }
0xa4: {  	s25 =	simm.s32 $0x1B8E;
	s24 =	sld [smem:$0x3FFE];
	[sflag:s23] =	ssyncadd.s32 $0xFFFFFFFF  }
0xa5: {  	s26 =	simm.s32 $execute0_lowered;
	[smem:$0x3FD2] =	sst s25  }
0xa6: {  	s4 =	sshll.u32 s26, $0x1;
	_ =	strace $0x80000046;
	[dreg:$0x1] =	wrdreg $0xFFFFFFFF  }
0xa7: {  	s28 =	simm.s32 $_size_execute0_lowered;
	s2 =	sadd.s32 s2, s4;
	[dreg:$0x0] =	wrdreg $0x0  }
0xa8: {  	s4 =	sshll.u32 s28, $0x1;
	[dreg:$0x2] =	wrdreg s2  }
0xa9: {  	[dreg:$0x3] =	wrdreg s4  }
0xaa: {  	[dreg:$0x4] =	wrdreg $0xC0  }
0xab: {  	_ =	task [dreg:s6], $0x5FFFF  }
0xac: {  	[dreg:$0x1] =	wrdreg $0xFFFFFFFF  }
0xad: {  	[dreg:$0x0] =	wrdreg $0x60  }
0xae: {  	[dreg:$0x2] =	wrdreg s24  }
0xaf: {  	[dreg:$0x3] =	wrdreg $0x59000  }
0xb0: {  	[dreg:$0x4] =	wrdreg $0x191800  }
0xb1: {  	[dreg:$0x5] =	wrdreg $0x9  }
0xb2: {  	_ =	task.clear_ibuf [dreg:s6], $0x6FFFF;
	_ =	strace $0x90000046  }
0xb3: {  	s29 =	simm.s32 $0x9;
	_ =	strace $0x80000048  }
0xb4: {  	_ =	swait.ge [sflag:s29], $0x1  }
0xb5: {  	[sflag:s29] =	ssyncadd.s32 $0xFFFFFFFF  }
0xb6: {  	_ =	strace $0x90000048  }
0xb7: {  	_ =	sfence  }
0xb8: {  	s30 =	sld [smem:$0x0];
	_ =	sdelay $0x2  }
0xb9: {  	s31 =	sshll.u32 s1, $0xD;
	s1 =	sshrl.u32 s1, $0x2  }
0xba: {  	s3 =	sand.u32 $0x4000, s31;
	s1 =	sadd.s32 s1, s30  }
0xbb: {  	s0 =	sor.u32 s3, s0;
	s1 =	sshll.u32 s1, $0x11  }
0xbc: {  	s0 =	sor.u32 s1, s0  }
0xbd: {  	s0 =	sadd.s32 $0x8F2B, s0  }
0xbe: {  	[sflag:s0] =	ssyncadd.remote.s32 $0x1  }
0xbf: {  	_ =	sfence.sel $0xFFFF  }
0xc0: {  	[dreg:$0x0] =	wrdreg $0xFFFFFFFF;
	(pc) =	sbr.abs _section_cstart, $3  }
0xc1: {  	[dreg:$0x1] =	wrdreg $0xFFFFFFFF  }
0xc2: {  	_ =	task.clear_ibuf [dreg:s6], $0x2FFFF;
	_ =	strace $0x9FFFFFFF  }
0xc3: {  	(tm) =	ssettm $0x7FFFFFFF  }
tec
execute0_lowered:
.L_overlay_start_1:
0x0: {  	(tag) =	ssettag $0x1  }
0x1: {  	s0 =	rddreg [dreg:$0x0]  }
0x2: {  	s1 =	rddreg [dreg:$0x1]  }
0x3: {  	s2 =	rddreg [dreg:$0x2];
	s3 =	simm.s32 $0x0;
	s5 =	srdreg.scid  }
0x4: {  	s26 =	stileid.u32;
	s28 =	simm.s32 $0x100;
	s29 =	simm.s32 $0x3  }
0x5: {  	s30 =	simm.s32 $0x4100;
	[smem:$0x7FF] =	sst s3;
	s4 =	sadd.s32 $0x4E00, s0  }
0x6: {  	s6 =	sadd.s32 $0x2C000, s0;
	s7 =	sadd.s32 $0x3B200, s0;
	s8 =	sadd.s32 $0x31000, s0  }
0x7: {  	s11 =	sadd.s32 $0x4F200, s0;
	s5 =	sand.u32 $0x1, s5;
	s12 =	smul.u32 $0x270, s26  }
0x8: {  	s0 =	sadd.s32 $0x45400, s0;
	s13 =	smul.u32 $0x13800, s26;
	s14 =	sshll.u32 s26, $0x1  }
0x9: {  	s15 =	smul.u32 $0x2700, s26;
	p0 =	sne.s32 s26, $0xF;
	s26 =	sadd.s32 $0x27000, s2  }
0xa: {  	s31 =	simm.s32 $0x80;
	_ =	strace $0x80000047;
	s21 =	smul.u32 $0x138800, s5  }
0xb: {  	s9 =	ssub.s32 $0x2, s5;
	s14 =	sor.u32 s5, s14;
	s5 =	smul.u32 $0x27100, s5  }
0xc: {  	s10 =	sshrl.u32 s9, $0x1;
	s17 =	sadd.s32 $0x80, s12;
	s24 =	sadd.s32 $0x100, s12  }
0xd: {  	s19 =	sadd.s32 $0x180, s12;
	s12 =	sadd.s32 $0x200, s12;
	s16 =	ssub.s32 s9, s10  }
0xe: {  	s9 =	sadd.s32 s13, s1;
	s10 =	sadd.s32 s15, s2;
	s18 =	sshll.u32 s17, $0x7  }
0xf: {  	s17 =	sshll.u32 s17, $0x4;
	s25 =	sshll.u32 s24, $0x7;
	s20 =	sshll.u32 s19, $0x7  }
0x10: {  	s22 =	sshll.u32 s19, $0x4;
	s13 =	sadd.s32 s13, s21;
	s23 =	sshrl.u32 s21, $0x3  }
0x11: {  	s21 =	sadd.s32 $0x138000, s1;
	s18 =	sadd.s32 s18, s1;
	s17 =	sadd.s32 s17, s2  }
0x12: {  	s20 =	sadd.s32 s20, s1;
	s13 =	sshrl.u32 s13, $0x3;
	[dreg:$0x4] =	wrdreg s18  }
0x13: {  	[dreg:$0x5] =	wrdreg s17;
	s18 =	sshll.u32 s24, $0x4;
	s17 =	sadd.s32 s25, s1  }
0x14: {  	[dreg:$0x8] =	wrdreg s20;
	s13 =	sadd.s32 s11, s13;
	s11 =	sadd.s32 s11, s23  }
0x15: {  	s24 =	sshll.u32 s12, $0x7;
	s25 =	sadd.s32 s15, s5;
	s12 =	sshll.u32 s12, $0x4  }
0x16: {  	s5 =	sshrl.u32 s5, $0x3;
	[dreg:$0x6] =	wrdreg s17;
	s18 =	sadd.s32 s18, s2  }
0x17: {  	[dreg:$0x9] =	wrdreg s13;
	s17 =	sadd.s32 s22, s2;
	s13 =	sadd.s32 s24, s1  }
0x18: {  	s19 =	sadd.s32 s12, s2;
	s22 =	smul.u32 $0x2880, s14;
	[dreg:$0x7] =	wrdreg s18  }
0x19: {  	s23 =	sadd.s32 $0x27000, s11;
	s11 =	simm.s32 $0x2;
	[dreg:$0xa] =	wrdreg s17  }
0x1a: {  	s12 =	simm.s32 $0x1;
	[dreg:$0xb] =	wrdreg s13;
	s13 =	sshrl.u32 s25, $0x3  }
0x1b: {  	v1 =	vlaneseq.u32;
	s25 =	smax.u32 s16, $0x1;
	s20 =	sadd.s32 s0, s13;
	s0 =	sadd.s32 s0, s5  }
0x1c: {  	v0 =	vimm.f32 $0.0e+00;
	v1 =	vmul.u32 $0x10, v1;
	s5 =	simm.s32 $0x5100;
	s24 =	sadd.s32 $0x4E00, s0;
	s0 =	simm.s32 $0x4900  }
.LBB2_1:
0x1d: {  	s13 =	simm.s32 $0x140  }
0x1e: {  	[tilespmem:s13+$0xFFFFFFD0] =	vst v0  }
0x1f: {  	[tilespmem:s13+$0xFFFFFFE0] =	vst v0  }
0x20: {  	[tilespmem:s13+$0xFFFFFFF0] =	vst v0  }
0x21: {  	[tilespmem:s13+$0x0] =	vst v0  }
0x22: {  	[tilespmem:s13+$0x10] =	vst v0  }
0x23: {  	[tilespmem:s13+$0x20] =	vst v0  }
0x24: {  	[tilespmem:s13+$0x30] =	vst v0  }
0x25: {  	s15 =	simm.s32 $0x0;
	s14 =	simm.s32 $0x40;
	[tilespmem:s13+$0xFFFFFFC0] =	vst v0  }
.LBB2_2:
0x26: {  	p1 =	sne.s32 s14, $0x1FC0;
	[tilespmem:s15+$0x4100] =	vst v0;
	s13 =	sadd.s32 $0x80, s13  }
0x27: {  	[tilespmem:s13+$0xFFFFFFD0] =	vst v0  }
0x28: {  	[tilespmem:s13+$0xFFFFFFE0] =	vst v0  }
0x29: {  	[tilespmem:s13+$0xFFFFFFF0] =	vst v0  }
.Ltmp0:
0x2a: {  	[tilespmem:s13+$0x0] =	vst v0;
	(pc) =	sbr.rel @p1 .LBB2_2-.Ltmp0, $4  }
0x2b: {  	[tilespmem:s13+$0x10] =	vst v0  }
0x2c: {  	[tilespmem:s13+$0x20] =	vst v0  }
0x2d: {  	[tilespmem:s13+$0x30] =	vst v0  }
0x2e: {  	s15 =	sshra.s32 s14, $0x2;
	s14 =	sadd.s32 $0x40, s14;
	[tilespmem:s13+$0xFFFFFFC0] =	vst v0  }
0x2f: {  	[tilespmem:s15+$0x4100] =	vst v0  }
0x30: {  	[spmem:s9] =	stream.linear.scatter [tilespmem:s28], [sflag:$0x3], $0x4000, $0x38;
	[tilespmem:$0x1B890] =	vst v63  }
0x31: {  	_ =	swait.ge [sflag:s29], $0x4000  }
0x32: {  	[sflag:s29] =	ssyncset.done $0x0  }
0x33: {  	[sflag:s29] =	ssyncadd.s32 $0xFFFFC000  }
0x34: {  	[spmem:s10] =	stream.linear.scatter [tilespmem:s30], [sflag:$0x3], $0x800, $0x38;
	[tilespmem:$0x1B890] =	vst v63  }
0x35: {  	_ =	swait.ge [sflag:s29], $0x800  }
0x36: {  	[sflag:s29] =	ssyncset.done $0x0  }
0x37: {  	s13 =	rddreg [dreg:$0x4];
	[sflag:s29] =	ssyncadd.s32 $0xFFFFF800  }
0x38: {  	[spmem:s13] =	stream.linear.scatter [tilespmem:s28], [sflag:$0x3], $0x4000, $0x38;
	[tilespmem:$0x1B890] =	vst v63  }
0x39: {  	_ =	swait.ge [sflag:s29], $0x4000  }
0x3a: {  	[sflag:s29] =	ssyncset.done $0x0  }
0x3b: {  	s18 =	rddreg [dreg:$0x5];
	[sflag:s29] =	ssyncadd.s32 $0xFFFFC000  }
0x3c: {  	[spmem:s18] =	stream.linear.scatter [tilespmem:s30], [sflag:$0x3], $0x800, $0x38;
	[tilespmem:$0x1B890] =	vst v63  }
0x3d: {  	_ =	swait.ge [sflag:s29], $0x800  }
0x3e: {  	[sflag:s29] =	ssyncset.done $0x0  }
0x3f: {  	s14 =	rddreg [dreg:$0x6];
	[sflag:s29] =	ssyncadd.s32 $0xFFFFF800  }
0x40: {  	[spmem:s14] =	stream.linear.scatter [tilespmem:s28], [sflag:$0x3], $0x4000, $0x38;
	[tilespmem:$0x1B890] =	vst v63  }
0x41: {  	_ =	swait.ge [sflag:s29], $0x4000  }
0x42: {  	[sflag:s29] =	ssyncset.done $0x0  }
0x43: {  	s15 =	rddreg [dreg:$0x7];
	[sflag:s29] =	ssyncadd.s32 $0xFFFFC000  }
0x44: {  	[spmem:s15] =	stream.linear.scatter [tilespmem:s30], [sflag:$0x3], $0x800, $0x38;
	[tilespmem:$0x1B890] =	vst v63  }
0x45: {  	_ =	swait.ge [sflag:s29], $0x800  }
0x46: {  	[sflag:s29] =	ssyncset.done $0x0  }
0x47: {  	s16 =	rddreg [dreg:$0x8];
	[sflag:s29] =	ssyncadd.s32 $0xFFFFF800  }
0x48: {  	[spmem:s16] =	stream.linear.scatter [tilespmem:s28], [sflag:$0x3], $0x4000, $0x38;
	[tilespmem:$0x1B890] =	vst v63  }
0x49: {  	_ =	swait.ge [sflag:s29], $0x4000  }
0x4a: {  	[sflag:s29] =	ssyncset.done $0x0  }
0x4b: {  	s17 =	rddreg [dreg:$0xa];
	[sflag:s29] =	ssyncadd.s32 $0xFFFFC000  }
0x4c: {  	[spmem:s17] =	stream.linear.scatter [tilespmem:s30], [sflag:$0x3], $0x800, $0x38;
	[tilespmem:$0x1B890] =	vst v63  }
0x4d: {  	_ =	swait.ge [sflag:s29], $0x800  }
0x4e: {  	[sflag:s29] =	ssyncset.done $0x0  }
0x4f: {  	s18 =	rddreg [dreg:$0xb];
	[sflag:s29] =	ssyncadd.s32 $0xFFFFF800  }
0x50: {  	[spmem:s18] =	stream.linear.scatter [tilespmem:s28], [sflag:$0x3], $0x3800, $0x38;
	[tilespmem:$0x1B890] =	vst v63  }
0x51: {  	_ =	swait.ge [sflag:s29], $0x3800  }
0x52: {  	[sflag:s29] =	ssyncset.done $0x0  }
0x53: {  	[sflag:s29] =	ssyncadd.s32 $0xFFFFC800  }
0x54: {  	[spmem:s19] =	stream.linear.scatter [tilespmem:s30], [sflag:$0x3], $0x700, $0x38;
	[tilespmem:$0x1B890] =	vst v63  }
0x55: {  	_ =	swait.ge [sflag:s29], $0x700  }
0x56: {  	[sflag:s29] =	ssyncset.done $0x0  }
0x57: {  	s13 =	simm.s32 @!p0 $0x100;
	[sflag:s29] =	ssyncadd.s32 $0xFFFFF900  }
0x58: {  	[spmem:s21] =	stream.linear.scatter @!p0 [tilespmem:s13], [sflag:$0x3], $0x800, $0x38;
	[tilespmem:$0x1B890] =	vst v63  }
0x59: {  	s13 =	simm.s32 @!p0 $0x3  }
0x5a: {  	_ =	swait.ge @!p0 [sflag:s13], $0x800  }
0x5b: {  	[sflag:s13] =	ssyncset.done @!p0 $0x0  }
0x5c: {  	s14 =	simm.s32 @!p0 $0x4100;
	[sflag:s13] =	ssyncadd.s32 @!p0 $0xFFFFF800  }
0x5d: {  	[spmem:s26] =	stream.linear.scatter @!p0 [tilespmem:s14], [sflag:$0x3], $0x100, $0x38;
	[tilespmem:$0x1B890] =	vst v63  }
0x5e: {  	_ =	swait.ge @!p0 [sflag:s13], $0x100  }
0x5f: {  	[sflag:s13] =	ssyncset.done @!p0 $0x0  }
0x60: {  	[sflag:s13] =	ssyncadd.s32 @!p0 $0xFFFFFF00  }
0x61: {  	s14 =	simm.s32 $0x0;
	s13 =	simm.s32 $0x0;
	[bflag:$0x0] =	sbarrier.arrive $0xFFFF  }
.LBB2_4:
0x62: {  	s15 =	sshll.u32 s14, $0x7  }
0x63: {  	s15 =	sadd.s32 s22, s15  }
0x64: {  	s16 =	sshrl.u32 s15, $0x3  }
0x65: {  	s17 =	sadd.s32 s7, s16  }
0x66: {  	[tilespmem:s13], [sflag:$0x3] =	stream.linear.gather [hbm4b:s17+s13], $0x80, $0x38;
	[tilespmem:$0x1B890] =	vst v63  }
0x67: {  	_ =	swait.ge [sflag:s29], $0x80  }
0x68: {  	[sflag:s29] =	ssyncset.done $0x0  }
0x69: {  	s16 =	sadd.s32 s8, s16;
	[sflag:s29] =	ssyncadd.s32 $0xFFFFFF80  }
0x6a: {  	[tilespmem:s31], [sflag:$0x3] =	stream.linear.gather [hbm4b:s16+s13], $0x80, $0x38;
	[tilespmem:$0x1B890] =	vst v63  }
0x6b: {  	_ =	swait.ge [sflag:s29], $0x80  }
0x6c: {  	[sflag:s29] =	ssyncset.done $0x0  }
0x6d: {  	[sflag:s29] =	ssyncadd.s32 $0xFFFFFF80  }
0x6e: {  	[tilespmem:s28], [sflag:$0x1] =	stream.indirect.gather [hbm4b:s4+s31], $0x80, s13, s31, $0xb8;
	[tilespmem:$0x1B890] =	vst v63  }
0x6f: {  	_ = 	snop  }
0x70: {  	[tilespmem:s0], [sflag:$0x2] =	stream.indirect.gather [hbm4b:s6+s31], $0x10, s13, s31, $0xb8;
	[tilespmem:$0x1B890] =	vst v63  }
0x71: {  	v2 =	vmov s13  }
0x72: {  	v2 =	vshll.u32 v2, $0x4;
	[tilespmem:s5], [sflag:$0x2] =	stream.indirect.gather [hbm4b:s6+s31], $0x10, s31, s31, $0xb8;
	[tilespmem:$0x1B890] =	vst v63  }
0x73: {  	v2 =	vor.u32 v1, v2;
	_ =	swait.ge [sflag:s11], $0x800  }
0x74: {  	v4 =	vor.u32 $0x3, v2;
	[sflag:s11] =	ssyncset.done $0x0  }
0x75: {  	v5 =	vor.u32 $0x2, v2;
	[sflag:s11] =	ssyncadd.s32 $0xFFFFF800  }
0x76: {  	_ =	swait.ge [sflag:s11], $0x800  }
0x77: {  	v3 =	vor.u32 $0x1, v2;
	[sflag:s11] =	ssyncset.done $0x0  }
0x78: {  	[sflag:s11] =	ssyncadd.s32 $0xFFFFF800  }
0x79: {  	v4 =	vld.idx.msk [tilespmem:v4+s5+$0x0], $0xffff  }
0x7a: {  	v5 =	vld.idx.msk [tilespmem:v5+s5+$0x0], $0xffff  }
0x7b: {  	v6 =	vld.idx.msk [tilespmem:v2+s0+$0x0], $0xffff  }
0x7c: {  	v7 =	vld.idx.msk [tilespmem:v3+s0+$0x0], $0xffff;
	_ =	sdelay $0x3  }
0x7d: {  	v5 =	vadd.f32 v5, v6  }
0x7e: {  	v4 =	vadd.f32 v4, v7  }
0x7f: {  	v6 =	vmul.f32 $2.000000030e-01, v5  }
0x80: {  	v7 =	vmul.f32 $2.000000030e-01, v4  }
0x81: {  	v5 =	vmax.f32 v5, v6  }
0x82: {  	v4 =	vmax.f32 v4, v7;
	v5 =	vmul.f32 $1.442695020e+00, v5  }
0x83: {  	v7 =	vmul.f32 $1.442695020e+00, v4  }
0x84: {  	(erf) = vpow2.f32 v5  }
0x85: {  	(erf) = vpow2.f32 v7;
	_ =	sdelay $0x2  }
0x86: {  	s16 =	simm.s32 $0x10  }
0x87: {  	v6 =	vmov s16  }
0x88: {  	v4 =	vshll.u32 v6, $0x4  }
0x89: {  	v4 =	vor.u32 v1, v4  }
0x8a: {  	s18 =	sor.u32 s15, s13;
	s17 =	simm.s32 $0x20;
	v5 =	vor.u32 $0x3, v4  }
.LBB2_5:
0x8b: {  	p1 =	sne.s32 s17, $0x70;
	v6 =	vor.u32 $0x2, v4;
	p2 =	slt.u32 s18, $0x50910;
	v7 =	vpop (erf)  }
0x8c: {  	v7 =	vpsel !p2, $0x0, v7;
	v8 =	vpop (erf)  }
0x8d: {  	v9 =	vor.u32 $0x1, v4;
	v8 =	vpsel !p2, $0x0, v8;
	[tilespmem:v2+s30+$0x0] =	vst.idx.msk $0xffff, v7;
	v2 =	vmov v4  }
0x8e: {  	[tilespmem:v3+s30+$0x0] =	vst.idx.msk $0xffff, v8;
	v3 =	vmov v9  }
0x8f: {  	v5 =	vld.idx.msk [tilespmem:v5+s5+$0x0], $0xffff  }
0x90: {  	v6 =	vld.idx.msk [tilespmem:v6+s5+$0x0], $0xffff  }
0x91: {  	v4 =	vld.idx.msk [tilespmem:v4+s0+$0x0], $0xffff  }
0x92: {  	v7 =	vld.idx.msk [tilespmem:v9+s0+$0x0], $0xffff;
	_ =	sdelay $0x4  }
0x93: {  	v4 =	vadd.f32 v6, v4  }
0x94: {  	v5 =	vadd.f32 v5, v7  }
0x95: {  	v6 =	vmul.f32 $2.000000030e-01, v4  }
0x96: {  	v7 =	vmul.f32 $2.000000030e-01, v5  }
0x97: {  	v4 =	vmax.f32 v4, v6  }
0x98: {  	v5 =	vmax.f32 v5, v7;
	v4 =	vmul.f32 $1.442695020e+00, v4  }
0x99: {  	v5 =	vmul.f32 $1.442695020e+00, v5  }
0x9a: {  	(erf) = vpow2.f32 v4  }
0x9b: {  	(erf) = vpow2.f32 v5;
	_ =	sdelay $0x2  }
.Ltmp1:
0x9c: {  	(pc) =	sbr.rel @p1 .LBB2_5-.Ltmp1, $4  }
0x9d: {  	v4 =	vmov s17  }
0x9e: {  	v4 =	vshll.u32 v4, $0x4  }
0x9f: {  	v4 =	vor.u32 v1, v4  }
0xa0: {  	s18 =	sor.u32 s15, s16;
	s16 =	smov.u32 s17;
	s17 =	sadd.s32 $0x10, s17;
	v5 =	vor.u32 $0x3, v4  }
0xa1: {  	_ =	sdelay $0x1  }
0xa2: {  	p1 =	slt.u32 s18, $0x50910;
	v7 =	vpop (erf)  }
0xa3: {  	v6 =	vor.u32 $0x2, v4;
	v7 =	vpsel !p1, $0x0, v7;
	v8 =	vpop (erf)  }
0xa4: {  	v9 =	vor.u32 $0x1, v4;
	v8 =	vpsel !p1, $0x0, v8;
	[tilespmem:v2+s30+$0x0] =	vst.idx.msk $0xffff, v7  }
0xa5: {  	[tilespmem:v3+s30+$0x0] =	vst.idx.msk $0xffff, v8  }
0xa6: {  	v2 =	vld.idx.msk [tilespmem:v5+s5+$0x0], $0xffff  }
0xa7: {  	v5 =	vld.idx.msk [tilespmem:v4+s0+$0x0], $0xffff  }
0xa8: {  	v3 =	vld.idx.msk [tilespmem:v6+s5+$0x0], $0xffff  }
0xa9: {  	v6 =	vld.idx.msk [tilespmem:v9+s0+$0x0], $0xffff;
	_ =	sdelay $0x3  }
0xaa: {  	v3 =	vadd.f32 v3, v5  }
0xab: {  	v2 =	vadd.f32 v2, v6  }
0xac: {  	v5 =	vmul.f32 $2.000000030e-01, v3  }
0xad: {  	v6 =	vmul.f32 $2.000000030e-01, v2  }
0xae: {  	v3 =	vmax.f32 v3, v5  }
0xaf: {  	v2 =	vmax.f32 v2, v6;
	v3 =	vmul.f32 $1.442695020e+00, v3  }
0xb0: {  	v2 =	vmul.f32 $1.442695020e+00, v2  }
0xb1: {  	(erf) = vpow2.f32 v3  }
0xb2: {  	(erf) = vpow2.f32 v2;
	_ =	sdelay $0x6  }
0xb3: {  	s15 =	sor.u32 s15, s16  }
0xb4: {  	p6 =	slt.u32 s15, $0x50910;
	v2 =	vpop (erf)  }
0xb5: {  	v2 =	vpsel !p6, $0x0, v2;
	v3 =	vpop (erf)  }
0xb6: {  	v3 =	vpsel !p6, $0x0, v3;
	[tilespmem:v4+s30+$0x0] =	vst.idx.msk $0xffff, v2  }
0xb7: {  	s18 =	simm.s32 $0x0;
	[tilespmem:v9+s30+$0x0] =	vst.idx.msk $0xffff, v3  }
0xb8: {  	v2 =	vmov s18;
	_ =	swait.ge [sflag:s12], $0x4000  }
0xb9: {  	[sflag:s12] =	ssyncset.done $0x0  }
0xba: {  	s15 =	simm.s32 $0x140;
	v3 =	vor.u32 $0x1, v2;
	[sflag:s12] =	ssyncadd.s32 $0xFFFFC000  }
0xbb: {  	v4 =	vld [tilespmem:s15+$0xFFFFFFF0]  }
0xbc: {  	v5 =	vld [tilespmem:s15+$0xFFFFFFC0]  }
0xbd: {  	v10 =	vld.idx.msk [tilespmem:v2+s30+$0x0], $0xffff  }
0xbe: {  	v7 =	vld [tilespmem:s15+$0x0]  }
0xbf: {  	v3 =	vld.idx.msk [tilespmem:v3+s30+$0x0], $0xffff  }
0xc0: {  	v8 =	vld [tilespmem:s15+$0xFFFFFFE0]  }
0xc1: {  	v6 =	vld [tilespmem:s15+$0xFFFFFFD0]  }
0xc2: {  	v11 =	vld [tilespmem:s15+$0x20]  }
0xc3: {  	v2 =	vld [tilespmem:s15+$0x30]  }
0xc4: {  	v12 =	vmul.f32 v5, v10;
	v5 =	vmul.f32 v7, v3;
	v7 =	vld [tilespmem:s15+$0x10];
	_ =	sdelay $0x1  }
0xc5: {  	v6 =	vmul.f32 v6, v10;
	v9 =	vmul.f32 v4, v10  }
0xc6: {  	s16 =	simm.s32 $0x1;
	s17 =	simm.s32 $0x140;
	v8 =	vmul.f32 v8, v10;
	v4 =	vmul.f32 v11, v3;
	[tilespmem:s15+$0xFFFFFFC0] =	vst v12  }
.LBB2_7:
0xc7: {  	p1 =	sne.s32 s16, $0x7F  }
0xc8: {  	[tilespmem:s15+$0xFFFFFFF0] =	vst v9;
	v7 =	vmul.f32 v7, v3;
	v2 =	vmul.f32 v2, v3;
	s17 =	sadd.s32 $0x80, s17;
	s18 =	smov.u32 s16;
	s16 =	sadd.s32 $0x1, s16  }
0xc9: {  	s18 =	sshll.u32 s18, $0x4;
	[tilespmem:s15+$0xFFFFFFD0] =	vst v6  }
0xca: {  	v3 =	vmov s18;
	v9 =	vld [tilespmem:s17+$0xFFFFFFF0];
	[tilespmem:s15+$0xFFFFFFE0] =	vst v8  }
0xcb: {  	v6 =	vor.u32 $0x1, v3;
	v8 =	vld [tilespmem:s17+$0xFFFFFFC0];
	[tilespmem:s15+$0x0] =	vst v5  }
0xcc: {  	v10 =	vld [tilespmem:s17+$0xFFFFFFE0];
	[tilespmem:s15+$0x30] =	vst v2  }
0xcd: {  	v2 =	vld [tilespmem:s17+$0x30];
	[tilespmem:s15+$0x10] =	vst v7  }
0xce: {  	v5 =	vld [tilespmem:s17+$0xFFFFFFD0];
	[tilespmem:s15+$0x20] =	vst v4;
	s15 =	smov.u32 s17  }
0xcf: {  	v4 =	vld.idx.msk [tilespmem:v3+s30+$0x0], $0xffff  }
0xd0: {  	v3 =	vld.idx.msk [tilespmem:v6+s30+$0x0], $0xffff  }
0xd1: {  	v11 =	vld [tilespmem:s17+$0x0]  }
0xd2: {  	v12 =	vld [tilespmem:s17+$0x20]  }
.Ltmp2:
0xd3: {  	v7 =	vld [tilespmem:s17+$0x10];
	(pc) =	sbr.rel @p1 .LBB2_7-.Ltmp2, $4  }
0xd4: {  	_ = 	snop  }
0xd5: {  	v8 =	vmul.f32 v8, v4;
	v6 =	vmul.f32 v5, v4  }
0xd6: {  	v9 =	vmul.f32 v9, v4;
	v5 =	vmul.f32 v11, v3  }
0xd7: {  	[tilespmem:s17+$0xFFFFFFC0] =	vst v8;
	v8 =	vmul.f32 v10, v4;
	v4 =	vmul.f32 v12, v3  }
0xd8: {  	[tilespmem:s15+$0xFFFFFFF0] =	vst v9  }
0xd9: {  	[tilespmem:s15+$0xFFFFFFD0] =	vst v6  }
0xda: {  	[tilespmem:s15+$0x0] =	vst v5  }
0xdb: {  	v2 =	vmul.f32 v2, v3;
	[tilespmem:s15+$0xFFFFFFE0] =	vst v8  }
0xdc: {  	v3 =	vmul.f32 v7, v3;
	[tilespmem:s15+$0x20] =	vst v4  }
0xdd: {  	[tilespmem:s15+$0x30] =	vst v2  }
0xde: {  	[tilespmem:s15+$0x10] =	vst v3  }
0xdf: {  	[spmem:s1] =	stream.indirect.scatter.add.f32 [tilespmem:s28], [sflag:$0x3], $0x80, s31, s31, $0xb8;
	[tilespmem:$0x1B890] =	vst v63  }
0xe0: {  	s14 =	sadd.s32 $0x1, s14;
	_ =	swait.ge [sflag:s29], $0x4000  }
0xe1: {  	p1 =	sne.s32 s14, $0x51;
	[sflag:s29] =	ssyncset.done $0x0  }
.Ltmp3:
0xe2: {  	[sflag:s29] =	ssyncadd.s32 $0xFFFFC000;
	(pc) =	sbr.rel @p1 .LBB2_4-.Ltmp3, $4  }
0xe3: {  	[spmem:s2] =	stream.indirect.scatter.add.f32 [tilespmem:s30], [sflag:$0x3], $0x10, s31, s31, $0xb8;
	[tilespmem:$0x1B890] =	vst v63  }
0xe4: {  	_ =	swait.ge [sflag:s29], $0x800  }
0xe5: {  	[sflag:s29] =	ssyncset.done $0x0  }
0xe6: {  	[sflag:s29] =	ssyncadd.s32 $0xFFFFF800  }
0xe7: {  	s13 =	stileid.u32  }
0xe8: {  	[bflag:$0x0] =	sbarrier.arrive $0xFFFF;
	s13 =	sshll.u32 s13, $0x6  }
0xe9: {  	s14 =	sshrl.u32 s9, $0x3;
	s15 =	rddreg [dreg:$0x9];
	s13 =	sor.u32 $0x1C03, s13  }
0xea: {  	[hbm:s15], [sflag:s13] =	dma.local [spmem:s14], $0x2700  }
0xeb: {  	_ =	swait.ge [sflag:s29], $0x2700  }
0xec: {  	[sflag:s29] =	ssyncset.done $0x0  }
0xed: {  	s18 =	sshrl.u32 s10, $0x3;
	[sflag:s29] =	ssyncadd.s32 $0xFFFFD900  }
0xee: {  	[hbm:s20], [sflag:s13] =	dma.local [spmem:s18], $0x4E0  }
0xef: {  	_ =	swait.ge [sflag:s29], $0x4E0  }
0xf0: {  	[sflag:s29] =	ssyncset.done $0x0  }
0xf1: {  	s14 =	sshrl.u32 @!p0 s21, $0x3;
	[sflag:s29] =	ssyncadd.s32 $0xFFFFFB20  }
0xf2: {  	[hbm:s23], [sflag:s13] =	dma.local @!p0 [spmem:s14], $0x100  }
0xf3: {  	s14 =	simm.s32 @!p0 $0x3  }
0xf4: {  	s3 =	sadd.s32 $0x1, s3;
	_ =	swait.ge @!p0 [sflag:s14], $0x100  }
0xf5: {  	p1 =	sne.s32 s3, s25;
	[sflag:s14] =	ssyncset.done @!p0 $0x0  }
.Ltmp4:
0xf6: {  	s15 =	sshrl.u32 @!p0 s26, $0x3;
	[sflag:s14] =	ssyncadd.s32 @!p0 $0xFFFFFF00;
	(pc) =	sbr.rel @p1 .LBB2_1-.Ltmp4, $4  }
0xf7: {  	[hbm:s24], [sflag:s13] =	dma.local @!p0 [spmem:s15], $0x20  }
0xf8: {  	_ =	swait.ge @!p0 [sflag:s14], $0x20  }
0xf9: {  	[sflag:s14] =	ssyncset.done @!p0 $0x0  }
0xfa: {  	[sflag:s14] =	ssyncadd.s32 @!p0 $0xFFFFFFE0  }
0xfb: {  	_ =	sfence.sel $0x180000  }
0xfc: {  	[bflag:$0x0] =	sbarrier.arrive $0xFFFF  }
0xfd: {  	_ =	strace $0x90000047  }
0xfe: {  	s0 =	stileid.u32;
	[bflag:$0x2] =	sbarrier.arrive $0xFFFF  }
0xff: {  	p0 =	sne.s32 s0, $0x0;
	s0 =	rddreg [dreg:$0x3]  }
0x100: {  	s0 =	sadd.s32 @!p0 $0x100000, s0  }
0x101: {  	[sflag:s0] =	ssyncadd.tile.s32 @!p0 $0x1;
	_ =	shalt  }
.Lfunc_end2:
_tile_overlayer_lowered:
.L_overlay_start_2:
0x102: {  	(tag) =	ssettag $0x2  }
0x103: {  	s0 =	rddreg [dreg:$0x0];
	s2 =	stileid.u32  }
0x104: {  	s1 =	rddreg [dreg:$0x1];
	p0 =	sne.s32 s2, $0x0  }
0x105: {  	s3 =	rddreg [dreg:$0x2];
	[bflag:$0x3] =	sbarrier.arrive $0xFFFF;
	s2 =	simm.s32 @!p0 $0x1C03  }
0x106: {  	[timem:s3], [sflag:s2] =	dma.local @!p0 [hbm:s0], s1  }
0x107: {  	s0 =	simm.s32 @!p0 $0x3  }
0x108: {  	_ =	swait.ge @!p0 [sflag:s0], s1  }
0x109: {  	s1 =	ssub.s32 @!p0 $0x0, s1;
	[sflag:s0] =	ssyncset.done @!p0 $0x0  }
0x10a: {  	[sflag:s0] =	ssyncadd.s32 @!p0 s1  }
0x10b: {  	[bflag:$0x3] =	sbarrier.arrive $0xFFFF  }
0x10c: {  	_ =	shalt  }

</sc_bundles>
